<compile_context>
chip_gen: v7x
topology: tpu7x:2x2x1
jax: 0.10.2.dev20260603
libtpu: 0.0.44.dev20260713+nightly
codegen_flags: <defaults>
</compile_context>

<pallas_src>
import functools

import jax
import jax.numpy as jnp
from jax import lax
from jax.experimental import pallas as pl
from jax.experimental.pallas import tpu as pltpu
from jax.experimental.pallas import tpu_sc as plsc

N_NODES = 100000
N_PAD = 102400
N_EDGES = 3200000

NC = 2
NS = 16
NW = NC * NS
G = 128
GP = 8
NG = N_EDGES // G
GROUPS_PER_W = NG // NW
CHUNKS = GROUPS_PER_W // GP
TAIL = GROUPS_PER_W - CHUNKS * GP
NG_EVEN = GROUPS_PER_W * NW

STG = N_PAD // NS

_mesh = plsc.VectorSubcoreMesh(core_axis_name="c", subcore_axis_name="s")
_sc_params = pltpu.CompilerParams(use_tc_tiling_on_sc=False)


def _stage_slices(sid, copy_fn):
    copy_fn(sid * STG, STG)


@functools.partial(
    pl.kernel,
    out_type=jax.ShapeDtypeStruct((NC, N_PAD, 8), jnp.float32),
    mesh=_mesh,
    scratch_types=[
        pltpu.VMEM_SHARED((N_PAD, 8), jnp.float32),
        pltpu.VMEM_SHARED((N_PAD, 8), jnp.float32),
        pltpu.VMEM((2, GP, G), jnp.int32),
        pltpu.VMEM((2, GP, G), jnp.int32),
        pltpu.VMEM((2, GP, G, 8), jnp.float32),
        pltpu.SemaphoreType.DMA,
        pltpu.SemaphoreType.DMA,
    ],
    compiler_params=_sc_params,
)
def _sc_pass1(x4_hbm, edges_hbm, zeros_hbm, out_hbm,
              table_sh, accum_sh, src_v, dst_v, rows_v, gsem, ssem):
    c = lax.axis_index("c")
    s = lax.axis_index("s")
    w = s * NC + c

    def stage(off, sz):
        pltpu.sync_copy(x4_hbm.at[pl.ds(off, sz)], table_sh.at[pl.ds(off, sz)])
        pltpu.sync_copy(zeros_hbm.at[pl.ds(off, sz)], accum_sh.at[pl.ds(off, sz)])

    _stage_slices(s, stage)
    plsc.subcore_barrier()

    base = w * GROUPS_PER_W

    def slab(b, goff):
        pltpu.sync_copy(edges_hbm.at[pl.ds(goff, GP), 0], src_v.at[b])
        pltpu.sync_copy(edges_hbm.at[pl.ds(goff, GP), 1], dst_v.at[b])

    def fire_gathers(b):
        for j in range(GP):
            pltpu.async_copy(table_sh.at[src_v.at[b, j]], rows_v.at[b, j],
                             gsem)

    def wait_gathers(b):
        for j in range(GP):
            pltpu.make_async_copy(table_sh.at[src_v.at[b, j]],
                                  rows_v.at[b, j], gsem).wait()

    def fire_scatters(b):
        for j in range(GP):
            pltpu.async_copy(rows_v.at[b, j], accum_sh.at[dst_v.at[b, j]],
                             ssem, add=True)

    def wait_scatters(b):
        for j in range(GP):
            pltpu.make_async_copy(rows_v.at[b, j],
                                  accum_sh.at[dst_v.at[b, j]], ssem).wait()

    slab(0, base)
    fire_gathers(0)

    def chunk(k, carry):
        b = lax.rem(k, 2)
        nb = 1 - b

        @pl.when(k > 0)
        def _():
            wait_scatters(nb)

        @pl.when(k + 1 < CHUNKS)
        def _():
            slab(nb, base + (k + 1) * GP)
            fire_gathers(nb)

        wait_gathers(b)
        fire_scatters(b)
        return carry

    lax.fori_loop(0, CHUNKS, chunk, 0)
    wait_scatters((CHUNKS - 1) % 2)

    goff_t = base + CHUNKS * GP
    pltpu.sync_copy(edges_hbm.at[pl.ds(goff_t, TAIL), 0],
                    src_v.at[0, pl.ds(0, TAIL)])
    pltpu.sync_copy(edges_hbm.at[pl.ds(goff_t, TAIL), 1],
                    dst_v.at[0, pl.ds(0, TAIL)])

    @pl.when(w < NG - NG_EVEN)
    def _():
        pltpu.sync_copy(edges_hbm.at[NG_EVEN + w, 0], src_v.at[0, TAIL])
        pltpu.sync_copy(edges_hbm.at[NG_EVEN + w, 1], dst_v.at[0, TAIL])

    tail_g = [
        pltpu.async_copy(table_sh.at[src_v.at[0, j]], rows_v.at[0, j], gsem)
        for j in range(TAIL)
    ]
    for cp in tail_g:
        cp.wait()
    tail_s = [
        pltpu.async_copy(rows_v.at[0, j], accum_sh.at[dst_v.at[0, j]], ssem,
                         add=True)
        for j in range(TAIL)
    ]
    for cp in tail_s:
        cp.wait()

    @pl.when(w < NG - NG_EVEN)
    def _():
        pltpu.async_copy(table_sh.at[src_v.at[0, TAIL]], rows_v.at[0, TAIL],
                         gsem).wait()
        pltpu.async_copy(rows_v.at[0, TAIL], accum_sh.at[dst_v.at[0, TAIL]],
                         ssem, add=True).wait()
    plsc.subcore_barrier()

    def writeback(off, sz):
        pltpu.sync_copy(accum_sh.at[pl.ds(off, sz)],
                        out_hbm.at[c, pl.ds(off, sz)])

    _stage_slices(s, writeback)


@functools.partial(
    pl.kernel,
    out_type=jax.ShapeDtypeStruct((NC, N_PAD, 8), jnp.float32),
    mesh=_mesh,
    scratch_types=[
        pltpu.VMEM_SHARED((N_PAD, 8), jnp.float32),
        pltpu.VMEM_SHARED((N_PAD, 8), jnp.float32),
        pltpu.VMEM((2, GP, G), jnp.int32),
        pltpu.VMEM((2, GP, G), jnp.int32),
        pltpu.VMEM((2, GP, G, 8), jnp.float32),
        pltpu.SemaphoreType.DMA,
        pltpu.SemaphoreType.DMA,
    ],
    compiler_params=_sc_params,
)
def _sc_pass2(z_hbm, edges_hbm, zeros_hbm, out_hbm,
              table_sh, accum_sh, src_v, dst_v, rows_v, gsem, ssem):
    c = lax.axis_index("c")
    s = lax.axis_index("s")
    w = s * NC + c

    def stage(off, sz):
        pltpu.sync_copy(z_hbm.at[pl.ds(off, sz)], table_sh.at[pl.ds(off, sz)])
        pltpu.sync_copy(zeros_hbm.at[pl.ds(off, sz)], accum_sh.at[pl.ds(off, sz)])

    _stage_slices(s, stage)
    plsc.subcore_barrier()

    base = w * GROUPS_PER_W

    def slab(b, goff):
        pltpu.sync_copy(edges_hbm.at[pl.ds(goff, GP), 0], src_v.at[b])
        pltpu.sync_copy(edges_hbm.at[pl.ds(goff, GP), 1], dst_v.at[b])

    def fire_gathers(b):
        for j in range(GP):
            pltpu.async_copy(table_sh.at[src_v.at[b, j]], rows_v.at[b, j],
                             gsem)

    def wait_gathers(b):
        for j in range(GP):
            pltpu.make_async_copy(table_sh.at[src_v.at[b, j]],
                                  rows_v.at[b, j], gsem).wait()

    def fire_scatters(b):
        for j in range(GP):
            pltpu.async_copy(rows_v.at[b, j], accum_sh.at[dst_v.at[b, j]],
                             ssem, add=True)

    def wait_scatters(b):
        for j in range(GP):
            pltpu.make_async_copy(rows_v.at[b, j],
                                  accum_sh.at[dst_v.at[b, j]], ssem).wait()

    slab(0, base)
    fire_gathers(0)

    def chunk(k, carry):
        b = lax.rem(k, 2)
        nb = 1 - b

        @pl.when(k > 0)
        def _():
            wait_scatters(nb)

        @pl.when(k + 1 < CHUNKS)
        def _():
            slab(nb, base + (k + 1) * GP)
            fire_gathers(nb)

        wait_gathers(b)
        fire_scatters(b)
        return carry

    lax.fori_loop(0, CHUNKS, chunk, 0)
    wait_scatters((CHUNKS - 1) % 2)

    goff_t = base + CHUNKS * GP
    pltpu.sync_copy(edges_hbm.at[pl.ds(goff_t, TAIL), 0],
                    src_v.at[0, pl.ds(0, TAIL)])
    pltpu.sync_copy(edges_hbm.at[pl.ds(goff_t, TAIL), 1],
                    dst_v.at[0, pl.ds(0, TAIL)])

    @pl.when(w < NG - NG_EVEN)
    def _():
        pltpu.sync_copy(edges_hbm.at[NG_EVEN + w, 0], src_v.at[0, TAIL])
        pltpu.sync_copy(edges_hbm.at[NG_EVEN + w, 1], dst_v.at[0, TAIL])

    tail_g = [
        pltpu.async_copy(table_sh.at[src_v.at[0, j]], rows_v.at[0, j], gsem)
        for j in range(TAIL)
    ]
    for cp in tail_g:
        cp.wait()
    tail_s = [
        pltpu.async_copy(rows_v.at[0, j], accum_sh.at[dst_v.at[0, j]], ssem,
                         add=True)
        for j in range(TAIL)
    ]
    for cp in tail_s:
        cp.wait()

    @pl.when(w < NG - NG_EVEN)
    def _():
        pltpu.async_copy(table_sh.at[src_v.at[0, TAIL]], rows_v.at[0, TAIL],
                         gsem).wait()
        pltpu.async_copy(rows_v.at[0, TAIL], accum_sh.at[dst_v.at[0, TAIL]],
                         ssem, add=True).wait()
    plsc.subcore_barrier()

    def writeback(off, sz):
        pltpu.sync_copy(accum_sh.at[pl.ds(off, sz)],
                        out_hbm.at[c, pl.ds(off, sz)])

    _stage_slices(s, writeback)


NR, NL = 80, 1280
BR = 16
F = 16


def _tc_dense1_body(p_ref, x_ref, wl1_ref, bl1_ref, wr1_ref, wl2_ref,
                    bl2_ref, wr2_ref, z_ref, r_ref, deg_ref):
    p = p_ref[...]
    ssum = p[0] + p[1]
    deg = jnp.maximum(ssum[2], 1.0)
    m0 = ssum[0] / deg
    m1 = ssum[1] / deg
    x0 = x_ref[0]
    x1 = x_ref[1]
    zacc = jnp.zeros_like(m0)
    racc = jnp.zeros_like(m0)
    for f in range(F):
        hf = (m0 * wl1_ref[f, 0] + m1 * wl1_ref[f, 1] + bl1_ref[f]
              + x0 * wr1_ref[f, 0] + x1 * wr1_ref[f, 1])
        hf = jnp.maximum(hf, 0.0)
        zacc = zacc + hf * wl2_ref[0, f]
        racc = racc + hf * wr2_ref[0, f]
    z_ref[...] = zacc
    r_ref[...] = racc + bl2_ref[0]
    deg_ref[...] = deg


def _tc_dense2_body(pz_ref, deg_ref, r_ref, out_ref):
    pz = pz_ref[...]
    out_ref[...] = jax.nn.sigmoid((pz[0] + pz[1]) / deg_ref[...] + r_ref[...])


def kernel(x, edge_index, Wl1, bl1, Wr1, Wl2, bl2, Wr2):
    f32 = jnp.float32
    x = x.astype(f32)
    e3 = (edge_index.astype(jnp.int32)
          .reshape(2, NG, G).transpose(1, 0, 2))
    x8 = jnp.concatenate(
        [x, jnp.ones((N_NODES, 1), f32), jnp.zeros((N_NODES, 5), f32)], axis=1)
    x8 = jnp.pad(x8, ((0, N_PAD - N_NODES), (0, 0)))
    zeros8 = jnp.zeros((N_PAD, 8), f32)

    part1 = _sc_pass1(x8, e3, zeros8)
    p_t = part1.transpose(0, 2, 1).reshape(NC, 8, NR, NL)
    x_t = jnp.pad(x.T, ((0, 0), (0, N_PAD - N_NODES))).reshape(2, NR, NL)

    smem = pltpu.SMEM
    grid = (NR // BR,)
    z, r, deg = pl.pallas_call(
        _tc_dense1_body,
        grid=grid,
        in_specs=[
            pl.BlockSpec((NC, 3, BR, NL), lambda i: (0, 0, i, 0)),
            pl.BlockSpec((2, BR, NL), lambda i: (0, i, 0)),
            pl.BlockSpec(memory_space=smem),
            pl.BlockSpec(memory_space=smem),
            pl.BlockSpec(memory_space=smem),
            pl.BlockSpec(memory_space=smem),
            pl.BlockSpec(memory_space=smem),
            pl.BlockSpec(memory_space=smem),
        ],
        out_specs=[
            pl.BlockSpec((BR, NL), lambda i: (i, 0)),
            pl.BlockSpec((BR, NL), lambda i: (i, 0)),
            pl.BlockSpec((BR, NL), lambda i: (i, 0)),
        ],
        out_shape=[
            jax.ShapeDtypeStruct((NR, NL), f32),
            jax.ShapeDtypeStruct((NR, NL), f32),
            jax.ShapeDtypeStruct((NR, NL), f32),
        ],
    )(p_t, x_t, Wl1, bl1, Wr1, Wl2, bl2, Wr2)

    z8 = jnp.concatenate(
        [z.reshape(N_PAD, 1), jnp.zeros((N_PAD, 7), f32)], axis=1)
    part2 = _sc_pass2(z8, e3, zeros8)
    pz = part2[:, :, 0].reshape(NC, NR, NL)

    out = pl.pallas_call(
        _tc_dense2_body,
        grid=grid,
        in_specs=[
            pl.BlockSpec((NC, BR, NL), lambda i: (0, i, 0)),
            pl.BlockSpec((BR, NL), lambda i: (i, 0)),
            pl.BlockSpec((BR, NL), lambda i: (i, 0)),
        ],
        out_specs=pl.BlockSpec((BR, NL), lambda i: (i, 0)),
        out_shape=jax.ShapeDtypeStruct((NR, NL), f32),
    )(pz, deg, r)
    return out.reshape(N_PAD)[:N_NODES]

# --- scband reference (transcript-rebuilt; emitter-appended) ---
"""Pipeline reference for scband-gnn-17592186044987 (READ-ONLY COPY).

The authoritative reference and input builder live on the scoring server;
editing this copy changes nothing except your own understanding.
"""

import jax, jax.numpy as jnp
import numpy as np

N_NODES = 100000
N_EDGES = 3200000

def sage_conv(x, edge_index, Wl, bl, Wr):
    # PyG SAGEConv with mean aggregation:
    # out = lin_l(mean_{j in N(i)} x_j) + lin_r(x_i)
    src = edge_index[0]
    dst = edge_index[1]
    n = x.shape[0]
    msgs = x[src]
    agg = jax.ops.segment_sum(msgs, dst, num_segments=n)
    deg = jax.ops.segment_sum(jnp.ones((edge_index.shape[1],), dtype=x.dtype), dst, num_segments=n)
    mean = agg / jnp.clip(deg, 1.0, None)[:, None]
    return mean @ Wl.T + bl + x @ Wr.T

def setup_inputs(seed: int = 0) -> dict:
    key = jax.random.key(seed)
    ks = jax.random.split(key, 8)
    x = jax.random.normal(ks[0], (N_NODES, 2), dtype=jnp.float32)
    edge_index = jax.random.randint(ks[1], (2, N_EDGES), 0, N_NODES, dtype=jnp.int64)
    # SAGEConv(2, 16) params
    Wl1 = jax.random.normal(ks[2], (16, 2), dtype=jnp.float32) * 0.5
    bl1 = jnp.zeros((16,), dtype=jnp.float32)
    Wr1 = jax.random.normal(ks[3], (16, 2), dtype=jnp.float32) * 0.5
    # SAGEConv(16, 1) params
    Wl2 = jax.random.normal(ks[4], (1, 16), dtype=jnp.float32) * 0.25
    bl2 = jnp.zeros((1,), dtype=jnp.float32)
    Wr2 = jax.random.normal(ks[5], (1, 16), dtype=jnp.float32) * 0.25
    return {"x": x, "edge_index": edge_index, "Wl1": Wl1, "bl1": bl1, "Wr1": Wr1, "Wl2": Wl2, "bl2": bl2, "Wr2": Wr2}

def reference(x, edge_index, Wl1, bl1, Wr1, Wl2, bl2, Wr2):
    h = jax.nn.relu(sage_conv(x, edge_index, Wl1, bl1, Wr1))
    h = sage_conv(h, edge_index, Wl2, bl2, Wr2)
    return jax.nn.sigmoid(h).squeeze()

if __name__ == "__main__":
    import jax
    _d = setup_inputs()
    print(jax.jit(kernel)(*tuple(_d.values())))

</pallas_src>

<mosaic_0001>
#map = affine_map<(d0, d1) -> (0, 0)>
#map1 = affine_map<(d0, d1) -> (0, 0, 0)>
module attributes {stable_mosaic.version = 14 : i64} {
  func.func @_sc_pass2(%arg0: i32, %arg1: i32, %arg2: memref<102400x8xf32, #tpu.memory_space<hbm>>, %arg3: memref<25000x2x128xi32, #tpu.memory_space<hbm>>, %arg4: memref<102400x8xf32, #tpu.memory_space<hbm>>, %arg5: memref<2x102400x8xf32, #tpu.memory_space<hbm>>, %arg6: memref<102400x8xf32, #tpu.memory_space<vmem_shared>>, %arg7: memref<102400x8xf32, #tpu.memory_space<vmem_shared>>, %arg8: memref<2x8x128xi32, #tpu.memory_space<vmem>>, %arg9: memref<2x8x128xi32, #tpu.memory_space<vmem>>, %arg10: memref<2x8x128x8xf32, #tpu.memory_space<vmem>>, %arg11: memref<!tpu.dma_semaphore, #tpu.memory_space<semaphore_mem>>, %arg12: memref<!tpu.dma_semaphore, #tpu.memory_space<semaphore_mem>>) attributes {dimension_semantics = [#tpu.dimension_semantics<core_parallel>, #tpu.dimension_semantics<subcore_parallel>], iteration_bounds = array<i64: 2, 16>, scalar_prefetch = 0 : i64, scratch_operands = 7 : i64, tpu.core_type = #tpu.core_type<sc_vector_subcore>, window_params = [{transform_indices = #map}, {transform_indices = #map1}, {transform_indices = #map}, {transform_indices = #map1}]} {
    %mul3A = arith.constant 2 : i32
    %mul3A_0 = arith.muli %arg1, %mul3A : i32
    %add3A = arith.addi %mul3A_0, %arg0 : i32
    %mul3A_1 = arith.constant 6400 : i32
    %mul3A_2 = arith.muli %arg1, %mul3A_1 : i32
    "tpu.region"() ({
      %run_scoped3A_531 = tpu.sem_alloc : memref<!tpu.dma_semaphore, #tpu.memory_space<semaphore_mem>>
      %dma_start3A_532 = arith.constant 0 : i32
      %dma_start3A_533 = tpu.memref_slice %arg6[%mul3A_2, %dma_start3A_532] : memref<102400x8xf32, #tpu.memory_space<vmem_shared>> -> memref<6400x8xf32, #tpu.memory_space<vmem_shared>>
      %dma_start3A_534 = arith.constant 0 : i32
      %dma_start3A_535 = tpu.memref_slice %arg2[%mul3A_2, %dma_start3A_534] : memref<102400x8xf32, #tpu.memory_space<hbm>> -> memref<6400x8xf32, #tpu.memory_space<hbm>>
      tpu.enqueue_dma source(%dma_start3A_535 : memref<6400x8xf32, #tpu.memory_space<hbm>>) target(%dma_start3A_533 : memref<6400x8xf32, #tpu.memory_space<vmem_shared>>) target_semaphore(%run_scoped3A_531 : memref<!tpu.dma_semaphore, #tpu.memory_space<semaphore_mem>>)
      %dma_wait3A_536 = arith.constant 0 : i32
      %dma_wait3A_537 = tpu.memref_slice %arg6[%mul3A_2, %dma_wait3A_536] : memref<102400x8xf32, #tpu.memory_space<vmem_shared>> -> memref<6400x8xf32, #tpu.memory_space<vmem_shared>>
      %dma_wait3A_538 = arith.constant 0 : i32
      %dma_wait3A_539 = tpu.memref_slice %arg2[%mul3A_2, %dma_wait3A_538] : memref<102400x8xf32, #tpu.memory_space<hbm>> -> memref<6400x8xf32, #tpu.memory_space<hbm>>
      tpu.wait_dma2 semaphore(%run_scoped3A_531 : memref<!tpu.dma_semaphore, #tpu.memory_space<semaphore_mem>>) src(%dma_wait3A_539 : memref<6400x8xf32, #tpu.memory_space<hbm>>) dst(%dma_wait3A_537 : memref<6400x8xf32, #tpu.memory_space<vmem_shared>>)
      tpu.yield
    }) : () -> ()
    "tpu.region"() ({
      %run_scoped3A_531 = tpu.sem_alloc : memref<!tpu.dma_semaphore, #tpu.memory_space<semaphore_mem>>
      %dma_start3A_532 = arith.constant 0 : i32
      %dma_start3A_533 = tpu.memref_slice %arg7[%mul3A_2, %dma_start3A_532] : memref<102400x8xf32, #tpu.memory_space<vmem_shared>> -> memref<6400x8xf32, #tpu.memory_space<vmem_shared>>
      %dma_start3A_534 = arith.constant 0 : i32
      %dma_start3A_535 = tpu.memref_slice %arg4[%mul3A_2, %dma_start3A_534] : memref<102400x8xf32, #tpu.memory_space<hbm>> -> memref<6400x8xf32, #tpu.memory_space<hbm>>
      tpu.enqueue_dma source(%dma_start3A_535 : memref<6400x8xf32, #tpu.memory_space<hbm>>) target(%dma_start3A_533 : memref<6400x8xf32, #tpu.memory_space<vmem_shared>>) target_semaphore(%run_scoped3A_531 : memref<!tpu.dma_semaphore, #tpu.memory_space<semaphore_mem>>)
      %dma_wait3A_536 = arith.constant 0 : i32
      %dma_wait3A_537 = tpu.memref_slice %arg7[%mul3A_2, %dma_wait3A_536] : memref<102400x8xf32, #tpu.memory_space<vmem_shared>> -> memref<6400x8xf32, #tpu.memory_space<vmem_shared>>
      %dma_wait3A_538 = arith.constant 0 : i32
      %dma_wait3A_539 = tpu.memref_slice %arg4[%mul3A_2, %dma_wait3A_538] : memref<102400x8xf32, #tpu.memory_space<hbm>> -> memref<6400x8xf32, #tpu.memory_space<hbm>>
      tpu.wait_dma2 semaphore(%run_scoped3A_531 : memref<!tpu.dma_semaphore, #tpu.memory_space<semaphore_mem>>) src(%dma_wait3A_539 : memref<6400x8xf32, #tpu.memory_space<hbm>>) dst(%dma_wait3A_537 : memref<6400x8xf32, #tpu.memory_space<vmem_shared>>)
      tpu.yield
    }) : () -> ()
    %barrier3A = arith.constant 0 : index
    tpu.barrier barrier_id(%barrier3A)
    %mul3A_3 = arith.constant 781 : i32
    %mul3A_4 = arith.muli %add3A, %mul3A_3 : i32
    %run_scoped3A = arith.constant 0 : i32
    %run_scoped3A_5 = arith.constant 0 : i32
    "tpu.region"() ({
      %run_scoped3A_531 = tpu.sem_alloc : memref<!tpu.dma_semaphore, #tpu.memory_space<semaphore_mem>>
      %dma_start3A_532 = arith.constant 0 : i32
      %dma_start3A_533 = arith.constant 0 : i32
      %dma_start3A_534 = tpu.memref_slice %arg8[%run_scoped3A_5, %dma_start3A_532, %dma_start3A_533] : memref<2x8x128xi32, #tpu.memory_space<vmem>> -> memref<1x8x128xi32, #tpu.memory_space<vmem>>
      %dma_start3A_535 = tpu.memref_squeeze %dma_start3A_534 : memref<1x8x128xi32, #tpu.memory_space<vmem>> -> memref<8x128xi32, #tpu.memory_space<vmem>>
      %dma_start3A_536 = arith.constant 0 : i32
      %dma_start3A_537 = tpu.memref_slice %arg3[%mul3A_4, %run_scoped3A, %dma_start3A_536] : memref<25000x2x128xi32, #tpu.memory_space<hbm>> -> memref<8x1x128xi32, #tpu.memory_space<hbm>>
      %dma_start3A_538 = tpu.memref_squeeze %dma_start3A_537 : memref<8x1x128xi32, #tpu.memory_space<hbm>> -> memref<8x128xi32, #tpu.memory_space<hbm>>
      %dma_start3A_539 = arith.constant 0 : i32
      %dma_start3A_540 = arith.constant 0 : i32
      %dma_start3A_541 = tpu.memref_slice %arg8[%run_scoped3A_5, %dma_start3A_539, %dma_start3A_540] : memref<2x8x128xi32, #tpu.memory_space<vmem>> -> memref<1x8x128xi32, #tpu.memory_space<vmem>>
      %dma_start3A_542 = tpu.memref_squeeze %dma_start3A_541 : memref<1x8x128xi32, #tpu.memory_space<vmem>> -> memref<8x128xi32, #tpu.memory_space<vmem>>
      %dma_start3A_543 = arith.constant 0 : i32
      %dma_start3A_544 = tpu.memref_slice %arg3[%mul3A_4, %run_scoped3A, %dma_start3A_543] : memref<25000x2x128xi32, #tpu.memory_space<hbm>> -> memref<8x1x128xi32, #tpu.memory_space<hbm>>
      %dma_start3A_545 = tpu.memref_squeeze %dma_start3A_544 : memref<8x1x128xi32, #tpu.memory_space<hbm>> -> memref<8x128xi32, #tpu.memory_space<hbm>>
      tpu.enqueue_dma source(%dma_start3A_545 : memref<8x128xi32, #tpu.memory_space<hbm>>) target(%dma_start3A_542 : memref<8x128xi32, #tpu.memory_space<vmem>>) target_semaphore(%run_scoped3A_531 : memref<!tpu.dma_semaphore, #tpu.memory_space<semaphore_mem>>)
      %dma_wait3A_546 = arith.constant 0 : i32
      %dma_wait3A_547 = arith.constant 0 : i32
      %dma_wait3A_548 = tpu.memref_slice %arg8[%run_scoped3A_5, %dma_wait3A_546, %dma_wait3A_547] : memref<2x8x128xi32, #tpu.memory_space<vmem>> -> memref<1x8x128xi32, #tpu.memory_space<vmem>>
      %dma_wait3A_549 = tpu.memref_squeeze %dma_wait3A_548 : memref<1x8x128xi32, #tpu.memory_space<vmem>> -> memref<8x128xi32, #tpu.memory_space<vmem>>
      %dma_wait3A_550 = arith.constant 0 : i32
      %dma_wait3A_551 = tpu.memref_slice %arg3[%mul3A_4, %run_scoped3A, %dma_wait3A_550] : memref<25000x2x128xi32, #tpu.memory_space<hbm>> -> memref<8x1x128xi32, #tpu.memory_space<hbm>>
      %dma_wait3A_552 = tpu.memref_squeeze %dma_wait3A_551 : memref<8x1x128xi32, #tpu.memory_space<hbm>> -> memref<8x128xi32, #tpu.memory_space<hbm>>
      %dma_wait3A_553 = arith.constant 0 : i32
      %dma_wait3A_554 = arith.constant 0 : i32
      %dma_wait3A_555 = tpu.memref_slice %arg8[%run_scoped3A_5, %dma_wait3A_553, %dma_wait3A_554] : memref<2x8x128xi32, #tpu.memory_space<vmem>> -> memref<1x8x128xi32, #tpu.memory_space<vmem>>
      %dma_wait3A_556 = tpu.memref_squeeze %dma_wait3A_555 : memref<1x8x128xi32, #tpu.memory_space<vmem>> -> memref<8x128xi32, #tpu.memory_space<vmem>>
      %dma_wait3A_557 = arith.constant 0 : i32
      %dma_wait3A_558 = tpu.memref_slice %arg3[%mul3A_4, %run_scoped3A, %dma_wait3A_557] : memref<25000x2x128xi32, #tpu.memory_space<hbm>> -> memref<8x1x128xi32, #tpu.memory_space<hbm>>
      %dma_wait3A_559 = tpu.memref_squeeze %dma_wait3A_558 : memref<8x1x128xi32, #tpu.memory_space<hbm>> -> memref<8x128xi32, #tpu.memory_space<hbm>>
      tpu.wait_dma2 semaphore(%run_scoped3A_531 : memref<!tpu.dma_semaphore, #tpu.memory_space<semaphore_mem>>) src(%dma_wait3A_559 : memref<8x128xi32, #tpu.memory_space<hbm>>) dst(%dma_wait3A_556 : memref<8x128xi32, #tpu.memory_space<vmem>>)
      tpu.yield
    }) : () -> ()
    %run_scoped3A_6 = arith.constant 1 : i32
    %run_scoped3A_7 = arith.constant 0 : i32
    "tpu.region"() ({
      %run_scoped3A_531 = tpu.sem_alloc : memref<!tpu.dma_semaphore, #tpu.memory_space<semaphore_mem>>
      %dma_start3A_532 = arith.constant 0 : i32
      %dma_start3A_533 = arith.constant 0 : i32
      %dma_start3A_534 = tpu.memref_slice %arg9[%run_scoped3A_7, %dma_start3A_532, %dma_start3A_533] : memref<2x8x128xi32, #tpu.memory_space<vmem>> -> memref<1x8x128xi32, #tpu.memory_space<vmem>>
      %dma_start3A_535 = tpu.memref_squeeze %dma_start3A_534 : memref<1x8x128xi32, #tpu.memory_space<vmem>> -> memref<8x128xi32, #tpu.memory_space<vmem>>
      %dma_start3A_536 = arith.constant 0 : i32
      %dma_start3A_537 = tpu.memref_slice %arg3[%mul3A_4, %run_scoped3A_6, %dma_start3A_536] : memref<25000x2x128xi32, #tpu.memory_space<hbm>> -> memref<8x1x128xi32, #tpu.memory_space<hbm>>
      %dma_start3A_538 = tpu.memref_squeeze %dma_start3A_537 : memref<8x1x128xi32, #tpu.memory_space<hbm>> -> memref<8x128xi32, #tpu.memory_space<hbm>>
      %dma_start3A_539 = arith.constant 0 : i32
      %dma_start3A_540 = arith.constant 0 : i32
      %dma_start3A_541 = tpu.memref_slice %arg9[%run_scoped3A_7, %dma_start3A_539, %dma_start3A_540] : memref<2x8x128xi32, #tpu.memory_space<vmem>> -> memref<1x8x128xi32, #tpu.memory_space<vmem>>
      %dma_start3A_542 = tpu.memref_squeeze %dma_start3A_541 : memref<1x8x128xi32, #tpu.memory_space<vmem>> -> memref<8x128xi32, #tpu.memory_space<vmem>>
      %dma_start3A_543 = arith.constant 0 : i32
      %dma_start3A_544 = tpu.memref_slice %arg3[%mul3A_4, %run_scoped3A_6, %dma_start3A_543] : memref<25000x2x128xi32, #tpu.memory_space<hbm>> -> memref<8x1x128xi32, #tpu.memory_space<hbm>>
      %dma_start3A_545 = tpu.memref_squeeze %dma_start3A_544 : memref<8x1x128xi32, #tpu.memory_space<hbm>> -> memref<8x128xi32, #tpu.memory_space<hbm>>
      tpu.enqueue_dma source(%dma_start3A_545 : memref<8x128xi32, #tpu.memory_space<hbm>>) target(%dma_start3A_542 : memref<8x128xi32, #tpu.memory_space<vmem>>) target_semaphore(%run_scoped3A_531 : memref<!tpu.dma_semaphore, #tpu.memory_space<semaphore_mem>>)
      %dma_wait3A_546 = arith.constant 0 : i32
      %dma_wait3A_547 = arith.constant 0 : i32
      %dma_wait3A_548 = tpu.memref_slice %arg9[%run_scoped3A_7, %dma_wait3A_546, %dma_wait3A_547] : memref<2x8x128xi32, #tpu.memory_space<vmem>> -> memref<1x8x128xi32, #tpu.memory_space<vmem>>
      %dma_wait3A_549 = tpu.memref_squeeze %dma_wait3A_548 : memref<1x8x128xi32, #tpu.memory_space<vmem>> -> memref<8x128xi32, #tpu.memory_space<vmem>>
      %dma_wait3A_550 = arith.constant 0 : i32
      %dma_wait3A_551 = tpu.memref_slice %arg3[%mul3A_4, %run_scoped3A_6, %dma_wait3A_550] : memref<25000x2x128xi32, #tpu.memory_space<hbm>> -> memref<8x1x128xi32, #tpu.memory_space<hbm>>
      %dma_wait3A_552 = tpu.memref_squeeze %dma_wait3A_551 : memref<8x1x128xi32, #tpu.memory_space<hbm>> -> memref<8x128xi32, #tpu.memory_space<hbm>>
      %dma_wait3A_553 = arith.constant 0 : i32
      %dma_wait3A_554 = arith.constant 0 : i32
      %dma_wait3A_555 = tpu.memref_slice %arg9[%run_scoped3A_7, %dma_wait3A_553, %dma_wait3A_554] : memref<2x8x128xi32, #tpu.memory_space<vmem>> -> memref<1x8x128xi32, #tpu.memory_space<vmem>>
      %dma_wait3A_556 = tpu.memref_squeeze %dma_wait3A_555 : memref<1x8x128xi32, #tpu.memory_space<vmem>> -> memref<8x128xi32, #tpu.memory_space<vmem>>
      %dma_wait3A_557 = arith.constant 0 : i32
      %dma_wait3A_558 = tpu.memref_slice %arg3[%mul3A_4, %run_scoped3A_6, %dma_wait3A_557] : memref<25000x2x128xi32, #tpu.memory_space<hbm>> -> memref<8x1x128xi32, #tpu.memory_space<hbm>>
      %dma_wait3A_559 = tpu.memref_squeeze %dma_wait3A_558 : memref<8x1x128xi32, #tpu.memory_space<hbm>> -> memref<8x128xi32, #tpu.memory_space<hbm>>
      tpu.wait_dma2 semaphore(%run_scoped3A_531 : memref<!tpu.dma_semaphore, #tpu.memory_space<semaphore_mem>>) src(%dma_wait3A_559 : memref<8x128xi32, #tpu.memory_space<hbm>>) dst(%dma_wait3A_556 : memref<8x128xi32, #tpu.memory_space<vmem>>)
      tpu.yield
    }) : () -> ()
    %dma_start3A = arith.constant 0 : i32
    %dma_start3A_8 = arith.constant 0 : i32
    %dma_start3A_9 = arith.constant 0 : i32
    %dma_start3A_10 = arith.constant 0 : i32
    %dma_start3A_11 = arith.constant 0 : i32
    %dma_start3A_12 = arith.constant 0 : i32
    %dma_start3A_13 = tpu.memref_slice %arg10[%dma_start3A_9, %dma_start3A_10, %dma_start3A_11, %dma_start3A_12] : memref<2x8x128x8xf32, #tpu.memory_space<vmem>> -> memref<1x1x128x8xf32, #tpu.memory_space<vmem>>
    %dma_start3A_14 = tpu.memref_squeeze %dma_start3A_13 : memref<1x1x128x8xf32, #tpu.memory_space<vmem>> -> memref<128x8xf32, #tpu.memory_space<vmem>>
    %dma_start3A_15 = arith.constant 0 : i32
    %dma_start3A_16 = tpu.memref_slice %arg8[%dma_start3A, %dma_start3A_8, %dma_start3A_15] : memref<2x8x128xi32, #tpu.memory_space<vmem>> -> memref<1x1x128xi32, #tpu.memory_space<vmem>>
    %dma_start3A_17 = tpu.memref_squeeze %dma_start3A_16 : memref<1x1x128xi32, #tpu.memory_space<vmem>> -> memref<128xi32, #tpu.memory_space<vmem>>
    %dma_start3A_18 = arith.constant 0 : i32
    %dma_start3A_19 = arith.constant 0 : i32
    %dma_start3A_20 = tpu.memref_slice %arg6[%dma_start3A_18, %dma_start3A_19] : memref<102400x8xf32, #tpu.memory_space<vmem_shared>> -> memref<102400x8xf32, #tpu.memory_space<vmem_shared>>
    tpu.enqueue_indirect_dma source(%dma_start3A_20 : memref<102400x8xf32, #tpu.memory_space<vmem_shared>>) target(%dma_start3A_14 : memref<128x8xf32, #tpu.memory_space<vmem>>) offsets(%dma_start3A_17 : memref<128xi32, #tpu.memory_space<vmem>>) semaphore(%arg11 : memref<!tpu.dma_semaphore, #tpu.memory_space<semaphore_mem>>)
    %dma_start3A_21 = arith.constant 0 : i32
    %dma_start3A_22 = arith.constant 1 : i32
    %dma_start3A_23 = arith.constant 0 : i32
    %dma_start3A_24 = arith.constant 1 : i32
    %dma_start3A_25 = arith.constant 0 : i32
    %dma_start3A_26 = arith.constant 0 : i32
    %dma_start3A_27 = tpu.memref_slice %arg10[%dma_start3A_23, %dma_start3A_24, %dma_start3A_25, %dma_start3A_26] : memref<2x8x128x8xf32, #tpu.memory_space<vmem>> -> memref<1x1x128x8xf32, #tpu.memory_space<vmem>>
    %dma_start3A_28 = tpu.memref_squeeze %dma_start3A_27 : memref<1x1x128x8xf32, #tpu.memory_space<vmem>> -> memref<128x8xf32, #tpu.memory_space<vmem>>
    %dma_start3A_29 = arith.constant 0 : i32
    %dma_start3A_30 = tpu.memref_slice %arg8[%dma_start3A_21, %dma_start3A_22, %dma_start3A_29] : memref<2x8x128xi32, #tpu.memory_space<vmem>> -> memref<1x1x128xi32, #tpu.memory_space<vmem>>
    %dma_start3A_31 = tpu.memref_squeeze %dma_start3A_30 : memref<1x1x128xi32, #tpu.memory_space<vmem>> -> memref<128xi32, #tpu.memory_space<vmem>>
    %dma_start3A_32 = arith.constant 0 : i32
    %dma_start3A_33 = arith.constant 0 : i32
    %dma_start3A_34 = tpu.memref_slice %arg6[%dma_start3A_32, %dma_start3A_33] : memref<102400x8xf32, #tpu.memory_space<vmem_shared>> -> memref<102400x8xf32, #tpu.memory_space<vmem_shared>>
    tpu.enqueue_indirect_dma source(%dma_start3A_34 : memref<102400x8xf32, #tpu.memory_space<vmem_shared>>) target(%dma_start3A_28 : memref<128x8xf32, #tpu.memory_space<vmem>>) offsets(%dma_start3A_31 : memref<128xi32, #tpu.memory_space<vmem>>) semaphore(%arg11 : memref<!tpu.dma_semaphore, #tpu.memory_space<semaphore_mem>>)
    %dma_start3A_35 = arith.constant 0 : i32
    %dma_start3A_36 = arith.constant 2 : i32
    %dma_start3A_37 = arith.constant 0 : i32
    %dma_start3A_38 = arith.constant 2 : i32
    %dma_start3A_39 = arith.constant 0 : i32
    %dma_start3A_40 = arith.constant 0 : i32
    %dma_start3A_41 = tpu.memref_slice %arg10[%dma_start3A_37, %dma_start3A_38, %dma_start3A_39, %dma_start3A_40] : memref<2x8x128x8xf32, #tpu.memory_space<vmem>> -> memref<1x1x128x8xf32, #tpu.memory_space<vmem>>
    %dma_start3A_42 = tpu.memref_squeeze %dma_start3A_41 : memref<1x1x128x8xf32, #tpu.memory_space<vmem>> -> memref<128x8xf32, #tpu.memory_space<vmem>>
    %dma_start3A_43 = arith.constant 0 : i32
    %dma_start3A_44 = tpu.memref_slice %arg8[%dma_start3A_35, %dma_start3A_36, %dma_start3A_43] : memref<2x8x128xi32, #tpu.memory_space<vmem>> -> memref<1x1x128xi32, #tpu.memory_space<vmem>>
    %dma_start3A_45 = tpu.memref_squeeze %dma_start3A_44 : memref<1x1x128xi32, #tpu.memory_space<vmem>> -> memref<128xi32, #tpu.memory_space<vmem>>
    %dma_start3A_46 = arith.constant 0 : i32
    %dma_start3A_47 = arith.constant 0 : i32
    %dma_start3A_48 = tpu.memref_slice %arg6[%dma_start3A_46, %dma_start3A_47] : memref<102400x8xf32, #tpu.memory_space<vmem_shared>> -> memref<102400x8xf32, #tpu.memory_space<vmem_shared>>
    tpu.enqueue_indirect_dma source(%dma_start3A_48 : memref<102400x8xf32, #tpu.memory_space<vmem_shared>>) target(%dma_start3A_42 : memref<128x8xf32, #tpu.memory_space<vmem>>) offsets(%dma_start3A_45 : memref<128xi32, #tpu.memory_space<vmem>>) semaphore(%arg11 : memref<!tpu.dma_semaphore, #tpu.memory_space<semaphore_mem>>)
    %dma_start3A_49 = arith.constant 0 : i32
    %dma_start3A_50 = arith.constant 3 : i32
    %dma_start3A_51 = arith.constant 0 : i32
    %dma_start3A_52 = arith.constant 3 : i32
    %dma_start3A_53 = arith.constant 0 : i32
    %dma_start3A_54 = arith.constant 0 : i32
    %dma_start3A_55 = tpu.memref_slice %arg10[%dma_start3A_51, %dma_start3A_52, %dma_start3A_53, %dma_start3A_54] : memref<2x8x128x8xf32, #tpu.memory_space<vmem>> -> memref<1x1x128x8xf32, #tpu.memory_space<vmem>>
    %dma_start3A_56 = tpu.memref_squeeze %dma_start3A_55 : memref<1x1x128x8xf32, #tpu.memory_space<vmem>> -> memref<128x8xf32, #tpu.memory_space<vmem>>
    %dma_start3A_57 = arith.constant 0 : i32
    %dma_start3A_58 = tpu.memref_slice %arg8[%dma_start3A_49, %dma_start3A_50, %dma_start3A_57] : memref<2x8x128xi32, #tpu.memory_space<vmem>> -> memref<1x1x128xi32, #tpu.memory_space<vmem>>
    %dma_start3A_59 = tpu.memref_squeeze %dma_start3A_58 : memref<1x1x128xi32, #tpu.memory_space<vmem>> -> memref<128xi32, #tpu.memory_space<vmem>>
    %dma_start3A_60 = arith.constant 0 : i32
    %dma_start3A_61 = arith.constant 0 : i32
    %dma_start3A_62 = tpu.memref_slice %arg6[%dma_start3A_60, %dma_start3A_61] : memref<102400x8xf32, #tpu.memory_space<vmem_shared>> -> memref<102400x8xf32, #tpu.memory_space<vmem_shared>>
    tpu.enqueue_indirect_dma source(%dma_start3A_62 : memref<102400x8xf32, #tpu.memory_space<vmem_shared>>) target(%dma_start3A_56 : memref<128x8xf32, #tpu.memory_space<vmem>>) offsets(%dma_start3A_59 : memref<128xi32, #tpu.memory_space<vmem>>) semaphore(%arg11 : memref<!tpu.dma_semaphore, #tpu.memory_space<semaphore_mem>>)
    %dma_start3A_63 = arith.constant 0 : i32
    %dma_start3A_64 = arith.constant 4 : i32
    %dma_start3A_65 = arith.constant 0 : i32
    %dma_start3A_66 = arith.constant 4 : i32
    %dma_start3A_67 = arith.constant 0 : i32
    %dma_start3A_68 = arith.constant 0 : i32
    %dma_start3A_69 = tpu.memref_slice %arg10[%dma_start3A_65, %dma_start3A_66, %dma_start3A_67, %dma_start3A_68] : memref<2x8x128x8xf32, #tpu.memory_space<vmem>> -> memref<1x1x128x8xf32, #tpu.memory_space<vmem>>
    %dma_start3A_70 = tpu.memref_squeeze %dma_start3A_69 : memref<1x1x128x8xf32, #tpu.memory_space<vmem>> -> memref<128x8xf32, #tpu.memory_space<vmem>>
    %dma_start3A_71 = arith.constant 0 : i32
    %dma_start3A_72 = tpu.memref_slice %arg8[%dma_start3A_63, %dma_start3A_64, %dma_start3A_71] : memref<2x8x128xi32, #tpu.memory_space<vmem>> -> memref<1x1x128xi32, #tpu.memory_space<vmem>>
    %dma_start3A_73 = tpu.memref_squeeze %dma_start3A_72 : memref<1x1x128xi32, #tpu.memory_space<vmem>> -> memref<128xi32, #tpu.memory_space<vmem>>
    %dma_start3A_74 = arith.constant 0 : i32
    %dma_start3A_75 = arith.constant 0 : i32
    %dma_start3A_76 = tpu.memref_slice %arg6[%dma_start3A_74, %dma_start3A_75] : memref<102400x8xf32, #tpu.memory_space<vmem_shared>> -> memref<102400x8xf32, #tpu.memory_space<vmem_shared>>
    tpu.enqueue_indirect_dma source(%dma_start3A_76 : memref<102400x8xf32, #tpu.memory_space<vmem_shared>>) target(%dma_start3A_70 : memref<128x8xf32, #tpu.memory_space<vmem>>) offsets(%dma_start3A_73 : memref<128xi32, #tpu.memory_space<vmem>>) semaphore(%arg11 : memref<!tpu.dma_semaphore, #tpu.memory_space<semaphore_mem>>)
    %dma_start3A_77 = arith.constant 0 : i32
    %dma_start3A_78 = arith.constant 5 : i32
    %dma_start3A_79 = arith.constant 0 : i32
    %dma_start3A_80 = arith.constant 5 : i32
    %dma_start3A_81 = arith.constant 0 : i32
    %dma_start3A_82 = arith.constant 0 : i32
    %dma_start3A_83 = tpu.memref_slice %arg10[%dma_start3A_79, %dma_start3A_80, %dma_start3A_81, %dma_start3A_82] : memref<2x8x128x8xf32, #tpu.memory_space<vmem>> -> memref<1x1x128x8xf32, #tpu.memory_space<vmem>>
    %dma_start3A_84 = tpu.memref_squeeze %dma_start3A_83 : memref<1x1x128x8xf32, #tpu.memory_space<vmem>> -> memref<128x8xf32, #tpu.memory_space<vmem>>
    %dma_start3A_85 = arith.constant 0 : i32
    %dma_start3A_86 = tpu.memref_slice %arg8[%dma_start3A_77, %dma_start3A_78, %dma_start3A_85] : memref<2x8x128xi32, #tpu.memory_space<vmem>> -> memref<1x1x128xi32, #tpu.memory_space<vmem>>
    %dma_start3A_87 = tpu.memref_squeeze %dma_start3A_86 : memref<1x1x128xi32, #tpu.memory_space<vmem>> -> memref<128xi32, #tpu.memory_space<vmem>>
    %dma_start3A_88 = arith.constant 0 : i32
    %dma_start3A_89 = arith.constant 0 : i32
    %dma_start3A_90 = tpu.memref_slice %arg6[%dma_start3A_88, %dma_start3A_89] : memref<102400x8xf32, #tpu.memory_space<vmem_shared>> -> memref<102400x8xf32, #tpu.memory_space<vmem_shared>>
    tpu.enqueue_indirect_dma source(%dma_start3A_90 : memref<102400x8xf32, #tpu.memory_space<vmem_shared>>) target(%dma_start3A_84 : memref<128x8xf32, #tpu.memory_space<vmem>>) offsets(%dma_start3A_87 : memref<128xi32, #tpu.memory_space<vmem>>) semaphore(%arg11 : memref<!tpu.dma_semaphore, #tpu.memory_space<semaphore_mem>>)
    %dma_start3A_91 = arith.constant 0 : i32
    %dma_start3A_92 = arith.constant 6 : i32
    %dma_start3A_93 = arith.constant 0 : i32
    %dma_start3A_94 = arith.constant 6 : i32
    %dma_start3A_95 = arith.constant 0 : i32
    %dma_start3A_96 = arith.constant 0 : i32
    %dma_start3A_97 = tpu.memref_slice %arg10[%dma_start3A_93, %dma_start3A_94, %dma_start3A_95, %dma_start3A_96] : memref<2x8x128x8xf32, #tpu.memory_space<vmem>> -> memref<1x1x128x8xf32, #tpu.memory_space<vmem>>
    %dma_start3A_98 = tpu.memref_squeeze %dma_start3A_97 : memref<1x1x128x8xf32, #tpu.memory_space<vmem>> -> memref<128x8xf32, #tpu.memory_space<vmem>>
    %dma_start3A_99 = arith.constant 0 : i32
    %dma_start3A_100 = tpu.memref_slice %arg8[%dma_start3A_91, %dma_start3A_92, %dma_start3A_99] : memref<2x8x128xi32, #tpu.memory_space<vmem>> -> memref<1x1x128xi32, #tpu.memory_space<vmem>>
    %dma_start3A_101 = tpu.memref_squeeze %dma_start3A_100 : memref<1x1x128xi32, #tpu.memory_space<vmem>> -> memref<128xi32, #tpu.memory_space<vmem>>
    %dma_start3A_102 = arith.constant 0 : i32
    %dma_start3A_103 = arith.constant 0 : i32
    %dma_start3A_104 = tpu.memref_slice %arg6[%dma_start3A_102, %dma_start3A_103] : memref<102400x8xf32, #tpu.memory_space<vmem_shared>> -> memref<102400x8xf32, #tpu.memory_space<vmem_shared>>
    tpu.enqueue_indirect_dma source(%dma_start3A_104 : memref<102400x8xf32, #tpu.memory_space<vmem_shared>>) target(%dma_start3A_98 : memref<128x8xf32, #tpu.memory_space<vmem>>) offsets(%dma_start3A_101 : memref<128xi32, #tpu.memory_space<vmem>>) semaphore(%arg11 : memref<!tpu.dma_semaphore, #tpu.memory_space<semaphore_mem>>)
    %dma_start3A_105 = arith.constant 0 : i32
    %dma_start3A_106 = arith.constant 7 : i32
    %dma_start3A_107 = arith.constant 0 : i32
    %dma_start3A_108 = arith.constant 7 : i32
    %dma_start3A_109 = arith.constant 0 : i32
    %dma_start3A_110 = arith.constant 0 : i32
    %dma_start3A_111 = tpu.memref_slice %arg10[%dma_start3A_107, %dma_start3A_108, %dma_start3A_109, %dma_start3A_110] : memref<2x8x128x8xf32, #tpu.memory_space<vmem>> -> memref<1x1x128x8xf32, #tpu.memory_space<vmem>>
    %dma_start3A_112 = tpu.memref_squeeze %dma_start3A_111 : memref<1x1x128x8xf32, #tpu.memory_space<vmem>> -> memref<128x8xf32, #tpu.memory_space<vmem>>
    %dma_start3A_113 = arith.constant 0 : i32
    %dma_start3A_114 = tpu.memref_slice %arg8[%dma_start3A_105, %dma_start3A_106, %dma_start3A_113] : memref<2x8x128xi32, #tpu.memory_space<vmem>> -> memref<1x1x128xi32, #tpu.memory_space<vmem>>
    %dma_start3A_115 = tpu.memref_squeeze %dma_start3A_114 : memref<1x1x128xi32, #tpu.memory_space<vmem>> -> memref<128xi32, #tpu.memory_space<vmem>>
    %dma_start3A_116 = arith.constant 0 : i32
    %dma_start3A_117 = arith.constant 0 : i32
    %dma_start3A_118 = tpu.memref_slice %arg6[%dma_start3A_116, %dma_start3A_117] : memref<102400x8xf32, #tpu.memory_space<vmem_shared>> -> memref<102400x8xf32, #tpu.memory_space<vmem_shared>>
    tpu.enqueue_indirect_dma source(%dma_start3A_118 : memref<102400x8xf32, #tpu.memory_space<vmem_shared>>) target(%dma_start3A_112 : memref<128x8xf32, #tpu.memory_space<vmem>>) offsets(%dma_start3A_115 : memref<128xi32, #tpu.memory_space<vmem>>) semaphore(%arg11 : memref<!tpu.dma_semaphore, #tpu.memory_space<semaphore_mem>>)
    %scan3A = arith.constant 0 : i32
    %scan3A_119 = arith.constant 0 : i32
    %scan3A_120 = arith.constant 97 : i32
    %scan3A_121 = arith.addi %scan3A_119, %scan3A_120 : i32
    %scan3A_122 = arith.constant 1 : i32
    scf.for %scan3A_531 = %scan3A_119 to %scan3A_121 step %scan3A_122  : i32 {
      %rem3A = arith.constant 2 : i32
      %rem3A_532 = arith.remsi %scan3A_531, %rem3A : i32
      %sub3A = arith.constant 1 : i32
      %sub3A_533 = arith.subi %sub3A, %rem3A_532 : i32
      %gt3A = arith.constant 0 : i32
      %gt3A_534 = arith.cmpi sgt, %scan3A_531, %gt3A : i32
      %convert_element_type3A_535 = arith.extui %gt3A_534 : i1 to i32
      %cond3A_536 = arith.constant 0 : i32
      %cond3A_537 = arith.cmpi ne, %convert_element_type3A_535, %cond3A_536 : i32
      scf.if %cond3A_537 {
        %dma_wait3A_737 = arith.constant 0 : i32
        %dma_wait3A_738 = arith.constant 0 : i32
        %dma_wait3A_739 = arith.constant 0 : i32
        %dma_wait3A_740 = arith.constant 0 : i32
        %dma_wait3A_741 = tpu.memref_slice %arg10[%sub3A_533, %dma_wait3A_737, %dma_wait3A_739, %dma_wait3A_740] : memref<2x8x128x8xf32, #tpu.memory_space<vmem>> -> memref<1x1x128x8xf32, #tpu.memory_space<vmem>>
        %dma_wait3A_742 = tpu.memref_squeeze %dma_wait3A_741 : memref<1x1x128x8xf32, #tpu.memory_space<vmem>> -> memref<128x8xf32, #tpu.memory_space<vmem>>
        %dma_wait3A_743 = arith.constant 0 : i32
        %dma_wait3A_744 = tpu.memref_slice %arg9[%sub3A_533, %dma_wait3A_738, %dma_wait3A_743] : memref<2x8x128xi32, #tpu.memory_space<vmem>> -> memref<1x1x128xi32, #tpu.memory_space<vmem>>
        %dma_wait3A_745 = tpu.memref_squeeze %dma_wait3A_744 : memref<1x1x128xi32, #tpu.memory_space<vmem>> -> memref<128xi32, #tpu.memory_space<vmem>>
        %dma_wait3A_746 = arith.constant 0 : i32
        %dma_wait3A_747 = arith.constant 0 : i32
        %dma_wait3A_748 = tpu.memref_slice %arg7[%dma_wait3A_746, %dma_wait3A_747] : memref<102400x8xf32, #tpu.memory_space<vmem_shared>> -> memref<102400x8xf32, #tpu.memory_space<vmem_shared>>
        tpu.wait_indirect_dma semaphore(%arg12 : memref<!tpu.dma_semaphore, #tpu.memory_space<semaphore_mem>>) src(%dma_wait3A_742 : memref<128x8xf32, #tpu.memory_space<vmem>>) dst(%dma_wait3A_748 : memref<102400x8xf32, #tpu.memory_space<vmem_shared>>)
        %dma_wait3A_749 = arith.constant 1 : i32
        %dma_wait3A_750 = arith.constant 1 : i32
        %dma_wait3A_751 = arith.constant 0 : i32
        %dma_wait3A_752 = arith.constant 0 : i32
        %dma_wait3A_753 = tpu.memref_slice %arg10[%sub3A_533, %dma_wait3A_749, %dma_wait3A_751, %dma_wait3A_752] : memref<2x8x128x8xf32, #tpu.memory_space<vmem>> -> memref<1x1x128x8xf32, #tpu.memory_space<vmem>>
        %dma_wait3A_754 = tpu.memref_squeeze %dma_wait3A_753 : memref<1x1x128x8xf32, #tpu.memory_space<vmem>> -> memref<128x8xf32, #tpu.memory_space<vmem>>
        %dma_wait3A_755 = arith.constant 0 : i32
        %dma_wait3A_756 = tpu.memref_slice %arg9[%sub3A_533, %dma_wait3A_750, %dma_wait3A_755] : memref<2x8x128xi32, #tpu.memory_space<vmem>> -> memref<1x1x128xi32, #tpu.memory_space<vmem>>
        %dma_wait3A_757 = tpu.memref_squeeze %dma_wait3A_756 : memref<1x1x128xi32, #tpu.memory_space<vmem>> -> memref<128xi32, #tpu.memory_space<vmem>>
        %dma_wait3A_758 = arith.constant 0 : i32
        %dma_wait3A_759 = arith.constant 0 : i32
        %dma_wait3A_760 = tpu.memref_slice %arg7[%dma_wait3A_758, %dma_wait3A_759] : memref<102400x8xf32, #tpu.memory_space<vmem_shared>> -> memref<102400x8xf32, #tpu.memory_space<vmem_shared>>
        tpu.wait_indirect_dma semaphore(%arg12 : memref<!tpu.dma_semaphore, #tpu.memory_space<semaphore_mem>>) src(%dma_wait3A_754 : memref<128x8xf32, #tpu.memory_space<vmem>>) dst(%dma_wait3A_760 : memref<102400x8xf32, #tpu.memory_space<vmem_shared>>)
        %dma_wait3A_761 = arith.constant 2 : i32
        %dma_wait3A_762 = arith.constant 2 : i32
        %dma_wait3A_763 = arith.constant 0 : i32
        %dma_wait3A_764 = arith.constant 0 : i32
        %dma_wait3A_765 = tpu.memref_slice %arg10[%sub3A_533, %dma_wait3A_761, %dma_wait3A_763, %dma_wait3A_764] : memref<2x8x128x8xf32, #tpu.memory_space<vmem>> -> memref<1x1x128x8xf32, #tpu.memory_space<vmem>>
        %dma_wait3A_766 = tpu.memref_squeeze %dma_wait3A_765 : memref<1x1x128x8xf32, #tpu.memory_space<vmem>> -> memref<128x8xf32, #tpu.memory_space<vmem>>
        %dma_wait3A_767 = arith.constant 0 : i32
        %dma_wait3A_768 = tpu.memref_slice %arg9[%sub3A_533, %dma_wait3A_762, %dma_wait3A_767] : memref<2x8x128xi32, #tpu.memory_space<vmem>> -> memref<1x1x128xi32, #tpu.memory_space<vmem>>
        %dma_wait3A_769 = tpu.memref_squeeze %dma_wait3A_768 : memref<1x1x128xi32, #tpu.memory_space<vmem>> -> memref<128xi32, #tpu.memory_space<vmem>>
        %dma_wait3A_770 = arith.constant 0 : i32
        %dma_wait3A_771 = arith.constant 0 : i32
        %dma_wait3A_772 = tpu.memref_slice %arg7[%dma_wait3A_770, %dma_wait3A_771] : memref<102400x8xf32, #tpu.memory_space<vmem_shared>> -> memref<102400x8xf32, #tpu.memory_space<vmem_shared>>
        tpu.wait_indirect_dma semaphore(%arg12 : memref<!tpu.dma_semaphore, #tpu.memory_space<semaphore_mem>>) src(%dma_wait3A_766 : memref<128x8xf32, #tpu.memory_space<vmem>>) dst(%dma_wait3A_772 : memref<102400x8xf32, #tpu.memory_space<vmem_shared>>)
        %dma_wait3A_773 = arith.constant 3 : i32
        %dma_wait3A_774 = arith.constant 3 : i32
        %dma_wait3A_775 = arith.constant 0 : i32
        %dma_wait3A_776 = arith.constant 0 : i32
        %dma_wait3A_777 = tpu.memref_slice %arg10[%sub3A_533, %dma_wait3A_773, %dma_wait3A_775, %dma_wait3A_776] : memref<2x8x128x8xf32, #tpu.memory_space<vmem>> -> memref<1x1x128x8xf32, #tpu.memory_space<vmem>>
        %dma_wait3A_778 = tpu.memref_squeeze %dma_wait3A_777 : memref<1x1x128x8xf32, #tpu.memory_space<vmem>> -> memref<128x8xf32, #tpu.memory_space<vmem>>
        %dma_wait3A_779 = arith.constant 0 : i32
        %dma_wait3A_780 = tpu.memref_slice %arg9[%sub3A_533, %dma_wait3A_774, %dma_wait3A_779] : memref<2x8x128xi32, #tpu.memory_space<vmem>> -> memref<1x1x128xi32, #tpu.memory_space<vmem>>
        %dma_wait3A_781 = tpu.memref_squeeze %dma_wait3A_780 : memref<1x1x128xi32, #tpu.memory_space<vmem>> -> memref<128xi32, #tpu.memory_space<vmem>>
        %dma_wait3A_782 = arith.constant 0 : i32
        %dma_wait3A_783 = arith.constant 0 : i32
        %dma_wait3A_784 = tpu.memref_slice %arg7[%dma_wait3A_782, %dma_wait3A_783] : memref<102400x8xf32, #tpu.memory_space<vmem_shared>> -> memref<102400x8xf32, #tpu.memory_space<vmem_shared>>
        tpu.wait_indirect_dma semaphore(%arg12 : memref<!tpu.dma_semaphore, #tpu.memory_space<semaphore_mem>>) src(%dma_wait3A_778 : memref<128x8xf32, #tpu.memory_space<vmem>>) dst(%dma_wait3A_784 : memref<102400x8xf32, #tpu.memory_space<vmem_shared>>)
        %dma_wait3A_785 = arith.constant 4 : i32
        %dma_wait3A_786 = arith.constant 4 : i32
        %dma_wait3A_787 = arith.constant 0 : i32
        %dma_wait3A_788 = arith.constant 0 : i32
        %dma_wait3A_789 = tpu.memref_slice %arg10[%sub3A_533, %dma_wait3A_785, %dma_wait3A_787, %dma_wait3A_788] : memref<2x8x128x8xf32, #tpu.memory_space<vmem>> -> memref<1x1x128x8xf32, #tpu.memory_space<vmem>>
        %dma_wait3A_790 = tpu.memref_squeeze %dma_wait3A_789 : memref<1x1x128x8xf32, #tpu.memory_space<vmem>> -> memref<128x8xf32, #tpu.memory_space<vmem>>
        %dma_wait3A_791 = arith.constant 0 : i32
        %dma_wait3A_792 = tpu.memref_slice %arg9[%sub3A_533, %dma_wait3A_786, %dma_wait3A_791] : memref<2x8x128xi32, #tpu.memory_space<vmem>> -> memref<1x1x128xi32, #tpu.memory_space<vmem>>
        %dma_wait3A_793 = tpu.memref_squeeze %dma_wait3A_792 : memref<1x1x128xi32, #tpu.memory_space<vmem>> -> memref<128xi32, #tpu.memory_space<vmem>>
        %dma_wait3A_794 = arith.constant 0 : i32
        %dma_wait3A_795 = arith.constant 0 : i32
        %dma_wait3A_796 = tpu.memref_slice %arg7[%dma_wait3A_794, %dma_wait3A_795] : memref<102400x8xf32, #tpu.memory_space<vmem_shared>> -> memref<102400x8xf32, #tpu.memory_space<vmem_shared>>
        tpu.wait_indirect_dma semaphore(%arg12 : memref<!tpu.dma_semaphore, #tpu.memory_space<semaphore_mem>>) src(%dma_wait3A_790 : memref<128x8xf32, #tpu.memory_space<vmem>>) dst(%dma_wait3A_796 : memref<102400x8xf32, #tpu.memory_space<vmem_shared>>)
        %dma_wait3A_797 = arith.constant 5 : i32
        %dma_wait3A_798 = arith.constant 5 : i32
        %dma_wait3A_799 = arith.constant 0 : i32
        %dma_wait3A_800 = arith.constant 0 : i32
        %dma_wait3A_801 = tpu.memref_slice %arg10[%sub3A_533, %dma_wait3A_797, %dma_wait3A_799, %dma_wait3A_800] : memref<2x8x128x8xf32, #tpu.memory_space<vmem>> -> memref<1x1x128x8xf32, #tpu.memory_space<vmem>>
        %dma_wait3A_802 = tpu.memref_squeeze %dma_wait3A_801 : memref<1x1x128x8xf32, #tpu.memory_space<vmem>> -> memref<128x8xf32, #tpu.memory_space<vmem>>
        %dma_wait3A_803 = arith.constant 0 : i32
        %dma_wait3A_804 = tpu.memref_slice %arg9[%sub3A_533, %dma_wait3A_798, %dma_wait3A_803] : memref<2x8x128xi32, #tpu.memory_space<vmem>> -> memref<1x1x128xi32, #tpu.memory_space<vmem>>
        %dma_wait3A_805 = tpu.memref_squeeze %dma_wait3A_804 : memref<1x1x128xi32, #tpu.memory_space<vmem>> -> memref<128xi32, #tpu.memory_space<vmem>>
        %dma_wait3A_806 = arith.constant 0 : i32
        %dma_wait3A_807 = arith.constant 0 : i32
        %dma_wait3A_808 = tpu.memref_slice %arg7[%dma_wait3A_806, %dma_wait3A_807] : memref<102400x8xf32, #tpu.memory_space<vmem_shared>> -> memref<102400x8xf32, #tpu.memory_space<vmem_shared>>
        tpu.wait_indirect_dma semaphore(%arg12 : memref<!tpu.dma_semaphore, #tpu.memory_space<semaphore_mem>>) src(%dma_wait3A_802 : memref<128x8xf32, #tpu.memory_space<vmem>>) dst(%dma_wait3A_808 : memref<102400x8xf32, #tpu.memory_space<vmem_shared>>)
        %dma_wait3A_809 = arith.constant 6 : i32
        %dma_wait3A_810 = arith.constant 6 : i32
        %dma_wait3A_811 = arith.constant 0 : i32
        %dma_wait3A_812 = arith.constant 0 : i32
        %dma_wait3A_813 = tpu.memref_slice %arg10[%sub3A_533, %dma_wait3A_809, %dma_wait3A_811, %dma_wait3A_812] : memref<2x8x128x8xf32, #tpu.memory_space<vmem>> -> memref<1x1x128x8xf32, #tpu.memory_space<vmem>>
        %dma_wait3A_814 = tpu.memref_squeeze %dma_wait3A_813 : memref<1x1x128x8xf32, #tpu.memory_space<vmem>> -> memref<128x8xf32, #tpu.memory_space<vmem>>
        %dma_wait3A_815 = arith.constant 0 : i32
        %dma_wait3A_816 = tpu.memref_slice %arg9[%sub3A_533, %dma_wait3A_810, %dma_wait3A_815] : memref<2x8x128xi32, #tpu.memory_space<vmem>> -> memref<1x1x128xi32, #tpu.memory_space<vmem>>
        %dma_wait3A_817 = tpu.memref_squeeze %dma_wait3A_816 : memref<1x1x128xi32, #tpu.memory_space<vmem>> -> memref<128xi32, #tpu.memory_space<vmem>>
        %dma_wait3A_818 = arith.constant 0 : i32
        %dma_wait3A_819 = arith.constant 0 : i32
        %dma_wait3A_820 = tpu.memref_slice %arg7[%dma_wait3A_818, %dma_wait3A_819] : memref<102400x8xf32, #tpu.memory_space<vmem_shared>> -> memref<102400x8xf32, #tpu.memory_space<vmem_shared>>
        tpu.wait_indirect_dma semaphore(%arg12 : memref<!tpu.dma_semaphore, #tpu.memory_space<semaphore_mem>>) src(%dma_wait3A_814 : memref<128x8xf32, #tpu.memory_space<vmem>>) dst(%dma_wait3A_820 : memref<102400x8xf32, #tpu.memory_space<vmem_shared>>)
        %dma_wait3A_821 = arith.constant 7 : i32
        %dma_wait3A_822 = arith.constant 7 : i32
        %dma_wait3A_823 = arith.constant 0 : i32
        %dma_wait3A_824 = arith.constant 0 : i32
        %dma_wait3A_825 = tpu.memref_slice %arg10[%sub3A_533, %dma_wait3A_821, %dma_wait3A_823, %dma_wait3A_824] : memref<2x8x128x8xf32, #tpu.memory_space<vmem>> -> memref<1x1x128x8xf32, #tpu.memory_space<vmem>>
        %dma_wait3A_826 = tpu.memref_squeeze %dma_wait3A_825 : memref<1x1x128x8xf32, #tpu.memory_space<vmem>> -> memref<128x8xf32, #tpu.memory_space<vmem>>
        %dma_wait3A_827 = arith.constant 0 : i32
        %dma_wait3A_828 = tpu.memref_slice %arg9[%sub3A_533, %dma_wait3A_822, %dma_wait3A_827] : memref<2x8x128xi32, #tpu.memory_space<vmem>> -> memref<1x1x128xi32, #tpu.memory_space<vmem>>
        %dma_wait3A_829 = tpu.memref_squeeze %dma_wait3A_828 : memref<1x1x128xi32, #tpu.memory_space<vmem>> -> memref<128xi32, #tpu.memory_space<vmem>>
        %dma_wait3A_830 = arith.constant 0 : i32
        %dma_wait3A_831 = arith.constant 0 : i32
        %dma_wait3A_832 = tpu.memref_slice %arg7[%dma_wait3A_830, %dma_wait3A_831] : memref<102400x8xf32, #tpu.memory_space<vmem_shared>> -> memref<102400x8xf32, #tpu.memory_space<vmem_shared>>
        tpu.wait_indirect_dma semaphore(%arg12 : memref<!tpu.dma_semaphore, #tpu.memory_space<semaphore_mem>>) src(%dma_wait3A_826 : memref<128x8xf32, #tpu.memory_space<vmem>>) dst(%dma_wait3A_832 : memref<102400x8xf32, #tpu.memory_space<vmem_shared>>)
      } else {
      }
      %add3A_538 = arith.constant 1 : i32
      %add3A_539 = arith.addi %scan3A_531, %add3A_538 : i32
      %lt3A_540 = arith.constant 97 : i32
      %lt3A_541 = arith.cmpi slt, %add3A_539, %lt3A_540 : i32
      %convert_element_type3A_542 = arith.extui %lt3A_541 : i1 to i32
      %cond3A_543 = arith.constant 0 : i32
      %cond3A_544 = arith.cmpi ne, %convert_element_type3A_542, %cond3A_543 : i32
      scf.if %cond3A_544 {
        %add3A_737 = arith.constant 1 : i32
        %add3A_738 = arith.addi %scan3A_531, %add3A_737 : i32
        %mul3A_739 = arith.constant 8 : i32
        %mul3A_740 = arith.muli %add3A_738, %mul3A_739 : i32
        %add3A_741 = arith.addi %mul3A_4, %mul3A_740 : i32
        %run_scoped3A_742 = arith.constant 0 : i32
        "tpu.region"() ({
          %run_scoped3A_840 = tpu.sem_alloc : memref<!tpu.dma_semaphore, #tpu.memory_space<semaphore_mem>>
          %dma_start3A_841 = arith.constant 0 : i32
          %dma_start3A_842 = arith.constant 0 : i32
          %dma_start3A_843 = tpu.memref_slice %arg8[%sub3A_533, %dma_start3A_841, %dma_start3A_842] : memref<2x8x128xi32, #tpu.memory_space<vmem>> -> memref<1x8x128xi32, #tpu.memory_space<vmem>>
          %dma_start3A_844 = tpu.memref_squeeze %dma_start3A_843 : memref<1x8x128xi32, #tpu.memory_space<vmem>> -> memref<8x128xi32, #tpu.memory_space<vmem>>
          %dma_start3A_845 = arith.constant 0 : i32
          %dma_start3A_846 = tpu.memref_slice %arg3[%add3A_741, %run_scoped3A_742, %dma_start3A_845] : memref<25000x2x128xi32, #tpu.memory_space<hbm>> -> memref<8x1x128xi32, #tpu.memory_space<hbm>>
          %dma_start3A_847 = tpu.memref_squeeze %dma_start3A_846 : memref<8x1x128xi32, #tpu.memory_space<hbm>> -> memref<8x128xi32, #tpu.memory_space<hbm>>
          %dma_start3A_848 = arith.constant 0 : i32
          %dma_start3A_849 = arith.constant 0 : i32
          %dma_start3A_850 = tpu.memref_slice %arg8[%sub3A_533, %dma_start3A_848, %dma_start3A_849] : memref<2x8x128xi32, #tpu.memory_space<vmem>> -> memref<1x8x128xi32, #tpu.memory_space<vmem>>
          %dma_start3A_851 = tpu.memref_squeeze %dma_start3A_850 : memref<1x8x128xi32, #tpu.memory_space<vmem>> -> memref<8x128xi32, #tpu.memory_space<vmem>>
          %dma_start3A_852 = arith.constant 0 : i32
          %dma_start3A_853 = tpu.memref_slice %arg3[%add3A_741, %run_scoped3A_742, %dma_start3A_852] : memref<25000x2x128xi32, #tpu.memory_space<hbm>> -> memref<8x1x128xi32, #tpu.memory_space<hbm>>
          %dma_start3A_854 = tpu.memref_squeeze %dma_start3A_853 : memref<8x1x128xi32, #tpu.memory_space<hbm>> -> memref<8x128xi32, #tpu.memory_space<hbm>>
          tpu.enqueue_dma source(%dma_start3A_854 : memref<8x128xi32, #tpu.memory_space<hbm>>) target(%dma_start3A_851 : memref<8x128xi32, #tpu.memory_space<vmem>>) target_semaphore(%run_scoped3A_840 : memref<!tpu.dma_semaphore, #tpu.memory_space<semaphore_mem>>)
          %dma_wait3A_855 = arith.constant 0 : i32
          %dma_wait3A_856 = arith.constant 0 : i32
          %dma_wait3A_857 = tpu.memref_slice %arg8[%sub3A_533, %dma_wait3A_855, %dma_wait3A_856] : memref<2x8x128xi32, #tpu.memory_space<vmem>> -> memref<1x8x128xi32, #tpu.memory_space<vmem>>
          %dma_wait3A_858 = tpu.memref_squeeze %dma_wait3A_857 : memref<1x8x128xi32, #tpu.memory_space<vmem>> -> memref<8x128xi32, #tpu.memory_space<vmem>>
          %dma_wait3A_859 = arith.constant 0 : i32
          %dma_wait3A_860 = tpu.memref_slice %arg3[%add3A_741, %run_scoped3A_742, %dma_wait3A_859] : memref<25000x2x128xi32, #tpu.memory_space<hbm>> -> memref<8x1x128xi32, #tpu.memory_space<hbm>>
          %dma_wait3A_861 = tpu.memref_squeeze %dma_wait3A_860 : memref<8x1x128xi32, #tpu.memory_space<hbm>> -> memref<8x128xi32, #tpu.memory_space<hbm>>
          %dma_wait3A_862 = arith.constant 0 : i32
          %dma_wait3A_863 = arith.constant 0 : i32
          %dma_wait3A_864 = tpu.memref_slice %arg8[%sub3A_533, %dma_wait3A_862, %dma_wait3A_863] : memref<2x8x128xi32, #tpu.memory_space<vmem>> -> memref<1x8x128xi32, #tpu.memory_space<vmem>>
          %dma_wait3A_865 = tpu.memref_squeeze %dma_wait3A_864 : memref<1x8x128xi32, #tpu.memory_space<vmem>> -> memref<8x128xi32, #tpu.memory_space<vmem>>
          %dma_wait3A_866 = arith.constant 0 : i32
          %dma_wait3A_867 = tpu.memref_slice %arg3[%add3A_741, %run_scoped3A_742, %dma_wait3A_866] : memref<25000x2x128xi32, #tpu.memory_space<hbm>> -> memref<8x1x128xi32, #tpu.memory_space<hbm>>
          %dma_wait3A_868 = tpu.memref_squeeze %dma_wait3A_867 : memref<8x1x128xi32, #tpu.memory_space<hbm>> -> memref<8x128xi32, #tpu.memory_space<hbm>>
          tpu.wait_dma2 semaphore(%run_scoped3A_840 : memref<!tpu.dma_semaphore, #tpu.memory_space<semaphore_mem>>) src(%dma_wait3A_868 : memref<8x128xi32, #tpu.memory_space<hbm>>) dst(%dma_wait3A_865 : memref<8x128xi32, #tpu.memory_space<vmem>>)
          tpu.yield
        }) : () -> ()
        %run_scoped3A_743 = arith.constant 1 : i32
        "tpu.region"() ({
          %run_scoped3A_840 = tpu.sem_alloc : memref<!tpu.dma_semaphore, #tpu.memory_space<semaphore_mem>>
          %dma_start3A_841 = arith.constant 0 : i32
          %dma_start3A_842 = arith.constant 0 : i32
          %dma_start3A_843 = tpu.memref_slice %arg9[%sub3A_533, %dma_start3A_841, %dma_start3A_842] : memref<2x8x128xi32, #tpu.memory_space<vmem>> -> memref<1x8x128xi32, #tpu.memory_space<vmem>>
          %dma_start3A_844 = tpu.memref_squeeze %dma_start3A_843 : memref<1x8x128xi32, #tpu.memory_space<vmem>> -> memref<8x128xi32, #tpu.memory_space<vmem>>
          %dma_start3A_845 = arith.constant 0 : i32
          %dma_start3A_846 = tpu.memref_slice %arg3[%add3A_741, %run_scoped3A_743, %dma_start3A_845] : memref<25000x2x128xi32, #tpu.memory_space<hbm>> -> memref<8x1x128xi32, #tpu.memory_space<hbm>>
          %dma_start3A_847 = tpu.memref_squeeze %dma_start3A_846 : memref<8x1x128xi32, #tpu.memory_space<hbm>> -> memref<8x128xi32, #tpu.memory_space<hbm>>
          %dma_start3A_848 = arith.constant 0 : i32
          %dma_start3A_849 = arith.constant 0 : i32
          %dma_start3A_850 = tpu.memref_slice %arg9[%sub3A_533, %dma_start3A_848, %dma_start3A_849] : memref<2x8x128xi32, #tpu.memory_space<vmem>> -> memref<1x8x128xi32, #tpu.memory_space<vmem>>
          %dma_start3A_851 = tpu.memref_squeeze %dma_start3A_850 : memref<1x8x128xi32, #tpu.memory_space<vmem>> -> memref<8x128xi32, #tpu.memory_space<vmem>>
          %dma_start3A_852 = arith.constant 0 : i32
          %dma_start3A_853 = tpu.memref_slice %arg3[%add3A_741, %run_scoped3A_743, %dma_start3A_852] : memref<25000x2x128xi32, #tpu.memory_space<hbm>> -> memref<8x1x128xi32, #tpu.memory_space<hbm>>
          %dma_start3A_854 = tpu.memref_squeeze %dma_start3A_853 : memref<8x1x128xi32, #tpu.memory_space<hbm>> -> memref<8x128xi32, #tpu.memory_space<hbm>>
          tpu.enqueue_dma source(%dma_start3A_854 : memref<8x128xi32, #tpu.memory_space<hbm>>) target(%dma_start3A_851 : memref<8x128xi32, #tpu.memory_space<vmem>>) target_semaphore(%run_scoped3A_840 : memref<!tpu.dma_semaphore, #tpu.memory_space<semaphore_mem>>)
          %dma_wait3A_855 = arith.constant 0 : i32
          %dma_wait3A_856 = arith.constant 0 : i32
          %dma_wait3A_857 = tpu.memref_slice %arg9[%sub3A_533, %dma_wait3A_855, %dma_wait3A_856] : memref<2x8x128xi32, #tpu.memory_space<vmem>> -> memref<1x8x128xi32, #tpu.memory_space<vmem>>
          %dma_wait3A_858 = tpu.memref_squeeze %dma_wait3A_857 : memref<1x8x128xi32, #tpu.memory_space<vmem>> -> memref<8x128xi32, #tpu.memory_space<vmem>>
          %dma_wait3A_859 = arith.constant 0 : i32
          %dma_wait3A_860 = tpu.memref_slice %arg3[%add3A_741, %run_scoped3A_743, %dma_wait3A_859] : memref<25000x2x128xi32, #tpu.memory_space<hbm>> -> memref<8x1x128xi32, #tpu.memory_space<hbm>>
          %dma_wait3A_861 = tpu.memref_squeeze %dma_wait3A_860 : memref<8x1x128xi32, #tpu.memory_space<hbm>> -> memref<8x128xi32, #tpu.memory_space<hbm>>
          %dma_wait3A_862 = arith.constant 0 : i32
          %dma_wait3A_863 = arith.constant 0 : i32
          %dma_wait3A_864 = tpu.memref_slice %arg9[%sub3A_533, %dma_wait3A_862, %dma_wait3A_863] : memref<2x8x128xi32, #tpu.memory_space<vmem>> -> memref<1x8x128xi32, #tpu.memory_space<vmem>>
          %dma_wait3A_865 = tpu.memref_squeeze %dma_wait3A_864 : memref<1x8x128xi32, #tpu.memory_space<vmem>> -> memref<8x128xi32, #tpu.memory_space<vmem>>
          %dma_wait3A_866 = arith.constant 0 : i32
          %dma_wait3A_867 = tpu.memref_slice %arg3[%add3A_741, %run_scoped3A_743, %dma_wait3A_866] : memref<25000x2x128xi32, #tpu.memory_space<hbm>> -> memref<8x1x128xi32, #tpu.memory_space<hbm>>
          %dma_wait3A_868 = tpu.memref_squeeze %dma_wait3A_867 : memref<8x1x128xi32, #tpu.memory_space<hbm>> -> memref<8x128xi32, #tpu.memory_space<hbm>>
          tpu.wait_dma2 semaphore(%run_scoped3A_840 : memref<!tpu.dma_semaphore, #tpu.memory_space<semaphore_mem>>) src(%dma_wait3A_868 : memref<8x128xi32, #tpu.memory_space<hbm>>) dst(%dma_wait3A_865 : memref<8x128xi32, #tpu.memory_space<vmem>>)
          tpu.yield
        }) : () -> ()
        %dma_start3A_744 = arith.constant 0 : i32
        %dma_start3A_745 = arith.constant 0 : i32
        %dma_start3A_746 = arith.constant 0 : i32
        %dma_start3A_747 = arith.constant 0 : i32
        %dma_start3A_748 = tpu.memref_slice %arg10[%sub3A_533, %dma_start3A_745, %dma_start3A_746, %dma_start3A_747] : memref<2x8x128x8xf32, #tpu.memory_space<vmem>> -> memref<1x1x128x8xf32, #tpu.memory_space<vmem>>
        %dma_start3A_749 = tpu.memref_squeeze %dma_start3A_748 : memref<1x1x128x8xf32, #tpu.memory_space<vmem>> -> memref<128x8xf32, #tpu.memory_space<vmem>>
        %dma_start3A_750 = arith.constant 0 : i32
        %dma_start3A_751 = tpu.memref_slice %arg8[%sub3A_533, %dma_start3A_744, %dma_start3A_750] : memref<2x8x128xi32, #tpu.memory_space<vmem>> -> memref<1x1x128xi32, #tpu.memory_space<vmem>>
        %dma_start3A_752 = tpu.memref_squeeze %dma_start3A_751 : memref<1x1x128xi32, #tpu.memory_space<vmem>> -> memref<128xi32, #tpu.memory_space<vmem>>
        %dma_start3A_753 = arith.constant 0 : i32
        %dma_start3A_754 = arith.constant 0 : i32
        %dma_start3A_755 = tpu.memref_slice %arg6[%dma_start3A_753, %dma_start3A_754] : memref<102400x8xf32, #tpu.memory_space<vmem_shared>> -> memref<102400x8xf32, #tpu.memory_space<vmem_shared>>
        tpu.enqueue_indirect_dma source(%dma_start3A_755 : memref<102400x8xf32, #tpu.memory_space<vmem_shared>>) target(%dma_start3A_749 : memref<128x8xf32, #tpu.memory_space<vmem>>) offsets(%dma_start3A_752 : memref<128xi32, #tpu.memory_space<vmem>>) semaphore(%arg11 : memref<!tpu.dma_semaphore, #tpu.memory_space<semaphore_mem>>)
        %dma_start3A_756 = arith.constant 1 : i32
        %dma_start3A_757 = arith.constant 1 : i32
        %dma_start3A_758 = arith.constant 0 : i32
        %dma_start3A_759 = arith.constant 0 : i32
        %dma_start3A_760 = tpu.memref_slice %arg10[%sub3A_533, %dma_start3A_757, %dma_start3A_758, %dma_start3A_759] : memref<2x8x128x8xf32, #tpu.memory_space<vmem>> -> memref<1x1x128x8xf32, #tpu.memory_space<vmem>>
        %dma_start3A_761 = tpu.memref_squeeze %dma_start3A_760 : memref<1x1x128x8xf32, #tpu.memory_space<vmem>> -> memref<128x8xf32, #tpu.memory_space<vmem>>
        %dma_start3A_762 = arith.constant 0 : i32
        %dma_start3A_763 = tpu.memref_slice %arg8[%sub3A_533, %dma_start3A_756, %dma_start3A_762] : memref<2x8x128xi32, #tpu.memory_space<vmem>> -> memref<1x1x128xi32, #tpu.memory_space<vmem>>
        %dma_start3A_764 = tpu.memref_squeeze %dma_start3A_763 : memref<1x1x128xi32, #tpu.memory_space<vmem>> -> memref<128xi32, #tpu.memory_space<vmem>>
        %dma_start3A_765 = arith.constant 0 : i32
        %dma_start3A_766 = arith.constant 0 : i32
        %dma_start3A_767 = tpu.memref_slice %arg6[%dma_start3A_765, %dma_start3A_766] : memref<102400x8xf32, #tpu.memory_space<vmem_shared>> -> memref<102400x8xf32, #tpu.memory_space<vmem_shared>>
        tpu.enqueue_indirect_dma source(%dma_start3A_767 : memref<102400x8xf32, #tpu.memory_space<vmem_shared>>) target(%dma_start3A_761 : memref<128x8xf32, #tpu.memory_space<vmem>>) offsets(%dma_start3A_764 : memref<128xi32, #tpu.memory_space<vmem>>) semaphore(%arg11 : memref<!tpu.dma_semaphore, #tpu.memory_space<semaphore_mem>>)
        %dma_start3A_768 = arith.constant 2 : i32
        %dma_start3A_769 = arith.constant 2 : i32
        %dma_start3A_770 = arith.constant 0 : i32
        %dma_start3A_771 = arith.constant 0 : i32
        %dma_start3A_772 = tpu.memref_slice %arg10[%sub3A_533, %dma_start3A_769, %dma_start3A_770, %dma_start3A_771] : memref<2x8x128x8xf32, #tpu.memory_space<vmem>> -> memref<1x1x128x8xf32, #tpu.memory_space<vmem>>
        %dma_start3A_773 = tpu.memref_squeeze %dma_start3A_772 : memref<1x1x128x8xf32, #tpu.memory_space<vmem>> -> memref<128x8xf32, #tpu.memory_space<vmem>>
        %dma_start3A_774 = arith.constant 0 : i32
        %dma_start3A_775 = tpu.memref_slice %arg8[%sub3A_533, %dma_start3A_768, %dma_start3A_774] : memref<2x8x128xi32, #tpu.memory_space<vmem>> -> memref<1x1x128xi32, #tpu.memory_space<vmem>>
        %dma_start3A_776 = tpu.memref_squeeze %dma_start3A_775 : memref<1x1x128xi32, #tpu.memory_space<vmem>> -> memref<128xi32, #tpu.memory_space<vmem>>
        %dma_start3A_777 = arith.constant 0 : i32
        %dma_start3A_778 = arith.constant 0 : i32
        %dma_start3A_779 = tpu.memref_slice %arg6[%dma_start3A_777, %dma_start3A_778] : memref<102400x8xf32, #tpu.memory_space<vmem_shared>> -> memref<102400x8xf32, #tpu.memory_space<vmem_shared>>
        tpu.enqueue_indirect_dma source(%dma_start3A_779 : memref<102400x8xf32, #tpu.memory_space<vmem_shared>>) target(%dma_start3A_773 : memref<128x8xf32, #tpu.memory_space<vmem>>) offsets(%dma_start3A_776 : memref<128xi32, #tpu.memory_space<vmem>>) semaphore(%arg11 : memref<!tpu.dma_semaphore, #tpu.memory_space<semaphore_mem>>)
        %dma_start3A_780 = arith.constant 3 : i32
        %dma_start3A_781 = arith.constant 3 : i32
        %dma_start3A_782 = arith.constant 0 : i32
        %dma_start3A_783 = arith.constant 0 : i32
        %dma_start3A_784 = tpu.memref_slice %arg10[%sub3A_533, %dma_start3A_781, %dma_start3A_782, %dma_start3A_783] : memref<2x8x128x8xf32, #tpu.memory_space<vmem>> -> memref<1x1x128x8xf32, #tpu.memory_space<vmem>>
        %dma_start3A_785 = tpu.memref_squeeze %dma_start3A_784 : memref<1x1x128x8xf32, #tpu.memory_space<vmem>> -> memref<128x8xf32, #tpu.memory_space<vmem>>
        %dma_start3A_786 = arith.constant 0 : i32
        %dma_start3A_787 = tpu.memref_slice %arg8[%sub3A_533, %dma_start3A_780, %dma_start3A_786] : memref<2x8x128xi32, #tpu.memory_space<vmem>> -> memref<1x1x128xi32, #tpu.memory_space<vmem>>
        %dma_start3A_788 = tpu.memref_squeeze %dma_start3A_787 : memref<1x1x128xi32, #tpu.memory_space<vmem>> -> memref<128xi32, #tpu.memory_space<vmem>>
        %dma_start3A_789 = arith.constant 0 : i32
        %dma_start3A_790 = arith.constant 0 : i32
        %dma_start3A_791 = tpu.memref_slice %arg6[%dma_start3A_789, %dma_start3A_790] : memref<102400x8xf32, #tpu.memory_space<vmem_shared>> -> memref<102400x8xf32, #tpu.memory_space<vmem_shared>>
        tpu.enqueue_indirect_dma source(%dma_start3A_791 : memref<102400x8xf32, #tpu.memory_space<vmem_shared>>) target(%dma_start3A_785 : memref<128x8xf32, #tpu.memory_space<vmem>>) offsets(%dma_start3A_788 : memref<128xi32, #tpu.memory_space<vmem>>) semaphore(%arg11 : memref<!tpu.dma_semaphore, #tpu.memory_space<semaphore_mem>>)
        %dma_start3A_792 = arith.constant 4 : i32
        %dma_start3A_793 = arith.constant 4 : i32
        %dma_start3A_794 = arith.constant 0 : i32
        %dma_start3A_795 = arith.constant 0 : i32
        %dma_start3A_796 = tpu.memref_slice %arg10[%sub3A_533, %dma_start3A_793, %dma_start3A_794, %dma_start3A_795] : memref<2x8x128x8xf32, #tpu.memory_space<vmem>> -> memref<1x1x128x8xf32, #tpu.memory_space<vmem>>
        %dma_start3A_797 = tpu.memref_squeeze %dma_start3A_796 : memref<1x1x128x8xf32, #tpu.memory_space<vmem>> -> memref<128x8xf32, #tpu.memory_space<vmem>>
        %dma_start3A_798 = arith.constant 0 : i32
        %dma_start3A_799 = tpu.memref_slice %arg8[%sub3A_533, %dma_start3A_792, %dma_start3A_798] : memref<2x8x128xi32, #tpu.memory_space<vmem>> -> memref<1x1x128xi32, #tpu.memory_space<vmem>>
        %dma_start3A_800 = tpu.memref_squeeze %dma_start3A_799 : memref<1x1x128xi32, #tpu.memory_space<vmem>> -> memref<128xi32, #tpu.memory_space<vmem>>
        %dma_start3A_801 = arith.constant 0 : i32
        %dma_start3A_802 = arith.constant 0 : i32
        %dma_start3A_803 = tpu.memref_slice %arg6[%dma_start3A_801, %dma_start3A_802] : memref<102400x8xf32, #tpu.memory_space<vmem_shared>> -> memref<102400x8xf32, #tpu.memory_space<vmem_shared>>
        tpu.enqueue_indirect_dma source(%dma_start3A_803 : memref<102400x8xf32, #tpu.memory_space<vmem_shared>>) target(%dma_start3A_797 : memref<128x8xf32, #tpu.memory_space<vmem>>) offsets(%dma_start3A_800 : memref<128xi32, #tpu.memory_space<vmem>>) semaphore(%arg11 : memref<!tpu.dma_semaphore, #tpu.memory_space<semaphore_mem>>)
        %dma_start3A_804 = arith.constant 5 : i32
        %dma_start3A_805 = arith.constant 5 : i32
        %dma_start3A_806 = arith.constant 0 : i32
        %dma_start3A_807 = arith.constant 0 : i32
        %dma_start3A_808 = tpu.memref_slice %arg10[%sub3A_533, %dma_start3A_805, %dma_start3A_806, %dma_start3A_807] : memref<2x8x128x8xf32, #tpu.memory_space<vmem>> -> memref<1x1x128x8xf32, #tpu.memory_space<vmem>>
        %dma_start3A_809 = tpu.memref_squeeze %dma_start3A_808 : memref<1x1x128x8xf32, #tpu.memory_space<vmem>> -> memref<128x8xf32, #tpu.memory_space<vmem>>
        %dma_start3A_810 = arith.constant 0 : i32
        %dma_start3A_811 = tpu.memref_slice %arg8[%sub3A_533, %dma_start3A_804, %dma_start3A_810] : memref<2x8x128xi32, #tpu.memory_space<vmem>> -> memref<1x1x128xi32, #tpu.memory_space<vmem>>
        %dma_start3A_812 = tpu.memref_squeeze %dma_start3A_811 : memref<1x1x128xi32, #tpu.memory_space<vmem>> -> memref<128xi32, #tpu.memory_space<vmem>>
        %dma_start3A_813 = arith.constant 0 : i32
        %dma_start3A_814 = arith.constant 0 : i32
        %dma_start3A_815 = tpu.memref_slice %arg6[%dma_start3A_813, %dma_start3A_814] : memref<102400x8xf32, #tpu.memory_space<vmem_shared>> -> memref<102400x8xf32, #tpu.memory_space<vmem_shared>>
        tpu.enqueue_indirect_dma source(%dma_start3A_815 : memref<102400x8xf32, #tpu.memory_space<vmem_shared>>) target(%dma_start3A_809 : memref<128x8xf32, #tpu.memory_space<vmem>>) offsets(%dma_start3A_812 : memref<128xi32, #tpu.memory_space<vmem>>) semaphore(%arg11 : memref<!tpu.dma_semaphore, #tpu.memory_space<semaphore_mem>>)
        %dma_start3A_816 = arith.constant 6 : i32
        %dma_start3A_817 = arith.constant 6 : i32
        %dma_start3A_818 = arith.constant 0 : i32
        %dma_start3A_819 = arith.constant 0 : i32
        %dma_start3A_820 = tpu.memref_slice %arg10[%sub3A_533, %dma_start3A_817, %dma_start3A_818, %dma_start3A_819] : memref<2x8x128x8xf32, #tpu.memory_space<vmem>> -> memref<1x1x128x8xf32, #tpu.memory_space<vmem>>
        %dma_start3A_821 = tpu.memref_squeeze %dma_start3A_820 : memref<1x1x128x8xf32, #tpu.memory_space<vmem>> -> memref<128x8xf32, #tpu.memory_space<vmem>>
        %dma_start3A_822 = arith.constant 0 : i32
        %dma_start3A_823 = tpu.memref_slice %arg8[%sub3A_533, %dma_start3A_816, %dma_start3A_822] : memref<2x8x128xi32, #tpu.memory_space<vmem>> -> memref<1x1x128xi32, #tpu.memory_space<vmem>>
        %dma_start3A_824 = tpu.memref_squeeze %dma_start3A_823 : memref<1x1x128xi32, #tpu.memory_space<vmem>> -> memref<128xi32, #tpu.memory_space<vmem>>
        %dma_start3A_825 = arith.constant 0 : i32
        %dma_start3A_826 = arith.constant 0 : i32
        %dma_start3A_827 = tpu.memref_slice %arg6[%dma_start3A_825, %dma_start3A_826] : memref<102400x8xf32, #tpu.memory_space<vmem_shared>> -> memref<102400x8xf32, #tpu.memory_space<vmem_shared>>
        tpu.enqueue_indirect_dma source(%dma_start3A_827 : memref<102400x8xf32, #tpu.memory_space<vmem_shared>>) target(%dma_start3A_821 : memref<128x8xf32, #tpu.memory_space<vmem>>) offsets(%dma_start3A_824 : memref<128xi32, #tpu.memory_space<vmem>>) semaphore(%arg11 : memref<!tpu.dma_semaphore, #tpu.memory_space<semaphore_mem>>)
        %dma_start3A_828 = arith.constant 7 : i32
        %dma_start3A_829 = arith.constant 7 : i32
        %dma_start3A_830 = arith.constant 0 : i32
        %dma_start3A_831 = arith.constant 0 : i32
        %dma_start3A_832 = tpu.memref_slice %arg10[%sub3A_533, %dma_start3A_829, %dma_start3A_830, %dma_start3A_831] : memref<2x8x128x8xf32, #tpu.memory_space<vmem>> -> memref<1x1x128x8xf32, #tpu.memory_space<vmem>>
        %dma_start3A_833 = tpu.memref_squeeze %dma_start3A_832 : memref<1x1x128x8xf32, #tpu.memory_space<vmem>> -> memref<128x8xf32, #tpu.memory_space<vmem>>
        %dma_start3A_834 = arith.constant 0 : i32
        %dma_start3A_835 = tpu.memref_slice %arg8[%sub3A_533, %dma_start3A_828, %dma_start3A_834] : memref<2x8x128xi32, #tpu.memory_space<vmem>> -> memref<1x1x128xi32, #tpu.memory_space<vmem>>
        %dma_start3A_836 = tpu.memref_squeeze %dma_start3A_835 : memref<1x1x128xi32, #tpu.memory_space<vmem>> -> memref<128xi32, #tpu.memory_space<vmem>>
        %dma_start3A_837 = arith.constant 0 : i32
        %dma_start3A_838 = arith.constant 0 : i32
        %dma_start3A_839 = tpu.memref_slice %arg6[%dma_start3A_837, %dma_start3A_838] : memref<102400x8xf32, #tpu.memory_space<vmem_shared>> -> memref<102400x8xf32, #tpu.memory_space<vmem_shared>>
        tpu.enqueue_indirect_dma source(%dma_start3A_839 : memref<102400x8xf32, #tpu.memory_space<vmem_shared>>) target(%dma_start3A_833 : memref<128x8xf32, #tpu.memory_space<vmem>>) offsets(%dma_start3A_836 : memref<128xi32, #tpu.memory_space<vmem>>) semaphore(%arg11 : memref<!tpu.dma_semaphore, #tpu.memory_space<semaphore_mem>>)
      } else {
      }
      %dma_wait3A_545 = arith.constant 0 : i32
      %dma_wait3A_546 = arith.constant 0 : i32
      %dma_wait3A_547 = arith.constant 0 : i32
      %dma_wait3A_548 = arith.constant 0 : i32
      %dma_wait3A_549 = tpu.memref_slice %arg10[%rem3A_532, %dma_wait3A_546, %dma_wait3A_547, %dma_wait3A_548] : memref<2x8x128x8xf32, #tpu.memory_space<vmem>> -> memref<1x1x128x8xf32, #tpu.memory_space<vmem>>
      %dma_wait3A_550 = tpu.memref_squeeze %dma_wait3A_549 : memref<1x1x128x8xf32, #tpu.memory_space<vmem>> -> memref<128x8xf32, #tpu.memory_space<vmem>>
      %dma_wait3A_551 = arith.constant 0 : i32
      %dma_wait3A_552 = tpu.memref_slice %arg8[%rem3A_532, %dma_wait3A_545, %dma_wait3A_551] : memref<2x8x128xi32, #tpu.memory_space<vmem>> -> memref<1x1x128xi32, #tpu.memory_space<vmem>>
      %dma_wait3A_553 = tpu.memref_squeeze %dma_wait3A_552 : memref<1x1x128xi32, #tpu.memory_space<vmem>> -> memref<128xi32, #tpu.memory_space<vmem>>
      %dma_wait3A_554 = arith.constant 0 : i32
      %dma_wait3A_555 = arith.constant 0 : i32
      %dma_wait3A_556 = tpu.memref_slice %arg6[%dma_wait3A_554, %dma_wait3A_555] : memref<102400x8xf32, #tpu.memory_space<vmem_shared>> -> memref<102400x8xf32, #tpu.memory_space<vmem_shared>>
      tpu.wait_indirect_dma semaphore(%arg11 : memref<!tpu.dma_semaphore, #tpu.memory_space<semaphore_mem>>) src(%dma_wait3A_556 : memref<102400x8xf32, #tpu.memory_space<vmem_shared>>) dst(%dma_wait3A_550 : memref<128x8xf32, #tpu.memory_space<vmem>>)
      %dma_wait3A_557 = arith.constant 1 : i32
      %dma_wait3A_558 = arith.constant 1 : i32
      %dma_wait3A_559 = arith.constant 0 : i32
      %dma_wait3A_560 = arith.constant 0 : i32
      %dma_wait3A_561 = tpu.memref_slice %arg10[%rem3A_532, %dma_wait3A_558, %dma_wait3A_559, %dma_wait3A_560] : memref<2x8x128x8xf32, #tpu.memory_space<vmem>> -> memref<1x1x128x8xf32, #tpu.memory_space<vmem>>
      %dma_wait3A_562 = tpu.memref_squeeze %dma_wait3A_561 : memref<1x1x128x8xf32, #tpu.memory_space<vmem>> -> memref<128x8xf32, #tpu.memory_space<vmem>>
      %dma_wait3A_563 = arith.constant 0 : i32
      %dma_wait3A_564 = tpu.memref_slice %arg8[%rem3A_532, %dma_wait3A_557, %dma_wait3A_563] : memref<2x8x128xi32, #tpu.memory_space<vmem>> -> memref<1x1x128xi32, #tpu.memory_space<vmem>>
      %dma_wait3A_565 = tpu.memref_squeeze %dma_wait3A_564 : memref<1x1x128xi32, #tpu.memory_space<vmem>> -> memref<128xi32, #tpu.memory_space<vmem>>
      %dma_wait3A_566 = arith.constant 0 : i32
      %dma_wait3A_567 = arith.constant 0 : i32
      %dma_wait3A_568 = tpu.memref_slice %arg6[%dma_wait3A_566, %dma_wait3A_567] : memref<102400x8xf32, #tpu.memory_space<vmem_shared>> -> memref<102400x8xf32, #tpu.memory_space<vmem_shared>>
      tpu.wait_indirect_dma semaphore(%arg11 : memref<!tpu.dma_semaphore, #tpu.memory_space<semaphore_mem>>) src(%dma_wait3A_568 : memref<102400x8xf32, #tpu.memory_space<vmem_shared>>) dst(%dma_wait3A_562 : memref<128x8xf32, #tpu.memory_space<vmem>>)
      %dma_wait3A_569 = arith.constant 2 : i32
      %dma_wait3A_570 = arith.constant 2 : i32
      %dma_wait3A_571 = arith.constant 0 : i32
      %dma_wait3A_572 = arith.constant 0 : i32
      %dma_wait3A_573 = tpu.memref_slice %arg10[%rem3A_532, %dma_wait3A_570, %dma_wait3A_571, %dma_wait3A_572] : memref<2x8x128x8xf32, #tpu.memory_space<vmem>> -> memref<1x1x128x8xf32, #tpu.memory_space<vmem>>
      %dma_wait3A_574 = tpu.memref_squeeze %dma_wait3A_573 : memref<1x1x128x8xf32, #tpu.memory_space<vmem>> -> memref<128x8xf32, #tpu.memory_space<vmem>>
      %dma_wait3A_575 = arith.constant 0 : i32
      %dma_wait3A_576 = tpu.memref_slice %arg8[%rem3A_532, %dma_wait3A_569, %dma_wait3A_575] : memref<2x8x128xi32, #tpu.memory_space<vmem>> -> memref<1x1x128xi32, #tpu.memory_space<vmem>>
      %dma_wait3A_577 = tpu.memref_squeeze %dma_wait3A_576 : memref<1x1x128xi32, #tpu.memory_space<vmem>> -> memref<128xi32, #tpu.memory_space<vmem>>
      %dma_wait3A_578 = arith.constant 0 : i32
      %dma_wait3A_579 = arith.constant 0 : i32
      %dma_wait3A_580 = tpu.memref_slice %arg6[%dma_wait3A_578, %dma_wait3A_579] : memref<102400x8xf32, #tpu.memory_space<vmem_shared>> -> memref<102400x8xf32, #tpu.memory_space<vmem_shared>>
      tpu.wait_indirect_dma semaphore(%arg11 : memref<!tpu.dma_semaphore, #tpu.memory_space<semaphore_mem>>) src(%dma_wait3A_580 : memref<102400x8xf32, #tpu.memory_space<vmem_shared>>) dst(%dma_wait3A_574 : memref<128x8xf32, #tpu.memory_space<vmem>>)
      %dma_wait3A_581 = arith.constant 3 : i32
      %dma_wait3A_582 = arith.constant 3 : i32
      %dma_wait3A_583 = arith.constant 0 : i32
      %dma_wait3A_584 = arith.constant 0 : i32
      %dma_wait3A_585 = tpu.memref_slice %arg10[%rem3A_532, %dma_wait3A_582, %dma_wait3A_583, %dma_wait3A_584] : memref<2x8x128x8xf32, #tpu.memory_space<vmem>> -> memref<1x1x128x8xf32, #tpu.memory_space<vmem>>
      %dma_wait3A_586 = tpu.memref_squeeze %dma_wait3A_585 : memref<1x1x128x8xf32, #tpu.memory_space<vmem>> -> memref<128x8xf32, #tpu.memory_space<vmem>>
      %dma_wait3A_587 = arith.constant 0 : i32
      %dma_wait3A_588 = tpu.memref_slice %arg8[%rem3A_532, %dma_wait3A_581, %dma_wait3A_587] : memref<2x8x128xi32, #tpu.memory_space<vmem>> -> memref<1x1x128xi32, #tpu.memory_space<vmem>>
      %dma_wait3A_589 = tpu.memref_squeeze %dma_wait3A_588 : memref<1x1x128xi32, #tpu.memory_space<vmem>> -> memref<128xi32, #tpu.memory_space<vmem>>
      %dma_wait3A_590 = arith.constant 0 : i32
      %dma_wait3A_591 = arith.constant 0 : i32
      %dma_wait3A_592 = tpu.memref_slice %arg6[%dma_wait3A_590, %dma_wait3A_591] : memref<102400x8xf32, #tpu.memory_space<vmem_shared>> -> memref<102400x8xf32, #tpu.memory_space<vmem_shared>>
      tpu.wait_indirect_dma semaphore(%arg11 : memref<!tpu.dma_semaphore, #tpu.memory_space<semaphore_mem>>) src(%dma_wait3A_592 : memref<102400x8xf32, #tpu.memory_space<vmem_shared>>) dst(%dma_wait3A_586 : memref<128x8xf32, #tpu.memory_space<vmem>>)
      %dma_wait3A_593 = arith.constant 4 : i32
      %dma_wait3A_594 = arith.constant 4 : i32
      %dma_wait3A_595 = arith.constant 0 : i32
      %dma_wait3A_596 = arith.constant 0 : i32
      %dma_wait3A_597 = tpu.memref_slice %arg10[%rem3A_532, %dma_wait3A_594, %dma_wait3A_595, %dma_wait3A_596] : memref<2x8x128x8xf32, #tpu.memory_space<vmem>> -> memref<1x1x128x8xf32, #tpu.memory_space<vmem>>
      %dma_wait3A_598 = tpu.memref_squeeze %dma_wait3A_597 : memref<1x1x128x8xf32, #tpu.memory_space<vmem>> -> memref<128x8xf32, #tpu.memory_space<vmem>>
      %dma_wait3A_599 = arith.constant 0 : i32
      %dma_wait3A_600 = tpu.memref_slice %arg8[%rem3A_532, %dma_wait3A_593, %dma_wait3A_599] : memref<2x8x128xi32, #tpu.memory_space<vmem>> -> memref<1x1x128xi32, #tpu.memory_space<vmem>>
      %dma_wait3A_601 = tpu.memref_squeeze %dma_wait3A_600 : memref<1x1x128xi32, #tpu.memory_space<vmem>> -> memref<128xi32, #tpu.memory_space<vmem>>
      %dma_wait3A_602 = arith.constant 0 : i32
      %dma_wait3A_603 = arith.constant 0 : i32
      %dma_wait3A_604 = tpu.memref_slice %arg6[%dma_wait3A_602, %dma_wait3A_603] : memref<102400x8xf32, #tpu.memory_space<vmem_shared>> -> memref<102400x8xf32, #tpu.memory_space<vmem_shared>>
      tpu.wait_indirect_dma semaphore(%arg11 : memref<!tpu.dma_semaphore, #tpu.memory_space<semaphore_mem>>) src(%dma_wait3A_604 : memref<102400x8xf32, #tpu.memory_space<vmem_shared>>) dst(%dma_wait3A_598 : memref<128x8xf32, #tpu.memory_space<vmem>>)
      %dma_wait3A_605 = arith.constant 5 : i32
      %dma_wait3A_606 = arith.constant 5 : i32
      %dma_wait3A_607 = arith.constant 0 : i32
      %dma_wait3A_608 = arith.constant 0 : i32
      %dma_wait3A_609 = tpu.memref_slice %arg10[%rem3A_532, %dma_wait3A_606, %dma_wait3A_607, %dma_wait3A_608] : memref<2x8x128x8xf32, #tpu.memory_space<vmem>> -> memref<1x1x128x8xf32, #tpu.memory_space<vmem>>
      %dma_wait3A_610 = tpu.memref_squeeze %dma_wait3A_609 : memref<1x1x128x8xf32, #tpu.memory_space<vmem>> -> memref<128x8xf32, #tpu.memory_space<vmem>>
      %dma_wait3A_611 = arith.constant 0 : i32
      %dma_wait3A_612 = tpu.memref_slice %arg8[%rem3A_532, %dma_wait3A_605, %dma_wait3A_611] : memref<2x8x128xi32, #tpu.memory_space<vmem>> -> memref<1x1x128xi32, #tpu.memory_space<vmem>>
      %dma_wait3A_613 = tpu.memref_squeeze %dma_wait3A_612 : memref<1x1x128xi32, #tpu.memory_space<vmem>> -> memref<128xi32, #tpu.memory_space<vmem>>
      %dma_wait3A_614 = arith.constant 0 : i32
      %dma_wait3A_615 = arith.constant 0 : i32
      %dma_wait3A_616 = tpu.memref_slice %arg6[%dma_wait3A_614, %dma_wait3A_615] : memref<102400x8xf32, #tpu.memory_space<vmem_shared>> -> memref<102400x8xf32, #tpu.memory_space<vmem_shared>>
      tpu.wait_indirect_dma semaphore(%arg11 : memref<!tpu.dma_semaphore, #tpu.memory_space<semaphore_mem>>) src(%dma_wait3A_616 : memref<102400x8xf32, #tpu.memory_space<vmem_shared>>) dst(%dma_wait3A_610 : memref<128x8xf32, #tpu.memory_space<vmem>>)
      %dma_wait3A_617 = arith.constant 6 : i32
      %dma_wait3A_618 = arith.constant 6 : i32
      %dma_wait3A_619 = arith.constant 0 : i32
      %dma_wait3A_620 = arith.constant 0 : i32
      %dma_wait3A_621 = tpu.memref_slice %arg10[%rem3A_532, %dma_wait3A_618, %dma_wait3A_619, %dma_wait3A_620] : memref<2x8x128x8xf32, #tpu.memory_space<vmem>> -> memref<1x1x128x8xf32, #tpu.memory_space<vmem>>
      %dma_wait3A_622 = tpu.memref_squeeze %dma_wait3A_621 : memref<1x1x128x8xf32, #tpu.memory_space<vmem>> -> memref<128x8xf32, #tpu.memory_space<vmem>>
      %dma_wait3A_623 = arith.constant 0 : i32
      %dma_wait3A_624 = tpu.memref_slice %arg8[%rem3A_532, %dma_wait3A_617, %dma_wait3A_623] : memref<2x8x128xi32, #tpu.memory_space<vmem>> -> memref<1x1x128xi32, #tpu.memory_space<vmem>>
      %dma_wait3A_625 = tpu.memref_squeeze %dma_wait3A_624 : memref<1x1x128xi32, #tpu.memory_space<vmem>> -> memref<128xi32, #tpu.memory_space<vmem>>
      %dma_wait3A_626 = arith.constant 0 : i32
      %dma_wait3A_627 = arith.constant 0 : i32
      %dma_wait3A_628 = tpu.memref_slice %arg6[%dma_wait3A_626, %dma_wait3A_627] : memref<102400x8xf32, #tpu.memory_space<vmem_shared>> -> memref<102400x8xf32, #tpu.memory_space<vmem_shared>>
      tpu.wait_indirect_dma semaphore(%arg11 : memref<!tpu.dma_semaphore, #tpu.memory_space<semaphore_mem>>) src(%dma_wait3A_628 : memref<102400x8xf32, #tpu.memory_space<vmem_shared>>) dst(%dma_wait3A_622 : memref<128x8xf32, #tpu.memory_space<vmem>>)
      %dma_wait3A_629 = arith.constant 7 : i32
      %dma_wait3A_630 = arith.constant 7 : i32
      %dma_wait3A_631 = arith.constant 0 : i32
      %dma_wait3A_632 = arith.constant 0 : i32
      %dma_wait3A_633 = tpu.memref_slice %arg10[%rem3A_532, %dma_wait3A_630, %dma_wait3A_631, %dma_wait3A_632] : memref<2x8x128x8xf32, #tpu.memory_space<vmem>> -> memref<1x1x128x8xf32, #tpu.memory_space<vmem>>
      %dma_wait3A_634 = tpu.memref_squeeze %dma_wait3A_633 : memref<1x1x128x8xf32, #tpu.memory_space<vmem>> -> memref<128x8xf32, #tpu.memory_space<vmem>>
      %dma_wait3A_635 = arith.constant 0 : i32
      %dma_wait3A_636 = tpu.memref_slice %arg8[%rem3A_532, %dma_wait3A_629, %dma_wait3A_635] : memref<2x8x128xi32, #tpu.memory_space<vmem>> -> memref<1x1x128xi32, #tpu.memory_space<vmem>>
      %dma_wait3A_637 = tpu.memref_squeeze %dma_wait3A_636 : memref<1x1x128xi32, #tpu.memory_space<vmem>> -> memref<128xi32, #tpu.memory_space<vmem>>
      %dma_wait3A_638 = arith.constant 0 : i32
      %dma_wait3A_639 = arith.constant 0 : i32
      %dma_wait3A_640 = tpu.memref_slice %arg6[%dma_wait3A_638, %dma_wait3A_639] : memref<102400x8xf32, #tpu.memory_space<vmem_shared>> -> memref<102400x8xf32, #tpu.memory_space<vmem_shared>>
      tpu.wait_indirect_dma semaphore(%arg11 : memref<!tpu.dma_semaphore, #tpu.memory_space<semaphore_mem>>) src(%dma_wait3A_640 : memref<102400x8xf32, #tpu.memory_space<vmem_shared>>) dst(%dma_wait3A_634 : memref<128x8xf32, #tpu.memory_space<vmem>>)
      %dma_start3A_641 = arith.constant 0 : i32
      %dma_start3A_642 = arith.constant 0 : i32
      %dma_start3A_643 = arith.constant 0 : i32
      %dma_start3A_644 = arith.constant 0 : i32
      %dma_start3A_645 = tpu.memref_slice %arg10[%rem3A_532, %dma_start3A_641, %dma_start3A_643, %dma_start3A_644] : memref<2x8x128x8xf32, #tpu.memory_space<vmem>> -> memref<1x1x128x8xf32, #tpu.memory_space<vmem>>
      %dma_start3A_646 = tpu.memref_squeeze %dma_start3A_645 : memref<1x1x128x8xf32, #tpu.memory_space<vmem>> -> memref<128x8xf32, #tpu.memory_space<vmem>>
      %dma_start3A_647 = arith.constant 0 : i32
      %dma_start3A_648 = tpu.memref_slice %arg9[%rem3A_532, %dma_start3A_642, %dma_start3A_647] : memref<2x8x128xi32, #tpu.memory_space<vmem>> -> memref<1x1x128xi32, #tpu.memory_space<vmem>>
      %dma_start3A_649 = tpu.memref_squeeze %dma_start3A_648 : memref<1x1x128xi32, #tpu.memory_space<vmem>> -> memref<128xi32, #tpu.memory_space<vmem>>
      %dma_start3A_650 = arith.constant 0 : i32
      %dma_start3A_651 = arith.constant 0 : i32
      %dma_start3A_652 = tpu.memref_slice %arg7[%dma_start3A_650, %dma_start3A_651] : memref<102400x8xf32, #tpu.memory_space<vmem_shared>> -> memref<102400x8xf32, #tpu.memory_space<vmem_shared>>
      tpu.enqueue_indirect_dma source(%dma_start3A_646 : memref<128x8xf32, #tpu.memory_space<vmem>>) target(%dma_start3A_652 : memref<102400x8xf32, #tpu.memory_space<vmem_shared>>) offsets(%dma_start3A_649 : memref<128xi32, #tpu.memory_space<vmem>>) semaphore(%arg12 : memref<!tpu.dma_semaphore, #tpu.memory_space<semaphore_mem>>) {add = true}
      %dma_start3A_653 = arith.constant 1 : i32
      %dma_start3A_654 = arith.constant 1 : i32
      %dma_start3A_655 = arith.constant 0 : i32
      %dma_start3A_656 = arith.constant 0 : i32
      %dma_start3A_657 = tpu.memref_slice %arg10[%rem3A_532, %dma_start3A_653, %dma_start3A_655, %dma_start3A_656] : memref<2x8x128x8xf32, #tpu.memory_space<vmem>> -> memref<1x1x128x8xf32, #tpu.memory_space<vmem>>
      %dma_start3A_658 = tpu.memref_squeeze %dma_start3A_657 : memref<1x1x128x8xf32, #tpu.memory_space<vmem>> -> memref<128x8xf32, #tpu.memory_space<vmem>>
      %dma_start3A_659 = arith.constant 0 : i32
      %dma_start3A_660 = tpu.memref_slice %arg9[%rem3A_532, %dma_start3A_654, %dma_start3A_659] : memref<2x8x128xi32, #tpu.memory_space<vmem>> -> memref<1x1x128xi32, #tpu.memory_space<vmem>>
      %dma_start3A_661 = tpu.memref_squeeze %dma_start3A_660 : memref<1x1x128xi32, #tpu.memory_space<vmem>> -> memref<128xi32, #tpu.memory_space<vmem>>
      %dma_start3A_662 = arith.constant 0 : i32
      %dma_start3A_663 = arith.constant 0 : i32
      %dma_start3A_664 = tpu.memref_slice %arg7[%dma_start3A_662, %dma_start3A_663] : memref<102400x8xf32, #tpu.memory_space<vmem_shared>> -> memref<102400x8xf32, #tpu.memory_space<vmem_shared>>
      tpu.enqueue_indirect_dma source(%dma_start3A_658 : memref<128x8xf32, #tpu.memory_space<vmem>>) target(%dma_start3A_664 : memref<102400x8xf32, #tpu.memory_space<vmem_shared>>) offsets(%dma_start3A_661 : memref<128xi32, #tpu.memory_space<vmem>>) semaphore(%arg12 : memref<!tpu.dma_semaphore, #tpu.memory_space<semaphore_mem>>) {add = true}
      %dma_start3A_665 = arith.constant 2 : i32
      %dma_start3A_666 = arith.constant 2 : i32
      %dma_start3A_667 = arith.constant 0 : i32
      %dma_start3A_668 = arith.constant 0 : i32
      %dma_start3A_669 = tpu.memref_slice %arg10[%rem3A_532, %dma_start3A_665, %dma_start3A_667, %dma_start3A_668] : memref<2x8x128x8xf32, #tpu.memory_space<vmem>> -> memref<1x1x128x8xf32, #tpu.memory_space<vmem>>
      %dma_start3A_670 = tpu.memref_squeeze %dma_start3A_669 : memref<1x1x128x8xf32, #tpu.memory_space<vmem>> -> memref<128x8xf32, #tpu.memory_space<vmem>>
      %dma_start3A_671 = arith.constant 0 : i32
      %dma_start3A_672 = tpu.memref_slice %arg9[%rem3A_532, %dma_start3A_666, %dma_start3A_671] : memref<2x8x128xi32, #tpu.memory_space<vmem>> -> memref<1x1x128xi32, #tpu.memory_space<vmem>>
      %dma_start3A_673 = tpu.memref_squeeze %dma_start3A_672 : memref<1x1x128xi32, #tpu.memory_space<vmem>> -> memref<128xi32, #tpu.memory_space<vmem>>
      %dma_start3A_674 = arith.constant 0 : i32
      %dma_start3A_675 = arith.constant 0 : i32
      %dma_start3A_676 = tpu.memref_slice %arg7[%dma_start3A_674, %dma_start3A_675] : memref<102400x8xf32, #tpu.memory_space<vmem_shared>> -> memref<102400x8xf32, #tpu.memory_space<vmem_shared>>
      tpu.enqueue_indirect_dma source(%dma_start3A_670 : memref<128x8xf32, #tpu.memory_space<vmem>>) target(%dma_start3A_676 : memref<102400x8xf32, #tpu.memory_space<vmem_shared>>) offsets(%dma_start3A_673 : memref<128xi32, #tpu.memory_space<vmem>>) semaphore(%arg12 : memref<!tpu.dma_semaphore, #tpu.memory_space<semaphore_mem>>) {add = true}
      %dma_start3A_677 = arith.constant 3 : i32
      %dma_start3A_678 = arith.constant 3 : i32
      %dma_start3A_679 = arith.constant 0 : i32
      %dma_start3A_680 = arith.constant 0 : i32
      %dma_start3A_681 = tpu.memref_slice %arg10[%rem3A_532, %dma_start3A_677, %dma_start3A_679, %dma_start3A_680] : memref<2x8x128x8xf32, #tpu.memory_space<vmem>> -> memref<1x1x128x8xf32, #tpu.memory_space<vmem>>
      %dma_start3A_682 = tpu.memref_squeeze %dma_start3A_681 : memref<1x1x128x8xf32, #tpu.memory_space<vmem>> -> memref<128x8xf32, #tpu.memory_space<vmem>>
      %dma_start3A_683 = arith.constant 0 : i32
      %dma_start3A_684 = tpu.memref_slice %arg9[%rem3A_532, %dma_start3A_678, %dma_start3A_683] : memref<2x8x128xi32, #tpu.memory_space<vmem>> -> memref<1x1x128xi32, #tpu.memory_space<vmem>>
      %dma_start3A_685 = tpu.memref_squeeze %dma_start3A_684 : memref<1x1x128xi32, #tpu.memory_space<vmem>> -> memref<128xi32, #tpu.memory_space<vmem>>
      %dma_start3A_686 = arith.constant 0 : i32
      %dma_start3A_687 = arith.constant 0 : i32
      %dma_start3A_688 = tpu.memref_slice %arg7[%dma_start3A_686, %dma_start3A_687] : memref<102400x8xf32, #tpu.memory_space<vmem_shared>> -> memref<102400x8xf32, #tpu.memory_space<vmem_shared>>
      tpu.enqueue_indirect_dma source(%dma_start3A_682 : memref<128x8xf32, #tpu.memory_space<vmem>>) target(%dma_start3A_688 : memref<102400x8xf32, #tpu.memory_space<vmem_shared>>) offsets(%dma_start3A_685 : memref<128xi32, #tpu.memory_space<vmem>>) semaphore(%arg12 : memref<!tpu.dma_semaphore, #tpu.memory_space<semaphore_mem>>) {add = true}
      %dma_start3A_689 = arith.constant 4 : i32
      %dma_start3A_690 = arith.constant 4 : i32
      %dma_start3A_691 = arith.constant 0 : i32
      %dma_start3A_692 = arith.constant 0 : i32
      %dma_start3A_693 = tpu.memref_slice %arg10[%rem3A_532, %dma_start3A_689, %dma_start3A_691, %dma_start3A_692] : memref<2x8x128x8xf32, #tpu.memory_space<vmem>> -> memref<1x1x128x8xf32, #tpu.memory_space<vmem>>
      %dma_start3A_694 = tpu.memref_squeeze %dma_start3A_693 : memref<1x1x128x8xf32, #tpu.memory_space<vmem>> -> memref<128x8xf32, #tpu.memory_space<vmem>>
      %dma_start3A_695 = arith.constant 0 : i32
      %dma_start3A_696 = tpu.memref_slice %arg9[%rem3A_532, %dma_start3A_690, %dma_start3A_695] : memref<2x8x128xi32, #tpu.memory_space<vmem>> -> memref<1x1x128xi32, #tpu.memory_space<vmem>>
      %dma_start3A_697 = tpu.memref_squeeze %dma_start3A_696 : memref<1x1x128xi32, #tpu.memory_space<vmem>> -> memref<128xi32, #tpu.memory_space<vmem>>
      %dma_start3A_698 = arith.constant 0 : i32
      %dma_start3A_699 = arith.constant 0 : i32
      %dma_start3A_700 = tpu.memref_slice %arg7[%dma_start3A_698, %dma_start3A_699] : memref<102400x8xf32, #tpu.memory_space<vmem_shared>> -> memref<102400x8xf32, #tpu.memory_space<vmem_shared>>
      tpu.enqueue_indirect_dma source(%dma_start3A_694 : memref<128x8xf32, #tpu.memory_space<vmem>>) target(%dma_start3A_700 : memref<102400x8xf32, #tpu.memory_space<vmem_shared>>) offsets(%dma_start3A_697 : memref<128xi32, #tpu.memory_space<vmem>>) semaphore(%arg12 : memref<!tpu.dma_semaphore, #tpu.memory_space<semaphore_mem>>) {add = true}
      %dma_start3A_701 = arith.constant 5 : i32
      %dma_start3A_702 = arith.constant 5 : i32
      %dma_start3A_703 = arith.constant 0 : i32
      %dma_start3A_704 = arith.constant 0 : i32
      %dma_start3A_705 = tpu.memref_slice %arg10[%rem3A_532, %dma_start3A_701, %dma_start3A_703, %dma_start3A_704] : memref<2x8x128x8xf32, #tpu.memory_space<vmem>> -> memref<1x1x128x8xf32, #tpu.memory_space<vmem>>
      %dma_start3A_706 = tpu.memref_squeeze %dma_start3A_705 : memref<1x1x128x8xf32, #tpu.memory_space<vmem>> -> memref<128x8xf32, #tpu.memory_space<vmem>>
      %dma_start3A_707 = arith.constant 0 : i32
      %dma_start3A_708 = tpu.memref_slice %arg9[%rem3A_532, %dma_start3A_702, %dma_start3A_707] : memref<2x8x128xi32, #tpu.memory_space<vmem>> -> memref<1x1x128xi32, #tpu.memory_space<vmem>>
      %dma_start3A_709 = tpu.memref_squeeze %dma_start3A_708 : memref<1x1x128xi32, #tpu.memory_space<vmem>> -> memref<128xi32, #tpu.memory_space<vmem>>
      %dma_start3A_710 = arith.constant 0 : i32
      %dma_start3A_711 = arith.constant 0 : i32
      %dma_start3A_712 = tpu.memref_slice %arg7[%dma_start3A_710, %dma_start3A_711] : memref<102400x8xf32, #tpu.memory_space<vmem_shared>> -> memref<102400x8xf32, #tpu.memory_space<vmem_shared>>
      tpu.enqueue_indirect_dma source(%dma_start3A_706 : memref<128x8xf32, #tpu.memory_space<vmem>>) target(%dma_start3A_712 : memref<102400x8xf32, #tpu.memory_space<vmem_shared>>) offsets(%dma_start3A_709 : memref<128xi32, #tpu.memory_space<vmem>>) semaphore(%arg12 : memref<!tpu.dma_semaphore, #tpu.memory_space<semaphore_mem>>) {add = true}
      %dma_start3A_713 = arith.constant 6 : i32
      %dma_start3A_714 = arith.constant 6 : i32
      %dma_start3A_715 = arith.constant 0 : i32
      %dma_start3A_716 = arith.constant 0 : i32
      %dma_start3A_717 = tpu.memref_slice %arg10[%rem3A_532, %dma_start3A_713, %dma_start3A_715, %dma_start3A_716] : memref<2x8x128x8xf32, #tpu.memory_space<vmem>> -> memref<1x1x128x8xf32, #tpu.memory_space<vmem>>
      %dma_start3A_718 = tpu.memref_squeeze %dma_start3A_717 : memref<1x1x128x8xf32, #tpu.memory_space<vmem>> -> memref<128x8xf32, #tpu.memory_space<vmem>>
      %dma_start3A_719 = arith.constant 0 : i32
      %dma_start3A_720 = tpu.memref_slice %arg9[%rem3A_532, %dma_start3A_714, %dma_start3A_719] : memref<2x8x128xi32, #tpu.memory_space<vmem>> -> memref<1x1x128xi32, #tpu.memory_space<vmem>>
      %dma_start3A_721 = tpu.memref_squeeze %dma_start3A_720 : memref<1x1x128xi32, #tpu.memory_space<vmem>> -> memref<128xi32, #tpu.memory_space<vmem>>
      %dma_start3A_722 = arith.constant 0 : i32
      %dma_start3A_723 = arith.constant 0 : i32
      %dma_start3A_724 = tpu.memref_slice %arg7[%dma_start3A_722, %dma_start3A_723] : memref<102400x8xf32, #tpu.memory_space<vmem_shared>> -> memref<102400x8xf32, #tpu.memory_space<vmem_shared>>
      tpu.enqueue_indirect_dma source(%dma_start3A_718 : memref<128x8xf32, #tpu.memory_space<vmem>>) target(%dma_start3A_724 : memref<102400x8xf32, #tpu.memory_space<vmem_shared>>) offsets(%dma_start3A_721 : memref<128xi32, #tpu.memory_space<vmem>>) semaphore(%arg12 : memref<!tpu.dma_semaphore, #tpu.memory_space<semaphore_mem>>) {add = true}
      %dma_start3A_725 = arith.constant 7 : i32
      %dma_start3A_726 = arith.constant 7 : i32
      %dma_start3A_727 = arith.constant 0 : i32
      %dma_start3A_728 = arith.constant 0 : i32
      %dma_start3A_729 = tpu.memref_slice %arg10[%rem3A_532, %dma_start3A_725, %dma_start3A_727, %dma_start3A_728] : memref<2x8x128x8xf32, #tpu.memory_space<vmem>> -> memref<1x1x128x8xf32, #tpu.memory_space<vmem>>
      %dma_start3A_730 = tpu.memref_squeeze %dma_start3A_729 : memref<1x1x128x8xf32, #tpu.memory_space<vmem>> -> memref<128x8xf32, #tpu.memory_space<vmem>>
      %dma_start3A_731 = arith.constant 0 : i32
      %dma_start3A_732 = tpu.memref_slice %arg9[%rem3A_532, %dma_start3A_726, %dma_start3A_731] : memref<2x8x128xi32, #tpu.memory_space<vmem>> -> memref<1x1x128xi32, #tpu.memory_space<vmem>>
      %dma_start3A_733 = tpu.memref_squeeze %dma_start3A_732 : memref<1x1x128xi32, #tpu.memory_space<vmem>> -> memref<128xi32, #tpu.memory_space<vmem>>
      %dma_start3A_734 = arith.constant 0 : i32
      %dma_start3A_735 = arith.constant 0 : i32
      %dma_start3A_736 = tpu.memref_slice %arg7[%dma_start3A_734, %dma_start3A_735] : memref<102400x8xf32, #tpu.memory_space<vmem_shared>> -> memref<102400x8xf32, #tpu.memory_space<vmem_shared>>
      tpu.enqueue_indirect_dma source(%dma_start3A_730 : memref<128x8xf32, #tpu.memory_space<vmem>>) target(%dma_start3A_736 : memref<102400x8xf32, #tpu.memory_space<vmem_shared>>) offsets(%dma_start3A_733 : memref<128xi32, #tpu.memory_space<vmem>>) semaphore(%arg12 : memref<!tpu.dma_semaphore, #tpu.memory_space<semaphore_mem>>) {add = true}
    }
    %scan3A_123 = arith.constant 97 : i32
    %dma_wait3A = arith.constant 0 : i32
    %dma_wait3A_124 = arith.constant 0 : i32
    %dma_wait3A_125 = arith.constant 0 : i32
    %dma_wait3A_126 = arith.constant 0 : i32
    %dma_wait3A_127 = arith.constant 0 : i32
    %dma_wait3A_128 = arith.constant 0 : i32
    %dma_wait3A_129 = tpu.memref_slice %arg10[%dma_wait3A, %dma_wait3A_124, %dma_wait3A_127, %dma_wait3A_128] : memref<2x8x128x8xf32, #tpu.memory_space<vmem>> -> memref<1x1x128x8xf32, #tpu.memory_space<vmem>>
    %dma_wait3A_130 = tpu.memref_squeeze %dma_wait3A_129 : memref<1x1x128x8xf32, #tpu.memory_space<vmem>> -> memref<128x8xf32, #tpu.memory_space<vmem>>
    %dma_wait3A_131 = arith.constant 0 : i32
    %dma_wait3A_132 = tpu.memref_slice %arg9[%dma_wait3A_125, %dma_wait3A_126, %dma_wait3A_131] : memref<2x8x128xi32, #tpu.memory_space<vmem>> -> memref<1x1x128xi32, #tpu.memory_space<vmem>>
    %dma_wait3A_133 = tpu.memref_squeeze %dma_wait3A_132 : memref<1x1x128xi32, #tpu.memory_space<vmem>> -> memref<128xi32, #tpu.memory_space<vmem>>
    %dma_wait3A_134 = arith.constant 0 : i32
    %dma_wait3A_135 = arith.constant 0 : i32
    %dma_wait3A_136 = tpu.memref_slice %arg7[%dma_wait3A_134, %dma_wait3A_135] : memref<102400x8xf32, #tpu.memory_space<vmem_shared>> -> memref<102400x8xf32, #tpu.memory_space<vmem_shared>>
    tpu.wait_indirect_dma semaphore(%arg12 : memref<!tpu.dma_semaphore, #tpu.memory_space<semaphore_mem>>) src(%dma_wait3A_130 : memref<128x8xf32, #tpu.memory_space<vmem>>) dst(%dma_wait3A_136 : memref<102400x8xf32, #tpu.memory_space<vmem_shared>>)
    %dma_wait3A_137 = arith.constant 0 : i32
    %dma_wait3A_138 = arith.constant 1 : i32
    %dma_wait3A_139 = arith.constant 0 : i32
    %dma_wait3A_140 = arith.constant 1 : i32
    %dma_wait3A_141 = arith.constant 0 : i32
    %dma_wait3A_142 = arith.constant 0 : i32
    %dma_wait3A_143 = tpu.memref_slice %arg10[%dma_wait3A_137, %dma_wait3A_138, %dma_wait3A_141, %dma_wait3A_142] : memref<2x8x128x8xf32, #tpu.memory_space<vmem>> -> memref<1x1x128x8xf32, #tpu.memory_space<vmem>>
    %dma_wait3A_144 = tpu.memref_squeeze %dma_wait3A_143 : memref<1x1x128x8xf32, #tpu.memory_space<vmem>> -> memref<128x8xf32, #tpu.memory_space<vmem>>
    %dma_wait3A_145 = arith.constant 0 : i32
    %dma_wait3A_146 = tpu.memref_slice %arg9[%dma_wait3A_139, %dma_wait3A_140, %dma_wait3A_145] : memref<2x8x128xi32, #tpu.memory_space<vmem>> -> memref<1x1x128xi32, #tpu.memory_space<vmem>>
    %dma_wait3A_147 = tpu.memref_squeeze %dma_wait3A_146 : memref<1x1x128xi32, #tpu.memory_space<vmem>> -> memref<128xi32, #tpu.memory_space<vmem>>
    %dma_wait3A_148 = arith.constant 0 : i32
    %dma_wait3A_149 = arith.constant 0 : i32
    %dma_wait3A_150 = tpu.memref_slice %arg7[%dma_wait3A_148, %dma_wait3A_149] : memref<102400x8xf32, #tpu.memory_space<vmem_shared>> -> memref<102400x8xf32, #tpu.memory_space<vmem_shared>>
    tpu.wait_indirect_dma semaphore(%arg12 : memref<!tpu.dma_semaphore, #tpu.memory_space<semaphore_mem>>) src(%dma_wait3A_144 : memref<128x8xf32, #tpu.memory_space<vmem>>) dst(%dma_wait3A_150 : memref<102400x8xf32, #tpu.memory_space<vmem_shared>>)
    %dma_wait3A_151 = arith.constant 0 : i32
    %dma_wait3A_152 = arith.constant 2 : i32
    %dma_wait3A_153 = arith.constant 0 : i32
    %dma_wait3A_154 = arith.constant 2 : i32
    %dma_wait3A_155 = arith.constant 0 : i32
    %dma_wait3A_156 = arith.constant 0 : i32
    %dma_wait3A_157 = tpu.memref_slice %arg10[%dma_wait3A_151, %dma_wait3A_152, %dma_wait3A_155, %dma_wait3A_156] : memref<2x8x128x8xf32, #tpu.memory_space<vmem>> -> memref<1x1x128x8xf32, #tpu.memory_space<vmem>>
    %dma_wait3A_158 = tpu.memref_squeeze %dma_wait3A_157 : memref<1x1x128x8xf32, #tpu.memory_space<vmem>> -> memref<128x8xf32, #tpu.memory_space<vmem>>
    %dma_wait3A_159 = arith.constant 0 : i32
    %dma_wait3A_160 = tpu.memref_slice %arg9[%dma_wait3A_153, %dma_wait3A_154, %dma_wait3A_159] : memref<2x8x128xi32, #tpu.memory_space<vmem>> -> memref<1x1x128xi32, #tpu.memory_space<vmem>>
    %dma_wait3A_161 = tpu.memref_squeeze %dma_wait3A_160 : memref<1x1x128xi32, #tpu.memory_space<vmem>> -> memref<128xi32, #tpu.memory_space<vmem>>
    %dma_wait3A_162 = arith.constant 0 : i32
    %dma_wait3A_163 = arith.constant 0 : i32
    %dma_wait3A_164 = tpu.memref_slice %arg7[%dma_wait3A_162, %dma_wait3A_163] : memref<102400x8xf32, #tpu.memory_space<vmem_shared>> -> memref<102400x8xf32, #tpu.memory_space<vmem_shared>>
    tpu.wait_indirect_dma semaphore(%arg12 : memref<!tpu.dma_semaphore, #tpu.memory_space<semaphore_mem>>) src(%dma_wait3A_158 : memref<128x8xf32, #tpu.memory_space<vmem>>) dst(%dma_wait3A_164 : memref<102400x8xf32, #tpu.memory_space<vmem_shared>>)
    %dma_wait3A_165 = arith.constant 0 : i32
    %dma_wait3A_166 = arith.constant 3 : i32
    %dma_wait3A_167 = arith.constant 0 : i32
    %dma_wait3A_168 = arith.constant 3 : i32
    %dma_wait3A_169 = arith.constant 0 : i32
    %dma_wait3A_170 = arith.constant 0 : i32
    %dma_wait3A_171 = tpu.memref_slice %arg10[%dma_wait3A_165, %dma_wait3A_166, %dma_wait3A_169, %dma_wait3A_170] : memref<2x8x128x8xf32, #tpu.memory_space<vmem>> -> memref<1x1x128x8xf32, #tpu.memory_space<vmem>>
    %dma_wait3A_172 = tpu.memref_squeeze %dma_wait3A_171 : memref<1x1x128x8xf32, #tpu.memory_space<vmem>> -> memref<128x8xf32, #tpu.memory_space<vmem>>
    %dma_wait3A_173 = arith.constant 0 : i32
    %dma_wait3A_174 = tpu.memref_slice %arg9[%dma_wait3A_167, %dma_wait3A_168, %dma_wait3A_173] : memref<2x8x128xi32, #tpu.memory_space<vmem>> -> memref<1x1x128xi32, #tpu.memory_space<vmem>>
    %dma_wait3A_175 = tpu.memref_squeeze %dma_wait3A_174 : memref<1x1x128xi32, #tpu.memory_space<vmem>> -> memref<128xi32, #tpu.memory_space<vmem>>
    %dma_wait3A_176 = arith.constant 0 : i32
    %dma_wait3A_177 = arith.constant 0 : i32
    %dma_wait3A_178 = tpu.memref_slice %arg7[%dma_wait3A_176, %dma_wait3A_177] : memref<102400x8xf32, #tpu.memory_space<vmem_shared>> -> memref<102400x8xf32, #tpu.memory_space<vmem_shared>>
    tpu.wait_indirect_dma semaphore(%arg12 : memref<!tpu.dma_semaphore, #tpu.memory_space<semaphore_mem>>) src(%dma_wait3A_172 : memref<128x8xf32, #tpu.memory_space<vmem>>) dst(%dma_wait3A_178 : memref<102400x8xf32, #tpu.memory_space<vmem_shared>>)
    %dma_wait3A_179 = arith.constant 0 : i32
    %dma_wait3A_180 = arith.constant 4 : i32
    %dma_wait3A_181 = arith.constant 0 : i32
    %dma_wait3A_182 = arith.constant 4 : i32
    %dma_wait3A_183 = arith.constant 0 : i32
    %dma_wait3A_184 = arith.constant 0 : i32
    %dma_wait3A_185 = tpu.memref_slice %arg10[%dma_wait3A_179, %dma_wait3A_180, %dma_wait3A_183, %dma_wait3A_184] : memref<2x8x128x8xf32, #tpu.memory_space<vmem>> -> memref<1x1x128x8xf32, #tpu.memory_space<vmem>>
    %dma_wait3A_186 = tpu.memref_squeeze %dma_wait3A_185 : memref<1x1x128x8xf32, #tpu.memory_space<vmem>> -> memref<128x8xf32, #tpu.memory_space<vmem>>
    %dma_wait3A_187 = arith.constant 0 : i32
    %dma_wait3A_188 = tpu.memref_slice %arg9[%dma_wait3A_181, %dma_wait3A_182, %dma_wait3A_187] : memref<2x8x128xi32, #tpu.memory_space<vmem>> -> memref<1x1x128xi32, #tpu.memory_space<vmem>>
    %dma_wait3A_189 = tpu.memref_squeeze %dma_wait3A_188 : memref<1x1x128xi32, #tpu.memory_space<vmem>> -> memref<128xi32, #tpu.memory_space<vmem>>
    %dma_wait3A_190 = arith.constant 0 : i32
    %dma_wait3A_191 = arith.constant 0 : i32
    %dma_wait3A_192 = tpu.memref_slice %arg7[%dma_wait3A_190, %dma_wait3A_191] : memref<102400x8xf32, #tpu.memory_space<vmem_shared>> -> memref<102400x8xf32, #tpu.memory_space<vmem_shared>>
    tpu.wait_indirect_dma semaphore(%arg12 : memref<!tpu.dma_semaphore, #tpu.memory_space<semaphore_mem>>) src(%dma_wait3A_186 : memref<128x8xf32, #tpu.memory_space<vmem>>) dst(%dma_wait3A_192 : memref<102400x8xf32, #tpu.memory_space<vmem_shared>>)
    %dma_wait3A_193 = arith.constant 0 : i32
    %dma_wait3A_194 = arith.constant 5 : i32
    %dma_wait3A_195 = arith.constant 0 : i32
    %dma_wait3A_196 = arith.constant 5 : i32
    %dma_wait3A_197 = arith.constant 0 : i32
    %dma_wait3A_198 = arith.constant 0 : i32
    %dma_wait3A_199 = tpu.memref_slice %arg10[%dma_wait3A_193, %dma_wait3A_194, %dma_wait3A_197, %dma_wait3A_198] : memref<2x8x128x8xf32, #tpu.memory_space<vmem>> -> memref<1x1x128x8xf32, #tpu.memory_space<vmem>>
    %dma_wait3A_200 = tpu.memref_squeeze %dma_wait3A_199 : memref<1x1x128x8xf32, #tpu.memory_space<vmem>> -> memref<128x8xf32, #tpu.memory_space<vmem>>
    %dma_wait3A_201 = arith.constant 0 : i32
    %dma_wait3A_202 = tpu.memref_slice %arg9[%dma_wait3A_195, %dma_wait3A_196, %dma_wait3A_201] : memref<2x8x128xi32, #tpu.memory_space<vmem>> -> memref<1x1x128xi32, #tpu.memory_space<vmem>>
    %dma_wait3A_203 = tpu.memref_squeeze %dma_wait3A_202 : memref<1x1x128xi32, #tpu.memory_space<vmem>> -> memref<128xi32, #tpu.memory_space<vmem>>
    %dma_wait3A_204 = arith.constant 0 : i32
    %dma_wait3A_205 = arith.constant 0 : i32
    %dma_wait3A_206 = tpu.memref_slice %arg7[%dma_wait3A_204, %dma_wait3A_205] : memref<102400x8xf32, #tpu.memory_space<vmem_shared>> -> memref<102400x8xf32, #tpu.memory_space<vmem_shared>>
    tpu.wait_indirect_dma semaphore(%arg12 : memref<!tpu.dma_semaphore, #tpu.memory_space<semaphore_mem>>) src(%dma_wait3A_200 : memref<128x8xf32, #tpu.memory_space<vmem>>) dst(%dma_wait3A_206 : memref<102400x8xf32, #tpu.memory_space<vmem_shared>>)
    %dma_wait3A_207 = arith.constant 0 : i32
    %dma_wait3A_208 = arith.constant 6 : i32
    %dma_wait3A_209 = arith.constant 0 : i32
    %dma_wait3A_210 = arith.constant 6 : i32
    %dma_wait3A_211 = arith.constant 0 : i32
    %dma_wait3A_212 = arith.constant 0 : i32
    %dma_wait3A_213 = tpu.memref_slice %arg10[%dma_wait3A_207, %dma_wait3A_208, %dma_wait3A_211, %dma_wait3A_212] : memref<2x8x128x8xf32, #tpu.memory_space<vmem>> -> memref<1x1x128x8xf32, #tpu.memory_space<vmem>>
    %dma_wait3A_214 = tpu.memref_squeeze %dma_wait3A_213 : memref<1x1x128x8xf32, #tpu.memory_space<vmem>> -> memref<128x8xf32, #tpu.memory_space<vmem>>
    %dma_wait3A_215 = arith.constant 0 : i32
    %dma_wait3A_216 = tpu.memref_slice %arg9[%dma_wait3A_209, %dma_wait3A_210, %dma_wait3A_215] : memref<2x8x128xi32, #tpu.memory_space<vmem>> -> memref<1x1x128xi32, #tpu.memory_space<vmem>>
    %dma_wait3A_217 = tpu.memref_squeeze %dma_wait3A_216 : memref<1x1x128xi32, #tpu.memory_space<vmem>> -> memref<128xi32, #tpu.memory_space<vmem>>
    %dma_wait3A_218 = arith.constant 0 : i32
    %dma_wait3A_219 = arith.constant 0 : i32
    %dma_wait3A_220 = tpu.memref_slice %arg7[%dma_wait3A_218, %dma_wait3A_219] : memref<102400x8xf32, #tpu.memory_space<vmem_shared>> -> memref<102400x8xf32, #tpu.memory_space<vmem_shared>>
    tpu.wait_indirect_dma semaphore(%arg12 : memref<!tpu.dma_semaphore, #tpu.memory_space<semaphore_mem>>) src(%dma_wait3A_214 : memref<128x8xf32, #tpu.memory_space<vmem>>) dst(%dma_wait3A_220 : memref<102400x8xf32, #tpu.memory_space<vmem_shared>>)
    %dma_wait3A_221 = arith.constant 0 : i32
    %dma_wait3A_222 = arith.constant 7 : i32
    %dma_wait3A_223 = arith.constant 0 : i32
    %dma_wait3A_224 = arith.constant 7 : i32
    %dma_wait3A_225 = arith.constant 0 : i32
    %dma_wait3A_226 = arith.constant 0 : i32
    %dma_wait3A_227 = tpu.memref_slice %arg10[%dma_wait3A_221, %dma_wait3A_222, %dma_wait3A_225, %dma_wait3A_226] : memref<2x8x128x8xf32, #tpu.memory_space<vmem>> -> memref<1x1x128x8xf32, #tpu.memory_space<vmem>>
    %dma_wait3A_228 = tpu.memref_squeeze %dma_wait3A_227 : memref<1x1x128x8xf32, #tpu.memory_space<vmem>> -> memref<128x8xf32, #tpu.memory_space<vmem>>
    %dma_wait3A_229 = arith.constant 0 : i32
    %dma_wait3A_230 = tpu.memref_slice %arg9[%dma_wait3A_223, %dma_wait3A_224, %dma_wait3A_229] : memref<2x8x128xi32, #tpu.memory_space<vmem>> -> memref<1x1x128xi32, #tpu.memory_space<vmem>>
    %dma_wait3A_231 = tpu.memref_squeeze %dma_wait3A_230 : memref<1x1x128xi32, #tpu.memory_space<vmem>> -> memref<128xi32, #tpu.memory_space<vmem>>
    %dma_wait3A_232 = arith.constant 0 : i32
    %dma_wait3A_233 = arith.constant 0 : i32
    %dma_wait3A_234 = tpu.memref_slice %arg7[%dma_wait3A_232, %dma_wait3A_233] : memref<102400x8xf32, #tpu.memory_space<vmem_shared>> -> memref<102400x8xf32, #tpu.memory_space<vmem_shared>>
    tpu.wait_indirect_dma semaphore(%arg12 : memref<!tpu.dma_semaphore, #tpu.memory_space<semaphore_mem>>) src(%dma_wait3A_228 : memref<128x8xf32, #tpu.memory_space<vmem>>) dst(%dma_wait3A_234 : memref<102400x8xf32, #tpu.memory_space<vmem_shared>>)
    %add3A_235 = arith.constant 776 : i32
    %add3A_236 = arith.addi %mul3A_4, %add3A_235 : i32
    %run_scoped3A_237 = arith.constant 0 : i32
    %run_scoped3A_238 = arith.constant 0 : i32
    "tpu.region"() ({
      %run_scoped3A_531 = tpu.sem_alloc : memref<!tpu.dma_semaphore, #tpu.memory_space<semaphore_mem>>
      %dma_start3A_532 = arith.constant 0 : i32
      %dma_start3A_533 = arith.constant 0 : i32
      %dma_start3A_534 = tpu.memref_slice %arg8[%run_scoped3A_238, %dma_start3A_532, %dma_start3A_533] : memref<2x8x128xi32, #tpu.memory_space<vmem>> -> memref<1x5x128xi32, #tpu.memory_space<vmem>>
      %dma_start3A_535 = tpu.memref_squeeze %dma_start3A_534 : memref<1x5x128xi32, #tpu.memory_space<vmem>> -> memref<5x128xi32, #tpu.memory_space<vmem>>
      %dma_start3A_536 = arith.constant 0 : i32
      %dma_start3A_537 = tpu.memref_slice %arg3[%add3A_236, %run_scoped3A_237, %dma_start3A_536] : memref<25000x2x128xi32, #tpu.memory_space<hbm>> -> memref<5x1x128xi32, #tpu.memory_space<hbm>>
      %dma_start3A_538 = tpu.memref_squeeze %dma_start3A_537 : memref<5x1x128xi32, #tpu.memory_space<hbm>> -> memref<5x128xi32, #tpu.memory_space<hbm>>
      %dma_start3A_539 = arith.constant 0 : i32
      %dma_start3A_540 = arith.constant 0 : i32
      %dma_start3A_541 = tpu.memref_slice %arg8[%run_scoped3A_238, %dma_start3A_539, %dma_start3A_540] : memref<2x8x128xi32, #tpu.memory_space<vmem>> -> memref<1x5x128xi32, #tpu.memory_space<vmem>>
      %dma_start3A_542 = tpu.memref_squeeze %dma_start3A_541 : memref<1x5x128xi32, #tpu.memory_space<vmem>> -> memref<5x128xi32, #tpu.memory_space<vmem>>
      %dma_start3A_543 = arith.constant 0 : i32
      %dma_start3A_544 = tpu.memref_slice %arg3[%add3A_236, %run_scoped3A_237, %dma_start3A_543] : memref<25000x2x128xi32, #tpu.memory_space<hbm>> -> memref<5x1x128xi32, #tpu.memory_space<hbm>>
      %dma_start3A_545 = tpu.memref_squeeze %dma_start3A_544 : memref<5x1x128xi32, #tpu.memory_space<hbm>> -> memref<5x128xi32, #tpu.memory_space<hbm>>
      tpu.enqueue_dma source(%dma_start3A_545 : memref<5x128xi32, #tpu.memory_space<hbm>>) target(%dma_start3A_542 : memref<5x128xi32, #tpu.memory_space<vmem>>) target_semaphore(%run_scoped3A_531 : memref<!tpu.dma_semaphore, #tpu.memory_space<semaphore_mem>>)
      %dma_wait3A_546 = arith.constant 0 : i32
      %dma_wait3A_547 = arith.constant 0 : i32
      %dma_wait3A_548 = tpu.memref_slice %arg8[%run_scoped3A_238, %dma_wait3A_546, %dma_wait3A_547] : memref<2x8x128xi32, #tpu.memory_space<vmem>> -> memref<1x5x128xi32, #tpu.memory_space<vmem>>
      %dma_wait3A_549 = tpu.memref_squeeze %dma_wait3A_548 : memref<1x5x128xi32, #tpu.memory_space<vmem>> -> memref<5x128xi32, #tpu.memory_space<vmem>>
      %dma_wait3A_550 = arith.constant 0 : i32
      %dma_wait3A_551 = tpu.memref_slice %arg3[%add3A_236, %run_scoped3A_237, %dma_wait3A_550] : memref<25000x2x128xi32, #tpu.memory_space<hbm>> -> memref<5x1x128xi32, #tpu.memory_space<hbm>>
      %dma_wait3A_552 = tpu.memref_squeeze %dma_wait3A_551 : memref<5x1x128xi32, #tpu.memory_space<hbm>> -> memref<5x128xi32, #tpu.memory_space<hbm>>
      %dma_wait3A_553 = arith.constant 0 : i32
      %dma_wait3A_554 = arith.constant 0 : i32
      %dma_wait3A_555 = tpu.memref_slice %arg8[%run_scoped3A_238, %dma_wait3A_553, %dma_wait3A_554] : memref<2x8x128xi32, #tpu.memory_space<vmem>> -> memref<1x5x128xi32, #tpu.memory_space<vmem>>
      %dma_wait3A_556 = tpu.memref_squeeze %dma_wait3A_555 : memref<1x5x128xi32, #tpu.memory_space<vmem>> -> memref<5x128xi32, #tpu.memory_space<vmem>>
      %dma_wait3A_557 = arith.constant 0 : i32
      %dma_wait3A_558 = tpu.memref_slice %arg3[%add3A_236, %run_scoped3A_237, %dma_wait3A_557] : memref<25000x2x128xi32, #tpu.memory_space<hbm>> -> memref<5x1x128xi32, #tpu.memory_space<hbm>>
      %dma_wait3A_559 = tpu.memref_squeeze %dma_wait3A_558 : memref<5x1x128xi32, #tpu.memory_space<hbm>> -> memref<5x128xi32, #tpu.memory_space<hbm>>
      tpu.wait_dma2 semaphore(%run_scoped3A_531 : memref<!tpu.dma_semaphore, #tpu.memory_space<semaphore_mem>>) src(%dma_wait3A_559 : memref<5x128xi32, #tpu.memory_space<hbm>>) dst(%dma_wait3A_556 : memref<5x128xi32, #tpu.memory_space<vmem>>)
      tpu.yield
    }) : () -> ()
    %run_scoped3A_239 = arith.constant 1 : i32
    %run_scoped3A_240 = arith.constant 0 : i32
    "tpu.region"() ({
      %run_scoped3A_531 = tpu.sem_alloc : memref<!tpu.dma_semaphore, #tpu.memory_space<semaphore_mem>>
      %dma_start3A_532 = arith.constant 0 : i32
      %dma_start3A_533 = arith.constant 0 : i32
      %dma_start3A_534 = tpu.memref_slice %arg9[%run_scoped3A_240, %dma_start3A_532, %dma_start3A_533] : memref<2x8x128xi32, #tpu.memory_space<vmem>> -> memref<1x5x128xi32, #tpu.memory_space<vmem>>
      %dma_start3A_535 = tpu.memref_squeeze %dma_start3A_534 : memref<1x5x128xi32, #tpu.memory_space<vmem>> -> memref<5x128xi32, #tpu.memory_space<vmem>>
      %dma_start3A_536 = arith.constant 0 : i32
      %dma_start3A_537 = tpu.memref_slice %arg3[%add3A_236, %run_scoped3A_239, %dma_start3A_536] : memref<25000x2x128xi32, #tpu.memory_space<hbm>> -> memref<5x1x128xi32, #tpu.memory_space<hbm>>
      %dma_start3A_538 = tpu.memref_squeeze %dma_start3A_537 : memref<5x1x128xi32, #tpu.memory_space<hbm>> -> memref<5x128xi32, #tpu.memory_space<hbm>>
      %dma_start3A_539 = arith.constant 0 : i32
      %dma_start3A_540 = arith.constant 0 : i32
      %dma_start3A_541 = tpu.memref_slice %arg9[%run_scoped3A_240, %dma_start3A_539, %dma_start3A_540] : memref<2x8x128xi32, #tpu.memory_space<vmem>> -> memref<1x5x128xi32, #tpu.memory_space<vmem>>
      %dma_start3A_542 = tpu.memref_squeeze %dma_start3A_541 : memref<1x5x128xi32, #tpu.memory_space<vmem>> -> memref<5x128xi32, #tpu.memory_space<vmem>>
      %dma_start3A_543 = arith.constant 0 : i32
      %dma_start3A_544 = tpu.memref_slice %arg3[%add3A_236, %run_scoped3A_239, %dma_start3A_543] : memref<25000x2x128xi32, #tpu.memory_space<hbm>> -> memref<5x1x128xi32, #tpu.memory_space<hbm>>
      %dma_start3A_545 = tpu.memref_squeeze %dma_start3A_544 : memref<5x1x128xi32, #tpu.memory_space<hbm>> -> memref<5x128xi32, #tpu.memory_space<hbm>>
      tpu.enqueue_dma source(%dma_start3A_545 : memref<5x128xi32, #tpu.memory_space<hbm>>) target(%dma_start3A_542 : memref<5x128xi32, #tpu.memory_space<vmem>>) target_semaphore(%run_scoped3A_531 : memref<!tpu.dma_semaphore, #tpu.memory_space<semaphore_mem>>)
      %dma_wait3A_546 = arith.constant 0 : i32
      %dma_wait3A_547 = arith.constant 0 : i32
      %dma_wait3A_548 = tpu.memref_slice %arg9[%run_scoped3A_240, %dma_wait3A_546, %dma_wait3A_547] : memref<2x8x128xi32, #tpu.memory_space<vmem>> -> memref<1x5x128xi32, #tpu.memory_space<vmem>>
      %dma_wait3A_549 = tpu.memref_squeeze %dma_wait3A_548 : memref<1x5x128xi32, #tpu.memory_space<vmem>> -> memref<5x128xi32, #tpu.memory_space<vmem>>
      %dma_wait3A_550 = arith.constant 0 : i32
      %dma_wait3A_551 = tpu.memref_slice %arg3[%add3A_236, %run_scoped3A_239, %dma_wait3A_550] : memref<25000x2x128xi32, #tpu.memory_space<hbm>> -> memref<5x1x128xi32, #tpu.memory_space<hbm>>
      %dma_wait3A_552 = tpu.memref_squeeze %dma_wait3A_551 : memref<5x1x128xi32, #tpu.memory_space<hbm>> -> memref<5x128xi32, #tpu.memory_space<hbm>>
      %dma_wait3A_553 = arith.constant 0 : i32
      %dma_wait3A_554 = arith.constant 0 : i32
      %dma_wait3A_555 = tpu.memref_slice %arg9[%run_scoped3A_240, %dma_wait3A_553, %dma_wait3A_554] : memref<2x8x128xi32, #tpu.memory_space<vmem>> -> memref<1x5x128xi32, #tpu.memory_space<vmem>>
      %dma_wait3A_556 = tpu.memref_squeeze %dma_wait3A_555 : memref<1x5x128xi32, #tpu.memory_space<vmem>> -> memref<5x128xi32, #tpu.memory_space<vmem>>
      %dma_wait3A_557 = arith.constant 0 : i32
      %dma_wait3A_558 = tpu.memref_slice %arg3[%add3A_236, %run_scoped3A_239, %dma_wait3A_557] : memref<25000x2x128xi32, #tpu.memory_space<hbm>> -> memref<5x1x128xi32, #tpu.memory_space<hbm>>
      %dma_wait3A_559 = tpu.memref_squeeze %dma_wait3A_558 : memref<5x1x128xi32, #tpu.memory_space<hbm>> -> memref<5x128xi32, #tpu.memory_space<hbm>>
      tpu.wait_dma2 semaphore(%run_scoped3A_531 : memref<!tpu.dma_semaphore, #tpu.memory_space<semaphore_mem>>) src(%dma_wait3A_559 : memref<5x128xi32, #tpu.memory_space<hbm>>) dst(%dma_wait3A_556 : memref<5x128xi32, #tpu.memory_space<vmem>>)
      tpu.yield
    }) : () -> ()
    %lt3A = arith.constant 8 : i32
    %lt3A_241 = arith.cmpi slt, %add3A, %lt3A : i32
    %convert_element_type3A = arith.extui %lt3A_241 : i1 to i32
    %cond3A = arith.constant 0 : i32
    %cond3A_242 = arith.cmpi ne, %convert_element_type3A, %cond3A : i32
    scf.if %cond3A_242 {
      %add3A_531 = arith.constant 24992 : i32
      %add3A_532 = arith.addi %add3A_531, %add3A : i32
      %run_scoped3A_533 = arith.constant 0 : i32
      %run_scoped3A_534 = arith.constant 0 : i32
      %run_scoped3A_535 = arith.constant 5 : i32
      "tpu.region"() ({
        %run_scoped3A_541 = tpu.sem_alloc : memref<!tpu.dma_semaphore, #tpu.memory_space<semaphore_mem>>
        %dma_start3A_542 = arith.constant 0 : i32
        %dma_start3A_543 = tpu.memref_slice %arg8[%run_scoped3A_534, %run_scoped3A_535, %dma_start3A_542] : memref<2x8x128xi32, #tpu.memory_space<vmem>> -> memref<1x1x128xi32, #tpu.memory_space<vmem>>
        %dma_start3A_544 = tpu.memref_squeeze %dma_start3A_543 : memref<1x1x128xi32, #tpu.memory_space<vmem>> -> memref<128xi32, #tpu.memory_space<vmem>>
        %dma_start3A_545 = arith.constant 0 : i32
        %dma_start3A_546 = tpu.memref_slice %arg3[%add3A_532, %run_scoped3A_533, %dma_start3A_545] : memref<25000x2x128xi32, #tpu.memory_space<hbm>> -> memref<1x1x128xi32, #tpu.memory_space<hbm>>
        %dma_start3A_547 = tpu.memref_squeeze %dma_start3A_546 : memref<1x1x128xi32, #tpu.memory_space<hbm>> -> memref<128xi32, #tpu.memory_space<hbm>>
        %dma_start3A_548 = arith.constant 0 : i32
        %dma_start3A_549 = tpu.memref_slice %arg8[%run_scoped3A_534, %run_scoped3A_535, %dma_start3A_548] : memref<2x8x128xi32, #tpu.memory_space<vmem>> -> memref<1x1x128xi32, #tpu.memory_space<vmem>>
        %dma_start3A_550 = tpu.memref_squeeze %dma_start3A_549 : memref<1x1x128xi32, #tpu.memory_space<vmem>> -> memref<128xi32, #tpu.memory_space<vmem>>
        %dma_start3A_551 = arith.constant 0 : i32
        %dma_start3A_552 = tpu.memref_slice %arg3[%add3A_532, %run_scoped3A_533, %dma_start3A_551] : memref<25000x2x128xi32, #tpu.memory_space<hbm>> -> memref<1x1x128xi32, #tpu.memory_space<hbm>>
        %dma_start3A_553 = tpu.memref_squeeze %dma_start3A_552 : memref<1x1x128xi32, #tpu.memory_space<hbm>> -> memref<128xi32, #tpu.memory_space<hbm>>
        tpu.enqueue_dma source(%dma_start3A_553 : memref<128xi32, #tpu.memory_space<hbm>>) target(%dma_start3A_550 : memref<128xi32, #tpu.memory_space<vmem>>) target_semaphore(%run_scoped3A_541 : memref<!tpu.dma_semaphore, #tpu.memory_space<semaphore_mem>>)
        %dma_wait3A_554 = arith.constant 0 : i32
        %dma_wait3A_555 = tpu.memref_slice %arg8[%run_scoped3A_534, %run_scoped3A_535, %dma_wait3A_554] : memref<2x8x128xi32, #tpu.memory_space<vmem>> -> memref<1x1x128xi32, #tpu.memory_space<vmem>>
        %dma_wait3A_556 = tpu.memref_squeeze %dma_wait3A_555 : memref<1x1x128xi32, #tpu.memory_space<vmem>> -> memref<128xi32, #tpu.memory_space<vmem>>
        %dma_wait3A_557 = arith.constant 0 : i32
        %dma_wait3A_558 = tpu.memref_slice %arg3[%add3A_532, %run_scoped3A_533, %dma_wait3A_557] : memref<25000x2x128xi32, #tpu.memory_space<hbm>> -> memref<1x1x128xi32, #tpu.memory_space<hbm>>
        %dma_wait3A_559 = tpu.memref_squeeze %dma_wait3A_558 : memref<1x1x128xi32, #tpu.memory_space<hbm>> -> memref<128xi32, #tpu.memory_space<hbm>>
        %dma_wait3A_560 = arith.constant 0 : i32
        %dma_wait3A_561 = tpu.memref_slice %arg8[%run_scoped3A_534, %run_scoped3A_535, %dma_wait3A_560] : memref<2x8x128xi32, #tpu.memory_space<vmem>> -> memref<1x1x128xi32, #tpu.memory_space<vmem>>
        %dma_wait3A_562 = tpu.memref_squeeze %dma_wait3A_561 : memref<1x1x128xi32, #tpu.memory_space<vmem>> -> memref<128xi32, #tpu.memory_space<vmem>>
        %dma_wait3A_563 = arith.constant 0 : i32
        %dma_wait3A_564 = tpu.memref_slice %arg3[%add3A_532, %run_scoped3A_533, %dma_wait3A_563] : memref<25000x2x128xi32, #tpu.memory_space<hbm>> -> memref<1x1x128xi32, #tpu.memory_space<hbm>>
        %dma_wait3A_565 = tpu.memref_squeeze %dma_wait3A_564 : memref<1x1x128xi32, #tpu.memory_space<hbm>> -> memref<128xi32, #tpu.memory_space<hbm>>
        tpu.wait_dma2 semaphore(%run_scoped3A_541 : memref<!tpu.dma_semaphore, #tpu.memory_space<semaphore_mem>>) src(%dma_wait3A_565 : memref<128xi32, #tpu.memory_space<hbm>>) dst(%dma_wait3A_562 : memref<128xi32, #tpu.memory_space<vmem>>)
        tpu.yield
      }) : () -> ()
      %add3A_536 = arith.constant 24992 : i32
      %add3A_537 = arith.addi %add3A_536, %add3A : i32
      %run_scoped3A_538 = arith.constant 1 : i32
      %run_scoped3A_539 = arith.constant 0 : i32
      %run_scoped3A_540 = arith.constant 5 : i32
      "tpu.region"() ({
        %run_scoped3A_541 = tpu.sem_alloc : memref<!tpu.dma_semaphore, #tpu.memory_space<semaphore_mem>>
        %dma_start3A_542 = arith.constant 0 : i32
        %dma_start3A_543 = tpu.memref_slice %arg9[%run_scoped3A_539, %run_scoped3A_540, %dma_start3A_542] : memref<2x8x128xi32, #tpu.memory_space<vmem>> -> memref<1x1x128xi32, #tpu.memory_space<vmem>>
        %dma_start3A_544 = tpu.memref_squeeze %dma_start3A_543 : memref<1x1x128xi32, #tpu.memory_space<vmem>> -> memref<128xi32, #tpu.memory_space<vmem>>
        %dma_start3A_545 = arith.constant 0 : i32
        %dma_start3A_546 = tpu.memref_slice %arg3[%add3A_537, %run_scoped3A_538, %dma_start3A_545] : memref<25000x2x128xi32, #tpu.memory_space<hbm>> -> memref<1x1x128xi32, #tpu.memory_space<hbm>>
        %dma_start3A_547 = tpu.memref_squeeze %dma_start3A_546 : memref<1x1x128xi32, #tpu.memory_space<hbm>> -> memref<128xi32, #tpu.memory_space<hbm>>
        %dma_start3A_548 = arith.constant 0 : i32
        %dma_start3A_549 = tpu.memref_slice %arg9[%run_scoped3A_539, %run_scoped3A_540, %dma_start3A_548] : memref<2x8x128xi32, #tpu.memory_space<vmem>> -> memref<1x1x128xi32, #tpu.memory_space<vmem>>
        %dma_start3A_550 = tpu.memref_squeeze %dma_start3A_549 : memref<1x1x128xi32, #tpu.memory_space<vmem>> -> memref<128xi32, #tpu.memory_space<vmem>>
        %dma_start3A_551 = arith.constant 0 : i32
        %dma_start3A_552 = tpu.memref_slice %arg3[%add3A_537, %run_scoped3A_538, %dma_start3A_551] : memref<25000x2x128xi32, #tpu.memory_space<hbm>> -> memref<1x1x128xi32, #tpu.memory_space<hbm>>
        %dma_start3A_553 = tpu.memref_squeeze %dma_start3A_552 : memref<1x1x128xi32, #tpu.memory_space<hbm>> -> memref<128xi32, #tpu.memory_space<hbm>>
        tpu.enqueue_dma source(%dma_start3A_553 : memref<128xi32, #tpu.memory_space<hbm>>) target(%dma_start3A_550 : memref<128xi32, #tpu.memory_space<vmem>>) target_semaphore(%run_scoped3A_541 : memref<!tpu.dma_semaphore, #tpu.memory_space<semaphore_mem>>)
        %dma_wait3A_554 = arith.constant 0 : i32
        %dma_wait3A_555 = tpu.memref_slice %arg9[%run_scoped3A_539, %run_scoped3A_540, %dma_wait3A_554] : memref<2x8x128xi32, #tpu.memory_space<vmem>> -> memref<1x1x128xi32, #tpu.memory_space<vmem>>
        %dma_wait3A_556 = tpu.memref_squeeze %dma_wait3A_555 : memref<1x1x128xi32, #tpu.memory_space<vmem>> -> memref<128xi32, #tpu.memory_space<vmem>>
        %dma_wait3A_557 = arith.constant 0 : i32
        %dma_wait3A_558 = tpu.memref_slice %arg3[%add3A_537, %run_scoped3A_538, %dma_wait3A_557] : memref<25000x2x128xi32, #tpu.memory_space<hbm>> -> memref<1x1x128xi32, #tpu.memory_space<hbm>>
        %dma_wait3A_559 = tpu.memref_squeeze %dma_wait3A_558 : memref<1x1x128xi32, #tpu.memory_space<hbm>> -> memref<128xi32, #tpu.memory_space<hbm>>
        %dma_wait3A_560 = arith.constant 0 : i32
        %dma_wait3A_561 = tpu.memref_slice %arg9[%run_scoped3A_539, %run_scoped3A_540, %dma_wait3A_560] : memref<2x8x128xi32, #tpu.memory_space<vmem>> -> memref<1x1x128xi32, #tpu.memory_space<vmem>>
        %dma_wait3A_562 = tpu.memref_squeeze %dma_wait3A_561 : memref<1x1x128xi32, #tpu.memory_space<vmem>> -> memref<128xi32, #tpu.memory_space<vmem>>
        %dma_wait3A_563 = arith.constant 0 : i32
        %dma_wait3A_564 = tpu.memref_slice %arg3[%add3A_537, %run_scoped3A_538, %dma_wait3A_563] : memref<25000x2x128xi32, #tpu.memory_space<hbm>> -> memref<1x1x128xi32, #tpu.memory_space<hbm>>
        %dma_wait3A_565 = tpu.memref_squeeze %dma_wait3A_564 : memref<1x1x128xi32, #tpu.memory_space<hbm>> -> memref<128xi32, #tpu.memory_space<hbm>>
        tpu.wait_dma2 semaphore(%run_scoped3A_541 : memref<!tpu.dma_semaphore, #tpu.memory_space<semaphore_mem>>) src(%dma_wait3A_565 : memref<128xi32, #tpu.memory_space<hbm>>) dst(%dma_wait3A_562 : memref<128xi32, #tpu.memory_space<vmem>>)
        tpu.yield
      }) : () -> ()
    } else {
    }
    %dma_start3A_243 = arith.constant 0 : i32
    %dma_start3A_244 = arith.constant 0 : i32
    %dma_start3A_245 = arith.constant 0 : i32
    %dma_start3A_246 = arith.constant 0 : i32
    %dma_start3A_247 = arith.constant 0 : i32
    %dma_start3A_248 = arith.constant 0 : i32
    %dma_start3A_249 = tpu.memref_slice %arg10[%dma_start3A_245, %dma_start3A_246, %dma_start3A_247, %dma_start3A_248] : memref<2x8x128x8xf32, #tpu.memory_space<vmem>> -> memref<1x1x128x8xf32, #tpu.memory_space<vmem>>
    %dma_start3A_250 = tpu.memref_squeeze %dma_start3A_249 : memref<1x1x128x8xf32, #tpu.memory_space<vmem>> -> memref<128x8xf32, #tpu.memory_space<vmem>>
    %dma_start3A_251 = arith.constant 0 : i32
    %dma_start3A_252 = tpu.memref_slice %arg8[%dma_start3A_243, %dma_start3A_244, %dma_start3A_251] : memref<2x8x128xi32, #tpu.memory_space<vmem>> -> memref<1x1x128xi32, #tpu.memory_space<vmem>>
    %dma_start3A_253 = tpu.memref_squeeze %dma_start3A_252 : memref<1x1x128xi32, #tpu.memory_space<vmem>> -> memref<128xi32, #tpu.memory_space<vmem>>
    %dma_start3A_254 = arith.constant 0 : i32
    %dma_start3A_255 = arith.constant 0 : i32
    %dma_start3A_256 = tpu.memref_slice %arg6[%dma_start3A_254, %dma_start3A_255] : memref<102400x8xf32, #tpu.memory_space<vmem_shared>> -> memref<102400x8xf32, #tpu.memory_space<vmem_shared>>
    tpu.enqueue_indirect_dma source(%dma_start3A_256 : memref<102400x8xf32, #tpu.memory_space<vmem_shared>>) target(%dma_start3A_250 : memref<128x8xf32, #tpu.memory_space<vmem>>) offsets(%dma_start3A_253 : memref<128xi32, #tpu.memory_space<vmem>>) semaphore(%arg11 : memref<!tpu.dma_semaphore, #tpu.memory_space<semaphore_mem>>)
    %dma_start3A_257 = arith.constant 0 : i32
    %dma_start3A_258 = arith.constant 1 : i32
    %dma_start3A_259 = arith.constant 0 : i32
    %dma_start3A_260 = arith.constant 1 : i32
    %dma_start3A_261 = arith.constant 0 : i32
    %dma_start3A_262 = arith.constant 0 : i32
    %dma_start3A_263 = tpu.memref_slice %arg10[%dma_start3A_259, %dma_start3A_260, %dma_start3A_261, %dma_start3A_262] : memref<2x8x128x8xf32, #tpu.memory_space<vmem>> -> memref<1x1x128x8xf32, #tpu.memory_space<vmem>>
    %dma_start3A_264 = tpu.memref_squeeze %dma_start3A_263 : memref<1x1x128x8xf32, #tpu.memory_space<vmem>> -> memref<128x8xf32, #tpu.memory_space<vmem>>
    %dma_start3A_265 = arith.constant 0 : i32
    %dma_start3A_266 = tpu.memref_slice %arg8[%dma_start3A_257, %dma_start3A_258, %dma_start3A_265] : memref<2x8x128xi32, #tpu.memory_space<vmem>> -> memref<1x1x128xi32, #tpu.memory_space<vmem>>
    %dma_start3A_267 = tpu.memref_squeeze %dma_start3A_266 : memref<1x1x128xi32, #tpu.memory_space<vmem>> -> memref<128xi32, #tpu.memory_space<vmem>>
    %dma_start3A_268 = arith.constant 0 : i32
    %dma_start3A_269 = arith.constant 0 : i32
    %dma_start3A_270 = tpu.memref_slice %arg6[%dma_start3A_268, %dma_start3A_269] : memref<102400x8xf32, #tpu.memory_space<vmem_shared>> -> memref<102400x8xf32, #tpu.memory_space<vmem_shared>>
    tpu.enqueue_indirect_dma source(%dma_start3A_270 : memref<102400x8xf32, #tpu.memory_space<vmem_shared>>) target(%dma_start3A_264 : memref<128x8xf32, #tpu.memory_space<vmem>>) offsets(%dma_start3A_267 : memref<128xi32, #tpu.memory_space<vmem>>) semaphore(%arg11 : memref<!tpu.dma_semaphore, #tpu.memory_space<semaphore_mem>>)
    %dma_start3A_271 = arith.constant 0 : i32
    %dma_start3A_272 = arith.constant 2 : i32
    %dma_start3A_273 = arith.constant 0 : i32
    %dma_start3A_274 = arith.constant 2 : i32
    %dma_start3A_275 = arith.constant 0 : i32
    %dma_start3A_276 = arith.constant 0 : i32
    %dma_start3A_277 = tpu.memref_slice %arg10[%dma_start3A_273, %dma_start3A_274, %dma_start3A_275, %dma_start3A_276] : memref<2x8x128x8xf32, #tpu.memory_space<vmem>> -> memref<1x1x128x8xf32, #tpu.memory_space<vmem>>
    %dma_start3A_278 = tpu.memref_squeeze %dma_start3A_277 : memref<1x1x128x8xf32, #tpu.memory_space<vmem>> -> memref<128x8xf32, #tpu.memory_space<vmem>>
    %dma_start3A_279 = arith.constant 0 : i32
    %dma_start3A_280 = tpu.memref_slice %arg8[%dma_start3A_271, %dma_start3A_272, %dma_start3A_279] : memref<2x8x128xi32, #tpu.memory_space<vmem>> -> memref<1x1x128xi32, #tpu.memory_space<vmem>>
    %dma_start3A_281 = tpu.memref_squeeze %dma_start3A_280 : memref<1x1x128xi32, #tpu.memory_space<vmem>> -> memref<128xi32, #tpu.memory_space<vmem>>
    %dma_start3A_282 = arith.constant 0 : i32
    %dma_start3A_283 = arith.constant 0 : i32
    %dma_start3A_284 = tpu.memref_slice %arg6[%dma_start3A_282, %dma_start3A_283] : memref<102400x8xf32, #tpu.memory_space<vmem_shared>> -> memref<102400x8xf32, #tpu.memory_space<vmem_shared>>
    tpu.enqueue_indirect_dma source(%dma_start3A_284 : memref<102400x8xf32, #tpu.memory_space<vmem_shared>>) target(%dma_start3A_278 : memref<128x8xf32, #tpu.memory_space<vmem>>) offsets(%dma_start3A_281 : memref<128xi32, #tpu.memory_space<vmem>>) semaphore(%arg11 : memref<!tpu.dma_semaphore, #tpu.memory_space<semaphore_mem>>)
    %dma_start3A_285 = arith.constant 0 : i32
    %dma_start3A_286 = arith.constant 3 : i32
    %dma_start3A_287 = arith.constant 0 : i32
    %dma_start3A_288 = arith.constant 3 : i32
    %dma_start3A_289 = arith.constant 0 : i32
    %dma_start3A_290 = arith.constant 0 : i32
    %dma_start3A_291 = tpu.memref_slice %arg10[%dma_start3A_287, %dma_start3A_288, %dma_start3A_289, %dma_start3A_290] : memref<2x8x128x8xf32, #tpu.memory_space<vmem>> -> memref<1x1x128x8xf32, #tpu.memory_space<vmem>>
    %dma_start3A_292 = tpu.memref_squeeze %dma_start3A_291 : memref<1x1x128x8xf32, #tpu.memory_space<vmem>> -> memref<128x8xf32, #tpu.memory_space<vmem>>
    %dma_start3A_293 = arith.constant 0 : i32
    %dma_start3A_294 = tpu.memref_slice %arg8[%dma_start3A_285, %dma_start3A_286, %dma_start3A_293] : memref<2x8x128xi32, #tpu.memory_space<vmem>> -> memref<1x1x128xi32, #tpu.memory_space<vmem>>
    %dma_start3A_295 = tpu.memref_squeeze %dma_start3A_294 : memref<1x1x128xi32, #tpu.memory_space<vmem>> -> memref<128xi32, #tpu.memory_space<vmem>>
    %dma_start3A_296 = arith.constant 0 : i32
    %dma_start3A_297 = arith.constant 0 : i32
    %dma_start3A_298 = tpu.memref_slice %arg6[%dma_start3A_296, %dma_start3A_297] : memref<102400x8xf32, #tpu.memory_space<vmem_shared>> -> memref<102400x8xf32, #tpu.memory_space<vmem_shared>>
    tpu.enqueue_indirect_dma source(%dma_start3A_298 : memref<102400x8xf32, #tpu.memory_space<vmem_shared>>) target(%dma_start3A_292 : memref<128x8xf32, #tpu.memory_space<vmem>>) offsets(%dma_start3A_295 : memref<128xi32, #tpu.memory_space<vmem>>) semaphore(%arg11 : memref<!tpu.dma_semaphore, #tpu.memory_space<semaphore_mem>>)
    %dma_start3A_299 = arith.constant 0 : i32
    %dma_start3A_300 = arith.constant 4 : i32
    %dma_start3A_301 = arith.constant 0 : i32
    %dma_start3A_302 = arith.constant 4 : i32
    %dma_start3A_303 = arith.constant 0 : i32
    %dma_start3A_304 = arith.constant 0 : i32
    %dma_start3A_305 = tpu.memref_slice %arg10[%dma_start3A_301, %dma_start3A_302, %dma_start3A_303, %dma_start3A_304] : memref<2x8x128x8xf32, #tpu.memory_space<vmem>> -> memref<1x1x128x8xf32, #tpu.memory_space<vmem>>
    %dma_start3A_306 = tpu.memref_squeeze %dma_start3A_305 : memref<1x1x128x8xf32, #tpu.memory_space<vmem>> -> memref<128x8xf32, #tpu.memory_space<vmem>>
    %dma_start3A_307 = arith.constant 0 : i32
    %dma_start3A_308 = tpu.memref_slice %arg8[%dma_start3A_299, %dma_start3A_300, %dma_start3A_307] : memref<2x8x128xi32, #tpu.memory_space<vmem>> -> memref<1x1x128xi32, #tpu.memory_space<vmem>>
    %dma_start3A_309 = tpu.memref_squeeze %dma_start3A_308 : memref<1x1x128xi32, #tpu.memory_space<vmem>> -> memref<128xi32, #tpu.memory_space<vmem>>
    %dma_start3A_310 = arith.constant 0 : i32
    %dma_start3A_311 = arith.constant 0 : i32
    %dma_start3A_312 = tpu.memref_slice %arg6[%dma_start3A_310, %dma_start3A_311] : memref<102400x8xf32, #tpu.memory_space<vmem_shared>> -> memref<102400x8xf32, #tpu.memory_space<vmem_shared>>
    tpu.enqueue_indirect_dma source(%dma_start3A_312 : memref<102400x8xf32, #tpu.memory_space<vmem_shared>>) target(%dma_start3A_306 : memref<128x8xf32, #tpu.memory_space<vmem>>) offsets(%dma_start3A_309 : memref<128xi32, #tpu.memory_space<vmem>>) semaphore(%arg11 : memref<!tpu.dma_semaphore, #tpu.memory_space<semaphore_mem>>)
    %dma_wait3A_313 = arith.constant 0 : i32
    %dma_wait3A_314 = arith.constant 0 : i32
    %dma_wait3A_315 = arith.constant 0 : i32
    %dma_wait3A_316 = arith.constant 0 : i32
    %dma_wait3A_317 = arith.constant 0 : i32
    %dma_wait3A_318 = arith.constant 0 : i32
    %dma_wait3A_319 = tpu.memref_slice %arg10[%dma_wait3A_315, %dma_wait3A_316, %dma_wait3A_317, %dma_wait3A_318] : memref<2x8x128x8xf32, #tpu.memory_space<vmem>> -> memref<1x1x128x8xf32, #tpu.memory_space<vmem>>
    %dma_wait3A_320 = tpu.memref_squeeze %dma_wait3A_319 : memref<1x1x128x8xf32, #tpu.memory_space<vmem>> -> memref<128x8xf32, #tpu.memory_space<vmem>>
    %dma_wait3A_321 = arith.constant 0 : i32
    %dma_wait3A_322 = tpu.memref_slice %arg8[%dma_wait3A_313, %dma_wait3A_314, %dma_wait3A_321] : memref<2x8x128xi32, #tpu.memory_space<vmem>> -> memref<1x1x128xi32, #tpu.memory_space<vmem>>
    %dma_wait3A_323 = tpu.memref_squeeze %dma_wait3A_322 : memref<1x1x128xi32, #tpu.memory_space<vmem>> -> memref<128xi32, #tpu.memory_space<vmem>>
    %dma_wait3A_324 = arith.constant 0 : i32
    %dma_wait3A_325 = arith.constant 0 : i32
    %dma_wait3A_326 = tpu.memref_slice %arg6[%dma_wait3A_324, %dma_wait3A_325] : memref<102400x8xf32, #tpu.memory_space<vmem_shared>> -> memref<102400x8xf32, #tpu.memory_space<vmem_shared>>
    tpu.wait_indirect_dma semaphore(%arg11 : memref<!tpu.dma_semaphore, #tpu.memory_space<semaphore_mem>>) src(%dma_wait3A_326 : memref<102400x8xf32, #tpu.memory_space<vmem_shared>>) dst(%dma_wait3A_320 : memref<128x8xf32, #tpu.memory_space<vmem>>)
    %dma_wait3A_327 = arith.constant 0 : i32
    %dma_wait3A_328 = arith.constant 1 : i32
    %dma_wait3A_329 = arith.constant 0 : i32
    %dma_wait3A_330 = arith.constant 1 : i32
    %dma_wait3A_331 = arith.constant 0 : i32
    %dma_wait3A_332 = arith.constant 0 : i32
    %dma_wait3A_333 = tpu.memref_slice %arg10[%dma_wait3A_329, %dma_wait3A_330, %dma_wait3A_331, %dma_wait3A_332] : memref<2x8x128x8xf32, #tpu.memory_space<vmem>> -> memref<1x1x128x8xf32, #tpu.memory_space<vmem>>
    %dma_wait3A_334 = tpu.memref_squeeze %dma_wait3A_333 : memref<1x1x128x8xf32, #tpu.memory_space<vmem>> -> memref<128x8xf32, #tpu.memory_space<vmem>>
    %dma_wait3A_335 = arith.constant 0 : i32
    %dma_wait3A_336 = tpu.memref_slice %arg8[%dma_wait3A_327, %dma_wait3A_328, %dma_wait3A_335] : memref<2x8x128xi32, #tpu.memory_space<vmem>> -> memref<1x1x128xi32, #tpu.memory_space<vmem>>
    %dma_wait3A_337 = tpu.memref_squeeze %dma_wait3A_336 : memref<1x1x128xi32, #tpu.memory_space<vmem>> -> memref<128xi32, #tpu.memory_space<vmem>>
    %dma_wait3A_338 = arith.constant 0 : i32
    %dma_wait3A_339 = arith.constant 0 : i32
    %dma_wait3A_340 = tpu.memref_slice %arg6[%dma_wait3A_338, %dma_wait3A_339] : memref<102400x8xf32, #tpu.memory_space<vmem_shared>> -> memref<102400x8xf32, #tpu.memory_space<vmem_shared>>
    tpu.wait_indirect_dma semaphore(%arg11 : memref<!tpu.dma_semaphore, #tpu.memory_space<semaphore_mem>>) src(%dma_wait3A_340 : memref<102400x8xf32, #tpu.memory_space<vmem_shared>>) dst(%dma_wait3A_334 : memref<128x8xf32, #tpu.memory_space<vmem>>)
    %dma_wait3A_341 = arith.constant 0 : i32
    %dma_wait3A_342 = arith.constant 2 : i32
    %dma_wait3A_343 = arith.constant 0 : i32
    %dma_wait3A_344 = arith.constant 2 : i32
    %dma_wait3A_345 = arith.constant 0 : i32
    %dma_wait3A_346 = arith.constant 0 : i32
    %dma_wait3A_347 = tpu.memref_slice %arg10[%dma_wait3A_343, %dma_wait3A_344, %dma_wait3A_345, %dma_wait3A_346] : memref<2x8x128x8xf32, #tpu.memory_space<vmem>> -> memref<1x1x128x8xf32, #tpu.memory_space<vmem>>
    %dma_wait3A_348 = tpu.memref_squeeze %dma_wait3A_347 : memref<1x1x128x8xf32, #tpu.memory_space<vmem>> -> memref<128x8xf32, #tpu.memory_space<vmem>>
    %dma_wait3A_349 = arith.constant 0 : i32
    %dma_wait3A_350 = tpu.memref_slice %arg8[%dma_wait3A_341, %dma_wait3A_342, %dma_wait3A_349] : memref<2x8x128xi32, #tpu.memory_space<vmem>> -> memref<1x1x128xi32, #tpu.memory_space<vmem>>
    %dma_wait3A_351 = tpu.memref_squeeze %dma_wait3A_350 : memref<1x1x128xi32, #tpu.memory_space<vmem>> -> memref<128xi32, #tpu.memory_space<vmem>>
    %dma_wait3A_352 = arith.constant 0 : i32
    %dma_wait3A_353 = arith.constant 0 : i32
    %dma_wait3A_354 = tpu.memref_slice %arg6[%dma_wait3A_352, %dma_wait3A_353] : memref<102400x8xf32, #tpu.memory_space<vmem_shared>> -> memref<102400x8xf32, #tpu.memory_space<vmem_shared>>
    tpu.wait_indirect_dma semaphore(%arg11 : memref<!tpu.dma_semaphore, #tpu.memory_space<semaphore_mem>>) src(%dma_wait3A_354 : memref<102400x8xf32, #tpu.memory_space<vmem_shared>>) dst(%dma_wait3A_348 : memref<128x8xf32, #tpu.memory_space<vmem>>)
    %dma_wait3A_355 = arith.constant 0 : i32
    %dma_wait3A_356 = arith.constant 3 : i32
    %dma_wait3A_357 = arith.constant 0 : i32
    %dma_wait3A_358 = arith.constant 3 : i32
    %dma_wait3A_359 = arith.constant 0 : i32
    %dma_wait3A_360 = arith.constant 0 : i32
    %dma_wait3A_361 = tpu.memref_slice %arg10[%dma_wait3A_357, %dma_wait3A_358, %dma_wait3A_359, %dma_wait3A_360] : memref<2x8x128x8xf32, #tpu.memory_space<vmem>> -> memref<1x1x128x8xf32, #tpu.memory_space<vmem>>
    %dma_wait3A_362 = tpu.memref_squeeze %dma_wait3A_361 : memref<1x1x128x8xf32, #tpu.memory_space<vmem>> -> memref<128x8xf32, #tpu.memory_space<vmem>>
    %dma_wait3A_363 = arith.constant 0 : i32
    %dma_wait3A_364 = tpu.memref_slice %arg8[%dma_wait3A_355, %dma_wait3A_356, %dma_wait3A_363] : memref<2x8x128xi32, #tpu.memory_space<vmem>> -> memref<1x1x128xi32, #tpu.memory_space<vmem>>
    %dma_wait3A_365 = tpu.memref_squeeze %dma_wait3A_364 : memref<1x1x128xi32, #tpu.memory_space<vmem>> -> memref<128xi32, #tpu.memory_space<vmem>>
    %dma_wait3A_366 = arith.constant 0 : i32
    %dma_wait3A_367 = arith.constant 0 : i32
    %dma_wait3A_368 = tpu.memref_slice %arg6[%dma_wait3A_366, %dma_wait3A_367] : memref<102400x8xf32, #tpu.memory_space<vmem_shared>> -> memref<102400x8xf32, #tpu.memory_space<vmem_shared>>
    tpu.wait_indirect_dma semaphore(%arg11 : memref<!tpu.dma_semaphore, #tpu.memory_space<semaphore_mem>>) src(%dma_wait3A_368 : memref<102400x8xf32, #tpu.memory_space<vmem_shared>>) dst(%dma_wait3A_362 : memref<128x8xf32, #tpu.memory_space<vmem>>)
    %dma_wait3A_369 = arith.constant 0 : i32
    %dma_wait3A_370 = arith.constant 4 : i32
    %dma_wait3A_371 = arith.constant 0 : i32
    %dma_wait3A_372 = arith.constant 4 : i32
    %dma_wait3A_373 = arith.constant 0 : i32
    %dma_wait3A_374 = arith.constant 0 : i32
    %dma_wait3A_375 = tpu.memref_slice %arg10[%dma_wait3A_371, %dma_wait3A_372, %dma_wait3A_373, %dma_wait3A_374] : memref<2x8x128x8xf32, #tpu.memory_space<vmem>> -> memref<1x1x128x8xf32, #tpu.memory_space<vmem>>
    %dma_wait3A_376 = tpu.memref_squeeze %dma_wait3A_375 : memref<1x1x128x8xf32, #tpu.memory_space<vmem>> -> memref<128x8xf32, #tpu.memory_space<vmem>>
    %dma_wait3A_377 = arith.constant 0 : i32
    %dma_wait3A_378 = tpu.memref_slice %arg8[%dma_wait3A_369, %dma_wait3A_370, %dma_wait3A_377] : memref<2x8x128xi32, #tpu.memory_space<vmem>> -> memref<1x1x128xi32, #tpu.memory_space<vmem>>
    %dma_wait3A_379 = tpu.memref_squeeze %dma_wait3A_378 : memref<1x1x128xi32, #tpu.memory_space<vmem>> -> memref<128xi32, #tpu.memory_space<vmem>>
    %dma_wait3A_380 = arith.constant 0 : i32
    %dma_wait3A_381 = arith.constant 0 : i32
    %dma_wait3A_382 = tpu.memref_slice %arg6[%dma_wait3A_380, %dma_wait3A_381] : memref<102400x8xf32, #tpu.memory_space<vmem_shared>> -> memref<102400x8xf32, #tpu.memory_space<vmem_shared>>
    tpu.wait_indirect_dma semaphore(%arg11 : memref<!tpu.dma_semaphore, #tpu.memory_space<semaphore_mem>>) src(%dma_wait3A_382 : memref<102400x8xf32, #tpu.memory_space<vmem_shared>>) dst(%dma_wait3A_376 : memref<128x8xf32, #tpu.memory_space<vmem>>)
    %dma_start3A_383 = arith.constant 0 : i32
    %dma_start3A_384 = arith.constant 0 : i32
    %dma_start3A_385 = arith.constant 0 : i32
    %dma_start3A_386 = arith.constant 0 : i32
    %dma_start3A_387 = arith.constant 0 : i32
    %dma_start3A_388 = arith.constant 0 : i32
    %dma_start3A_389 = tpu.memref_slice %arg10[%dma_start3A_383, %dma_start3A_384, %dma_start3A_387, %dma_start3A_388] : memref<2x8x128x8xf32, #tpu.memory_space<vmem>> -> memref<1x1x128x8xf32, #tpu.memory_space<vmem>>
    %dma_start3A_390 = tpu.memref_squeeze %dma_start3A_389 : memref<1x1x128x8xf32, #tpu.memory_space<vmem>> -> memref<128x8xf32, #tpu.memory_space<vmem>>
    %dma_start3A_391 = arith.constant 0 : i32
    %dma_start3A_392 = tpu.memref_slice %arg9[%dma_start3A_385, %dma_start3A_386, %dma_start3A_391] : memref<2x8x128xi32, #tpu.memory_space<vmem>> -> memref<1x1x128xi32, #tpu.memory_space<vmem>>
    %dma_start3A_393 = tpu.memref_squeeze %dma_start3A_392 : memref<1x1x128xi32, #tpu.memory_space<vmem>> -> memref<128xi32, #tpu.memory_space<vmem>>
    %dma_start3A_394 = arith.constant 0 : i32
    %dma_start3A_395 = arith.constant 0 : i32
    %dma_start3A_396 = tpu.memref_slice %arg7[%dma_start3A_394, %dma_start3A_395] : memref<102400x8xf32, #tpu.memory_space<vmem_shared>> -> memref<102400x8xf32, #tpu.memory_space<vmem_shared>>
    tpu.enqueue_indirect_dma source(%dma_start3A_390 : memref<128x8xf32, #tpu.memory_space<vmem>>) target(%dma_start3A_396 : memref<102400x8xf32, #tpu.memory_space<vmem_shared>>) offsets(%dma_start3A_393 : memref<128xi32, #tpu.memory_space<vmem>>) semaphore(%arg12 : memref<!tpu.dma_semaphore, #tpu.memory_space<semaphore_mem>>) {add = true}
    %dma_start3A_397 = arith.constant 0 : i32
    %dma_start3A_398 = arith.constant 1 : i32
    %dma_start3A_399 = arith.constant 0 : i32
    %dma_start3A_400 = arith.constant 1 : i32
    %dma_start3A_401 = arith.constant 0 : i32
    %dma_start3A_402 = arith.constant 0 : i32
    %dma_start3A_403 = tpu.memref_slice %arg10[%dma_start3A_397, %dma_start3A_398, %dma_start3A_401, %dma_start3A_402] : memref<2x8x128x8xf32, #tpu.memory_space<vmem>> -> memref<1x1x128x8xf32, #tpu.memory_space<vmem>>
    %dma_start3A_404 = tpu.memref_squeeze %dma_start3A_403 : memref<1x1x128x8xf32, #tpu.memory_space<vmem>> -> memref<128x8xf32, #tpu.memory_space<vmem>>
    %dma_start3A_405 = arith.constant 0 : i32
    %dma_start3A_406 = tpu.memref_slice %arg9[%dma_start3A_399, %dma_start3A_400, %dma_start3A_405] : memref<2x8x128xi32, #tpu.memory_space<vmem>> -> memref<1x1x128xi32, #tpu.memory_space<vmem>>
    %dma_start3A_407 = tpu.memref_squeeze %dma_start3A_406 : memref<1x1x128xi32, #tpu.memory_space<vmem>> -> memref<128xi32, #tpu.memory_space<vmem>>
    %dma_start3A_408 = arith.constant 0 : i32
    %dma_start3A_409 = arith.constant 0 : i32
    %dma_start3A_410 = tpu.memref_slice %arg7[%dma_start3A_408, %dma_start3A_409] : memref<102400x8xf32, #tpu.memory_space<vmem_shared>> -> memref<102400x8xf32, #tpu.memory_space<vmem_shared>>
    tpu.enqueue_indirect_dma source(%dma_start3A_404 : memref<128x8xf32, #tpu.memory_space<vmem>>) target(%dma_start3A_410 : memref<102400x8xf32, #tpu.memory_space<vmem_shared>>) offsets(%dma_start3A_407 : memref<128xi32, #tpu.memory_space<vmem>>) semaphore(%arg12 : memref<!tpu.dma_semaphore, #tpu.memory_space<semaphore_mem>>) {add = true}
    %dma_start3A_411 = arith.constant 0 : i32
    %dma_start3A_412 = arith.constant 2 : i32
    %dma_start3A_413 = arith.constant 0 : i32
    %dma_start3A_414 = arith.constant 2 : i32
    %dma_start3A_415 = arith.constant 0 : i32
    %dma_start3A_416 = arith.constant 0 : i32
    %dma_start3A_417 = tpu.memref_slice %arg10[%dma_start3A_411, %dma_start3A_412, %dma_start3A_415, %dma_start3A_416] : memref<2x8x128x8xf32, #tpu.memory_space<vmem>> -> memref<1x1x128x8xf32, #tpu.memory_space<vmem>>
    %dma_start3A_418 = tpu.memref_squeeze %dma_start3A_417 : memref<1x1x128x8xf32, #tpu.memory_space<vmem>> -> memref<128x8xf32, #tpu.memory_space<vmem>>
    %dma_start3A_419 = arith.constant 0 : i32
    %dma_start3A_420 = tpu.memref_slice %arg9[%dma_start3A_413, %dma_start3A_414, %dma_start3A_419] : memref<2x8x128xi32, #tpu.memory_space<vmem>> -> memref<1x1x128xi32, #tpu.memory_space<vmem>>
    %dma_start3A_421 = tpu.memref_squeeze %dma_start3A_420 : memref<1x1x128xi32, #tpu.memory_space<vmem>> -> memref<128xi32, #tpu.memory_space<vmem>>
    %dma_start3A_422 = arith.constant 0 : i32
    %dma_start3A_423 = arith.constant 0 : i32
    %dma_start3A_424 = tpu.memref_slice %arg7[%dma_start3A_422, %dma_start3A_423] : memref<102400x8xf32, #tpu.memory_space<vmem_shared>> -> memref<102400x8xf32, #tpu.memory_space<vmem_shared>>
    tpu.enqueue_indirect_dma source(%dma_start3A_418 : memref<128x8xf32, #tpu.memory_space<vmem>>) target(%dma_start3A_424 : memref<102400x8xf32, #tpu.memory_space<vmem_shared>>) offsets(%dma_start3A_421 : memref<128xi32, #tpu.memory_space<vmem>>) semaphore(%arg12 : memref<!tpu.dma_semaphore, #tpu.memory_space<semaphore_mem>>) {add = true}
    %dma_start3A_425 = arith.constant 0 : i32
    %dma_start3A_426 = arith.constant 3 : i32
    %dma_start3A_427 = arith.constant 0 : i32
    %dma_start3A_428 = arith.constant 3 : i32
    %dma_start3A_429 = arith.constant 0 : i32
    %dma_start3A_430 = arith.constant 0 : i32
    %dma_start3A_431 = tpu.memref_slice %arg10[%dma_start3A_425, %dma_start3A_426, %dma_start3A_429, %dma_start3A_430] : memref<2x8x128x8xf32, #tpu.memory_space<vmem>> -> memref<1x1x128x8xf32, #tpu.memory_space<vmem>>
    %dma_start3A_432 = tpu.memref_squeeze %dma_start3A_431 : memref<1x1x128x8xf32, #tpu.memory_space<vmem>> -> memref<128x8xf32, #tpu.memory_space<vmem>>
    %dma_start3A_433 = arith.constant 0 : i32
    %dma_start3A_434 = tpu.memref_slice %arg9[%dma_start3A_427, %dma_start3A_428, %dma_start3A_433] : memref<2x8x128xi32, #tpu.memory_space<vmem>> -> memref<1x1x128xi32, #tpu.memory_space<vmem>>
    %dma_start3A_435 = tpu.memref_squeeze %dma_start3A_434 : memref<1x1x128xi32, #tpu.memory_space<vmem>> -> memref<128xi32, #tpu.memory_space<vmem>>
    %dma_start3A_436 = arith.constant 0 : i32
    %dma_start3A_437 = arith.constant 0 : i32
    %dma_start3A_438 = tpu.memref_slice %arg7[%dma_start3A_436, %dma_start3A_437] : memref<102400x8xf32, #tpu.memory_space<vmem_shared>> -> memref<102400x8xf32, #tpu.memory_space<vmem_shared>>
    tpu.enqueue_indirect_dma source(%dma_start3A_432 : memref<128x8xf32, #tpu.memory_space<vmem>>) target(%dma_start3A_438 : memref<102400x8xf32, #tpu.memory_space<vmem_shared>>) offsets(%dma_start3A_435 : memref<128xi32, #tpu.memory_space<vmem>>) semaphore(%arg12 : memref<!tpu.dma_semaphore, #tpu.memory_space<semaphore_mem>>) {add = true}
    %dma_start3A_439 = arith.constant 0 : i32
    %dma_start3A_440 = arith.constant 4 : i32
    %dma_start3A_441 = arith.constant 0 : i32
    %dma_start3A_442 = arith.constant 4 : i32
    %dma_start3A_443 = arith.constant 0 : i32
    %dma_start3A_444 = arith.constant 0 : i32
    %dma_start3A_445 = tpu.memref_slice %arg10[%dma_start3A_439, %dma_start3A_440, %dma_start3A_443, %dma_start3A_444] : memref<2x8x128x8xf32, #tpu.memory_space<vmem>> -> memref<1x1x128x8xf32, #tpu.memory_space<vmem>>
    %dma_start3A_446 = tpu.memref_squeeze %dma_start3A_445 : memref<1x1x128x8xf32, #tpu.memory_space<vmem>> -> memref<128x8xf32, #tpu.memory_space<vmem>>
    %dma_start3A_447 = arith.constant 0 : i32
    %dma_start3A_448 = tpu.memref_slice %arg9[%dma_start3A_441, %dma_start3A_442, %dma_start3A_447] : memref<2x8x128xi32, #tpu.memory_space<vmem>> -> memref<1x1x128xi32, #tpu.memory_space<vmem>>
    %dma_start3A_449 = tpu.memref_squeeze %dma_start3A_448 : memref<1x1x128xi32, #tpu.memory_space<vmem>> -> memref<128xi32, #tpu.memory_space<vmem>>
    %dma_start3A_450 = arith.constant 0 : i32
    %dma_start3A_451 = arith.constant 0 : i32
    %dma_start3A_452 = tpu.memref_slice %arg7[%dma_start3A_450, %dma_start3A_451] : memref<102400x8xf32, #tpu.memory_space<vmem_shared>> -> memref<102400x8xf32, #tpu.memory_space<vmem_shared>>
    tpu.enqueue_indirect_dma source(%dma_start3A_446 : memref<128x8xf32, #tpu.memory_space<vmem>>) target(%dma_start3A_452 : memref<102400x8xf32, #tpu.memory_space<vmem_shared>>) offsets(%dma_start3A_449 : memref<128xi32, #tpu.memory_space<vmem>>) semaphore(%arg12 : memref<!tpu.dma_semaphore, #tpu.memory_space<semaphore_mem>>) {add = true}
    %dma_wait3A_453 = arith.constant 0 : i32
    %dma_wait3A_454 = arith.constant 0 : i32
    %dma_wait3A_455 = arith.constant 0 : i32
    %dma_wait3A_456 = arith.constant 0 : i32
    %dma_wait3A_457 = arith.constant 0 : i32
    %dma_wait3A_458 = arith.constant 0 : i32
    %dma_wait3A_459 = tpu.memref_slice %arg10[%dma_wait3A_453, %dma_wait3A_454, %dma_wait3A_457, %dma_wait3A_458] : memref<2x8x128x8xf32, #tpu.memory_space<vmem>> -> memref<1x1x128x8xf32, #tpu.memory_space<vmem>>
    %dma_wait3A_460 = tpu.memref_squeeze %dma_wait3A_459 : memref<1x1x128x8xf32, #tpu.memory_space<vmem>> -> memref<128x8xf32, #tpu.memory_space<vmem>>
    %dma_wait3A_461 = arith.constant 0 : i32
    %dma_wait3A_462 = tpu.memref_slice %arg9[%dma_wait3A_455, %dma_wait3A_456, %dma_wait3A_461] : memref<2x8x128xi32, #tpu.memory_space<vmem>> -> memref<1x1x128xi32, #tpu.memory_space<vmem>>
    %dma_wait3A_463 = tpu.memref_squeeze %dma_wait3A_462 : memref<1x1x128xi32, #tpu.memory_space<vmem>> -> memref<128xi32, #tpu.memory_space<vmem>>
    %dma_wait3A_464 = arith.constant 0 : i32
    %dma_wait3A_465 = arith.constant 0 : i32
    %dma_wait3A_466 = tpu.memref_slice %arg7[%dma_wait3A_464, %dma_wait3A_465] : memref<102400x8xf32, #tpu.memory_space<vmem_shared>> -> memref<102400x8xf32, #tpu.memory_space<vmem_shared>>
    tpu.wait_indirect_dma semaphore(%arg12 : memref<!tpu.dma_semaphore, #tpu.memory_space<semaphore_mem>>) src(%dma_wait3A_460 : memref<128x8xf32, #tpu.memory_space<vmem>>) dst(%dma_wait3A_466 : memref<102400x8xf32, #tpu.memory_space<vmem_shared>>)
    %dma_wait3A_467 = arith.constant 0 : i32
    %dma_wait3A_468 = arith.constant 1 : i32
    %dma_wait3A_469 = arith.constant 0 : i32
    %dma_wait3A_470 = arith.constant 1 : i32
    %dma_wait3A_471 = arith.constant 0 : i32
    %dma_wait3A_472 = arith.constant 0 : i32
    %dma_wait3A_473 = tpu.memref_slice %arg10[%dma_wait3A_467, %dma_wait3A_468, %dma_wait3A_471, %dma_wait3A_472] : memref<2x8x128x8xf32, #tpu.memory_space<vmem>> -> memref<1x1x128x8xf32, #tpu.memory_space<vmem>>
    %dma_wait3A_474 = tpu.memref_squeeze %dma_wait3A_473 : memref<1x1x128x8xf32, #tpu.memory_space<vmem>> -> memref<128x8xf32, #tpu.memory_space<vmem>>
    %dma_wait3A_475 = arith.constant 0 : i32
    %dma_wait3A_476 = tpu.memref_slice %arg9[%dma_wait3A_469, %dma_wait3A_470, %dma_wait3A_475] : memref<2x8x128xi32, #tpu.memory_space<vmem>> -> memref<1x1x128xi32, #tpu.memory_space<vmem>>
    %dma_wait3A_477 = tpu.memref_squeeze %dma_wait3A_476 : memref<1x1x128xi32, #tpu.memory_space<vmem>> -> memref<128xi32, #tpu.memory_space<vmem>>
    %dma_wait3A_478 = arith.constant 0 : i32
    %dma_wait3A_479 = arith.constant 0 : i32
    %dma_wait3A_480 = tpu.memref_slice %arg7[%dma_wait3A_478, %dma_wait3A_479] : memref<102400x8xf32, #tpu.memory_space<vmem_shared>> -> memref<102400x8xf32, #tpu.memory_space<vmem_shared>>
    tpu.wait_indirect_dma semaphore(%arg12 : memref<!tpu.dma_semaphore, #tpu.memory_space<semaphore_mem>>) src(%dma_wait3A_474 : memref<128x8xf32, #tpu.memory_space<vmem>>) dst(%dma_wait3A_480 : memref<102400x8xf32, #tpu.memory_space<vmem_shared>>)
    %dma_wait3A_481 = arith.constant 0 : i32
    %dma_wait3A_482 = arith.constant 2 : i32
    %dma_wait3A_483 = arith.constant 0 : i32
    %dma_wait3A_484 = arith.constant 2 : i32
    %dma_wait3A_485 = arith.constant 0 : i32
    %dma_wait3A_486 = arith.constant 0 : i32
    %dma_wait3A_487 = tpu.memref_slice %arg10[%dma_wait3A_481, %dma_wait3A_482, %dma_wait3A_485, %dma_wait3A_486] : memref<2x8x128x8xf32, #tpu.memory_space<vmem>> -> memref<1x1x128x8xf32, #tpu.memory_space<vmem>>
    %dma_wait3A_488 = tpu.memref_squeeze %dma_wait3A_487 : memref<1x1x128x8xf32, #tpu.memory_space<vmem>> -> memref<128x8xf32, #tpu.memory_space<vmem>>
    %dma_wait3A_489 = arith.constant 0 : i32
    %dma_wait3A_490 = tpu.memref_slice %arg9[%dma_wait3A_483, %dma_wait3A_484, %dma_wait3A_489] : memref<2x8x128xi32, #tpu.memory_space<vmem>> -> memref<1x1x128xi32, #tpu.memory_space<vmem>>
    %dma_wait3A_491 = tpu.memref_squeeze %dma_wait3A_490 : memref<1x1x128xi32, #tpu.memory_space<vmem>> -> memref<128xi32, #tpu.memory_space<vmem>>
    %dma_wait3A_492 = arith.constant 0 : i32
    %dma_wait3A_493 = arith.constant 0 : i32
    %dma_wait3A_494 = tpu.memref_slice %arg7[%dma_wait3A_492, %dma_wait3A_493] : memref<102400x8xf32, #tpu.memory_space<vmem_shared>> -> memref<102400x8xf32, #tpu.memory_space<vmem_shared>>
    tpu.wait_indirect_dma semaphore(%arg12 : memref<!tpu.dma_semaphore, #tpu.memory_space<semaphore_mem>>) src(%dma_wait3A_488 : memref<128x8xf32, #tpu.memory_space<vmem>>) dst(%dma_wait3A_494 : memref<102400x8xf32, #tpu.memory_space<vmem_shared>>)
    %dma_wait3A_495 = arith.constant 0 : i32
    %dma_wait3A_496 = arith.constant 3 : i32
    %dma_wait3A_497 = arith.constant 0 : i32
    %dma_wait3A_498 = arith.constant 3 : i32
    %dma_wait3A_499 = arith.constant 0 : i32
    %dma_wait3A_500 = arith.constant 0 : i32
    %dma_wait3A_501 = tpu.memref_slice %arg10[%dma_wait3A_495, %dma_wait3A_496, %dma_wait3A_499, %dma_wait3A_500] : memref<2x8x128x8xf32, #tpu.memory_space<vmem>> -> memref<1x1x128x8xf32, #tpu.memory_space<vmem>>
    %dma_wait3A_502 = tpu.memref_squeeze %dma_wait3A_501 : memref<1x1x128x8xf32, #tpu.memory_space<vmem>> -> memref<128x8xf32, #tpu.memory_space<vmem>>
    %dma_wait3A_503 = arith.constant 0 : i32
    %dma_wait3A_504 = tpu.memref_slice %arg9[%dma_wait3A_497, %dma_wait3A_498, %dma_wait3A_503] : memref<2x8x128xi32, #tpu.memory_space<vmem>> -> memref<1x1x128xi32, #tpu.memory_space<vmem>>
    %dma_wait3A_505 = tpu.memref_squeeze %dma_wait3A_504 : memref<1x1x128xi32, #tpu.memory_space<vmem>> -> memref<128xi32, #tpu.memory_space<vmem>>
    %dma_wait3A_506 = arith.constant 0 : i32
    %dma_wait3A_507 = arith.constant 0 : i32
    %dma_wait3A_508 = tpu.memref_slice %arg7[%dma_wait3A_506, %dma_wait3A_507] : memref<102400x8xf32, #tpu.memory_space<vmem_shared>> -> memref<102400x8xf32, #tpu.memory_space<vmem_shared>>
    tpu.wait_indirect_dma semaphore(%arg12 : memref<!tpu.dma_semaphore, #tpu.memory_space<semaphore_mem>>) src(%dma_wait3A_502 : memref<128x8xf32, #tpu.memory_space<vmem>>) dst(%dma_wait3A_508 : memref<102400x8xf32, #tpu.memory_space<vmem_shared>>)
    %dma_wait3A_509 = arith.constant 0 : i32
    %dma_wait3A_510 = arith.constant 4 : i32
    %dma_wait3A_511 = arith.constant 0 : i32
    %dma_wait3A_512 = arith.constant 4 : i32
    %dma_wait3A_513 = arith.constant 0 : i32
    %dma_wait3A_514 = arith.constant 0 : i32
    %dma_wait3A_515 = tpu.memref_slice %arg10[%dma_wait3A_509, %dma_wait3A_510, %dma_wait3A_513, %dma_wait3A_514] : memref<2x8x128x8xf32, #tpu.memory_space<vmem>> -> memref<1x1x128x8xf32, #tpu.memory_space<vmem>>
    %dma_wait3A_516 = tpu.memref_squeeze %dma_wait3A_515 : memref<1x1x128x8xf32, #tpu.memory_space<vmem>> -> memref<128x8xf32, #tpu.memory_space<vmem>>
    %dma_wait3A_517 = arith.constant 0 : i32
    %dma_wait3A_518 = tpu.memref_slice %arg9[%dma_wait3A_511, %dma_wait3A_512, %dma_wait3A_517] : memref<2x8x128xi32, #tpu.memory_space<vmem>> -> memref<1x1x128xi32, #tpu.memory_space<vmem>>
    %dma_wait3A_519 = tpu.memref_squeeze %dma_wait3A_518 : memref<1x1x128xi32, #tpu.memory_space<vmem>> -> memref<128xi32, #tpu.memory_space<vmem>>
    %dma_wait3A_520 = arith.constant 0 : i32
    %dma_wait3A_521 = arith.constant 0 : i32
    %dma_wait3A_522 = tpu.memref_slice %arg7[%dma_wait3A_520, %dma_wait3A_521] : memref<102400x8xf32, #tpu.memory_space<vmem_shared>> -> memref<102400x8xf32, #tpu.memory_space<vmem_shared>>
    tpu.wait_indirect_dma semaphore(%arg12 : memref<!tpu.dma_semaphore, #tpu.memory_space<semaphore_mem>>) src(%dma_wait3A_516 : memref<128x8xf32, #tpu.memory_space<vmem>>) dst(%dma_wait3A_522 : memref<102400x8xf32, #tpu.memory_space<vmem_shared>>)
    %lt3A_523 = arith.constant 8 : i32
    %lt3A_524 = arith.cmpi slt, %add3A, %lt3A_523 : i32
    %convert_element_type3A_525 = arith.extui %lt3A_524 : i1 to i32
    %cond3A_526 = arith.constant 0 : i32
    %cond3A_527 = arith.cmpi ne, %convert_element_type3A_525, %cond3A_526 : i32
    scf.if %cond3A_527 {
      %dma_start3A_531 = arith.constant 0 : i32
      %dma_start3A_532 = arith.constant 5 : i32
      %dma_start3A_533 = arith.constant 0 : i32
      %dma_start3A_534 = arith.constant 5 : i32
      %dma_start3A_535 = arith.constant 0 : i32
      %dma_start3A_536 = arith.constant 0 : i32
      %dma_start3A_537 = tpu.memref_slice %arg10[%dma_start3A_533, %dma_start3A_534, %dma_start3A_535, %dma_start3A_536] : memref<2x8x128x8xf32, #tpu.memory_space<vmem>> -> memref<1x1x128x8xf32, #tpu.memory_space<vmem>>
      %dma_start3A_538 = tpu.memref_squeeze %dma_start3A_537 : memref<1x1x128x8xf32, #tpu.memory_space<vmem>> -> memref<128x8xf32, #tpu.memory_space<vmem>>
      %dma_start3A_539 = arith.constant 0 : i32
      %dma_start3A_540 = tpu.memref_slice %arg8[%dma_start3A_531, %dma_start3A_532, %dma_start3A_539] : memref<2x8x128xi32, #tpu.memory_space<vmem>> -> memref<1x1x128xi32, #tpu.memory_space<vmem>>
      %dma_start3A_541 = tpu.memref_squeeze %dma_start3A_540 : memref<1x1x128xi32, #tpu.memory_space<vmem>> -> memref<128xi32, #tpu.memory_space<vmem>>
      %dma_start3A_542 = arith.constant 0 : i32
      %dma_start3A_543 = arith.constant 0 : i32
      %dma_start3A_544 = tpu.memref_slice %arg6[%dma_start3A_542, %dma_start3A_543] : memref<102400x8xf32, #tpu.memory_space<vmem_shared>> -> memref<102400x8xf32, #tpu.memory_space<vmem_shared>>
      tpu.enqueue_indirect_dma source(%dma_start3A_544 : memref<102400x8xf32, #tpu.memory_space<vmem_shared>>) target(%dma_start3A_538 : memref<128x8xf32, #tpu.memory_space<vmem>>) offsets(%dma_start3A_541 : memref<128xi32, #tpu.memory_space<vmem>>) semaphore(%arg11 : memref<!tpu.dma_semaphore, #tpu.memory_space<semaphore_mem>>)
      %dma_wait3A_545 = arith.constant 0 : i32
      %dma_wait3A_546 = arith.constant 5 : i32
      %dma_wait3A_547 = arith.constant 0 : i32
      %dma_wait3A_548 = arith.constant 5 : i32
      %dma_wait3A_549 = arith.constant 0 : i32
      %dma_wait3A_550 = arith.constant 0 : i32
      %dma_wait3A_551 = tpu.memref_slice %arg10[%dma_wait3A_547, %dma_wait3A_548, %dma_wait3A_549, %dma_wait3A_550] : memref<2x8x128x8xf32, #tpu.memory_space<vmem>> -> memref<1x1x128x8xf32, #tpu.memory_space<vmem>>
      %dma_wait3A_552 = tpu.memref_squeeze %dma_wait3A_551 : memref<1x1x128x8xf32, #tpu.memory_space<vmem>> -> memref<128x8xf32, #tpu.memory_space<vmem>>
      %dma_wait3A_553 = arith.constant 0 : i32
      %dma_wait3A_554 = tpu.memref_slice %arg8[%dma_wait3A_545, %dma_wait3A_546, %dma_wait3A_553] : memref<2x8x128xi32, #tpu.memory_space<vmem>> -> memref<1x1x128xi32, #tpu.memory_space<vmem>>
      %dma_wait3A_555 = tpu.memref_squeeze %dma_wait3A_554 : memref<1x1x128xi32, #tpu.memory_space<vmem>> -> memref<128xi32, #tpu.memory_space<vmem>>
      %dma_wait3A_556 = arith.constant 0 : i32
      %dma_wait3A_557 = arith.constant 0 : i32
      %dma_wait3A_558 = tpu.memref_slice %arg6[%dma_wait3A_556, %dma_wait3A_557] : memref<102400x8xf32, #tpu.memory_space<vmem_shared>> -> memref<102400x8xf32, #tpu.memory_space<vmem_shared>>
      tpu.wait_indirect_dma semaphore(%arg11 : memref<!tpu.dma_semaphore, #tpu.memory_space<semaphore_mem>>) src(%dma_wait3A_558 : memref<102400x8xf32, #tpu.memory_space<vmem_shared>>) dst(%dma_wait3A_552 : memref<128x8xf32, #tpu.memory_space<vmem>>)
      %dma_start3A_559 = arith.constant 0 : i32
      %dma_start3A_560 = arith.constant 5 : i32
      %dma_start3A_561 = arith.constant 0 : i32
      %dma_start3A_562 = arith.constant 5 : i32
      %dma_start3A_563 = arith.constant 0 : i32
      %dma_start3A_564 = arith.constant 0 : i32
      %dma_start3A_565 = tpu.memref_slice %arg10[%dma_start3A_559, %dma_start3A_560, %dma_start3A_563, %dma_start3A_564] : memref<2x8x128x8xf32, #tpu.memory_space<vmem>> -> memref<1x1x128x8xf32, #tpu.memory_space<vmem>>
      %dma_start3A_566 = tpu.memref_squeeze %dma_start3A_565 : memref<1x1x128x8xf32, #tpu.memory_space<vmem>> -> memref<128x8xf32, #tpu.memory_space<vmem>>
      %dma_start3A_567 = arith.constant 0 : i32
      %dma_start3A_568 = tpu.memref_slice %arg9[%dma_start3A_561, %dma_start3A_562, %dma_start3A_567] : memref<2x8x128xi32, #tpu.memory_space<vmem>> -> memref<1x1x128xi32, #tpu.memory_space<vmem>>
      %dma_start3A_569 = tpu.memref_squeeze %dma_start3A_568 : memref<1x1x128xi32, #tpu.memory_space<vmem>> -> memref<128xi32, #tpu.memory_space<vmem>>
      %dma_start3A_570 = arith.constant 0 : i32
      %dma_start3A_571 = arith.constant 0 : i32
      %dma_start3A_572 = tpu.memref_slice %arg7[%dma_start3A_570, %dma_start3A_571] : memref<102400x8xf32, #tpu.memory_space<vmem_shared>> -> memref<102400x8xf32, #tpu.memory_space<vmem_shared>>
      tpu.enqueue_indirect_dma source(%dma_start3A_566 : memref<128x8xf32, #tpu.memory_space<vmem>>) target(%dma_start3A_572 : memref<102400x8xf32, #tpu.memory_space<vmem_shared>>) offsets(%dma_start3A_569 : memref<128xi32, #tpu.memory_space<vmem>>) semaphore(%arg12 : memref<!tpu.dma_semaphore, #tpu.memory_space<semaphore_mem>>) {add = true}
      %dma_wait3A_573 = arith.constant 0 : i32
      %dma_wait3A_574 = arith.constant 5 : i32
      %dma_wait3A_575 = arith.constant 0 : i32
      %dma_wait3A_576 = arith.constant 5 : i32
      %dma_wait3A_577 = arith.constant 0 : i32
      %dma_wait3A_578 = arith.constant 0 : i32
      %dma_wait3A_579 = tpu.memref_slice %arg10[%dma_wait3A_573, %dma_wait3A_574, %dma_wait3A_577, %dma_wait3A_578] : memref<2x8x128x8xf32, #tpu.memory_space<vmem>> -> memref<1x1x128x8xf32, #tpu.memory_space<vmem>>
      %dma_wait3A_580 = tpu.memref_squeeze %dma_wait3A_579 : memref<1x1x128x8xf32, #tpu.memory_space<vmem>> -> memref<128x8xf32, #tpu.memory_space<vmem>>
      %dma_wait3A_581 = arith.constant 0 : i32
      %dma_wait3A_582 = tpu.memref_slice %arg9[%dma_wait3A_575, %dma_wait3A_576, %dma_wait3A_581] : memref<2x8x128xi32, #tpu.memory_space<vmem>> -> memref<1x1x128xi32, #tpu.memory_space<vmem>>
      %dma_wait3A_583 = tpu.memref_squeeze %dma_wait3A_582 : memref<1x1x128xi32, #tpu.memory_space<vmem>> -> memref<128xi32, #tpu.memory_space<vmem>>
      %dma_wait3A_584 = arith.constant 0 : i32
      %dma_wait3A_585 = arith.constant 0 : i32
      %dma_wait3A_586 = tpu.memref_slice %arg7[%dma_wait3A_584, %dma_wait3A_585] : memref<102400x8xf32, #tpu.memory_space<vmem_shared>> -> memref<102400x8xf32, #tpu.memory_space<vmem_shared>>
      tpu.wait_indirect_dma semaphore(%arg12 : memref<!tpu.dma_semaphore, #tpu.memory_space<semaphore_mem>>) src(%dma_wait3A_580 : memref<128x8xf32, #tpu.memory_space<vmem>>) dst(%dma_wait3A_586 : memref<102400x8xf32, #tpu.memory_space<vmem_shared>>)
    } else {
    }
    %barrier3A_528 = arith.constant 0 : index
    tpu.barrier barrier_id(%barrier3A_528)
    %mul3A_529 = arith.constant 6400 : i32
    %mul3A_530 = arith.muli %arg1, %mul3A_529 : i32
    "tpu.region"() ({
      %run_scoped3A_531 = tpu.sem_alloc : memref<!tpu.dma_semaphore, #tpu.memory_space<semaphore_mem>>
      %dma_start3A_532 = arith.constant 0 : i32
      %dma_start3A_533 = tpu.memref_slice %arg5[%arg0, %mul3A_530, %dma_start3A_532] : memref<2x102400x8xf32, #tpu.memory_space<hbm>> -> memref<1x6400x8xf32, #tpu.memory_space<hbm>>
      %dma_start3A_534 = tpu.memref_squeeze %dma_start3A_533 : memref<1x6400x8xf32, #tpu.memory_space<hbm>> -> memref<6400x8xf32, #tpu.memory_space<hbm>>
      %dma_start3A_535 = arith.constant 0 : i32
      %dma_start3A_536 = tpu.memref_slice %arg7[%mul3A_530, %dma_start3A_535] : memref<102400x8xf32, #tpu.memory_space<vmem_shared>> -> memref<6400x8xf32, #tpu.memory_space<vmem_shared>>
      tpu.enqueue_dma source(%dma_start3A_536 : memref<6400x8xf32, #tpu.memory_space<vmem_shared>>) target(%dma_start3A_534 : memref<6400x8xf32, #tpu.memory_space<hbm>>) target_semaphore(%run_scoped3A_531 : memref<!tpu.dma_semaphore, #tpu.memory_space<semaphore_mem>>)
      %dma_wait3A_537 = arith.constant 0 : i32
      %dma_wait3A_538 = tpu.memref_slice %arg5[%arg0, %mul3A_530, %dma_wait3A_537] : memref<2x102400x8xf32, #tpu.memory_space<hbm>> -> memref<1x6400x8xf32, #tpu.memory_space<hbm>>
      %dma_wait3A_539 = tpu.memref_squeeze %dma_wait3A_538 : memref<1x6400x8xf32, #tpu.memory_space<hbm>> -> memref<6400x8xf32, #tpu.memory_space<hbm>>
      %dma_wait3A_540 = arith.constant 0 : i32
      %dma_wait3A_541 = tpu.memref_slice %arg7[%mul3A_530, %dma_wait3A_540] : memref<102400x8xf32, #tpu.memory_space<vmem_shared>> -> memref<6400x8xf32, #tpu.memory_space<vmem_shared>>
      tpu.wait_dma2 semaphore(%run_scoped3A_531 : memref<!tpu.dma_semaphore, #tpu.memory_space<semaphore_mem>>) src(%dma_wait3A_541 : memref<6400x8xf32, #tpu.memory_space<vmem_shared>>) dst(%dma_wait3A_539 : memref<6400x8xf32, #tpu.memory_space<hbm>>)
      tpu.yield
    }) : () -> ()
    return
  }
}

#map = affine_map<(d0, d1) -> (0, 0)>
#map1 = affine_map<(d0, d1) -> (0, 0, 0)>
module attributes {stable_mosaic.version = 14 : i64} {
  func.func @_sc_pass1(%arg0: i32, %arg1: i32, %arg2: memref<102400x8xf32, #tpu.memory_space<hbm>>, %arg3: memref<25000x2x128xi32, #tpu.memory_space<hbm>>, %arg4: memref<102400x8xf32, #tpu.memory_space<hbm>>, %arg5: memref<2x102400x8xf32, #tpu.memory_space<hbm>>, %arg6: memref<102400x8xf32, #tpu.memory_space<vmem_shared>>, %arg7: memref<102400x8xf32, #tpu.memory_space<vmem_shared>>, %arg8: memref<2x8x128xi32, #tpu.memory_space<vmem>>, %arg9: memref<2x8x128xi32, #tpu.memory_space<vmem>>, %arg10: memref<2x8x128x8xf32, #tpu.memory_space<vmem>>, %arg11: memref<!tpu.dma_semaphore, #tpu.memory_space<semaphore_mem>>, %arg12: memref<!tpu.dma_semaphore, #tpu.memory_space<semaphore_mem>>) attributes {dimension_semantics = [#tpu.dimension_semantics<core_parallel>, #tpu.dimension_semantics<subcore_parallel>], iteration_bounds = array<i64: 2, 16>, scalar_prefetch = 0 : i64, scratch_operands = 7 : i64, tpu.core_type = #tpu.core_type<sc_vector_subcore>, window_params = [{transform_indices = #map}, {transform_indices = #map1}, {transform_indices = #map}, {transform_indices = #map1}]} {
    %mul3A = arith.constant 2 : i32
    %mul3A_0 = arith.muli %arg1, %mul3A : i32
    %add3A = arith.addi %mul3A_0, %arg0 : i32
    %mul3A_1 = arith.constant 6400 : i32
    %mul3A_2 = arith.muli %arg1, %mul3A_1 : i32
    "tpu.region"() ({
      %run_scoped3A_531 = tpu.sem_alloc : memref<!tpu.dma_semaphore, #tpu.memory_space<semaphore_mem>>
      %dma_start3A_532 = arith.constant 0 : i32
      %dma_start3A_533 = tpu.memref_slice %arg6[%mul3A_2, %dma_start3A_532] : memref<102400x8xf32, #tpu.memory_space<vmem_shared>> -> memref<6400x8xf32, #tpu.memory_space<vmem_shared>>
      %dma_start3A_534 = arith.constant 0 : i32
      %dma_start3A_535 = tpu.memref_slice %arg2[%mul3A_2, %dma_start3A_534] : memref<102400x8xf32, #tpu.memory_space<hbm>> -> memref<6400x8xf32, #tpu.memory_space<hbm>>
      tpu.enqueue_dma source(%dma_start3A_535 : memref<6400x8xf32, #tpu.memory_space<hbm>>) target(%dma_start3A_533 : memref<6400x8xf32, #tpu.memory_space<vmem_shared>>) target_semaphore(%run_scoped3A_531 : memref<!tpu.dma_semaphore, #tpu.memory_space<semaphore_mem>>)
      %dma_wait3A_536 = arith.constant 0 : i32
      %dma_wait3A_537 = tpu.memref_slice %arg6[%mul3A_2, %dma_wait3A_536] : memref<102400x8xf32, #tpu.memory_space<vmem_shared>> -> memref<6400x8xf32, #tpu.memory_space<vmem_shared>>
      %dma_wait3A_538 = arith.constant 0 : i32
      %dma_wait3A_539 = tpu.memref_slice %arg2[%mul3A_2, %dma_wait3A_538] : memref<102400x8xf32, #tpu.memory_space<hbm>> -> memref<6400x8xf32, #tpu.memory_space<hbm>>
      tpu.wait_dma2 semaphore(%run_scoped3A_531 : memref<!tpu.dma_semaphore, #tpu.memory_space<semaphore_mem>>) src(%dma_wait3A_539 : memref<6400x8xf32, #tpu.memory_space<hbm>>) dst(%dma_wait3A_537 : memref<6400x8xf32, #tpu.memory_space<vmem_shared>>)
      tpu.yield
    }) : () -> ()
    "tpu.region"() ({
      %run_scoped3A_531 = tpu.sem_alloc : memref<!tpu.dma_semaphore, #tpu.memory_space<semaphore_mem>>
      %dma_start3A_532 = arith.constant 0 : i32
      %dma_start3A_533 = tpu.memref_slice %arg7[%mul3A_2, %dma_start3A_532] : memref<102400x8xf32, #tpu.memory_space<vmem_shared>> -> memref<6400x8xf32, #tpu.memory_space<vmem_shared>>
      %dma_start3A_534 = arith.constant 0 : i32
      %dma_start3A_535 = tpu.memref_slice %arg4[%mul3A_2, %dma_start3A_534] : memref<102400x8xf32, #tpu.memory_space<hbm>> -> memref<6400x8xf32, #tpu.memory_space<hbm>>
      tpu.enqueue_dma source(%dma_start3A_535 : memref<6400x8xf32, #tpu.memory_space<hbm>>) target(%dma_start3A_533 : memref<6400x8xf32, #tpu.memory_space<vmem_shared>>) target_semaphore(%run_scoped3A_531 : memref<!tpu.dma_semaphore, #tpu.memory_space<semaphore_mem>>)
      %dma_wait3A_536 = arith.constant 0 : i32
      %dma_wait3A_537 = tpu.memref_slice %arg7[%mul3A_2, %dma_wait3A_536] : memref<102400x8xf32, #tpu.memory_space<vmem_shared>> -> memref<6400x8xf32, #tpu.memory_space<vmem_shared>>
      %dma_wait3A_538 = arith.constant 0 : i32
      %dma_wait3A_539 = tpu.memref_slice %arg4[%mul3A_2, %dma_wait3A_538] : memref<102400x8xf32, #tpu.memory_space<hbm>> -> memref<6400x8xf32, #tpu.memory_space<hbm>>
      tpu.wait_dma2 semaphore(%run_scoped3A_531 : memref<!tpu.dma_semaphore, #tpu.memory_space<semaphore_mem>>) src(%dma_wait3A_539 : memref<6400x8xf32, #tpu.memory_space<hbm>>) dst(%dma_wait3A_537 : memref<6400x8xf32, #tpu.memory_space<vmem_shared>>)
      tpu.yield
    }) : () -> ()
    %barrier3A = arith.constant 0 : index
    tpu.barrier barrier_id(%barrier3A)
    %mul3A_3 = arith.constant 781 : i32
    %mul3A_4 = arith.muli %add3A, %mul3A_3 : i32
    %run_scoped3A = arith.constant 0 : i32
    %run_scoped3A_5 = arith.constant 0 : i32
    "tpu.region"() ({
      %run_scoped3A_531 = tpu.sem_alloc : memref<!tpu.dma_semaphore, #tpu.memory_space<semaphore_mem>>
      %dma_start3A_532 = arith.constant 0 : i32
      %dma_start3A_533 = arith.constant 0 : i32
      %dma_start3A_534 = tpu.memref_slice %arg8[%run_scoped3A_5, %dma_start3A_532, %dma_start3A_533] : memref<2x8x128xi32, #tpu.memory_space<vmem>> -> memref<1x8x128xi32, #tpu.memory_space<vmem>>
      %dma_start3A_535 = tpu.memref_squeeze %dma_start3A_534 : memref<1x8x128xi32, #tpu.memory_space<vmem>> -> memref<8x128xi32, #tpu.memory_space<vmem>>
      %dma_start3A_536 = arith.constant 0 : i32
      %dma_start3A_537 = tpu.memref_slice %arg3[%mul3A_4, %run_scoped3A, %dma_start3A_536] : memref<25000x2x128xi32, #tpu.memory_space<hbm>> -> memref<8x1x128xi32, #tpu.memory_space<hbm>>
      %dma_start3A_538 = tpu.memref_squeeze %dma_start3A_537 : memref<8x1x128xi32, #tpu.memory_space<hbm>> -> memref<8x128xi32, #tpu.memory_space<hbm>>
      %dma_start3A_539 = arith.constant 0 : i32
      %dma_start3A_540 = arith.constant 0 : i32
      %dma_start3A_541 = tpu.memref_slice %arg8[%run_scoped3A_5, %dma_start3A_539, %dma_start3A_540] : memref<2x8x128xi32, #tpu.memory_space<vmem>> -> memref<1x8x128xi32, #tpu.memory_space<vmem>>
      %dma_start3A_542 = tpu.memref_squeeze %dma_start3A_541 : memref<1x8x128xi32, #tpu.memory_space<vmem>> -> memref<8x128xi32, #tpu.memory_space<vmem>>
      %dma_start3A_543 = arith.constant 0 : i32
      %dma_start3A_544 = tpu.memref_slice %arg3[%mul3A_4, %run_scoped3A, %dma_start3A_543] : memref<25000x2x128xi32, #tpu.memory_space<hbm>> -> memref<8x1x128xi32, #tpu.memory_space<hbm>>
      %dma_start3A_545 = tpu.memref_squeeze %dma_start3A_544 : memref<8x1x128xi32, #tpu.memory_space<hbm>> -> memref<8x128xi32, #tpu.memory_space<hbm>>
      tpu.enqueue_dma source(%dma_start3A_545 : memref<8x128xi32, #tpu.memory_space<hbm>>) target(%dma_start3A_542 : memref<8x128xi32, #tpu.memory_space<vmem>>) target_semaphore(%run_scoped3A_531 : memref<!tpu.dma_semaphore, #tpu.memory_space<semaphore_mem>>)
      %dma_wait3A_546 = arith.constant 0 : i32
      %dma_wait3A_547 = arith.constant 0 : i32
      %dma_wait3A_548 = tpu.memref_slice %arg8[%run_scoped3A_5, %dma_wait3A_546, %dma_wait3A_547] : memref<2x8x128xi32, #tpu.memory_space<vmem>> -> memref<1x8x128xi32, #tpu.memory_space<vmem>>
      %dma_wait3A_549 = tpu.memref_squeeze %dma_wait3A_548 : memref<1x8x128xi32, #tpu.memory_space<vmem>> -> memref<8x128xi32, #tpu.memory_space<vmem>>
      %dma_wait3A_550 = arith.constant 0 : i32
      %dma_wait3A_551 = tpu.memref_slice %arg3[%mul3A_4, %run_scoped3A, %dma_wait3A_550] : memref<25000x2x128xi32, #tpu.memory_space<hbm>> -> memref<8x1x128xi32, #tpu.memory_space<hbm>>
      %dma_wait3A_552 = tpu.memref_squeeze %dma_wait3A_551 : memref<8x1x128xi32, #tpu.memory_space<hbm>> -> memref<8x128xi32, #tpu.memory_space<hbm>>
      %dma_wait3A_553 = arith.constant 0 : i32
      %dma_wait3A_554 = arith.constant 0 : i32
      %dma_wait3A_555 = tpu.memref_slice %arg8[%run_scoped3A_5, %dma_wait3A_553, %dma_wait3A_554] : memref<2x8x128xi32, #tpu.memory_space<vmem>> -> memref<1x8x128xi32, #tpu.memory_space<vmem>>
      %dma_wait3A_556 = tpu.memref_squeeze %dma_wait3A_555 : memref<1x8x128xi32, #tpu.memory_space<vmem>> -> memref<8x128xi32, #tpu.memory_space<vmem>>
      %dma_wait3A_557 = arith.constant 0 : i32
      %dma_wait3A_558 = tpu.memref_slice %arg3[%mul3A_4, %run_scoped3A, %dma_wait3A_557] : memref<25000x2x128xi32, #tpu.memory_space<hbm>> -> memref<8x1x128xi32, #tpu.memory_space<hbm>>
      %dma_wait3A_559 = tpu.memref_squeeze %dma_wait3A_558 : memref<8x1x128xi32, #tpu.memory_space<hbm>> -> memref<8x128xi32, #tpu.memory_space<hbm>>
      tpu.wait_dma2 semaphore(%run_scoped3A_531 : memref<!tpu.dma_semaphore, #tpu.memory_space<semaphore_mem>>) src(%dma_wait3A_559 : memref<8x128xi32, #tpu.memory_space<hbm>>) dst(%dma_wait3A_556 : memref<8x128xi32, #tpu.memory_space<vmem>>)
      tpu.yield
    }) : () -> ()
    %run_scoped3A_6 = arith.constant 1 : i32
    %run_scoped3A_7 = arith.constant 0 : i32
    "tpu.region"() ({
      %run_scoped3A_531 = tpu.sem_alloc : memref<!tpu.dma_semaphore, #tpu.memory_space<semaphore_mem>>
      %dma_start3A_532 = arith.constant 0 : i32
      %dma_start3A_533 = arith.constant 0 : i32
      %dma_start3A_534 = tpu.memref_slice %arg9[%run_scoped3A_7, %dma_start3A_532, %dma_start3A_533] : memref<2x8x128xi32, #tpu.memory_space<vmem>> -> memref<1x8x128xi32, #tpu.memory_space<vmem>>
      %dma_start3A_535 = tpu.memref_squeeze %dma_start3A_534 : memref<1x8x128xi32, #tpu.memory_space<vmem>> -> memref<8x128xi32, #tpu.memory_space<vmem>>
      %dma_start3A_536 = arith.constant 0 : i32
      %dma_start3A_537 = tpu.memref_slice %arg3[%mul3A_4, %run_scoped3A_6, %dma_start3A_536] : memref<25000x2x128xi32, #tpu.memory_space<hbm>> -> memref<8x1x128xi32, #tpu.memory_space<hbm>>
      %dma_start3A_538 = tpu.memref_squeeze %dma_start3A_537 : memref<8x1x128xi32, #tpu.memory_space<hbm>> -> memref<8x128xi32, #tpu.memory_space<hbm>>
      %dma_start3A_539 = arith.constant 0 : i32
      %dma_start3A_540 = arith.constant 0 : i32
      %dma_start3A_541 = tpu.memref_slice %arg9[%run_scoped3A_7, %dma_start3A_539, %dma_start3A_540] : memref<2x8x128xi32, #tpu.memory_space<vmem>> -> memref<1x8x128xi32, #tpu.memory_space<vmem>>
      %dma_start3A_542 = tpu.memref_squeeze %dma_start3A_541 : memref<1x8x128xi32, #tpu.memory_space<vmem>> -> memref<8x128xi32, #tpu.memory_space<vmem>>
      %dma_start3A_543 = arith.constant 0 : i32
      %dma_start3A_544 = tpu.memref_slice %arg3[%mul3A_4, %run_scoped3A_6, %dma_start3A_543] : memref<25000x2x128xi32, #tpu.memory_space<hbm>> -> memref<8x1x128xi32, #tpu.memory_space<hbm>>
      %dma_start3A_545 = tpu.memref_squeeze %dma_start3A_544 : memref<8x1x128xi32, #tpu.memory_space<hbm>> -> memref<8x128xi32, #tpu.memory_space<hbm>>
      tpu.enqueue_dma source(%dma_start3A_545 : memref<8x128xi32, #tpu.memory_space<hbm>>) target(%dma_start3A_542 : memref<8x128xi32, #tpu.memory_space<vmem>>) target_semaphore(%run_scoped3A_531 : memref<!tpu.dma_semaphore, #tpu.memory_space<semaphore_mem>>)
      %dma_wait3A_546 = arith.constant 0 : i32
      %dma_wait3A_547 = arith.constant 0 : i32
      %dma_wait3A_548 = tpu.memref_slice %arg9[%run_scoped3A_7, %dma_wait3A_546, %dma_wait3A_547] : memref<2x8x128xi32, #tpu.memory_space<vmem>> -> memref<1x8x128xi32, #tpu.memory_space<vmem>>
      %dma_wait3A_549 = tpu.memref_squeeze %dma_wait3A_548 : memref<1x8x128xi32, #tpu.memory_space<vmem>> -> memref<8x128xi32, #tpu.memory_space<vmem>>
      %dma_wait3A_550 = arith.constant 0 : i32
      %dma_wait3A_551 = tpu.memref_slice %arg3[%mul3A_4, %run_scoped3A_6, %dma_wait3A_550] : memref<25000x2x128xi32, #tpu.memory_space<hbm>> -> memref<8x1x128xi32, #tpu.memory_space<hbm>>
      %dma_wait3A_552 = tpu.memref_squeeze %dma_wait3A_551 : memref<8x1x128xi32, #tpu.memory_space<hbm>> -> memref<8x128xi32, #tpu.memory_space<hbm>>
      %dma_wait3A_553 = arith.constant 0 : i32
      %dma_wait3A_554 = arith.constant 0 : i32
      %dma_wait3A_555 = tpu.memref_slice %arg9[%run_scoped3A_7, %dma_wait3A_553, %dma_wait3A_554] : memref<2x8x128xi32, #tpu.memory_space<vmem>> -> memref<1x8x128xi32, #tpu.memory_space<vmem>>
      %dma_wait3A_556 = tpu.memref_squeeze %dma_wait3A_555 : memref<1x8x128xi32, #tpu.memory_space<vmem>> -> memref<8x128xi32, #tpu.memory_space<vmem>>
      %dma_wait3A_557 = arith.constant 0 : i32
      %dma_wait3A_558 = tpu.memref_slice %arg3[%mul3A_4, %run_scoped3A_6, %dma_wait3A_557] : memref<25000x2x128xi32, #tpu.memory_space<hbm>> -> memref<8x1x128xi32, #tpu.memory_space<hbm>>
      %dma_wait3A_559 = tpu.memref_squeeze %dma_wait3A_558 : memref<8x1x128xi32, #tpu.memory_space<hbm>> -> memref<8x128xi32, #tpu.memory_space<hbm>>
      tpu.wait_dma2 semaphore(%run_scoped3A_531 : memref<!tpu.dma_semaphore, #tpu.memory_space<semaphore_mem>>) src(%dma_wait3A_559 : memref<8x128xi32, #tpu.memory_space<hbm>>) dst(%dma_wait3A_556 : memref<8x128xi32, #tpu.memory_space<vmem>>)
      tpu.yield
    }) : () -> ()
    %dma_start3A = arith.constant 0 : i32
    %dma_start3A_8 = arith.constant 0 : i32
    %dma_start3A_9 = arith.constant 0 : i32
    %dma_start3A_10 = arith.constant 0 : i32
    %dma_start3A_11 = arith.constant 0 : i32
    %dma_start3A_12 = arith.constant 0 : i32
    %dma_start3A_13 = tpu.memref_slice %arg10[%dma_start3A_9, %dma_start3A_10, %dma_start3A_11, %dma_start3A_12] : memref<2x8x128x8xf32, #tpu.memory_space<vmem>> -> memref<1x1x128x8xf32, #tpu.memory_space<vmem>>
    %dma_start3A_14 = tpu.memref_squeeze %dma_start3A_13 : memref<1x1x128x8xf32, #tpu.memory_space<vmem>> -> memref<128x8xf32, #tpu.memory_space<vmem>>
    %dma_start3A_15 = arith.constant 0 : i32
    %dma_start3A_16 = tpu.memref_slice %arg8[%dma_start3A, %dma_start3A_8, %dma_start3A_15] : memref<2x8x128xi32, #tpu.memory_space<vmem>> -> memref<1x1x128xi32, #tpu.memory_space<vmem>>
    %dma_start3A_17 = tpu.memref_squeeze %dma_start3A_16 : memref<1x1x128xi32, #tpu.memory_space<vmem>> -> memref<128xi32, #tpu.memory_space<vmem>>
    %dma_start3A_18 = arith.constant 0 : i32
    %dma_start3A_19 = arith.constant 0 : i32
    %dma_start3A_20 = tpu.memref_slice %arg6[%dma_start3A_18, %dma_start3A_19] : memref<102400x8xf32, #tpu.memory_space<vmem_shared>> -> memref<102400x8xf32, #tpu.memory_space<vmem_shared>>
    tpu.enqueue_indirect_dma source(%dma_start3A_20 : memref<102400x8xf32, #tpu.memory_space<vmem_shared>>) target(%dma_start3A_14 : memref<128x8xf32, #tpu.memory_space<vmem>>) offsets(%dma_start3A_17 : memref<128xi32, #tpu.memory_space<vmem>>) semaphore(%arg11 : memref<!tpu.dma_semaphore, #tpu.memory_space<semaphore_mem>>)
    %dma_start3A_21 = arith.constant 0 : i32
    %dma_start3A_22 = arith.constant 1 : i32
    %dma_start3A_23 = arith.constant 0 : i32
    %dma_start3A_24 = arith.constant 1 : i32
    %dma_start3A_25 = arith.constant 0 : i32
    %dma_start3A_26 = arith.constant 0 : i32
    %dma_start3A_27 = tpu.memref_slice %arg10[%dma_start3A_23, %dma_start3A_24, %dma_start3A_25, %dma_start3A_26] : memref<2x8x128x8xf32, #tpu.memory_space<vmem>> -> memref<1x1x128x8xf32, #tpu.memory_space<vmem>>
    %dma_start3A_28 = tpu.memref_squeeze %dma_start3A_27 : memref<1x1x128x8xf32, #tpu.memory_space<vmem>> -> memref<128x8xf32, #tpu.memory_space<vmem>>
    %dma_start3A_29 = arith.constant 0 : i32
    %dma_start3A_30 = tpu.memref_slice %arg8[%dma_start3A_21, %dma_start3A_22, %dma_start3A_29] : memref<2x8x128xi32, #tpu.memory_space<vmem>> -> memref<1x1x128xi32, #tpu.memory_space<vmem>>
    %dma_start3A_31 = tpu.memref_squeeze %dma_start3A_30 : memref<1x1x128xi32, #tpu.memory_space<vmem>> -> memref<128xi32, #tpu.memory_space<vmem>>
    %dma_start3A_32 = arith.constant 0 : i32
    %dma_start3A_33 = arith.constant 0 : i32
    %dma_start3A_34 = tpu.memref_slice %arg6[%dma_start3A_32, %dma_start3A_33] : memref<102400x8xf32, #tpu.memory_space<vmem_shared>> -> memref<102400x8xf32, #tpu.memory_space<vmem_shared>>
    tpu.enqueue_indirect_dma source(%dma_start3A_34 : memref<102400x8xf32, #tpu.memory_space<vmem_shared>>) target(%dma_start3A_28 : memref<128x8xf32, #tpu.memory_space<vmem>>) offsets(%dma_start3A_31 : memref<128xi32, #tpu.memory_space<vmem>>) semaphore(%arg11 : memref<!tpu.dma_semaphore, #tpu.memory_space<semaphore_mem>>)
    %dma_start3A_35 = arith.constant 0 : i32
    %dma_start3A_36 = arith.constant 2 : i32
    %dma_start3A_37 = arith.constant 0 : i32
    %dma_start3A_38 = arith.constant 2 : i32
    %dma_start3A_39 = arith.constant 0 : i32
    %dma_start3A_40 = arith.constant 0 : i32
    %dma_start3A_41 = tpu.memref_slice %arg10[%dma_start3A_37, %dma_start3A_38, %dma_start3A_39, %dma_start3A_40] : memref<2x8x128x8xf32, #tpu.memory_space<vmem>> -> memref<1x1x128x8xf32, #tpu.memory_space<vmem>>
    %dma_start3A_42 = tpu.memref_squeeze %dma_start3A_41 : memref<1x1x128x8xf32, #tpu.memory_space<vmem>> -> memref<128x8xf32, #tpu.memory_space<vmem>>
    %dma_start3A_43 = arith.constant 0 : i32
    %dma_start3A_44 = tpu.memref_slice %arg8[%dma_start3A_35, %dma_start3A_36, %dma_start3A_43] : memref<2x8x128xi32, #tpu.memory_space<vmem>> -> memref<1x1x128xi32, #tpu.memory_space<vmem>>
    %dma_start3A_45 = tpu.memref_squeeze %dma_start3A_44 : memref<1x1x128xi32, #tpu.memory_space<vmem>> -> memref<128xi32, #tpu.memory_space<vmem>>
    %dma_start3A_46 = arith.constant 0 : i32
    %dma_start3A_47 = arith.constant 0 : i32
    %dma_start3A_48 = tpu.memref_slice %arg6[%dma_start3A_46, %dma_start3A_47] : memref<102400x8xf32, #tpu.memory_space<vmem_shared>> -> memref<102400x8xf32, #tpu.memory_space<vmem_shared>>
    tpu.enqueue_indirect_dma source(%dma_start3A_48 : memref<102400x8xf32, #tpu.memory_space<vmem_shared>>) target(%dma_start3A_42 : memref<128x8xf32, #tpu.memory_space<vmem>>) offsets(%dma_start3A_45 : memref<128xi32, #tpu.memory_space<vmem>>) semaphore(%arg11 : memref<!tpu.dma_semaphore, #tpu.memory_space<semaphore_mem>>)
    %dma_start3A_49 = arith.constant 0 : i32
    %dma_start3A_50 = arith.constant 3 : i32
    %dma_start3A_51 = arith.constant 0 : i32
    %dma_start3A_52 = arith.constant 3 : i32
    %dma_start3A_53 = arith.constant 0 : i32
    %dma_start3A_54 = arith.constant 0 : i32
    %dma_start3A_55 = tpu.memref_slice %arg10[%dma_start3A_51, %dma_start3A_52, %dma_start3A_53, %dma_start3A_54] : memref<2x8x128x8xf32, #tpu.memory_space<vmem>> -> memref<1x1x128x8xf32, #tpu.memory_space<vmem>>
    %dma_start3A_56 = tpu.memref_squeeze %dma_start3A_55 : memref<1x1x128x8xf32, #tpu.memory_space<vmem>> -> memref<128x8xf32, #tpu.memory_space<vmem>>
    %dma_start3A_57 = arith.constant 0 : i32
    %dma_start3A_58 = tpu.memref_slice %arg8[%dma_start3A_49, %dma_start3A_50, %dma_start3A_57] : memref<2x8x128xi32, #tpu.memory_space<vmem>> -> memref<1x1x128xi32, #tpu.memory_space<vmem>>
    %dma_start3A_59 = tpu.memref_squeeze %dma_start3A_58 : memref<1x1x128xi32, #tpu.memory_space<vmem>> -> memref<128xi32, #tpu.memory_space<vmem>>
    %dma_start3A_60 = arith.constant 0 : i32
    %dma_start3A_61 = arith.constant 0 : i32
    %dma_start3A_62 = tpu.memref_slice %arg6[%dma_start3A_60, %dma_start3A_61] : memref<102400x8xf32, #tpu.memory_space<vmem_shared>> -> memref<102400x8xf32, #tpu.memory_space<vmem_shared>>
    tpu.enqueue_indirect_dma source(%dma_start3A_62 : memref<102400x8xf32, #tpu.memory_space<vmem_shared>>) target(%dma_start3A_56 : memref<128x8xf32, #tpu.memory_space<vmem>>) offsets(%dma_start3A_59 : memref<128xi32, #tpu.memory_space<vmem>>) semaphore(%arg11 : memref<!tpu.dma_semaphore, #tpu.memory_space<semaphore_mem>>)
    %dma_start3A_63 = arith.constant 0 : i32
    %dma_start3A_64 = arith.constant 4 : i32
    %dma_start3A_65 = arith.constant 0 : i32
    %dma_start3A_66 = arith.constant 4 : i32
    %dma_start3A_67 = arith.constant 0 : i32
    %dma_start3A_68 = arith.constant 0 : i32
    %dma_start3A_69 = tpu.memref_slice %arg10[%dma_start3A_65, %dma_start3A_66, %dma_start3A_67, %dma_start3A_68] : memref<2x8x128x8xf32, #tpu.memory_space<vmem>> -> memref<1x1x128x8xf32, #tpu.memory_space<vmem>>
    %dma_start3A_70 = tpu.memref_squeeze %dma_start3A_69 : memref<1x1x128x8xf32, #tpu.memory_space<vmem>> -> memref<128x8xf32, #tpu.memory_space<vmem>>
    %dma_start3A_71 = arith.constant 0 : i32
    %dma_start3A_72 = tpu.memref_slice %arg8[%dma_start3A_63, %dma_start3A_64, %dma_start3A_71] : memref<2x8x128xi32, #tpu.memory_space<vmem>> -> memref<1x1x128xi32, #tpu.memory_space<vmem>>
    %dma_start3A_73 = tpu.memref_squeeze %dma_start3A_72 : memref<1x1x128xi32, #tpu.memory_space<vmem>> -> memref<128xi32, #tpu.memory_space<vmem>>
    %dma_start3A_74 = arith.constant 0 : i32
    %dma_start3A_75 = arith.constant 0 : i32
    %dma_start3A_76 = tpu.memref_slice %arg6[%dma_start3A_74, %dma_start3A_75] : memref<102400x8xf32, #tpu.memory_space<vmem_shared>> -> memref<102400x8xf32, #tpu.memory_space<vmem_shared>>
    tpu.enqueue_indirect_dma source(%dma_start3A_76 : memref<102400x8xf32, #tpu.memory_space<vmem_shared>>) target(%dma_start3A_70 : memref<128x8xf32, #tpu.memory_space<vmem>>) offsets(%dma_start3A_73 : memref<128xi32, #tpu.memory_space<vmem>>) semaphore(%arg11 : memref<!tpu.dma_semaphore, #tpu.memory_space<semaphore_mem>>)
    %dma_start3A_77 = arith.constant 0 : i32
    %dma_start3A_78 = arith.constant 5 : i32
    %dma_start3A_79 = arith.constant 0 : i32
    %dma_start3A_80 = arith.constant 5 : i32
    %dma_start3A_81 = arith.constant 0 : i32
    %dma_start3A_82 = arith.constant 0 : i32
    %dma_start3A_83 = tpu.memref_slice %arg10[%dma_start3A_79, %dma_start3A_80, %dma_start3A_81, %dma_start3A_82] : memref<2x8x128x8xf32, #tpu.memory_space<vmem>> -> memref<1x1x128x8xf32, #tpu.memory_space<vmem>>
    %dma_start3A_84 = tpu.memref_squeeze %dma_start3A_83 : memref<1x1x128x8xf32, #tpu.memory_space<vmem>> -> memref<128x8xf32, #tpu.memory_space<vmem>>
    %dma_start3A_85 = arith.constant 0 : i32
    %dma_start3A_86 = tpu.memref_slice %arg8[%dma_start3A_77, %dma_start3A_78, %dma_start3A_85] : memref<2x8x128xi32, #tpu.memory_space<vmem>> -> memref<1x1x128xi32, #tpu.memory_space<vmem>>
    %dma_start3A_87 = tpu.memref_squeeze %dma_start3A_86 : memref<1x1x128xi32, #tpu.memory_space<vmem>> -> memref<128xi32, #tpu.memory_space<vmem>>
    %dma_start3A_88 = arith.constant 0 : i32
    %dma_start3A_89 = arith.constant 0 : i32
    %dma_start3A_90 = tpu.memref_slice %arg6[%dma_start3A_88, %dma_start3A_89] : memref<102400x8xf32, #tpu.memory_space<vmem_shared>> -> memref<102400x8xf32, #tpu.memory_space<vmem_shared>>
    tpu.enqueue_indirect_dma source(%dma_start3A_90 : memref<102400x8xf32, #tpu.memory_space<vmem_shared>>) target(%dma_start3A_84 : memref<128x8xf32, #tpu.memory_space<vmem>>) offsets(%dma_start3A_87 : memref<128xi32, #tpu.memory_space<vmem>>) semaphore(%arg11 : memref<!tpu.dma_semaphore, #tpu.memory_space<semaphore_mem>>)
    %dma_start3A_91 = arith.constant 0 : i32
    %dma_start3A_92 = arith.constant 6 : i32
    %dma_start3A_93 = arith.constant 0 : i32
    %dma_start3A_94 = arith.constant 6 : i32
    %dma_start3A_95 = arith.constant 0 : i32
    %dma_start3A_96 = arith.constant 0 : i32
    %dma_start3A_97 = tpu.memref_slice %arg10[%dma_start3A_93, %dma_start3A_94, %dma_start3A_95, %dma_start3A_96] : memref<2x8x128x8xf32, #tpu.memory_space<vmem>> -> memref<1x1x128x8xf32, #tpu.memory_space<vmem>>
    %dma_start3A_98 = tpu.memref_squeeze %dma_start3A_97 : memref<1x1x128x8xf32, #tpu.memory_space<vmem>> -> memref<128x8xf32, #tpu.memory_space<vmem>>
    %dma_start3A_99 = arith.constant 0 : i32
    %dma_start3A_100 = tpu.memref_slice %arg8[%dma_start3A_91, %dma_start3A_92, %dma_start3A_99] : memref<2x8x128xi32, #tpu.memory_space<vmem>> -> memref<1x1x128xi32, #tpu.memory_space<vmem>>
    %dma_start3A_101 = tpu.memref_squeeze %dma_start3A_100 : memref<1x1x128xi32, #tpu.memory_space<vmem>> -> memref<128xi32, #tpu.memory_space<vmem>>
    %dma_start3A_102 = arith.constant 0 : i32
    %dma_start3A_103 = arith.constant 0 : i32
    %dma_start3A_104 = tpu.memref_slice %arg6[%dma_start3A_102, %dma_start3A_103] : memref<102400x8xf32, #tpu.memory_space<vmem_shared>> -> memref<102400x8xf32, #tpu.memory_space<vmem_shared>>
    tpu.enqueue_indirect_dma source(%dma_start3A_104 : memref<102400x8xf32, #tpu.memory_space<vmem_shared>>) target(%dma_start3A_98 : memref<128x8xf32, #tpu.memory_space<vmem>>) offsets(%dma_start3A_101 : memref<128xi32, #tpu.memory_space<vmem>>) semaphore(%arg11 : memref<!tpu.dma_semaphore, #tpu.memory_space<semaphore_mem>>)
    %dma_start3A_105 = arith.constant 0 : i32
    %dma_start3A_106 = arith.constant 7 : i32
    %dma_start3A_107 = arith.constant 0 : i32
    %dma_start3A_108 = arith.constant 7 : i32
    %dma_start3A_109 = arith.constant 0 : i32
    %dma_start3A_110 = arith.constant 0 : i32
    %dma_start3A_111 = tpu.memref_slice %arg10[%dma_start3A_107, %dma_start3A_108, %dma_start3A_109, %dma_start3A_110] : memref<2x8x128x8xf32, #tpu.memory_space<vmem>> -> memref<1x1x128x8xf32, #tpu.memory_space<vmem>>
    %dma_start3A_112 = tpu.memref_squeeze %dma_start3A_111 : memref<1x1x128x8xf32, #tpu.memory_space<vmem>> -> memref<128x8xf32, #tpu.memory_space<vmem>>
    %dma_start3A_113 = arith.constant 0 : i32
    %dma_start3A_114 = tpu.memref_slice %arg8[%dma_start3A_105, %dma_start3A_106, %dma_start3A_113] : memref<2x8x128xi32, #tpu.memory_space<vmem>> -> memref<1x1x128xi32, #tpu.memory_space<vmem>>
    %dma_start3A_115 = tpu.memref_squeeze %dma_start3A_114 : memref<1x1x128xi32, #tpu.memory_space<vmem>> -> memref<128xi32, #tpu.memory_space<vmem>>
    %dma_start3A_116 = arith.constant 0 : i32
    %dma_start3A_117 = arith.constant 0 : i32
    %dma_start3A_118 = tpu.memref_slice %arg6[%dma_start3A_116, %dma_start3A_117] : memref<102400x8xf32, #tpu.memory_space<vmem_shared>> -> memref<102400x8xf32, #tpu.memory_space<vmem_shared>>
    tpu.enqueue_indirect_dma source(%dma_start3A_118 : memref<102400x8xf32, #tpu.memory_space<vmem_shared>>) target(%dma_start3A_112 : memref<128x8xf32, #tpu.memory_space<vmem>>) offsets(%dma_start3A_115 : memref<128xi32, #tpu.memory_space<vmem>>) semaphore(%arg11 : memref<!tpu.dma_semaphore, #tpu.memory_space<semaphore_mem>>)
    %scan3A = arith.constant 0 : i32
    %scan3A_119 = arith.constant 0 : i32
    %scan3A_120 = arith.constant 97 : i32
    %scan3A_121 = arith.addi %scan3A_119, %scan3A_120 : i32
    %scan3A_122 = arith.constant 1 : i32
    scf.for %scan3A_531 = %scan3A_119 to %scan3A_121 step %scan3A_122  : i32 {
      %rem3A = arith.constant 2 : i32
      %rem3A_532 = arith.remsi %scan3A_531, %rem3A : i32
      %sub3A = arith.constant 1 : i32
      %sub3A_533 = arith.subi %sub3A, %rem3A_532 : i32
      %gt3A = arith.constant 0 : i32
      %gt3A_534 = arith.cmpi sgt, %scan3A_531, %gt3A : i32
      %convert_element_type3A_535 = arith.extui %gt3A_534 : i1 to i32
      %cond3A_536 = arith.constant 0 : i32
      %cond3A_537 = arith.cmpi ne, %convert_element_type3A_535, %cond3A_536 : i32
      scf.if %cond3A_537 {
        %dma_wait3A_737 = arith.constant 0 : i32
        %dma_wait3A_738 = arith.constant 0 : i32
        %dma_wait3A_739 = arith.constant 0 : i32
        %dma_wait3A_740 = arith.constant 0 : i32
        %dma_wait3A_741 = tpu.memref_slice %arg10[%sub3A_533, %dma_wait3A_737, %dma_wait3A_739, %dma_wait3A_740] : memref<2x8x128x8xf32, #tpu.memory_space<vmem>> -> memref<1x1x128x8xf32, #tpu.memory_space<vmem>>
        %dma_wait3A_742 = tpu.memref_squeeze %dma_wait3A_741 : memref<1x1x128x8xf32, #tpu.memory_space<vmem>> -> memref<128x8xf32, #tpu.memory_space<vmem>>
        %dma_wait3A_743 = arith.constant 0 : i32
        %dma_wait3A_744 = tpu.memref_slice %arg9[%sub3A_533, %dma_wait3A_738, %dma_wait3A_743] : memref<2x8x128xi32, #tpu.memory_space<vmem>> -> memref<1x1x128xi32, #tpu.memory_space<vmem>>
        %dma_wait3A_745 = tpu.memref_squeeze %dma_wait3A_744 : memref<1x1x128xi32, #tpu.memory_space<vmem>> -> memref<128xi32, #tpu.memory_space<vmem>>
        %dma_wait3A_746 = arith.constant 0 : i32
        %dma_wait3A_747 = arith.constant 0 : i32
        %dma_wait3A_748 = tpu.memref_slice %arg7[%dma_wait3A_746, %dma_wait3A_747] : memref<102400x8xf32, #tpu.memory_space<vmem_shared>> -> memref<102400x8xf32, #tpu.memory_space<vmem_shared>>
        tpu.wait_indirect_dma semaphore(%arg12 : memref<!tpu.dma_semaphore, #tpu.memory_space<semaphore_mem>>) src(%dma_wait3A_742 : memref<128x8xf32, #tpu.memory_space<vmem>>) dst(%dma_wait3A_748 : memref<102400x8xf32, #tpu.memory_space<vmem_shared>>)
        %dma_wait3A_749 = arith.constant 1 : i32
        %dma_wait3A_750 = arith.constant 1 : i32
        %dma_wait3A_751 = arith.constant 0 : i32
        %dma_wait3A_752 = arith.constant 0 : i32
        %dma_wait3A_753 = tpu.memref_slice %arg10[%sub3A_533, %dma_wait3A_749, %dma_wait3A_751, %dma_wait3A_752] : memref<2x8x128x8xf32, #tpu.memory_space<vmem>> -> memref<1x1x128x8xf32, #tpu.memory_space<vmem>>
        %dma_wait3A_754 = tpu.memref_squeeze %dma_wait3A_753 : memref<1x1x128x8xf32, #tpu.memory_space<vmem>> -> memref<128x8xf32, #tpu.memory_space<vmem>>
        %dma_wait3A_755 = arith.constant 0 : i32
        %dma_wait3A_756 = tpu.memref_slice %arg9[%sub3A_533, %dma_wait3A_750, %dma_wait3A_755] : memref<2x8x128xi32, #tpu.memory_space<vmem>> -> memref<1x1x128xi32, #tpu.memory_space<vmem>>
        %dma_wait3A_757 = tpu.memref_squeeze %dma_wait3A_756 : memref<1x1x128xi32, #tpu.memory_space<vmem>> -> memref<128xi32, #tpu.memory_space<vmem>>
        %dma_wait3A_758 = arith.constant 0 : i32
        %dma_wait3A_759 = arith.constant 0 : i32
        %dma_wait3A_760 = tpu.memref_slice %arg7[%dma_wait3A_758, %dma_wait3A_759] : memref<102400x8xf32, #tpu.memory_space<vmem_shared>> -> memref<102400x8xf32, #tpu.memory_space<vmem_shared>>
        tpu.wait_indirect_dma semaphore(%arg12 : memref<!tpu.dma_semaphore, #tpu.memory_space<semaphore_mem>>) src(%dma_wait3A_754 : memref<128x8xf32, #tpu.memory_space<vmem>>) dst(%dma_wait3A_760 : memref<102400x8xf32, #tpu.memory_space<vmem_shared>>)
        %dma_wait3A_761 = arith.constant 2 : i32
        %dma_wait3A_762 = arith.constant 2 : i32
        %dma_wait3A_763 = arith.constant 0 : i32
        %dma_wait3A_764 = arith.constant 0 : i32
        %dma_wait3A_765 = tpu.memref_slice %arg10[%sub3A_533, %dma_wait3A_761, %dma_wait3A_763, %dma_wait3A_764] : memref<2x8x128x8xf32, #tpu.memory_space<vmem>> -> memref<1x1x128x8xf32, #tpu.memory_space<vmem>>
        %dma_wait3A_766 = tpu.memref_squeeze %dma_wait3A_765 : memref<1x1x128x8xf32, #tpu.memory_space<vmem>> -> memref<128x8xf32, #tpu.memory_space<vmem>>
        %dma_wait3A_767 = arith.constant 0 : i32
        %dma_wait3A_768 = tpu.memref_slice %arg9[%sub3A_533, %dma_wait3A_762, %dma_wait3A_767] : memref<2x8x128xi32, #tpu.memory_space<vmem>> -> memref<1x1x128xi32, #tpu.memory_space<vmem>>
        %dma_wait3A_769 = tpu.memref_squeeze %dma_wait3A_768 : memref<1x1x128xi32, #tpu.memory_space<vmem>> -> memref<128xi32, #tpu.memory_space<vmem>>
        %dma_wait3A_770 = arith.constant 0 : i32
        %dma_wait3A_771 = arith.constant 0 : i32
        %dma_wait3A_772 = tpu.memref_slice %arg7[%dma_wait3A_770, %dma_wait3A_771] : memref<102400x8xf32, #tpu.memory_space<vmem_shared>> -> memref<102400x8xf32, #tpu.memory_space<vmem_shared>>
        tpu.wait_indirect_dma semaphore(%arg12 : memref<!tpu.dma_semaphore, #tpu.memory_space<semaphore_mem>>) src(%dma_wait3A_766 : memref<128x8xf32, #tpu.memory_space<vmem>>) dst(%dma_wait3A_772 : memref<102400x8xf32, #tpu.memory_space<vmem_shared>>)
        %dma_wait3A_773 = arith.constant 3 : i32
        %dma_wait3A_774 = arith.constant 3 : i32
        %dma_wait3A_775 = arith.constant 0 : i32
        %dma_wait3A_776 = arith.constant 0 : i32
        %dma_wait3A_777 = tpu.memref_slice %arg10[%sub3A_533, %dma_wait3A_773, %dma_wait3A_775, %dma_wait3A_776] : memref<2x8x128x8xf32, #tpu.memory_space<vmem>> -> memref<1x1x128x8xf32, #tpu.memory_space<vmem>>
        %dma_wait3A_778 = tpu.memref_squeeze %dma_wait3A_777 : memref<1x1x128x8xf32, #tpu.memory_space<vmem>> -> memref<128x8xf32, #tpu.memory_space<vmem>>
        %dma_wait3A_779 = arith.constant 0 : i32
        %dma_wait3A_780 = tpu.memref_slice %arg9[%sub3A_533, %dma_wait3A_774, %dma_wait3A_779] : memref<2x8x128xi32, #tpu.memory_space<vmem>> -> memref<1x1x128xi32, #tpu.memory_space<vmem>>
        %dma_wait3A_781 = tpu.memref_squeeze %dma_wait3A_780 : memref<1x1x128xi32, #tpu.memory_space<vmem>> -> memref<128xi32, #tpu.memory_space<vmem>>
        %dma_wait3A_782 = arith.constant 0 : i32
        %dma_wait3A_783 = arith.constant 0 : i32
        %dma_wait3A_784 = tpu.memref_slice %arg7[%dma_wait3A_782, %dma_wait3A_783] : memref<102400x8xf32, #tpu.memory_space<vmem_shared>> -> memref<102400x8xf32, #tpu.memory_space<vmem_shared>>
        tpu.wait_indirect_dma semaphore(%arg12 : memref<!tpu.dma_semaphore, #tpu.memory_space<semaphore_mem>>) src(%dma_wait3A_778 : memref<128x8xf32, #tpu.memory_space<vmem>>) dst(%dma_wait3A_784 : memref<102400x8xf32, #tpu.memory_space<vmem_shared>>)
        %dma_wait3A_785 = arith.constant 4 : i32
        %dma_wait3A_786 = arith.constant 4 : i32
        %dma_wait3A_787 = arith.constant 0 : i32
        %dma_wait3A_788 = arith.constant 0 : i32
        %dma_wait3A_789 = tpu.memref_slice %arg10[%sub3A_533, %dma_wait3A_785, %dma_wait3A_787, %dma_wait3A_788] : memref<2x8x128x8xf32, #tpu.memory_space<vmem>> -> memref<1x1x128x8xf32, #tpu.memory_space<vmem>>
        %dma_wait3A_790 = tpu.memref_squeeze %dma_wait3A_789 : memref<1x1x128x8xf32, #tpu.memory_space<vmem>> -> memref<128x8xf32, #tpu.memory_space<vmem>>
        %dma_wait3A_791 = arith.constant 0 : i32
        %dma_wait3A_792 = tpu.memref_slice %arg9[%sub3A_533, %dma_wait3A_786, %dma_wait3A_791] : memref<2x8x128xi32, #tpu.memory_space<vmem>> -> memref<1x1x128xi32, #tpu.memory_space<vmem>>
        %dma_wait3A_793 = tpu.memref_squeeze %dma_wait3A_792 : memref<1x1x128xi32, #tpu.memory_space<vmem>> -> memref<128xi32, #tpu.memory_space<vmem>>
        %dma_wait3A_794 = arith.constant 0 : i32
        %dma_wait3A_795 = arith.constant 0 : i32
        %dma_wait3A_796 = tpu.memref_slice %arg7[%dma_wait3A_794, %dma_wait3A_795] : memref<102400x8xf32, #tpu.memory_space<vmem_shared>> -> memref<102400x8xf32, #tpu.memory_space<vmem_shared>>
        tpu.wait_indirect_dma semaphore(%arg12 : memref<!tpu.dma_semaphore, #tpu.memory_space<semaphore_mem>>) src(%dma_wait3A_790 : memref<128x8xf32, #tpu.memory_space<vmem>>) dst(%dma_wait3A_796 : memref<102400x8xf32, #tpu.memory_space<vmem_shared>>)
        %dma_wait3A_797 = arith.constant 5 : i32
        %dma_wait3A_798 = arith.constant 5 : i32
        %dma_wait3A_799 = arith.constant 0 : i32
        %dma_wait3A_800 = arith.constant 0 : i32
        %dma_wait3A_801 = tpu.memref_slice %arg10[%sub3A_533, %dma_wait3A_797, %dma_wait3A_799, %dma_wait3A_800] : memref<2x8x128x8xf32, #tpu.memory_space<vmem>> -> memref<1x1x128x8xf32, #tpu.memory_space<vmem>>
        %dma_wait3A_802 = tpu.memref_squeeze %dma_wait3A_801 : memref<1x1x128x8xf32, #tpu.memory_space<vmem>> -> memref<128x8xf32, #tpu.memory_space<vmem>>
        %dma_wait3A_803 = arith.constant 0 : i32
        %dma_wait3A_804 = tpu.memref_slice %arg9[%sub3A_533, %dma_wait3A_798, %dma_wait3A_803] : memref<2x8x128xi32, #tpu.memory_space<vmem>> -> memref<1x1x128xi32, #tpu.memory_space<vmem>>
        %dma_wait3A_805 = tpu.memref_squeeze %dma_wait3A_804 : memref<1x1x128xi32, #tpu.memory_space<vmem>> -> memref<128xi32, #tpu.memory_space<vmem>>
        %dma_wait3A_806 = arith.constant 0 : i32
        %dma_wait3A_807 = arith.constant 0 : i32
        %dma_wait3A_808 = tpu.memref_slice %arg7[%dma_wait3A_806, %dma_wait3A_807] : memref<102400x8xf32, #tpu.memory_space<vmem_shared>> -> memref<102400x8xf32, #tpu.memory_space<vmem_shared>>
        tpu.wait_indirect_dma semaphore(%arg12 : memref<!tpu.dma_semaphore, #tpu.memory_space<semaphore_mem>>) src(%dma_wait3A_802 : memref<128x8xf32, #tpu.memory_space<vmem>>) dst(%dma_wait3A_808 : memref<102400x8xf32, #tpu.memory_space<vmem_shared>>)
        %dma_wait3A_809 = arith.constant 6 : i32
        %dma_wait3A_810 = arith.constant 6 : i32
        %dma_wait3A_811 = arith.constant 0 : i32
        %dma_wait3A_812 = arith.constant 0 : i32
        %dma_wait3A_813 = tpu.memref_slice %arg10[%sub3A_533, %dma_wait3A_809, %dma_wait3A_811, %dma_wait3A_812] : memref<2x8x128x8xf32, #tpu.memory_space<vmem>> -> memref<1x1x128x8xf32, #tpu.memory_space<vmem>>
        %dma_wait3A_814 = tpu.memref_squeeze %dma_wait3A_813 : memref<1x1x128x8xf32, #tpu.memory_space<vmem>> -> memref<128x8xf32, #tpu.memory_space<vmem>>
        %dma_wait3A_815 = arith.constant 0 : i32
        %dma_wait3A_816 = tpu.memref_slice %arg9[%sub3A_533, %dma_wait3A_810, %dma_wait3A_815] : memref<2x8x128xi32, #tpu.memory_space<vmem>> -> memref<1x1x128xi32, #tpu.memory_space<vmem>>
        %dma_wait3A_817 = tpu.memref_squeeze %dma_wait3A_816 : memref<1x1x128xi32, #tpu.memory_space<vmem>> -> memref<128xi32, #tpu.memory_space<vmem>>
        %dma_wait3A_818 = arith.constant 0 : i32
        %dma_wait3A_819 = arith.constant 0 : i32
        %dma_wait3A_820 = tpu.memref_slice %arg7[%dma_wait3A_818, %dma_wait3A_819] : memref<102400x8xf32, #tpu.memory_space<vmem_shared>> -> memref<102400x8xf32, #tpu.memory_space<vmem_shared>>
        tpu.wait_indirect_dma semaphore(%arg12 : memref<!tpu.dma_semaphore, #tpu.memory_space<semaphore_mem>>) src(%dma_wait3A_814 : memref<128x8xf32, #tpu.memory_space<vmem>>) dst(%dma_wait3A_820 : memref<102400x8xf32, #tpu.memory_space<vmem_shared>>)
        %dma_wait3A_821 = arith.constant 7 : i32
        %dma_wait3A_822 = arith.constant 7 : i32
        %dma_wait3A_823 = arith.constant 0 : i32
        %dma_wait3A_824 = arith.constant 0 : i32
        %dma_wait3A_825 = tpu.memref_slice %arg10[%sub3A_533, %dma_wait3A_821, %dma_wait3A_823, %dma_wait3A_824] : memref<2x8x128x8xf32, #tpu.memory_space<vmem>> -> memref<1x1x128x8xf32, #tpu.memory_space<vmem>>
        %dma_wait3A_826 = tpu.memref_squeeze %dma_wait3A_825 : memref<1x1x128x8xf32, #tpu.memory_space<vmem>> -> memref<128x8xf32, #tpu.memory_space<vmem>>
        %dma_wait3A_827 = arith.constant 0 : i32
        %dma_wait3A_828 = tpu.memref_slice %arg9[%sub3A_533, %dma_wait3A_822, %dma_wait3A_827] : memref<2x8x128xi32, #tpu.memory_space<vmem>> -> memref<1x1x128xi32, #tpu.memory_space<vmem>>
        %dma_wait3A_829 = tpu.memref_squeeze %dma_wait3A_828 : memref<1x1x128xi32, #tpu.memory_space<vmem>> -> memref<128xi32, #tpu.memory_space<vmem>>
        %dma_wait3A_830 = arith.constant 0 : i32
        %dma_wait3A_831 = arith.constant 0 : i32
        %dma_wait3A_832 = tpu.memref_slice %arg7[%dma_wait3A_830, %dma_wait3A_831] : memref<102400x8xf32, #tpu.memory_space<vmem_shared>> -> memref<102400x8xf32, #tpu.memory_space<vmem_shared>>
        tpu.wait_indirect_dma semaphore(%arg12 : memref<!tpu.dma_semaphore, #tpu.memory_space<semaphore_mem>>) src(%dma_wait3A_826 : memref<128x8xf32, #tpu.memory_space<vmem>>) dst(%dma_wait3A_832 : memref<102400x8xf32, #tpu.memory_space<vmem_shared>>)
      } else {
      }
      %add3A_538 = arith.constant 1 : i32
      %add3A_539 = arith.addi %scan3A_531, %add3A_538 : i32
      %lt3A_540 = arith.constant 97 : i32
      %lt3A_541 = arith.cmpi slt, %add3A_539, %lt3A_540 : i32
      %convert_element_type3A_542 = arith.extui %lt3A_541 : i1 to i32
      %cond3A_543 = arith.constant 0 : i32
      %cond3A_544 = arith.cmpi ne, %convert_element_type3A_542, %cond3A_543 : i32
      scf.if %cond3A_544 {
        %add3A_737 = arith.constant 1 : i32
        %add3A_738 = arith.addi %scan3A_531, %add3A_737 : i32
        %mul3A_739 = arith.constant 8 : i32
        %mul3A_740 = arith.muli %add3A_738, %mul3A_739 : i32
        %add3A_741 = arith.addi %mul3A_4, %mul3A_740 : i32
        %run_scoped3A_742 = arith.constant 0 : i32
        "tpu.region"() ({
          %run_scoped3A_840 = tpu.sem_alloc : memref<!tpu.dma_semaphore, #tpu.memory_space<semaphore_mem>>
          %dma_start3A_841 = arith.constant 0 : i32
          %dma_start3A_842 = arith.constant 0 : i32
          %dma_start3A_843 = tpu.memref_slice %arg8[%sub3A_533, %dma_start3A_841, %dma_start3A_842] : memref<2x8x128xi32, #tpu.memory_space<vmem>> -> memref<1x8x128xi32, #tpu.memory_space<vmem>>
          %dma_start3A_844 = tpu.memref_squeeze %dma_start3A_843 : memref<1x8x128xi32, #tpu.memory_space<vmem>> -> memref<8x128xi32, #tpu.memory_space<vmem>>
          %dma_start3A_845 = arith.constant 0 : i32
          %dma_start3A_846 = tpu.memref_slice %arg3[%add3A_741, %run_scoped3A_742, %dma_start3A_845] : memref<25000x2x128xi32, #tpu.memory_space<hbm>> -> memref<8x1x128xi32, #tpu.memory_space<hbm>>
          %dma_start3A_847 = tpu.memref_squeeze %dma_start3A_846 : memref<8x1x128xi32, #tpu.memory_space<hbm>> -> memref<8x128xi32, #tpu.memory_space<hbm>>
          %dma_start3A_848 = arith.constant 0 : i32
          %dma_start3A_849 = arith.constant 0 : i32
          %dma_start3A_850 = tpu.memref_slice %arg8[%sub3A_533, %dma_start3A_848, %dma_start3A_849] : memref<2x8x128xi32, #tpu.memory_space<vmem>> -> memref<1x8x128xi32, #tpu.memory_space<vmem>>
          %dma_start3A_851 = tpu.memref_squeeze %dma_start3A_850 : memref<1x8x128xi32, #tpu.memory_space<vmem>> -> memref<8x128xi32, #tpu.memory_space<vmem>>
          %dma_start3A_852 = arith.constant 0 : i32
          %dma_start3A_853 = tpu.memref_slice %arg3[%add3A_741, %run_scoped3A_742, %dma_start3A_852] : memref<25000x2x128xi32, #tpu.memory_space<hbm>> -> memref<8x1x128xi32, #tpu.memory_space<hbm>>
          %dma_start3A_854 = tpu.memref_squeeze %dma_start3A_853 : memref<8x1x128xi32, #tpu.memory_space<hbm>> -> memref<8x128xi32, #tpu.memory_space<hbm>>
          tpu.enqueue_dma source(%dma_start3A_854 : memref<8x128xi32, #tpu.memory_space<hbm>>) target(%dma_start3A_851 : memref<8x128xi32, #tpu.memory_space<vmem>>) target_semaphore(%run_scoped3A_840 : memref<!tpu.dma_semaphore, #tpu.memory_space<semaphore_mem>>)
          %dma_wait3A_855 = arith.constant 0 : i32
          %dma_wait3A_856 = arith.constant 0 : i32
          %dma_wait3A_857 = tpu.memref_slice %arg8[%sub3A_533, %dma_wait3A_855, %dma_wait3A_856] : memref<2x8x128xi32, #tpu.memory_space<vmem>> -> memref<1x8x128xi32, #tpu.memory_space<vmem>>
          %dma_wait3A_858 = tpu.memref_squeeze %dma_wait3A_857 : memref<1x8x128xi32, #tpu.memory_space<vmem>> -> memref<8x128xi32, #tpu.memory_space<vmem>>
          %dma_wait3A_859 = arith.constant 0 : i32
          %dma_wait3A_860 = tpu.memref_slice %arg3[%add3A_741, %run_scoped3A_742, %dma_wait3A_859] : memref<25000x2x128xi32, #tpu.memory_space<hbm>> -> memref<8x1x128xi32, #tpu.memory_space<hbm>>
          %dma_wait3A_861 = tpu.memref_squeeze %dma_wait3A_860 : memref<8x1x128xi32, #tpu.memory_space<hbm>> -> memref<8x128xi32, #tpu.memory_space<hbm>>
          %dma_wait3A_862 = arith.constant 0 : i32
          %dma_wait3A_863 = arith.constant 0 : i32
          %dma_wait3A_864 = tpu.memref_slice %arg8[%sub3A_533, %dma_wait3A_862, %dma_wait3A_863] : memref<2x8x128xi32, #tpu.memory_space<vmem>> -> memref<1x8x128xi32, #tpu.memory_space<vmem>>
          %dma_wait3A_865 = tpu.memref_squeeze %dma_wait3A_864 : memref<1x8x128xi32, #tpu.memory_space<vmem>> -> memref<8x128xi32, #tpu.memory_space<vmem>>
          %dma_wait3A_866 = arith.constant 0 : i32
          %dma_wait3A_867 = tpu.memref_slice %arg3[%add3A_741, %run_scoped3A_742, %dma_wait3A_866] : memref<25000x2x128xi32, #tpu.memory_space<hbm>> -> memref<8x1x128xi32, #tpu.memory_space<hbm>>
          %dma_wait3A_868 = tpu.memref_squeeze %dma_wait3A_867 : memref<8x1x128xi32, #tpu.memory_space<hbm>> -> memref<8x128xi32, #tpu.memory_space<hbm>>
          tpu.wait_dma2 semaphore(%run_scoped3A_840 : memref<!tpu.dma_semaphore, #tpu.memory_space<semaphore_mem>>) src(%dma_wait3A_868 : memref<8x128xi32, #tpu.memory_space<hbm>>) dst(%dma_wait3A_865 : memref<8x128xi32, #tpu.memory_space<vmem>>)
          tpu.yield
        }) : () -> ()
        %run_scoped3A_743 = arith.constant 1 : i32
        "tpu.region"() ({
          %run_scoped3A_840 = tpu.sem_alloc : memref<!tpu.dma_semaphore, #tpu.memory_space<semaphore_mem>>
          %dma_start3A_841 = arith.constant 0 : i32
          %dma_start3A_842 = arith.constant 0 : i32
          %dma_start3A_843 = tpu.memref_slice %arg9[%sub3A_533, %dma_start3A_841, %dma_start3A_842] : memref<2x8x128xi32, #tpu.memory_space<vmem>> -> memref<1x8x128xi32, #tpu.memory_space<vmem>>
          %dma_start3A_844 = tpu.memref_squeeze %dma_start3A_843 : memref<1x8x128xi32, #tpu.memory_space<vmem>> -> memref<8x128xi32, #tpu.memory_space<vmem>>
          %dma_start3A_845 = arith.constant 0 : i32
          %dma_start3A_846 = tpu.memref_slice %arg3[%add3A_741, %run_scoped3A_743, %dma_start3A_845] : memref<25000x2x128xi32, #tpu.memory_space<hbm>> -> memref<8x1x128xi32, #tpu.memory_space<hbm>>
          %dma_start3A_847 = tpu.memref_squeeze %dma_start3A_846 : memref<8x1x128xi32, #tpu.memory_space<hbm>> -> memref<8x128xi32, #tpu.memory_space<hbm>>
          %dma_start3A_848 = arith.constant 0 : i32
          %dma_start3A_849 = arith.constant 0 : i32
          %dma_start3A_850 = tpu.memref_slice %arg9[%sub3A_533, %dma_start3A_848, %dma_start3A_849] : memref<2x8x128xi32, #tpu.memory_space<vmem>> -> memref<1x8x128xi32, #tpu.memory_space<vmem>>
          %dma_start3A_851 = tpu.memref_squeeze %dma_start3A_850 : memref<1x8x128xi32, #tpu.memory_space<vmem>> -> memref<8x128xi32, #tpu.memory_space<vmem>>
          %dma_start3A_852 = arith.constant 0 : i32
          %dma_start3A_853 = tpu.memref_slice %arg3[%add3A_741, %run_scoped3A_743, %dma_start3A_852] : memref<25000x2x128xi32, #tpu.memory_space<hbm>> -> memref<8x1x128xi32, #tpu.memory_space<hbm>>
          %dma_start3A_854 = tpu.memref_squeeze %dma_start3A_853 : memref<8x1x128xi32, #tpu.memory_space<hbm>> -> memref<8x128xi32, #tpu.memory_space<hbm>>
          tpu.enqueue_dma source(%dma_start3A_854 : memref<8x128xi32, #tpu.memory_space<hbm>>) target(%dma_start3A_851 : memref<8x128xi32, #tpu.memory_space<vmem>>) target_semaphore(%run_scoped3A_840 : memref<!tpu.dma_semaphore, #tpu.memory_space<semaphore_mem>>)
          %dma_wait3A_855 = arith.constant 0 : i32
          %dma_wait3A_856 = arith.constant 0 : i32
          %dma_wait3A_857 = tpu.memref_slice %arg9[%sub3A_533, %dma_wait3A_855, %dma_wait3A_856] : memref<2x8x128xi32, #tpu.memory_space<vmem>> -> memref<1x8x128xi32, #tpu.memory_space<vmem>>
          %dma_wait3A_858 = tpu.memref_squeeze %dma_wait3A_857 : memref<1x8x128xi32, #tpu.memory_space<vmem>> -> memref<8x128xi32, #tpu.memory_space<vmem>>
          %dma_wait3A_859 = arith.constant 0 : i32
          %dma_wait3A_860 = tpu.memref_slice %arg3[%add3A_741, %run_scoped3A_743, %dma_wait3A_859] : memref<25000x2x128xi32, #tpu.memory_space<hbm>> -> memref<8x1x128xi32, #tpu.memory_space<hbm>>
          %dma_wait3A_861 = tpu.memref_squeeze %dma_wait3A_860 : memref<8x1x128xi32, #tpu.memory_space<hbm>> -> memref<8x128xi32, #tpu.memory_space<hbm>>
          %dma_wait3A_862 = arith.constant 0 : i32
          %dma_wait3A_863 = arith.constant 0 : i32
          %dma_wait3A_864 = tpu.memref_slice %arg9[%sub3A_533, %dma_wait3A_862, %dma_wait3A_863] : memref<2x8x128xi32, #tpu.memory_space<vmem>> -> memref<1x8x128xi32, #tpu.memory_space<vmem>>
          %dma_wait3A_865 = tpu.memref_squeeze %dma_wait3A_864 : memref<1x8x128xi32, #tpu.memory_space<vmem>> -> memref<8x128xi32, #tpu.memory_space<vmem>>
          %dma_wait3A_866 = arith.constant 0 : i32
          %dma_wait3A_867 = tpu.memref_slice %arg3[%add3A_741, %run_scoped3A_743, %dma_wait3A_866] : memref<25000x2x128xi32, #tpu.memory_space<hbm>> -> memref<8x1x128xi32, #tpu.memory_space<hbm>>
          %dma_wait3A_868 = tpu.memref_squeeze %dma_wait3A_867 : memref<8x1x128xi32, #tpu.memory_space<hbm>> -> memref<8x128xi32, #tpu.memory_space<hbm>>
          tpu.wait_dma2 semaphore(%run_scoped3A_840 : memref<!tpu.dma_semaphore, #tpu.memory_space<semaphore_mem>>) src(%dma_wait3A_868 : memref<8x128xi32, #tpu.memory_space<hbm>>) dst(%dma_wait3A_865 : memref<8x128xi32, #tpu.memory_space<vmem>>)
          tpu.yield
        }) : () -> ()
        %dma_start3A_744 = arith.constant 0 : i32
        %dma_start3A_745 = arith.constant 0 : i32
        %dma_start3A_746 = arith.constant 0 : i32
        %dma_start3A_747 = arith.constant 0 : i32
        %dma_start3A_748 = tpu.memref_slice %arg10[%sub3A_533, %dma_start3A_745, %dma_start3A_746, %dma_start3A_747] : memref<2x8x128x8xf32, #tpu.memory_space<vmem>> -> memref<1x1x128x8xf32, #tpu.memory_space<vmem>>
        %dma_start3A_749 = tpu.memref_squeeze %dma_start3A_748 : memref<1x1x128x8xf32, #tpu.memory_space<vmem>> -> memref<128x8xf32, #tpu.memory_space<vmem>>
        %dma_start3A_750 = arith.constant 0 : i32
        %dma_start3A_751 = tpu.memref_slice %arg8[%sub3A_533, %dma_start3A_744, %dma_start3A_750] : memref<2x8x128xi32, #tpu.memory_space<vmem>> -> memref<1x1x128xi32, #tpu.memory_space<vmem>>
        %dma_start3A_752 = tpu.memref_squeeze %dma_start3A_751 : memref<1x1x128xi32, #tpu.memory_space<vmem>> -> memref<128xi32, #tpu.memory_space<vmem>>
        %dma_start3A_753 = arith.constant 0 : i32
        %dma_start3A_754 = arith.constant 0 : i32
        %dma_start3A_755 = tpu.memref_slice %arg6[%dma_start3A_753, %dma_start3A_754] : memref<102400x8xf32, #tpu.memory_space<vmem_shared>> -> memref<102400x8xf32, #tpu.memory_space<vmem_shared>>
        tpu.enqueue_indirect_dma source(%dma_start3A_755 : memref<102400x8xf32, #tpu.memory_space<vmem_shared>>) target(%dma_start3A_749 : memref<128x8xf32, #tpu.memory_space<vmem>>) offsets(%dma_start3A_752 : memref<128xi32, #tpu.memory_space<vmem>>) semaphore(%arg11 : memref<!tpu.dma_semaphore, #tpu.memory_space<semaphore_mem>>)
        %dma_start3A_756 = arith.constant 1 : i32
        %dma_start3A_757 = arith.constant 1 : i32
        %dma_start3A_758 = arith.constant 0 : i32
        %dma_start3A_759 = arith.constant 0 : i32
        %dma_start3A_760 = tpu.memref_slice %arg10[%sub3A_533, %dma_start3A_757, %dma_start3A_758, %dma_start3A_759] : memref<2x8x128x8xf32, #tpu.memory_space<vmem>> -> memref<1x1x128x8xf32, #tpu.memory_space<vmem>>
        %dma_start3A_761 = tpu.memref_squeeze %dma_start3A_760 : memref<1x1x128x8xf32, #tpu.memory_space<vmem>> -> memref<128x8xf32, #tpu.memory_space<vmem>>
        %dma_start3A_762 = arith.constant 0 : i32
        %dma_start3A_763 = tpu.memref_slice %arg8[%sub3A_533, %dma_start3A_756, %dma_start3A_762] : memref<2x8x128xi32, #tpu.memory_space<vmem>> -> memref<1x1x128xi32, #tpu.memory_space<vmem>>
        %dma_start3A_764 = tpu.memref_squeeze %dma_start3A_763 : memref<1x1x128xi32, #tpu.memory_space<vmem>> -> memref<128xi32, #tpu.memory_space<vmem>>
        %dma_start3A_765 = arith.constant 0 : i32
        %dma_start3A_766 = arith.constant 0 : i32
        %dma_start3A_767 = tpu.memref_slice %arg6[%dma_start3A_765, %dma_start3A_766] : memref<102400x8xf32, #tpu.memory_space<vmem_shared>> -> memref<102400x8xf32, #tpu.memory_space<vmem_shared>>
        tpu.enqueue_indirect_dma source(%dma_start3A_767 : memref<102400x8xf32, #tpu.memory_space<vmem_shared>>) target(%dma_start3A_761 : memref<128x8xf32, #tpu.memory_space<vmem>>) offsets(%dma_start3A_764 : memref<128xi32, #tpu.memory_space<vmem>>) semaphore(%arg11 : memref<!tpu.dma_semaphore, #tpu.memory_space<semaphore_mem>>)
        %dma_start3A_768 = arith.constant 2 : i32
        %dma_start3A_769 = arith.constant 2 : i32
        %dma_start3A_770 = arith.constant 0 : i32
        %dma_start3A_771 = arith.constant 0 : i32
        %dma_start3A_772 = tpu.memref_slice %arg10[%sub3A_533, %dma_start3A_769, %dma_start3A_770, %dma_start3A_771] : memref<2x8x128x8xf32, #tpu.memory_space<vmem>> -> memref<1x1x128x8xf32, #tpu.memory_space<vmem>>
        %dma_start3A_773 = tpu.memref_squeeze %dma_start3A_772 : memref<1x1x128x8xf32, #tpu.memory_space<vmem>> -> memref<128x8xf32, #tpu.memory_space<vmem>>
        %dma_start3A_774 = arith.constant 0 : i32
        %dma_start3A_775 = tpu.memref_slice %arg8[%sub3A_533, %dma_start3A_768, %dma_start3A_774] : memref<2x8x128xi32, #tpu.memory_space<vmem>> -> memref<1x1x128xi32, #tpu.memory_space<vmem>>
        %dma_start3A_776 = tpu.memref_squeeze %dma_start3A_775 : memref<1x1x128xi32, #tpu.memory_space<vmem>> -> memref<128xi32, #tpu.memory_space<vmem>>
        %dma_start3A_777 = arith.constant 0 : i32
        %dma_start3A_778 = arith.constant 0 : i32
        %dma_start3A_779 = tpu.memref_slice %arg6[%dma_start3A_777, %dma_start3A_778] : memref<102400x8xf32, #tpu.memory_space<vmem_shared>> -> memref<102400x8xf32, #tpu.memory_space<vmem_shared>>
        tpu.enqueue_indirect_dma source(%dma_start3A_779 : memref<102400x8xf32, #tpu.memory_space<vmem_shared>>) target(%dma_start3A_773 : memref<128x8xf32, #tpu.memory_space<vmem>>) offsets(%dma_start3A_776 : memref<128xi32, #tpu.memory_space<vmem>>) semaphore(%arg11 : memref<!tpu.dma_semaphore, #tpu.memory_space<semaphore_mem>>)
        %dma_start3A_780 = arith.constant 3 : i32
        %dma_start3A_781 = arith.constant 3 : i32
        %dma_start3A_782 = arith.constant 0 : i32
        %dma_start3A_783 = arith.constant 0 : i32
        %dma_start3A_784 = tpu.memref_slice %arg10[%sub3A_533, %dma_start3A_781, %dma_start3A_782, %dma_start3A_783] : memref<2x8x128x8xf32, #tpu.memory_space<vmem>> -> memref<1x1x128x8xf32, #tpu.memory_space<vmem>>
        %dma_start3A_785 = tpu.memref_squeeze %dma_start3A_784 : memref<1x1x128x8xf32, #tpu.memory_space<vmem>> -> memref<128x8xf32, #tpu.memory_space<vmem>>
        %dma_start3A_786 = arith.constant 0 : i32
        %dma_start3A_787 = tpu.memref_slice %arg8[%sub3A_533, %dma_start3A_780, %dma_start3A_786] : memref<2x8x128xi32, #tpu.memory_space<vmem>> -> memref<1x1x128xi32, #tpu.memory_space<vmem>>
        %dma_start3A_788 = tpu.memref_squeeze %dma_start3A_787 : memref<1x1x128xi32, #tpu.memory_space<vmem>> -> memref<128xi32, #tpu.memory_space<vmem>>
        %dma_start3A_789 = arith.constant 0 : i32
        %dma_start3A_790 = arith.constant 0 : i32
        %dma_start3A_791 = tpu.memref_slice %arg6[%dma_start3A_789, %dma_start3A_790] : memref<102400x8xf32, #tpu.memory_space<vmem_shared>> -> memref<102400x8xf32, #tpu.memory_space<vmem_shared>>
        tpu.enqueue_indirect_dma source(%dma_start3A_791 : memref<102400x8xf32, #tpu.memory_space<vmem_shared>>) target(%dma_start3A_785 : memref<128x8xf32, #tpu.memory_space<vmem>>) offsets(%dma_start3A_788 : memref<128xi32, #tpu.memory_space<vmem>>) semaphore(%arg11 : memref<!tpu.dma_semaphore, #tpu.memory_space<semaphore_mem>>)
        %dma_start3A_792 = arith.constant 4 : i32
        %dma_start3A_793 = arith.constant 4 : i32
        %dma_start3A_794 = arith.constant 0 : i32
        %dma_start3A_795 = arith.constant 0 : i32
        %dma_start3A_796 = tpu.memref_slice %arg10[%sub3A_533, %dma_start3A_793, %dma_start3A_794, %dma_start3A_795] : memref<2x8x128x8xf32, #tpu.memory_space<vmem>> -> memref<1x1x128x8xf32, #tpu.memory_space<vmem>>
        %dma_start3A_797 = tpu.memref_squeeze %dma_start3A_796 : memref<1x1x128x8xf32, #tpu.memory_space<vmem>> -> memref<128x8xf32, #tpu.memory_space<vmem>>
        %dma_start3A_798 = arith.constant 0 : i32
        %dma_start3A_799 = tpu.memref_slice %arg8[%sub3A_533, %dma_start3A_792, %dma_start3A_798] : memref<2x8x128xi32, #tpu.memory_space<vmem>> -> memref<1x1x128xi32, #tpu.memory_space<vmem>>
        %dma_start3A_800 = tpu.memref_squeeze %dma_start3A_799 : memref<1x1x128xi32, #tpu.memory_space<vmem>> -> memref<128xi32, #tpu.memory_space<vmem>>
        %dma_start3A_801 = arith.constant 0 : i32
        %dma_start3A_802 = arith.constant 0 : i32
        %dma_start3A_803 = tpu.memref_slice %arg6[%dma_start3A_801, %dma_start3A_802] : memref<102400x8xf32, #tpu.memory_space<vmem_shared>> -> memref<102400x8xf32, #tpu.memory_space<vmem_shared>>
        tpu.enqueue_indirect_dma source(%dma_start3A_803 : memref<102400x8xf32, #tpu.memory_space<vmem_shared>>) target(%dma_start3A_797 : memref<128x8xf32, #tpu.memory_space<vmem>>) offsets(%dma_start3A_800 : memref<128xi32, #tpu.memory_space<vmem>>) semaphore(%arg11 : memref<!tpu.dma_semaphore, #tpu.memory_space<semaphore_mem>>)
        %dma_start3A_804 = arith.constant 5 : i32
        %dma_start3A_805 = arith.constant 5 : i32
        %dma_start3A_806 = arith.constant 0 : i32
        %dma_start3A_807 = arith.constant 0 : i32
        %dma_start3A_808 = tpu.memref_slice %arg10[%sub3A_533, %dma_start3A_805, %dma_start3A_806, %dma_start3A_807] : memref<2x8x128x8xf32, #tpu.memory_space<vmem>> -> memref<1x1x128x8xf32, #tpu.memory_space<vmem>>
        %dma_start3A_809 = tpu.memref_squeeze %dma_start3A_808 : memref<1x1x128x8xf32, #tpu.memory_space<vmem>> -> memref<128x8xf32, #tpu.memory_space<vmem>>
        %dma_start3A_810 = arith.constant 0 : i32
        %dma_start3A_811 = tpu.memref_slice %arg8[%sub3A_533, %dma_start3A_804, %dma_start3A_810] : memref<2x8x128xi32, #tpu.memory_space<vmem>> -> memref<1x1x128xi32, #tpu.memory_space<vmem>>
        %dma_start3A_812 = tpu.memref_squeeze %dma_start3A_811 : memref<1x1x128xi32, #tpu.memory_space<vmem>> -> memref<128xi32, #tpu.memory_space<vmem>>
        %dma_start3A_813 = arith.constant 0 : i32
        %dma_start3A_814 = arith.constant 0 : i32
        %dma_start3A_815 = tpu.memref_slice %arg6[%dma_start3A_813, %dma_start3A_814] : memref<102400x8xf32, #tpu.memory_space<vmem_shared>> -> memref<102400x8xf32, #tpu.memory_space<vmem_shared>>
        tpu.enqueue_indirect_dma source(%dma_start3A_815 : memref<102400x8xf32, #tpu.memory_space<vmem_shared>>) target(%dma_start3A_809 : memref<128x8xf32, #tpu.memory_space<vmem>>) offsets(%dma_start3A_812 : memref<128xi32, #tpu.memory_space<vmem>>) semaphore(%arg11 : memref<!tpu.dma_semaphore, #tpu.memory_space<semaphore_mem>>)
        %dma_start3A_816 = arith.constant 6 : i32
        %dma_start3A_817 = arith.constant 6 : i32
        %dma_start3A_818 = arith.constant 0 : i32
        %dma_start3A_819 = arith.constant 0 : i32
        %dma_start3A_820 = tpu.memref_slice %arg10[%sub3A_533, %dma_start3A_817, %dma_start3A_818, %dma_start3A_819] : memref<2x8x128x8xf32, #tpu.memory_space<vmem>> -> memref<1x1x128x8xf32, #tpu.memory_space<vmem>>
        %dma_start3A_821 = tpu.memref_squeeze %dma_start3A_820 : memref<1x1x128x8xf32, #tpu.memory_space<vmem>> -> memref<128x8xf32, #tpu.memory_space<vmem>>
        %dma_start3A_822 = arith.constant 0 : i32
        %dma_start3A_823 = tpu.memref_slice %arg8[%sub3A_533, %dma_start3A_816, %dma_start3A_822] : memref<2x8x128xi32, #tpu.memory_space<vmem>> -> memref<1x1x128xi32, #tpu.memory_space<vmem>>
        %dma_start3A_824 = tpu.memref_squeeze %dma_start3A_823 : memref<1x1x128xi32, #tpu.memory_space<vmem>> -> memref<128xi32, #tpu.memory_space<vmem>>
        %dma_start3A_825 = arith.constant 0 : i32
        %dma_start3A_826 = arith.constant 0 : i32
        %dma_start3A_827 = tpu.memref_slice %arg6[%dma_start3A_825, %dma_start3A_826] : memref<102400x8xf32, #tpu.memory_space<vmem_shared>> -> memref<102400x8xf32, #tpu.memory_space<vmem_shared>>
        tpu.enqueue_indirect_dma source(%dma_start3A_827 : memref<102400x8xf32, #tpu.memory_space<vmem_shared>>) target(%dma_start3A_821 : memref<128x8xf32, #tpu.memory_space<vmem>>) offsets(%dma_start3A_824 : memref<128xi32, #tpu.memory_space<vmem>>) semaphore(%arg11 : memref<!tpu.dma_semaphore, #tpu.memory_space<semaphore_mem>>)
        %dma_start3A_828 = arith.constant 7 : i32
        %dma_start3A_829 = arith.constant 7 : i32
        %dma_start3A_830 = arith.constant 0 : i32
        %dma_start3A_831 = arith.constant 0 : i32
        %dma_start3A_832 = tpu.memref_slice %arg10[%sub3A_533, %dma_start3A_829, %dma_start3A_830, %dma_start3A_831] : memref<2x8x128x8xf32, #tpu.memory_space<vmem>> -> memref<1x1x128x8xf32, #tpu.memory_space<vmem>>
        %dma_start3A_833 = tpu.memref_squeeze %dma_start3A_832 : memref<1x1x128x8xf32, #tpu.memory_space<vmem>> -> memref<128x8xf32, #tpu.memory_space<vmem>>
        %dma_start3A_834 = arith.constant 0 : i32
        %dma_start3A_835 = tpu.memref_slice %arg8[%sub3A_533, %dma_start3A_828, %dma_start3A_834] : memref<2x8x128xi32, #tpu.memory_space<vmem>> -> memref<1x1x128xi32, #tpu.memory_space<vmem>>
        %dma_start3A_836 = tpu.memref_squeeze %dma_start3A_835 : memref<1x1x128xi32, #tpu.memory_space<vmem>> -> memref<128xi32, #tpu.memory_space<vmem>>
        %dma_start3A_837 = arith.constant 0 : i32
        %dma_start3A_838 = arith.constant 0 : i32
        %dma_start3A_839 = tpu.memref_slice %arg6[%dma_start3A_837, %dma_start3A_838] : memref<102400x8xf32, #tpu.memory_space<vmem_shared>> -> memref<102400x8xf32, #tpu.memory_space<vmem_shared>>
        tpu.enqueue_indirect_dma source(%dma_start3A_839 : memref<102400x8xf32, #tpu.memory_space<vmem_shared>>) target(%dma_start3A_833 : memref<128x8xf32, #tpu.memory_space<vmem>>) offsets(%dma_start3A_836 : memref<128xi32, #tpu.memory_space<vmem>>) semaphore(%arg11 : memref<!tpu.dma_semaphore, #tpu.memory_space<semaphore_mem>>)
      } else {
      }
      %dma_wait3A_545 = arith.constant 0 : i32
      %dma_wait3A_546 = arith.constant 0 : i32
      %dma_wait3A_547 = arith.constant 0 : i32
      %dma_wait3A_548 = arith.constant 0 : i32
      %dma_wait3A_549 = tpu.memref_slice %arg10[%rem3A_532, %dma_wait3A_546, %dma_wait3A_547, %dma_wait3A_548] : memref<2x8x128x8xf32, #tpu.memory_space<vmem>> -> memref<1x1x128x8xf32, #tpu.memory_space<vmem>>
      %dma_wait3A_550 = tpu.memref_squeeze %dma_wait3A_549 : memref<1x1x128x8xf32, #tpu.memory_space<vmem>> -> memref<128x8xf32, #tpu.memory_space<vmem>>
      %dma_wait3A_551 = arith.constant 0 : i32
      %dma_wait3A_552 = tpu.memref_slice %arg8[%rem3A_532, %dma_wait3A_545, %dma_wait3A_551] : memref<2x8x128xi32, #tpu.memory_space<vmem>> -> memref<1x1x128xi32, #tpu.memory_space<vmem>>
      %dma_wait3A_553 = tpu.memref_squeeze %dma_wait3A_552 : memref<1x1x128xi32, #tpu.memory_space<vmem>> -> memref<128xi32, #tpu.memory_space<vmem>>
      %dma_wait3A_554 = arith.constant 0 : i32
      %dma_wait3A_555 = arith.constant 0 : i32
      %dma_wait3A_556 = tpu.memref_slice %arg6[%dma_wait3A_554, %dma_wait3A_555] : memref<102400x8xf32, #tpu.memory_space<vmem_shared>> -> memref<102400x8xf32, #tpu.memory_space<vmem_shared>>
      tpu.wait_indirect_dma semaphore(%arg11 : memref<!tpu.dma_semaphore, #tpu.memory_space<semaphore_mem>>) src(%dma_wait3A_556 : memref<102400x8xf32, #tpu.memory_space<vmem_shared>>) dst(%dma_wait3A_550 : memref<128x8xf32, #tpu.memory_space<vmem>>)
      %dma_wait3A_557 = arith.constant 1 : i32
      %dma_wait3A_558 = arith.constant 1 : i32
      %dma_wait3A_559 = arith.constant 0 : i32
      %dma_wait3A_560 = arith.constant 0 : i32
      %dma_wait3A_561 = tpu.memref_slice %arg10[%rem3A_532, %dma_wait3A_558, %dma_wait3A_559, %dma_wait3A_560] : memref<2x8x128x8xf32, #tpu.memory_space<vmem>> -> memref<1x1x128x8xf32, #tpu.memory_space<vmem>>
      %dma_wait3A_562 = tpu.memref_squeeze %dma_wait3A_561 : memref<1x1x128x8xf32, #tpu.memory_space<vmem>> -> memref<128x8xf32, #tpu.memory_space<vmem>>
      %dma_wait3A_563 = arith.constant 0 : i32
      %dma_wait3A_564 = tpu.memref_slice %arg8[%rem3A_532, %dma_wait3A_557, %dma_wait3A_563] : memref<2x8x128xi32, #tpu.memory_space<vmem>> -> memref<1x1x128xi32, #tpu.memory_space<vmem>>
      %dma_wait3A_565 = tpu.memref_squeeze %dma_wait3A_564 : memref<1x1x128xi32, #tpu.memory_space<vmem>> -> memref<128xi32, #tpu.memory_space<vmem>>
      %dma_wait3A_566 = arith.constant 0 : i32
      %dma_wait3A_567 = arith.constant 0 : i32
      %dma_wait3A_568 = tpu.memref_slice %arg6[%dma_wait3A_566, %dma_wait3A_567] : memref<102400x8xf32, #tpu.memory_space<vmem_shared>> -> memref<102400x8xf32, #tpu.memory_space<vmem_shared>>
      tpu.wait_indirect_dma semaphore(%arg11 : memref<!tpu.dma_semaphore, #tpu.memory_space<semaphore_mem>>) src(%dma_wait3A_568 : memref<102400x8xf32, #tpu.memory_space<vmem_shared>>) dst(%dma_wait3A_562 : memref<128x8xf32, #tpu.memory_space<vmem>>)
      %dma_wait3A_569 = arith.constant 2 : i32
      %dma_wait3A_570 = arith.constant 2 : i32
      %dma_wait3A_571 = arith.constant 0 : i32
      %dma_wait3A_572 = arith.constant 0 : i32
      %dma_wait3A_573 = tpu.memref_slice %arg10[%rem3A_532, %dma_wait3A_570, %dma_wait3A_571, %dma_wait3A_572] : memref<2x8x128x8xf32, #tpu.memory_space<vmem>> -> memref<1x1x128x8xf32, #tpu.memory_space<vmem>>
      %dma_wait3A_574 = tpu.memref_squeeze %dma_wait3A_573 : memref<1x1x128x8xf32, #tpu.memory_space<vmem>> -> memref<128x8xf32, #tpu.memory_space<vmem>>
      %dma_wait3A_575 = arith.constant 0 : i32
      %dma_wait3A_576 = tpu.memref_slice %arg8[%rem3A_532, %dma_wait3A_569, %dma_wait3A_575] : memref<2x8x128xi32, #tpu.memory_space<vmem>> -> memref<1x1x128xi32, #tpu.memory_space<vmem>>
      %dma_wait3A_577 = tpu.memref_squeeze %dma_wait3A_576 : memref<1x1x128xi32, #tpu.memory_space<vmem>> -> memref<128xi32, #tpu.memory_space<vmem>>
      %dma_wait3A_578 = arith.constant 0 : i32
      %dma_wait3A_579 = arith.constant 0 : i32
      %dma_wait3A_580 = tpu.memref_slice %arg6[%dma_wait3A_578, %dma_wait3A_579] : memref<102400x8xf32, #tpu.memory_space<vmem_shared>> -> memref<102400x8xf32, #tpu.memory_space<vmem_shared>>
      tpu.wait_indirect_dma semaphore(%arg11 : memref<!tpu.dma_semaphore, #tpu.memory_space<semaphore_mem>>) src(%dma_wait3A_580 : memref<102400x8xf32, #tpu.memory_space<vmem_shared>>) dst(%dma_wait3A_574 : memref<128x8xf32, #tpu.memory_space<vmem>>)
      %dma_wait3A_581 = arith.constant 3 : i32
      %dma_wait3A_582 = arith.constant 3 : i32
      %dma_wait3A_583 = arith.constant 0 : i32
      %dma_wait3A_584 = arith.constant 0 : i32
      %dma_wait3A_585 = tpu.memref_slice %arg10[%rem3A_532, %dma_wait3A_582, %dma_wait3A_583, %dma_wait3A_584] : memref<2x8x128x8xf32, #tpu.memory_space<vmem>> -> memref<1x1x128x8xf32, #tpu.memory_space<vmem>>
      %dma_wait3A_586 = tpu.memref_squeeze %dma_wait3A_585 : memref<1x1x128x8xf32, #tpu.memory_space<vmem>> -> memref<128x8xf32, #tpu.memory_space<vmem>>
      %dma_wait3A_587 = arith.constant 0 : i32
      %dma_wait3A_588 = tpu.memref_slice %arg8[%rem3A_532, %dma_wait3A_581, %dma_wait3A_587] : memref<2x8x128xi32, #tpu.memory_space<vmem>> -> memref<1x1x128xi32, #tpu.memory_space<vmem>>
      %dma_wait3A_589 = tpu.memref_squeeze %dma_wait3A_588 : memref<1x1x128xi32, #tpu.memory_space<vmem>> -> memref<128xi32, #tpu.memory_space<vmem>>
      %dma_wait3A_590 = arith.constant 0 : i32
      %dma_wait3A_591 = arith.constant 0 : i32
      %dma_wait3A_592 = tpu.memref_slice %arg6[%dma_wait3A_590, %dma_wait3A_591] : memref<102400x8xf32, #tpu.memory_space<vmem_shared>> -> memref<102400x8xf32, #tpu.memory_space<vmem_shared>>
      tpu.wait_indirect_dma semaphore(%arg11 : memref<!tpu.dma_semaphore, #tpu.memory_space<semaphore_mem>>) src(%dma_wait3A_592 : memref<102400x8xf32, #tpu.memory_space<vmem_shared>>) dst(%dma_wait3A_586 : memref<128x8xf32, #tpu.memory_space<vmem>>)
      %dma_wait3A_593 = arith.constant 4 : i32
      %dma_wait3A_594 = arith.constant 4 : i32
      %dma_wait3A_595 = arith.constant 0 : i32
      %dma_wait3A_596 = arith.constant 0 : i32
      %dma_wait3A_597 = tpu.memref_slice %arg10[%rem3A_532, %dma_wait3A_594, %dma_wait3A_595, %dma_wait3A_596] : memref<2x8x128x8xf32, #tpu.memory_space<vmem>> -> memref<1x1x128x8xf32, #tpu.memory_space<vmem>>
      %dma_wait3A_598 = tpu.memref_squeeze %dma_wait3A_597 : memref<1x1x128x8xf32, #tpu.memory_space<vmem>> -> memref<128x8xf32, #tpu.memory_space<vmem>>
      %dma_wait3A_599 = arith.constant 0 : i32
      %dma_wait3A_600 = tpu.memref_slice %arg8[%rem3A_532, %dma_wait3A_593, %dma_wait3A_599] : memref<2x8x128xi32, #tpu.memory_space<vmem>> -> memref<1x1x128xi32, #tpu.memory_space<vmem>>
      %dma_wait3A_601 = tpu.memref_squeeze %dma_wait3A_600 : memref<1x1x128xi32, #tpu.memory_space<vmem>> -> memref<128xi32, #tpu.memory_space<vmem>>
      %dma_wait3A_602 = arith.constant 0 : i32
      %dma_wait3A_603 = arith.constant 0 : i32
      %dma_wait3A_604 = tpu.memref_slice %arg6[%dma_wait3A_602, %dma_wait3A_603] : memref<102400x8xf32, #tpu.memory_space<vmem_shared>> -> memref<102400x8xf32, #tpu.memory_space<vmem_shared>>
      tpu.wait_indirect_dma semaphore(%arg11 : memref<!tpu.dma_semaphore, #tpu.memory_space<semaphore_mem>>) src(%dma_wait3A_604 : memref<102400x8xf32, #tpu.memory_space<vmem_shared>>) dst(%dma_wait3A_598 : memref<128x8xf32, #tpu.memory_space<vmem>>)
      %dma_wait3A_605 = arith.constant 5 : i32
      %dma_wait3A_606 = arith.constant 5 : i32
      %dma_wait3A_607 = arith.constant 0 : i32
      %dma_wait3A_608 = arith.constant 0 : i32
      %dma_wait3A_609 = tpu.memref_slice %arg10[%rem3A_532, %dma_wait3A_606, %dma_wait3A_607, %dma_wait3A_608] : memref<2x8x128x8xf32, #tpu.memory_space<vmem>> -> memref<1x1x128x8xf32, #tpu.memory_space<vmem>>
      %dma_wait3A_610 = tpu.memref_squeeze %dma_wait3A_609 : memref<1x1x128x8xf32, #tpu.memory_space<vmem>> -> memref<128x8xf32, #tpu.memory_space<vmem>>
      %dma_wait3A_611 = arith.constant 0 : i32
      %dma_wait3A_612 = tpu.memref_slice %arg8[%rem3A_532, %dma_wait3A_605, %dma_wait3A_611] : memref<2x8x128xi32, #tpu.memory_space<vmem>> -> memref<1x1x128xi32, #tpu.memory_space<vmem>>
      %dma_wait3A_613 = tpu.memref_squeeze %dma_wait3A_612 : memref<1x1x128xi32, #tpu.memory_space<vmem>> -> memref<128xi32, #tpu.memory_space<vmem>>
      %dma_wait3A_614 = arith.constant 0 : i32
      %dma_wait3A_615 = arith.constant 0 : i32
      %dma_wait3A_616 = tpu.memref_slice %arg6[%dma_wait3A_614, %dma_wait3A_615] : memref<102400x8xf32, #tpu.memory_space<vmem_shared>> -> memref<102400x8xf32, #tpu.memory_space<vmem_shared>>
      tpu.wait_indirect_dma semaphore(%arg11 : memref<!tpu.dma_semaphore, #tpu.memory_space<semaphore_mem>>) src(%dma_wait3A_616 : memref<102400x8xf32, #tpu.memory_space<vmem_shared>>) dst(%dma_wait3A_610 : memref<128x8xf32, #tpu.memory_space<vmem>>)
      %dma_wait3A_617 = arith.constant 6 : i32
      %dma_wait3A_618 = arith.constant 6 : i32
      %dma_wait3A_619 = arith.constant 0 : i32
      %dma_wait3A_620 = arith.constant 0 : i32
      %dma_wait3A_621 = tpu.memref_slice %arg10[%rem3A_532, %dma_wait3A_618, %dma_wait3A_619, %dma_wait3A_620] : memref<2x8x128x8xf32, #tpu.memory_space<vmem>> -> memref<1x1x128x8xf32, #tpu.memory_space<vmem>>
      %dma_wait3A_622 = tpu.memref_squeeze %dma_wait3A_621 : memref<1x1x128x8xf32, #tpu.memory_space<vmem>> -> memref<128x8xf32, #tpu.memory_space<vmem>>
      %dma_wait3A_623 = arith.constant 0 : i32
      %dma_wait3A_624 = tpu.memref_slice %arg8[%rem3A_532, %dma_wait3A_617, %dma_wait3A_623] : memref<2x8x128xi32, #tpu.memory_space<vmem>> -> memref<1x1x128xi32, #tpu.memory_space<vmem>>
      %dma_wait3A_625 = tpu.memref_squeeze %dma_wait3A_624 : memref<1x1x128xi32, #tpu.memory_space<vmem>> -> memref<128xi32, #tpu.memory_space<vmem>>
      %dma_wait3A_626 = arith.constant 0 : i32
      %dma_wait3A_627 = arith.constant 0 : i32
      %dma_wait3A_628 = tpu.memref_slice %arg6[%dma_wait3A_626, %dma_wait3A_627] : memref<102400x8xf32, #tpu.memory_space<vmem_shared>> -> memref<102400x8xf32, #tpu.memory_space<vmem_shared>>
      tpu.wait_indirect_dma semaphore(%arg11 : memref<!tpu.dma_semaphore, #tpu.memory_space<semaphore_mem>>) src(%dma_wait3A_628 : memref<102400x8xf32, #tpu.memory_space<vmem_shared>>) dst(%dma_wait3A_622 : memref<128x8xf32, #tpu.memory_space<vmem>>)
      %dma_wait3A_629 = arith.constant 7 : i32
      %dma_wait3A_630 = arith.constant 7 : i32
      %dma_wait3A_631 = arith.constant 0 : i32
      %dma_wait3A_632 = arith.constant 0 : i32
      %dma_wait3A_633 = tpu.memref_slice %arg10[%rem3A_532, %dma_wait3A_630, %dma_wait3A_631, %dma_wait3A_632] : memref<2x8x128x8xf32, #tpu.memory_space<vmem>> -> memref<1x1x128x8xf32, #tpu.memory_space<vmem>>
      %dma_wait3A_634 = tpu.memref_squeeze %dma_wait3A_633 : memref<1x1x128x8xf32, #tpu.memory_space<vmem>> -> memref<128x8xf32, #tpu.memory_space<vmem>>
      %dma_wait3A_635 = arith.constant 0 : i32
      %dma_wait3A_636 = tpu.memref_slice %arg8[%rem3A_532, %dma_wait3A_629, %dma_wait3A_635] : memref<2x8x128xi32, #tpu.memory_space<vmem>> -> memref<1x1x128xi32, #tpu.memory_space<vmem>>
      %dma_wait3A_637 = tpu.memref_squeeze %dma_wait3A_636 : memref<1x1x128xi32, #tpu.memory_space<vmem>> -> memref<128xi32, #tpu.memory_space<vmem>>
      %dma_wait3A_638 = arith.constant 0 : i32
      %dma_wait3A_639 = arith.constant 0 : i32
      %dma_wait3A_640 = tpu.memref_slice %arg6[%dma_wait3A_638, %dma_wait3A_639] : memref<102400x8xf32, #tpu.memory_space<vmem_shared>> -> memref<102400x8xf32, #tpu.memory_space<vmem_shared>>
      tpu.wait_indirect_dma semaphore(%arg11 : memref<!tpu.dma_semaphore, #tpu.memory_space<semaphore_mem>>) src(%dma_wait3A_640 : memref<102400x8xf32, #tpu.memory_space<vmem_shared>>) dst(%dma_wait3A_634 : memref<128x8xf32, #tpu.memory_space<vmem>>)
      %dma_start3A_641 = arith.constant 0 : i32
      %dma_start3A_642 = arith.constant 0 : i32
      %dma_start3A_643 = arith.constant 0 : i32
      %dma_start3A_644 = arith.constant 0 : i32
      %dma_start3A_645 = tpu.memref_slice %arg10[%rem3A_532, %dma_start3A_641, %dma_start3A_643, %dma_start3A_644] : memref<2x8x128x8xf32, #tpu.memory_space<vmem>> -> memref<1x1x128x8xf32, #tpu.memory_space<vmem>>
      %dma_start3A_646 = tpu.memref_squeeze %dma_start3A_645 : memref<1x1x128x8xf32, #tpu.memory_space<vmem>> -> memref<128x8xf32, #tpu.memory_space<vmem>>
      %dma_start3A_647 = arith.constant 0 : i32
      %dma_start3A_648 = tpu.memref_slice %arg9[%rem3A_532, %dma_start3A_642, %dma_start3A_647] : memref<2x8x128xi32, #tpu.memory_space<vmem>> -> memref<1x1x128xi32, #tpu.memory_space<vmem>>
      %dma_start3A_649 = tpu.memref_squeeze %dma_start3A_648 : memref<1x1x128xi32, #tpu.memory_space<vmem>> -> memref<128xi32, #tpu.memory_space<vmem>>
      %dma_start3A_650 = arith.constant 0 : i32
      %dma_start3A_651 = arith.constant 0 : i32
      %dma_start3A_652 = tpu.memref_slice %arg7[%dma_start3A_650, %dma_start3A_651] : memref<102400x8xf32, #tpu.memory_space<vmem_shared>> -> memref<102400x8xf32, #tpu.memory_space<vmem_shared>>
      tpu.enqueue_indirect_dma source(%dma_start3A_646 : memref<128x8xf32, #tpu.memory_space<vmem>>) target(%dma_start3A_652 : memref<102400x8xf32, #tpu.memory_space<vmem_shared>>) offsets(%dma_start3A_649 : memref<128xi32, #tpu.memory_space<vmem>>) semaphore(%arg12 : memref<!tpu.dma_semaphore, #tpu.memory_space<semaphore_mem>>) {add = true}
      %dma_start3A_653 = arith.constant 1 : i32
      %dma_start3A_654 = arith.constant 1 : i32
      %dma_start3A_655 = arith.constant 0 : i32
      %dma_start3A_656 = arith.constant 0 : i32
      %dma_start3A_657 = tpu.memref_slice %arg10[%rem3A_532, %dma_start3A_653, %dma_start3A_655, %dma_start3A_656] : memref<2x8x128x8xf32, #tpu.memory_space<vmem>> -> memref<1x1x128x8xf32, #tpu.memory_space<vmem>>
      %dma_start3A_658 = tpu.memref_squeeze %dma_start3A_657 : memref<1x1x128x8xf32, #tpu.memory_space<vmem>> -> memref<128x8xf32, #tpu.memory_space<vmem>>
      %dma_start3A_659 = arith.constant 0 : i32
      %dma_start3A_660 = tpu.memref_slice %arg9[%rem3A_532, %dma_start3A_654, %dma_start3A_659] : memref<2x8x128xi32, #tpu.memory_space<vmem>> -> memref<1x1x128xi32, #tpu.memory_space<vmem>>
      %dma_start3A_661 = tpu.memref_squeeze %dma_start3A_660 : memref<1x1x128xi32, #tpu.memory_space<vmem>> -> memref<128xi32, #tpu.memory_space<vmem>>
      %dma_start3A_662 = arith.constant 0 : i32
      %dma_start3A_663 = arith.constant 0 : i32
      %dma_start3A_664 = tpu.memref_slice %arg7[%dma_start3A_662, %dma_start3A_663] : memref<102400x8xf32, #tpu.memory_space<vmem_shared>> -> memref<102400x8xf32, #tpu.memory_space<vmem_shared>>
      tpu.enqueue_indirect_dma source(%dma_start3A_658 : memref<128x8xf32, #tpu.memory_space<vmem>>) target(%dma_start3A_664 : memref<102400x8xf32, #tpu.memory_space<vmem_shared>>) offsets(%dma_start3A_661 : memref<128xi32, #tpu.memory_space<vmem>>) semaphore(%arg12 : memref<!tpu.dma_semaphore, #tpu.memory_space<semaphore_mem>>) {add = true}
      %dma_start3A_665 = arith.constant 2 : i32
      %dma_start3A_666 = arith.constant 2 : i32
      %dma_start3A_667 = arith.constant 0 : i32
      %dma_start3A_668 = arith.constant 0 : i32
      %dma_start3A_669 = tpu.memref_slice %arg10[%rem3A_532, %dma_start3A_665, %dma_start3A_667, %dma_start3A_668] : memref<2x8x128x8xf32, #tpu.memory_space<vmem>> -> memref<1x1x128x8xf32, #tpu.memory_space<vmem>>
      %dma_start3A_670 = tpu.memref_squeeze %dma_start3A_669 : memref<1x1x128x8xf32, #tpu.memory_space<vmem>> -> memref<128x8xf32, #tpu.memory_space<vmem>>
      %dma_start3A_671 = arith.constant 0 : i32
      %dma_start3A_672 = tpu.memref_slice %arg9[%rem3A_532, %dma_start3A_666, %dma_start3A_671] : memref<2x8x128xi32, #tpu.memory_space<vmem>> -> memref<1x1x128xi32, #tpu.memory_space<vmem>>
      %dma_start3A_673 = tpu.memref_squeeze %dma_start3A_672 : memref<1x1x128xi32, #tpu.memory_space<vmem>> -> memref<128xi32, #tpu.memory_space<vmem>>
      %dma_start3A_674 = arith.constant 0 : i32
      %dma_start3A_675 = arith.constant 0 : i32
      %dma_start3A_676 = tpu.memref_slice %arg7[%dma_start3A_674, %dma_start3A_675] : memref<102400x8xf32, #tpu.memory_space<vmem_shared>> -> memref<102400x8xf32, #tpu.memory_space<vmem_shared>>
      tpu.enqueue_indirect_dma source(%dma_start3A_670 : memref<128x8xf32, #tpu.memory_space<vmem>>) target(%dma_start3A_676 : memref<102400x8xf32, #tpu.memory_space<vmem_shared>>) offsets(%dma_start3A_673 : memref<128xi32, #tpu.memory_space<vmem>>) semaphore(%arg12 : memref<!tpu.dma_semaphore, #tpu.memory_space<semaphore_mem>>) {add = true}
      %dma_start3A_677 = arith.constant 3 : i32
      %dma_start3A_678 = arith.constant 3 : i32
      %dma_start3A_679 = arith.constant 0 : i32
      %dma_start3A_680 = arith.constant 0 : i32
      %dma_start3A_681 = tpu.memref_slice %arg10[%rem3A_532, %dma_start3A_677, %dma_start3A_679, %dma_start3A_680] : memref<2x8x128x8xf32, #tpu.memory_space<vmem>> -> memref<1x1x128x8xf32, #tpu.memory_space<vmem>>
      %dma_start3A_682 = tpu.memref_squeeze %dma_start3A_681 : memref<1x1x128x8xf32, #tpu.memory_space<vmem>> -> memref<128x8xf32, #tpu.memory_space<vmem>>
      %dma_start3A_683 = arith.constant 0 : i32
      %dma_start3A_684 = tpu.memref_slice %arg9[%rem3A_532, %dma_start3A_678, %dma_start3A_683] : memref<2x8x128xi32, #tpu.memory_space<vmem>> -> memref<1x1x128xi32, #tpu.memory_space<vmem>>
      %dma_start3A_685 = tpu.memref_squeeze %dma_start3A_684 : memref<1x1x128xi32, #tpu.memory_space<vmem>> -> memref<128xi32, #tpu.memory_space<vmem>>
      %dma_start3A_686 = arith.constant 0 : i32
      %dma_start3A_687 = arith.constant 0 : i32
      %dma_start3A_688 = tpu.memref_slice %arg7[%dma_start3A_686, %dma_start3A_687] : memref<102400x8xf32, #tpu.memory_space<vmem_shared>> -> memref<102400x8xf32, #tpu.memory_space<vmem_shared>>
      tpu.enqueue_indirect_dma source(%dma_start3A_682 : memref<128x8xf32, #tpu.memory_space<vmem>>) target(%dma_start3A_688 : memref<102400x8xf32, #tpu.memory_space<vmem_shared>>) offsets(%dma_start3A_685 : memref<128xi32, #tpu.memory_space<vmem>>) semaphore(%arg12 : memref<!tpu.dma_semaphore, #tpu.memory_space<semaphore_mem>>) {add = true}
      %dma_start3A_689 = arith.constant 4 : i32
      %dma_start3A_690 = arith.constant 4 : i32
      %dma_start3A_691 = arith.constant 0 : i32
      %dma_start3A_692 = arith.constant 0 : i32
      %dma_start3A_693 = tpu.memref_slice %arg10[%rem3A_532, %dma_start3A_689, %dma_start3A_691, %dma_start3A_692] : memref<2x8x128x8xf32, #tpu.memory_space<vmem>> -> memref<1x1x128x8xf32, #tpu.memory_space<vmem>>
      %dma_start3A_694 = tpu.memref_squeeze %dma_start3A_693 : memref<1x1x128x8xf32, #tpu.memory_space<vmem>> -> memref<128x8xf32, #tpu.memory_space<vmem>>
      %dma_start3A_695 = arith.constant 0 : i32
      %dma_start3A_696 = tpu.memref_slice %arg9[%rem3A_532, %dma_start3A_690, %dma_start3A_695] : memref<2x8x128xi32, #tpu.memory_space<vmem>> -> memref<1x1x128xi32, #tpu.memory_space<vmem>>
      %dma_start3A_697 = tpu.memref_squeeze %dma_start3A_696 : memref<1x1x128xi32, #tpu.memory_space<vmem>> -> memref<128xi32, #tpu.memory_space<vmem>>
      %dma_start3A_698 = arith.constant 0 : i32
      %dma_start3A_699 = arith.constant 0 : i32
      %dma_start3A_700 = tpu.memref_slice %arg7[%dma_start3A_698, %dma_start3A_699] : memref<102400x8xf32, #tpu.memory_space<vmem_shared>> -> memref<102400x8xf32, #tpu.memory_space<vmem_shared>>
      tpu.enqueue_indirect_dma source(%dma_start3A_694 : memref<128x8xf32, #tpu.memory_space<vmem>>) target(%dma_start3A_700 : memref<102400x8xf32, #tpu.memory_space<vmem_shared>>) offsets(%dma_start3A_697 : memref<128xi32, #tpu.memory_space<vmem>>) semaphore(%arg12 : memref<!tpu.dma_semaphore, #tpu.memory_space<semaphore_mem>>) {add = true}
      %dma_start3A_701 = arith.constant 5 : i32
      %dma_start3A_702 = arith.constant 5 : i32
      %dma_start3A_703 = arith.constant 0 : i32
      %dma_start3A_704 = arith.constant 0 : i32
      %dma_start3A_705 = tpu.memref_slice %arg10[%rem3A_532, %dma_start3A_701, %dma_start3A_703, %dma_start3A_704] : memref<2x8x128x8xf32, #tpu.memory_space<vmem>> -> memref<1x1x128x8xf32, #tpu.memory_space<vmem>>
      %dma_start3A_706 = tpu.memref_squeeze %dma_start3A_705 : memref<1x1x128x8xf32, #tpu.memory_space<vmem>> -> memref<128x8xf32, #tpu.memory_space<vmem>>
      %dma_start3A_707 = arith.constant 0 : i32
      %dma_start3A_708 = tpu.memref_slice %arg9[%rem3A_532, %dma_start3A_702, %dma_start3A_707] : memref<2x8x128xi32, #tpu.memory_space<vmem>> -> memref<1x1x128xi32, #tpu.memory_space<vmem>>
      %dma_start3A_709 = tpu.memref_squeeze %dma_start3A_708 : memref<1x1x128xi32, #tpu.memory_space<vmem>> -> memref<128xi32, #tpu.memory_space<vmem>>
      %dma_start3A_710 = arith.constant 0 : i32
      %dma_start3A_711 = arith.constant 0 : i32
      %dma_start3A_712 = tpu.memref_slice %arg7[%dma_start3A_710, %dma_start3A_711] : memref<102400x8xf32, #tpu.memory_space<vmem_shared>> -> memref<102400x8xf32, #tpu.memory_space<vmem_shared>>
      tpu.enqueue_indirect_dma source(%dma_start3A_706 : memref<128x8xf32, #tpu.memory_space<vmem>>) target(%dma_start3A_712 : memref<102400x8xf32, #tpu.memory_space<vmem_shared>>) offsets(%dma_start3A_709 : memref<128xi32, #tpu.memory_space<vmem>>) semaphore(%arg12 : memref<!tpu.dma_semaphore, #tpu.memory_space<semaphore_mem>>) {add = true}
      %dma_start3A_713 = arith.constant 6 : i32
      %dma_start3A_714 = arith.constant 6 : i32
      %dma_start3A_715 = arith.constant 0 : i32
      %dma_start3A_716 = arith.constant 0 : i32
      %dma_start3A_717 = tpu.memref_slice %arg10[%rem3A_532, %dma_start3A_713, %dma_start3A_715, %dma_start3A_716] : memref<2x8x128x8xf32, #tpu.memory_space<vmem>> -> memref<1x1x128x8xf32, #tpu.memory_space<vmem>>
      %dma_start3A_718 = tpu.memref_squeeze %dma_start3A_717 : memref<1x1x128x8xf32, #tpu.memory_space<vmem>> -> memref<128x8xf32, #tpu.memory_space<vmem>>
      %dma_start3A_719 = arith.constant 0 : i32
      %dma_start3A_720 = tpu.memref_slice %arg9[%rem3A_532, %dma_start3A_714, %dma_start3A_719] : memref<2x8x128xi32, #tpu.memory_space<vmem>> -> memref<1x1x128xi32, #tpu.memory_space<vmem>>
      %dma_start3A_721 = tpu.memref_squeeze %dma_start3A_720 : memref<1x1x128xi32, #tpu.memory_space<vmem>> -> memref<128xi32, #tpu.memory_space<vmem>>
      %dma_start3A_722 = arith.constant 0 : i32
      %dma_start3A_723 = arith.constant 0 : i32
      %dma_start3A_724 = tpu.memref_slice %arg7[%dma_start3A_722, %dma_start3A_723] : memref<102400x8xf32, #tpu.memory_space<vmem_shared>> -> memref<102400x8xf32, #tpu.memory_space<vmem_shared>>
      tpu.enqueue_indirect_dma source(%dma_start3A_718 : memref<128x8xf32, #tpu.memory_space<vmem>>) target(%dma_start3A_724 : memref<102400x8xf32, #tpu.memory_space<vmem_shared>>) offsets(%dma_start3A_721 : memref<128xi32, #tpu.memory_space<vmem>>) semaphore(%arg12 : memref<!tpu.dma_semaphore, #tpu.memory_space<semaphore_mem>>) {add = true}
      %dma_start3A_725 = arith.constant 7 : i32
      %dma_start3A_726 = arith.constant 7 : i32
      %dma_start3A_727 = arith.constant 0 : i32
      %dma_start3A_728 = arith.constant 0 : i32
      %dma_start3A_729 = tpu.memref_slice %arg10[%rem3A_532, %dma_start3A_725, %dma_start3A_727, %dma_start3A_728] : memref<2x8x128x8xf32, #tpu.memory_space<vmem>> -> memref<1x1x128x8xf32, #tpu.memory_space<vmem>>
      %dma_start3A_730 = tpu.memref_squeeze %dma_start3A_729 : memref<1x1x128x8xf32, #tpu.memory_space<vmem>> -> memref<128x8xf32, #tpu.memory_space<vmem>>
      %dma_start3A_731 = arith.constant 0 : i32
      %dma_start3A_732 = tpu.memref_slice %arg9[%rem3A_532, %dma_start3A_726, %dma_start3A_731] : memref<2x8x128xi32, #tpu.memory_space<vmem>> -> memref<1x1x128xi32, #tpu.memory_space<vmem>>
      %dma_start3A_733 = tpu.memref_squeeze %dma_start3A_732 : memref<1x1x128xi32, #tpu.memory_space<vmem>> -> memref<128xi32, #tpu.memory_space<vmem>>
      %dma_start3A_734 = arith.constant 0 : i32
      %dma_start3A_735 = arith.constant 0 : i32
      %dma_start3A_736 = tpu.memref_slice %arg7[%dma_start3A_734, %dma_start3A_735] : memref<102400x8xf32, #tpu.memory_space<vmem_shared>> -> memref<102400x8xf32, #tpu.memory_space<vmem_shared>>
      tpu.enqueue_indirect_dma source(%dma_start3A_730 : memref<128x8xf32, #tpu.memory_space<vmem>>) target(%dma_start3A_736 : memref<102400x8xf32, #tpu.memory_space<vmem_shared>>) offsets(%dma_start3A_733 : memref<128xi32, #tpu.memory_space<vmem>>) semaphore(%arg12 : memref<!tpu.dma_semaphore, #tpu.memory_space<semaphore_mem>>) {add = true}
    }
    %scan3A_123 = arith.constant 97 : i32
    %dma_wait3A = arith.constant 0 : i32
    %dma_wait3A_124 = arith.constant 0 : i32
    %dma_wait3A_125 = arith.constant 0 : i32
    %dma_wait3A_126 = arith.constant 0 : i32
    %dma_wait3A_127 = arith.constant 0 : i32
    %dma_wait3A_128 = arith.constant 0 : i32
    %dma_wait3A_129 = tpu.memref_slice %arg10[%dma_wait3A, %dma_wait3A_124, %dma_wait3A_127, %dma_wait3A_128] : memref<2x8x128x8xf32, #tpu.memory_space<vmem>> -> memref<1x1x128x8xf32, #tpu.memory_space<vmem>>
    %dma_wait3A_130 = tpu.memref_squeeze %dma_wait3A_129 : memref<1x1x128x8xf32, #tpu.memory_space<vmem>> -> memref<128x8xf32, #tpu.memory_space<vmem>>
    %dma_wait3A_131 = arith.constant 0 : i32
    %dma_wait3A_132 = tpu.memref_slice %arg9[%dma_wait3A_125, %dma_wait3A_126, %dma_wait3A_131] : memref<2x8x128xi32, #tpu.memory_space<vmem>> -> memref<1x1x128xi32, #tpu.memory_space<vmem>>
    %dma_wait3A_133 = tpu.memref_squeeze %dma_wait3A_132 : memref<1x1x128xi32, #tpu.memory_space<vmem>> -> memref<128xi32, #tpu.memory_space<vmem>>
    %dma_wait3A_134 = arith.constant 0 : i32
    %dma_wait3A_135 = arith.constant 0 : i32
    %dma_wait3A_136 = tpu.memref_slice %arg7[%dma_wait3A_134, %dma_wait3A_135] : memref<102400x8xf32, #tpu.memory_space<vmem_shared>> -> memref<102400x8xf32, #tpu.memory_space<vmem_shared>>
    tpu.wait_indirect_dma semaphore(%arg12 : memref<!tpu.dma_semaphore, #tpu.memory_space<semaphore_mem>>) src(%dma_wait3A_130 : memref<128x8xf32, #tpu.memory_space<vmem>>) dst(%dma_wait3A_136 : memref<102400x8xf32, #tpu.memory_space<vmem_shared>>)
    %dma_wait3A_137 = arith.constant 0 : i32
    %dma_wait3A_138 = arith.constant 1 : i32
    %dma_wait3A_139 = arith.constant 0 : i32
    %dma_wait3A_140 = arith.constant 1 : i32
    %dma_wait3A_141 = arith.constant 0 : i32
    %dma_wait3A_142 = arith.constant 0 : i32
    %dma_wait3A_143 = tpu.memref_slice %arg10[%dma_wait3A_137, %dma_wait3A_138, %dma_wait3A_141, %dma_wait3A_142] : memref<2x8x128x8xf32, #tpu.memory_space<vmem>> -> memref<1x1x128x8xf32, #tpu.memory_space<vmem>>
    %dma_wait3A_144 = tpu.memref_squeeze %dma_wait3A_143 : memref<1x1x128x8xf32, #tpu.memory_space<vmem>> -> memref<128x8xf32, #tpu.memory_space<vmem>>
    %dma_wait3A_145 = arith.constant 0 : i32
    %dma_wait3A_146 = tpu.memref_slice %arg9[%dma_wait3A_139, %dma_wait3A_140, %dma_wait3A_145] : memref<2x8x128xi32, #tpu.memory_space<vmem>> -> memref<1x1x128xi32, #tpu.memory_space<vmem>>
    %dma_wait3A_147 = tpu.memref_squeeze %dma_wait3A_146 : memref<1x1x128xi32, #tpu.memory_space<vmem>> -> memref<128xi32, #tpu.memory_space<vmem>>
    %dma_wait3A_148 = arith.constant 0 : i32
    %dma_wait3A_149 = arith.constant 0 : i32
    %dma_wait3A_150 = tpu.memref_slice %arg7[%dma_wait3A_148, %dma_wait3A_149] : memref<102400x8xf32, #tpu.memory_space<vmem_shared>> -> memref<102400x8xf32, #tpu.memory_space<vmem_shared>>
    tpu.wait_indirect_dma semaphore(%arg12 : memref<!tpu.dma_semaphore, #tpu.memory_space<semaphore_mem>>) src(%dma_wait3A_144 : memref<128x8xf32, #tpu.memory_space<vmem>>) dst(%dma_wait3A_150 : memref<102400x8xf32, #tpu.memory_space<vmem_shared>>)
    %dma_wait3A_151 = arith.constant 0 : i32
    %dma_wait3A_152 = arith.constant 2 : i32
    %dma_wait3A_153 = arith.constant 0 : i32
    %dma_wait3A_154 = arith.constant 2 : i32
    %dma_wait3A_155 = arith.constant 0 : i32
    %dma_wait3A_156 = arith.constant 0 : i32
    %dma_wait3A_157 = tpu.memref_slice %arg10[%dma_wait3A_151, %dma_wait3A_152, %dma_wait3A_155, %dma_wait3A_156] : memref<2x8x128x8xf32, #tpu.memory_space<vmem>> -> memref<1x1x128x8xf32, #tpu.memory_space<vmem>>
    %dma_wait3A_158 = tpu.memref_squeeze %dma_wait3A_157 : memref<1x1x128x8xf32, #tpu.memory_space<vmem>> -> memref<128x8xf32, #tpu.memory_space<vmem>>
    %dma_wait3A_159 = arith.constant 0 : i32
    %dma_wait3A_160 = tpu.memref_slice %arg9[%dma_wait3A_153, %dma_wait3A_154, %dma_wait3A_159] : memref<2x8x128xi32, #tpu.memory_space<vmem>> -> memref<1x1x128xi32, #tpu.memory_space<vmem>>
    %dma_wait3A_161 = tpu.memref_squeeze %dma_wait3A_160 : memref<1x1x128xi32, #tpu.memory_space<vmem>> -> memref<128xi32, #tpu.memory_space<vmem>>
    %dma_wait3A_162 = arith.constant 0 : i32
    %dma_wait3A_163 = arith.constant 0 : i32
    %dma_wait3A_164 = tpu.memref_slice %arg7[%dma_wait3A_162, %dma_wait3A_163] : memref<102400x8xf32, #tpu.memory_space<vmem_shared>> -> memref<102400x8xf32, #tpu.memory_space<vmem_shared>>
    tpu.wait_indirect_dma semaphore(%arg12 : memref<!tpu.dma_semaphore, #tpu.memory_space<semaphore_mem>>) src(%dma_wait3A_158 : memref<128x8xf32, #tpu.memory_space<vmem>>) dst(%dma_wait3A_164 : memref<102400x8xf32, #tpu.memory_space<vmem_shared>>)
    %dma_wait3A_165 = arith.constant 0 : i32
    %dma_wait3A_166 = arith.constant 3 : i32
    %dma_wait3A_167 = arith.constant 0 : i32
    %dma_wait3A_168 = arith.constant 3 : i32
    %dma_wait3A_169 = arith.constant 0 : i32
    %dma_wait3A_170 = arith.constant 0 : i32
    %dma_wait3A_171 = tpu.memref_slice %arg10[%dma_wait3A_165, %dma_wait3A_166, %dma_wait3A_169, %dma_wait3A_170] : memref<2x8x128x8xf32, #tpu.memory_space<vmem>> -> memref<1x1x128x8xf32, #tpu.memory_space<vmem>>
    %dma_wait3A_172 = tpu.memref_squeeze %dma_wait3A_171 : memref<1x1x128x8xf32, #tpu.memory_space<vmem>> -> memref<128x8xf32, #tpu.memory_space<vmem>>
    %dma_wait3A_173 = arith.constant 0 : i32
    %dma_wait3A_174 = tpu.memref_slice %arg9[%dma_wait3A_167, %dma_wait3A_168, %dma_wait3A_173] : memref<2x8x128xi32, #tpu.memory_space<vmem>> -> memref<1x1x128xi32, #tpu.memory_space<vmem>>
    %dma_wait3A_175 = tpu.memref_squeeze %dma_wait3A_174 : memref<1x1x128xi32, #tpu.memory_space<vmem>> -> memref<128xi32, #tpu.memory_space<vmem>>
    %dma_wait3A_176 = arith.constant 0 : i32
    %dma_wait3A_177 = arith.constant 0 : i32
    %dma_wait3A_178 = tpu.memref_slice %arg7[%dma_wait3A_176, %dma_wait3A_177] : memref<102400x8xf32, #tpu.memory_space<vmem_shared>> -> memref<102400x8xf32, #tpu.memory_space<vmem_shared>>
    tpu.wait_indirect_dma semaphore(%arg12 : memref<!tpu.dma_semaphore, #tpu.memory_space<semaphore_mem>>) src(%dma_wait3A_172 : memref<128x8xf32, #tpu.memory_space<vmem>>) dst(%dma_wait3A_178 : memref<102400x8xf32, #tpu.memory_space<vmem_shared>>)
    %dma_wait3A_179 = arith.constant 0 : i32
    %dma_wait3A_180 = arith.constant 4 : i32
    %dma_wait3A_181 = arith.constant 0 : i32
    %dma_wait3A_182 = arith.constant 4 : i32
    %dma_wait3A_183 = arith.constant 0 : i32
    %dma_wait3A_184 = arith.constant 0 : i32
    %dma_wait3A_185 = tpu.memref_slice %arg10[%dma_wait3A_179, %dma_wait3A_180, %dma_wait3A_183, %dma_wait3A_184] : memref<2x8x128x8xf32, #tpu.memory_space<vmem>> -> memref<1x1x128x8xf32, #tpu.memory_space<vmem>>
    %dma_wait3A_186 = tpu.memref_squeeze %dma_wait3A_185 : memref<1x1x128x8xf32, #tpu.memory_space<vmem>> -> memref<128x8xf32, #tpu.memory_space<vmem>>
    %dma_wait3A_187 = arith.constant 0 : i32
    %dma_wait3A_188 = tpu.memref_slice %arg9[%dma_wait3A_181, %dma_wait3A_182, %dma_wait3A_187] : memref<2x8x128xi32, #tpu.memory_space<vmem>> -> memref<1x1x128xi32, #tpu.memory_space<vmem>>
    %dma_wait3A_189 = tpu.memref_squeeze %dma_wait3A_188 : memref<1x1x128xi32, #tpu.memory_space<vmem>> -> memref<128xi32, #tpu.memory_space<vmem>>
    %dma_wait3A_190 = arith.constant 0 : i32
    %dma_wait3A_191 = arith.constant 0 : i32
    %dma_wait3A_192 = tpu.memref_slice %arg7[%dma_wait3A_190, %dma_wait3A_191] : memref<102400x8xf32, #tpu.memory_space<vmem_shared>> -> memref<102400x8xf32, #tpu.memory_space<vmem_shared>>
    tpu.wait_indirect_dma semaphore(%arg12 : memref<!tpu.dma_semaphore, #tpu.memory_space<semaphore_mem>>) src(%dma_wait3A_186 : memref<128x8xf32, #tpu.memory_space<vmem>>) dst(%dma_wait3A_192 : memref<102400x8xf32, #tpu.memory_space<vmem_shared>>)
    %dma_wait3A_193 = arith.constant 0 : i32
    %dma_wait3A_194 = arith.constant 5 : i32
    %dma_wait3A_195 = arith.constant 0 : i32
    %dma_wait3A_196 = arith.constant 5 : i32
    %dma_wait3A_197 = arith.constant 0 : i32
    %dma_wait3A_198 = arith.constant 0 : i32
    %dma_wait3A_199 = tpu.memref_slice %arg10[%dma_wait3A_193, %dma_wait3A_194, %dma_wait3A_197, %dma_wait3A_198] : memref<2x8x128x8xf32, #tpu.memory_space<vmem>> -> memref<1x1x128x8xf32, #tpu.memory_space<vmem>>
    %dma_wait3A_200 = tpu.memref_squeeze %dma_wait3A_199 : memref<1x1x128x8xf32, #tpu.memory_space<vmem>> -> memref<128x8xf32, #tpu.memory_space<vmem>>
    %dma_wait3A_201 = arith.constant 0 : i32
    %dma_wait3A_202 = tpu.memref_slice %arg9[%dma_wait3A_195, %dma_wait3A_196, %dma_wait3A_201] : memref<2x8x128xi32, #tpu.memory_space<vmem>> -> memref<1x1x128xi32, #tpu.memory_space<vmem>>
    %dma_wait3A_203 = tpu.memref_squeeze %dma_wait3A_202 : memref<1x1x128xi32, #tpu.memory_space<vmem>> -> memref<128xi32, #tpu.memory_space<vmem>>
    %dma_wait3A_204 = arith.constant 0 : i32
    %dma_wait3A_205 = arith.constant 0 : i32
    %dma_wait3A_206 = tpu.memref_slice %arg7[%dma_wait3A_204, %dma_wait3A_205] : memref<102400x8xf32, #tpu.memory_space<vmem_shared>> -> memref<102400x8xf32, #tpu.memory_space<vmem_shared>>
    tpu.wait_indirect_dma semaphore(%arg12 : memref<!tpu.dma_semaphore, #tpu.memory_space<semaphore_mem>>) src(%dma_wait3A_200 : memref<128x8xf32, #tpu.memory_space<vmem>>) dst(%dma_wait3A_206 : memref<102400x8xf32, #tpu.memory_space<vmem_shared>>)
    %dma_wait3A_207 = arith.constant 0 : i32
    %dma_wait3A_208 = arith.constant 6 : i32
    %dma_wait3A_209 = arith.constant 0 : i32
    %dma_wait3A_210 = arith.constant 6 : i32
    %dma_wait3A_211 = arith.constant 0 : i32
    %dma_wait3A_212 = arith.constant 0 : i32
    %dma_wait3A_213 = tpu.memref_slice %arg10[%dma_wait3A_207, %dma_wait3A_208, %dma_wait3A_211, %dma_wait3A_212] : memref<2x8x128x8xf32, #tpu.memory_space<vmem>> -> memref<1x1x128x8xf32, #tpu.memory_space<vmem>>
    %dma_wait3A_214 = tpu.memref_squeeze %dma_wait3A_213 : memref<1x1x128x8xf32, #tpu.memory_space<vmem>> -> memref<128x8xf32, #tpu.memory_space<vmem>>
    %dma_wait3A_215 = arith.constant 0 : i32
    %dma_wait3A_216 = tpu.memref_slice %arg9[%dma_wait3A_209, %dma_wait3A_210, %dma_wait3A_215] : memref<2x8x128xi32, #tpu.memory_space<vmem>> -> memref<1x1x128xi32, #tpu.memory_space<vmem>>
    %dma_wait3A_217 = tpu.memref_squeeze %dma_wait3A_216 : memref<1x1x128xi32, #tpu.memory_space<vmem>> -> memref<128xi32, #tpu.memory_space<vmem>>
    %dma_wait3A_218 = arith.constant 0 : i32
    %dma_wait3A_219 = arith.constant 0 : i32
    %dma_wait3A_220 = tpu.memref_slice %arg7[%dma_wait3A_218, %dma_wait3A_219] : memref<102400x8xf32, #tpu.memory_space<vmem_shared>> -> memref<102400x8xf32, #tpu.memory_space<vmem_shared>>
    tpu.wait_indirect_dma semaphore(%arg12 : memref<!tpu.dma_semaphore, #tpu.memory_space<semaphore_mem>>) src(%dma_wait3A_214 : memref<128x8xf32, #tpu.memory_space<vmem>>) dst(%dma_wait3A_220 : memref<102400x8xf32, #tpu.memory_space<vmem_shared>>)
    %dma_wait3A_221 = arith.constant 0 : i32
    %dma_wait3A_222 = arith.constant 7 : i32
    %dma_wait3A_223 = arith.constant 0 : i32
    %dma_wait3A_224 = arith.constant 7 : i32
    %dma_wait3A_225 = arith.constant 0 : i32
    %dma_wait3A_226 = arith.constant 0 : i32
    %dma_wait3A_227 = tpu.memref_slice %arg10[%dma_wait3A_221, %dma_wait3A_222, %dma_wait3A_225, %dma_wait3A_226] : memref<2x8x128x8xf32, #tpu.memory_space<vmem>> -> memref<1x1x128x8xf32, #tpu.memory_space<vmem>>
    %dma_wait3A_228 = tpu.memref_squeeze %dma_wait3A_227 : memref<1x1x128x8xf32, #tpu.memory_space<vmem>> -> memref<128x8xf32, #tpu.memory_space<vmem>>
    %dma_wait3A_229 = arith.constant 0 : i32
    %dma_wait3A_230 = tpu.memref_slice %arg9[%dma_wait3A_223, %dma_wait3A_224, %dma_wait3A_229] : memref<2x8x128xi32, #tpu.memory_space<vmem>> -> memref<1x1x128xi32, #tpu.memory_space<vmem>>
    %dma_wait3A_231 = tpu.memref_squeeze %dma_wait3A_230 : memref<1x1x128xi32, #tpu.memory_space<vmem>> -> memref<128xi32, #tpu.memory_space<vmem>>
    %dma_wait3A_232 = arith.constant 0 : i32
    %dma_wait3A_233 = arith.constant 0 : i32
    %dma_wait3A_234 = tpu.memref_slice %arg7[%dma_wait3A_232, %dma_wait3A_233] : memref<102400x8xf32, #tpu.memory_space<vmem_shared>> -> memref<102400x8xf32, #tpu.memory_space<vmem_shared>>
    tpu.wait_indirect_dma semaphore(%arg12 : memref<!tpu.dma_semaphore, #tpu.memory_space<semaphore_mem>>) src(%dma_wait3A_228 : memref<128x8xf32, #tpu.memory_space<vmem>>) dst(%dma_wait3A_234 : memref<102400x8xf32, #tpu.memory_space<vmem_shared>>)
    %add3A_235 = arith.constant 776 : i32
    %add3A_236 = arith.addi %mul3A_4, %add3A_235 : i32
    %run_scoped3A_237 = arith.constant 0 : i32
    %run_scoped3A_238 = arith.constant 0 : i32
    "tpu.region"() ({
      %run_scoped3A_531 = tpu.sem_alloc : memref<!tpu.dma_semaphore, #tpu.memory_space<semaphore_mem>>
      %dma_start3A_532 = arith.constant 0 : i32
      %dma_start3A_533 = arith.constant 0 : i32
      %dma_start3A_534 = tpu.memref_slice %arg8[%run_scoped3A_238, %dma_start3A_532, %dma_start3A_533] : memref<2x8x128xi32, #tpu.memory_space<vmem>> -> memref<1x5x128xi32, #tpu.memory_space<vmem>>
      %dma_start3A_535 = tpu.memref_squeeze %dma_start3A_534 : memref<1x5x128xi32, #tpu.memory_space<vmem>> -> memref<5x128xi32, #tpu.memory_space<vmem>>
      %dma_start3A_536 = arith.constant 0 : i32
      %dma_start3A_537 = tpu.memref_slice %arg3[%add3A_236, %run_scoped3A_237, %dma_start3A_536] : memref<25000x2x128xi32, #tpu.memory_space<hbm>> -> memref<5x1x128xi32, #tpu.memory_space<hbm>>
      %dma_start3A_538 = tpu.memref_squeeze %dma_start3A_537 : memref<5x1x128xi32, #tpu.memory_space<hbm>> -> memref<5x128xi32, #tpu.memory_space<hbm>>
      %dma_start3A_539 = arith.constant 0 : i32
      %dma_start3A_540 = arith.constant 0 : i32
      %dma_start3A_541 = tpu.memref_slice %arg8[%run_scoped3A_238, %dma_start3A_539, %dma_start3A_540] : memref<2x8x128xi32, #tpu.memory_space<vmem>> -> memref<1x5x128xi32, #tpu.memory_space<vmem>>
      %dma_start3A_542 = tpu.memref_squeeze %dma_start3A_541 : memref<1x5x128xi32, #tpu.memory_space<vmem>> -> memref<5x128xi32, #tpu.memory_space<vmem>>
      %dma_start3A_543 = arith.constant 0 : i32
      %dma_start3A_544 = tpu.memref_slice %arg3[%add3A_236, %run_scoped3A_237, %dma_start3A_543] : memref<25000x2x128xi32, #tpu.memory_space<hbm>> -> memref<5x1x128xi32, #tpu.memory_space<hbm>>
      %dma_start3A_545 = tpu.memref_squeeze %dma_start3A_544 : memref<5x1x128xi32, #tpu.memory_space<hbm>> -> memref<5x128xi32, #tpu.memory_space<hbm>>
      tpu.enqueue_dma source(%dma_start3A_545 : memref<5x128xi32, #tpu.memory_space<hbm>>) target(%dma_start3A_542 : memref<5x128xi32, #tpu.memory_space<vmem>>) target_semaphore(%run_scoped3A_531 : memref<!tpu.dma_semaphore, #tpu.memory_space<semaphore_mem>>)
      %dma_wait3A_546 = arith.constant 0 : i32
      %dma_wait3A_547 = arith.constant 0 : i32
      %dma_wait3A_548 = tpu.memref_slice %arg8[%run_scoped3A_238, %dma_wait3A_546, %dma_wait3A_547] : memref<2x8x128xi32, #tpu.memory_space<vmem>> -> memref<1x5x128xi32, #tpu.memory_space<vmem>>
      %dma_wait3A_549 = tpu.memref_squeeze %dma_wait3A_548 : memref<1x5x128xi32, #tpu.memory_space<vmem>> -> memref<5x128xi32, #tpu.memory_space<vmem>>
      %dma_wait3A_550 = arith.constant 0 : i32
      %dma_wait3A_551 = tpu.memref_slice %arg3[%add3A_236, %run_scoped3A_237, %dma_wait3A_550] : memref<25000x2x128xi32, #tpu.memory_space<hbm>> -> memref<5x1x128xi32, #tpu.memory_space<hbm>>
      %dma_wait3A_552 = tpu.memref_squeeze %dma_wait3A_551 : memref<5x1x128xi32, #tpu.memory_space<hbm>> -> memref<5x128xi32, #tpu.memory_space<hbm>>
      %dma_wait3A_553 = arith.constant 0 : i32
      %dma_wait3A_554 = arith.constant 0 : i32
      %dma_wait3A_555 = tpu.memref_slice %arg8[%run_scoped3A_238, %dma_wait3A_553, %dma_wait3A_554] : memref<2x8x128xi32, #tpu.memory_space<vmem>> -> memref<1x5x128xi32, #tpu.memory_space<vmem>>
      %dma_wait3A_556 = tpu.memref_squeeze %dma_wait3A_555 : memref<1x5x128xi32, #tpu.memory_space<vmem>> -> memref<5x128xi32, #tpu.memory_space<vmem>>
      %dma_wait3A_557 = arith.constant 0 : i32
      %dma_wait3A_558 = tpu.memref_slice %arg3[%add3A_236, %run_scoped3A_237, %dma_wait3A_557] : memref<25000x2x128xi32, #tpu.memory_space<hbm>> -> memref<5x1x128xi32, #tpu.memory_space<hbm>>
      %dma_wait3A_559 = tpu.memref_squeeze %dma_wait3A_558 : memref<5x1x128xi32, #tpu.memory_space<hbm>> -> memref<5x128xi32, #tpu.memory_space<hbm>>
      tpu.wait_dma2 semaphore(%run_scoped3A_531 : memref<!tpu.dma_semaphore, #tpu.memory_space<semaphore_mem>>) src(%dma_wait3A_559 : memref<5x128xi32, #tpu.memory_space<hbm>>) dst(%dma_wait3A_556 : memref<5x128xi32, #tpu.memory_space<vmem>>)
      tpu.yield
    }) : () -> ()
    %run_scoped3A_239 = arith.constant 1 : i32
    %run_scoped3A_240 = arith.constant 0 : i32
    "tpu.region"() ({
      %run_scoped3A_531 = tpu.sem_alloc : memref<!tpu.dma_semaphore, #tpu.memory_space<semaphore_mem>>
      %dma_start3A_532 = arith.constant 0 : i32
      %dma_start3A_533 = arith.constant 0 : i32
      %dma_start3A_534 = tpu.memref_slice %arg9[%run_scoped3A_240, %dma_start3A_532, %dma_start3A_533] : memref<2x8x128xi32, #tpu.memory_space<vmem>> -> memref<1x5x128xi32, #tpu.memory_space<vmem>>
      %dma_start3A_535 = tpu.memref_squeeze %dma_start3A_534 : memref<1x5x128xi32, #tpu.memory_space<vmem>> -> memref<5x128xi32, #tpu.memory_space<vmem>>
      %dma_start3A_536 = arith.constant 0 : i32
      %dma_start3A_537 = tpu.memref_slice %arg3[%add3A_236, %run_scoped3A_239, %dma_start3A_536] : memref<25000x2x128xi32, #tpu.memory_space<hbm>> -> memref<5x1x128xi32, #tpu.memory_space<hbm>>
      %dma_start3A_538 = tpu.memref_squeeze %dma_start3A_537 : memref<5x1x128xi32, #tpu.memory_space<hbm>> -> memref<5x128xi32, #tpu.memory_space<hbm>>
      %dma_start3A_539 = arith.constant 0 : i32
      %dma_start3A_540 = arith.constant 0 : i32
      %dma_start3A_541 = tpu.memref_slice %arg9[%run_scoped3A_240, %dma_start3A_539, %dma_start3A_540] : memref<2x8x128xi32, #tpu.memory_space<vmem>> -> memref<1x5x128xi32, #tpu.memory_space<vmem>>
      %dma_start3A_542 = tpu.memref_squeeze %dma_start3A_541 : memref<1x5x128xi32, #tpu.memory_space<vmem>> -> memref<5x128xi32, #tpu.memory_space<vmem>>
      %dma_start3A_543 = arith.constant 0 : i32
      %dma_start3A_544 = tpu.memref_slice %arg3[%add3A_236, %run_scoped3A_239, %dma_start3A_543] : memref<25000x2x128xi32, #tpu.memory_space<hbm>> -> memref<5x1x128xi32, #tpu.memory_space<hbm>>
      %dma_start3A_545 = tpu.memref_squeeze %dma_start3A_544 : memref<5x1x128xi32, #tpu.memory_space<hbm>> -> memref<5x128xi32, #tpu.memory_space<hbm>>
      tpu.enqueue_dma source(%dma_start3A_545 : memref<5x128xi32, #tpu.memory_space<hbm>>) target(%dma_start3A_542 : memref<5x128xi32, #tpu.memory_space<vmem>>) target_semaphore(%run_scoped3A_531 : memref<!tpu.dma_semaphore, #tpu.memory_space<semaphore_mem>>)
      %dma_wait3A_546 = arith.constant 0 : i32
      %dma_wait3A_547 = arith.constant 0 : i32
      %dma_wait3A_548 = tpu.memref_slice %arg9[%run_scoped3A_240, %dma_wait3A_546, %dma_wait3A_547] : memref<2x8x128xi32, #tpu.memory_space<vmem>> -> memref<1x5x128xi32, #tpu.memory_space<vmem>>
      %dma_wait3A_549 = tpu.memref_squeeze %dma_wait3A_548 : memref<1x5x128xi32, #tpu.memory_space<vmem>> -> memref<5x128xi32, #tpu.memory_space<vmem>>
      %dma_wait3A_550 = arith.constant 0 : i32
      %dma_wait3A_551 = tpu.memref_slice %arg3[%add3A_236, %run_scoped3A_239, %dma_wait3A_550] : memref<25000x2x128xi32, #tpu.memory_space<hbm>> -> memref<5x1x128xi32, #tpu.memory_space<hbm>>
      %dma_wait3A_552 = tpu.memref_squeeze %dma_wait3A_551 : memref<5x1x128xi32, #tpu.memory_space<hbm>> -> memref<5x128xi32, #tpu.memory_space<hbm>>
      %dma_wait3A_553 = arith.constant 0 : i32
      %dma_wait3A_554 = arith.constant 0 : i32
      %dma_wait3A_555 = tpu.memref_slice %arg9[%run_scoped3A_240, %dma_wait3A_553, %dma_wait3A_554] : memref<2x8x128xi32, #tpu.memory_space<vmem>> -> memref<1x5x128xi32, #tpu.memory_space<vmem>>
      %dma_wait3A_556 = tpu.memref_squeeze %dma_wait3A_555 : memref<1x5x128xi32, #tpu.memory_space<vmem>> -> memref<5x128xi32, #tpu.memory_space<vmem>>
      %dma_wait3A_557 = arith.constant 0 : i32
      %dma_wait3A_558 = tpu.memref_slice %arg3[%add3A_236, %run_scoped3A_239, %dma_wait3A_557] : memref<25000x2x128xi32, #tpu.memory_space<hbm>> -> memref<5x1x128xi32, #tpu.memory_space<hbm>>
      %dma_wait3A_559 = tpu.memref_squeeze %dma_wait3A_558 : memref<5x1x128xi32, #tpu.memory_space<hbm>> -> memref<5x128xi32, #tpu.memory_space<hbm>>
      tpu.wait_dma2 semaphore(%run_scoped3A_531 : memref<!tpu.dma_semaphore, #tpu.memory_space<semaphore_mem>>) src(%dma_wait3A_559 : memref<5x128xi32, #tpu.memory_space<hbm>>) dst(%dma_wait3A_556 : memref<5x128xi32, #tpu.memory_space<vmem>>)
      tpu.yield
    }) : () -> ()
    %lt3A = arith.constant 8 : i32
    %lt3A_241 = arith.cmpi slt, %add3A, %lt3A : i32
    %convert_element_type3A = arith.extui %lt3A_241 : i1 to i32
    %cond3A = arith.constant 0 : i32
    %cond3A_242 = arith.cmpi ne, %convert_element_type3A, %cond3A : i32
    scf.if %cond3A_242 {
      %add3A_531 = arith.constant 24992 : i32
      %add3A_532 = arith.addi %add3A_531, %add3A : i32
      %run_scoped3A_533 = arith.constant 0 : i32
      %run_scoped3A_534 = arith.constant 0 : i32
      %run_scoped3A_535 = arith.constant 5 : i32
      "tpu.region"() ({
        %run_scoped3A_541 = tpu.sem_alloc : memref<!tpu.dma_semaphore, #tpu.memory_space<semaphore_mem>>
        %dma_start3A_542 = arith.constant 0 : i32
        %dma_start3A_543 = tpu.memref_slice %arg8[%run_scoped3A_534, %run_scoped3A_535, %dma_start3A_542] : memref<2x8x128xi32, #tpu.memory_space<vmem>> -> memref<1x1x128xi32, #tpu.memory_space<vmem>>
        %dma_start3A_544 = tpu.memref_squeeze %dma_start3A_543 : memref<1x1x128xi32, #tpu.memory_space<vmem>> -> memref<128xi32, #tpu.memory_space<vmem>>
        %dma_start3A_545 = arith.constant 0 : i32
        %dma_start3A_546 = tpu.memref_slice %arg3[%add3A_532, %run_scoped3A_533, %dma_start3A_545] : memref<25000x2x128xi32, #tpu.memory_space<hbm>> -> memref<1x1x128xi32, #tpu.memory_space<hbm>>
        %dma_start3A_547 = tpu.memref_squeeze %dma_start3A_546 : memref<1x1x128xi32, #tpu.memory_space<hbm>> -> memref<128xi32, #tpu.memory_space<hbm>>
        %dma_start3A_548 = arith.constant 0 : i32
        %dma_start3A_549 = tpu.memref_slice %arg8[%run_scoped3A_534, %run_scoped3A_535, %dma_start3A_548] : memref<2x8x128xi32, #tpu.memory_space<vmem>> -> memref<1x1x128xi32, #tpu.memory_space<vmem>>
        %dma_start3A_550 = tpu.memref_squeeze %dma_start3A_549 : memref<1x1x128xi32, #tpu.memory_space<vmem>> -> memref<128xi32, #tpu.memory_space<vmem>>
        %dma_start3A_551 = arith.constant 0 : i32
        %dma_start3A_552 = tpu.memref_slice %arg3[%add3A_532, %run_scoped3A_533, %dma_start3A_551] : memref<25000x2x128xi32, #tpu.memory_space<hbm>> -> memref<1x1x128xi32, #tpu.memory_space<hbm>>
        %dma_start3A_553 = tpu.memref_squeeze %dma_start3A_552 : memref<1x1x128xi32, #tpu.memory_space<hbm>> -> memref<128xi32, #tpu.memory_space<hbm>>
        tpu.enqueue_dma source(%dma_start3A_553 : memref<128xi32, #tpu.memory_space<hbm>>) target(%dma_start3A_550 : memref<128xi32, #tpu.memory_space<vmem>>) target_semaphore(%run_scoped3A_541 : memref<!tpu.dma_semaphore, #tpu.memory_space<semaphore_mem>>)
        %dma_wait3A_554 = arith.constant 0 : i32
        %dma_wait3A_555 = tpu.memref_slice %arg8[%run_scoped3A_534, %run_scoped3A_535, %dma_wait3A_554] : memref<2x8x128xi32, #tpu.memory_space<vmem>> -> memref<1x1x128xi32, #tpu.memory_space<vmem>>
        %dma_wait3A_556 = tpu.memref_squeeze %dma_wait3A_555 : memref<1x1x128xi32, #tpu.memory_space<vmem>> -> memref<128xi32, #tpu.memory_space<vmem>>
        %dma_wait3A_557 = arith.constant 0 : i32
        %dma_wait3A_558 = tpu.memref_slice %arg3[%add3A_532, %run_scoped3A_533, %dma_wait3A_557] : memref<25000x2x128xi32, #tpu.memory_space<hbm>> -> memref<1x1x128xi32, #tpu.memory_space<hbm>>
        %dma_wait3A_559 = tpu.memref_squeeze %dma_wait3A_558 : memref<1x1x128xi32, #tpu.memory_space<hbm>> -> memref<128xi32, #tpu.memory_space<hbm>>
        %dma_wait3A_560 = arith.constant 0 : i32
        %dma_wait3A_561 = tpu.memref_slice %arg8[%run_scoped3A_534, %run_scoped3A_535, %dma_wait3A_560] : memref<2x8x128xi32, #tpu.memory_space<vmem>> -> memref<1x1x128xi32, #tpu.memory_space<vmem>>
        %dma_wait3A_562 = tpu.memref_squeeze %dma_wait3A_561 : memref<1x1x128xi32, #tpu.memory_space<vmem>> -> memref<128xi32, #tpu.memory_space<vmem>>
        %dma_wait3A_563 = arith.constant 0 : i32
        %dma_wait3A_564 = tpu.memref_slice %arg3[%add3A_532, %run_scoped3A_533, %dma_wait3A_563] : memref<25000x2x128xi32, #tpu.memory_space<hbm>> -> memref<1x1x128xi32, #tpu.memory_space<hbm>>
        %dma_wait3A_565 = tpu.memref_squeeze %dma_wait3A_564 : memref<1x1x128xi32, #tpu.memory_space<hbm>> -> memref<128xi32, #tpu.memory_space<hbm>>
        tpu.wait_dma2 semaphore(%run_scoped3A_541 : memref<!tpu.dma_semaphore, #tpu.memory_space<semaphore_mem>>) src(%dma_wait3A_565 : memref<128xi32, #tpu.memory_space<hbm>>) dst(%dma_wait3A_562 : memref<128xi32, #tpu.memory_space<vmem>>)
        tpu.yield
      }) : () -> ()
      %add3A_536 = arith.constant 24992 : i32
      %add3A_537 = arith.addi %add3A_536, %add3A : i32
      %run_scoped3A_538 = arith.constant 1 : i32
      %run_scoped3A_539 = arith.constant 0 : i32
      %run_scoped3A_540 = arith.constant 5 : i32
      "tpu.region"() ({
        %run_scoped3A_541 = tpu.sem_alloc : memref<!tpu.dma_semaphore, #tpu.memory_space<semaphore_mem>>
        %dma_start3A_542 = arith.constant 0 : i32
        %dma_start3A_543 = tpu.memref_slice %arg9[%run_scoped3A_539, %run_scoped3A_540, %dma_start3A_542] : memref<2x8x128xi32, #tpu.memory_space<vmem>> -> memref<1x1x128xi32, #tpu.memory_space<vmem>>
        %dma_start3A_544 = tpu.memref_squeeze %dma_start3A_543 : memref<1x1x128xi32, #tpu.memory_space<vmem>> -> memref<128xi32, #tpu.memory_space<vmem>>
        %dma_start3A_545 = arith.constant 0 : i32
        %dma_start3A_546 = tpu.memref_slice %arg3[%add3A_537, %run_scoped3A_538, %dma_start3A_545] : memref<25000x2x128xi32, #tpu.memory_space<hbm>> -> memref<1x1x128xi32, #tpu.memory_space<hbm>>
        %dma_start3A_547 = tpu.memref_squeeze %dma_start3A_546 : memref<1x1x128xi32, #tpu.memory_space<hbm>> -> memref<128xi32, #tpu.memory_space<hbm>>
        %dma_start3A_548 = arith.constant 0 : i32
        %dma_start3A_549 = tpu.memref_slice %arg9[%run_scoped3A_539, %run_scoped3A_540, %dma_start3A_548] : memref<2x8x128xi32, #tpu.memory_space<vmem>> -> memref<1x1x128xi32, #tpu.memory_space<vmem>>
        %dma_start3A_550 = tpu.memref_squeeze %dma_start3A_549 : memref<1x1x128xi32, #tpu.memory_space<vmem>> -> memref<128xi32, #tpu.memory_space<vmem>>
        %dma_start3A_551 = arith.constant 0 : i32
        %dma_start3A_552 = tpu.memref_slice %arg3[%add3A_537, %run_scoped3A_538, %dma_start3A_551] : memref<25000x2x128xi32, #tpu.memory_space<hbm>> -> memref<1x1x128xi32, #tpu.memory_space<hbm>>
        %dma_start3A_553 = tpu.memref_squeeze %dma_start3A_552 : memref<1x1x128xi32, #tpu.memory_space<hbm>> -> memref<128xi32, #tpu.memory_space<hbm>>
        tpu.enqueue_dma source(%dma_start3A_553 : memref<128xi32, #tpu.memory_space<hbm>>) target(%dma_start3A_550 : memref<128xi32, #tpu.memory_space<vmem>>) target_semaphore(%run_scoped3A_541 : memref<!tpu.dma_semaphore, #tpu.memory_space<semaphore_mem>>)
        %dma_wait3A_554 = arith.constant 0 : i32
        %dma_wait3A_555 = tpu.memref_slice %arg9[%run_scoped3A_539, %run_scoped3A_540, %dma_wait3A_554] : memref<2x8x128xi32, #tpu.memory_space<vmem>> -> memref<1x1x128xi32, #tpu.memory_space<vmem>>
        %dma_wait3A_556 = tpu.memref_squeeze %dma_wait3A_555 : memref<1x1x128xi32, #tpu.memory_space<vmem>> -> memref<128xi32, #tpu.memory_space<vmem>>
        %dma_wait3A_557 = arith.constant 0 : i32
        %dma_wait3A_558 = tpu.memref_slice %arg3[%add3A_537, %run_scoped3A_538, %dma_wait3A_557] : memref<25000x2x128xi32, #tpu.memory_space<hbm>> -> memref<1x1x128xi32, #tpu.memory_space<hbm>>
        %dma_wait3A_559 = tpu.memref_squeeze %dma_wait3A_558 : memref<1x1x128xi32, #tpu.memory_space<hbm>> -> memref<128xi32, #tpu.memory_space<hbm>>
        %dma_wait3A_560 = arith.constant 0 : i32
        %dma_wait3A_561 = tpu.memref_slice %arg9[%run_scoped3A_539, %run_scoped3A_540, %dma_wait3A_560] : memref<2x8x128xi32, #tpu.memory_space<vmem>> -> memref<1x1x128xi32, #tpu.memory_space<vmem>>
        %dma_wait3A_562 = tpu.memref_squeeze %dma_wait3A_561 : memref<1x1x128xi32, #tpu.memory_space<vmem>> -> memref<128xi32, #tpu.memory_space<vmem>>
        %dma_wait3A_563 = arith.constant 0 : i32
        %dma_wait3A_564 = tpu.memref_slice %arg3[%add3A_537, %run_scoped3A_538, %dma_wait3A_563] : memref<25000x2x128xi32, #tpu.memory_space<hbm>> -> memref<1x1x128xi32, #tpu.memory_space<hbm>>
        %dma_wait3A_565 = tpu.memref_squeeze %dma_wait3A_564 : memref<1x1x128xi32, #tpu.memory_space<hbm>> -> memref<128xi32, #tpu.memory_space<hbm>>
        tpu.wait_dma2 semaphore(%run_scoped3A_541 : memref<!tpu.dma_semaphore, #tpu.memory_space<semaphore_mem>>) src(%dma_wait3A_565 : memref<128xi32, #tpu.memory_space<hbm>>) dst(%dma_wait3A_562 : memref<128xi32, #tpu.memory_space<vmem>>)
        tpu.yield
      }) : () -> ()
    } else {
    }
    %dma_start3A_243 = arith.constant 0 : i32
    %dma_start3A_244 = arith.constant 0 : i32
    %dma_start3A_245 = arith.constant 0 : i32
    %dma_start3A_246 = arith.constant 0 : i32
    %dma_start3A_247 = arith.constant 0 : i32
    %dma_start3A_248 = arith.constant 0 : i32
    %dma_start3A_249 = tpu.memref_slice %arg10[%dma_start3A_245, %dma_start3A_246, %dma_start3A_247, %dma_start3A_248] : memref<2x8x128x8xf32, #tpu.memory_space<vmem>> -> memref<1x1x128x8xf32, #tpu.memory_space<vmem>>
    %dma_start3A_250 = tpu.memref_squeeze %dma_start3A_249 : memref<1x1x128x8xf32, #tpu.memory_space<vmem>> -> memref<128x8xf32, #tpu.memory_space<vmem>>
    %dma_start3A_251 = arith.constant 0 : i32
    %dma_start3A_252 = tpu.memref_slice %arg8[%dma_start3A_243, %dma_start3A_244, %dma_start3A_251] : memref<2x8x128xi32, #tpu.memory_space<vmem>> -> memref<1x1x128xi32, #tpu.memory_space<vmem>>
    %dma_start3A_253 = tpu.memref_squeeze %dma_start3A_252 : memref<1x1x128xi32, #tpu.memory_space<vmem>> -> memref<128xi32, #tpu.memory_space<vmem>>
    %dma_start3A_254 = arith.constant 0 : i32
    %dma_start3A_255 = arith.constant 0 : i32
    %dma_start3A_256 = tpu.memref_slice %arg6[%dma_start3A_254, %dma_start3A_255] : memref<102400x8xf32, #tpu.memory_space<vmem_shared>> -> memref<102400x8xf32, #tpu.memory_space<vmem_shared>>
    tpu.enqueue_indirect_dma source(%dma_start3A_256 : memref<102400x8xf32, #tpu.memory_space<vmem_shared>>) target(%dma_start3A_250 : memref<128x8xf32, #tpu.memory_space<vmem>>) offsets(%dma_start3A_253 : memref<128xi32, #tpu.memory_space<vmem>>) semaphore(%arg11 : memref<!tpu.dma_semaphore, #tpu.memory_space<semaphore_mem>>)
    %dma_start3A_257 = arith.constant 0 : i32
    %dma_start3A_258 = arith.constant 1 : i32
    %dma_start3A_259 = arith.constant 0 : i32
    %dma_start3A_260 = arith.constant 1 : i32
    %dma_start3A_261 = arith.constant 0 : i32
    %dma_start3A_262 = arith.constant 0 : i32
    %dma_start3A_263 = tpu.memref_slice %arg10[%dma_start3A_259, %dma_start3A_260, %dma_start3A_261, %dma_start3A_262] : memref<2x8x128x8xf32, #tpu.memory_space<vmem>> -> memref<1x1x128x8xf32, #tpu.memory_space<vmem>>
    %dma_start3A_264 = tpu.memref_squeeze %dma_start3A_263 : memref<1x1x128x8xf32, #tpu.memory_space<vmem>> -> memref<128x8xf32, #tpu.memory_space<vmem>>
    %dma_start3A_265 = arith.constant 0 : i32
    %dma_start3A_266 = tpu.memref_slice %arg8[%dma_start3A_257, %dma_start3A_258, %dma_start3A_265] : memref<2x8x128xi32, #tpu.memory_space<vmem>> -> memref<1x1x128xi32, #tpu.memory_space<vmem>>
    %dma_start3A_267 = tpu.memref_squeeze %dma_start3A_266 : memref<1x1x128xi32, #tpu.memory_space<vmem>> -> memref<128xi32, #tpu.memory_space<vmem>>
    %dma_start3A_268 = arith.constant 0 : i32
    %dma_start3A_269 = arith.constant 0 : i32
    %dma_start3A_270 = tpu.memref_slice %arg6[%dma_start3A_268, %dma_start3A_269] : memref<102400x8xf32, #tpu.memory_space<vmem_shared>> -> memref<102400x8xf32, #tpu.memory_space<vmem_shared>>
    tpu.enqueue_indirect_dma source(%dma_start3A_270 : memref<102400x8xf32, #tpu.memory_space<vmem_shared>>) target(%dma_start3A_264 : memref<128x8xf32, #tpu.memory_space<vmem>>) offsets(%dma_start3A_267 : memref<128xi32, #tpu.memory_space<vmem>>) semaphore(%arg11 : memref<!tpu.dma_semaphore, #tpu.memory_space<semaphore_mem>>)
    %dma_start3A_271 = arith.constant 0 : i32
    %dma_start3A_272 = arith.constant 2 : i32
    %dma_start3A_273 = arith.constant 0 : i32
    %dma_start3A_274 = arith.constant 2 : i32
    %dma_start3A_275 = arith.constant 0 : i32
    %dma_start3A_276 = arith.constant 0 : i32
    %dma_start3A_277 = tpu.memref_slice %arg10[%dma_start3A_273, %dma_start3A_274, %dma_start3A_275, %dma_start3A_276] : memref<2x8x128x8xf32, #tpu.memory_space<vmem>> -> memref<1x1x128x8xf32, #tpu.memory_space<vmem>>
    %dma_start3A_278 = tpu.memref_squeeze %dma_start3A_277 : memref<1x1x128x8xf32, #tpu.memory_space<vmem>> -> memref<128x8xf32, #tpu.memory_space<vmem>>
    %dma_start3A_279 = arith.constant 0 : i32
    %dma_start3A_280 = tpu.memref_slice %arg8[%dma_start3A_271, %dma_start3A_272, %dma_start3A_279] : memref<2x8x128xi32, #tpu.memory_space<vmem>> -> memref<1x1x128xi32, #tpu.memory_space<vmem>>
    %dma_start3A_281 = tpu.memref_squeeze %dma_start3A_280 : memref<1x1x128xi32, #tpu.memory_space<vmem>> -> memref<128xi32, #tpu.memory_space<vmem>>
    %dma_start3A_282 = arith.constant 0 : i32
    %dma_start3A_283 = arith.constant 0 : i32
    %dma_start3A_284 = tpu.memref_slice %arg6[%dma_start3A_282, %dma_start3A_283] : memref<102400x8xf32, #tpu.memory_space<vmem_shared>> -> memref<102400x8xf32, #tpu.memory_space<vmem_shared>>
    tpu.enqueue_indirect_dma source(%dma_start3A_284 : memref<102400x8xf32, #tpu.memory_space<vmem_shared>>) target(%dma_start3A_278 : memref<128x8xf32, #tpu.memory_space<vmem>>) offsets(%dma_start3A_281 : memref<128xi32, #tpu.memory_space<vmem>>) semaphore(%arg11 : memref<!tpu.dma_semaphore, #tpu.memory_space<semaphore_mem>>)
    %dma_start3A_285 = arith.constant 0 : i32
    %dma_start3A_286 = arith.constant 3 : i32
    %dma_start3A_287 = arith.constant 0 : i32
    %dma_start3A_288 = arith.constant 3 : i32
    %dma_start3A_289 = arith.constant 0 : i32
    %dma_start3A_290 = arith.constant 0 : i32
    %dma_start3A_291 = tpu.memref_slice %arg10[%dma_start3A_287, %dma_start3A_288, %dma_start3A_289, %dma_start3A_290] : memref<2x8x128x8xf32, #tpu.memory_space<vmem>> -> memref<1x1x128x8xf32, #tpu.memory_space<vmem>>
    %dma_start3A_292 = tpu.memref_squeeze %dma_start3A_291 : memref<1x1x128x8xf32, #tpu.memory_space<vmem>> -> memref<128x8xf32, #tpu.memory_space<vmem>>
    %dma_start3A_293 = arith.constant 0 : i32
    %dma_start3A_294 = tpu.memref_slice %arg8[%dma_start3A_285, %dma_start3A_286, %dma_start3A_293] : memref<2x8x128xi32, #tpu.memory_space<vmem>> -> memref<1x1x128xi32, #tpu.memory_space<vmem>>
    %dma_start3A_295 = tpu.memref_squeeze %dma_start3A_294 : memref<1x1x128xi32, #tpu.memory_space<vmem>> -> memref<128xi32, #tpu.memory_space<vmem>>
    %dma_start3A_296 = arith.constant 0 : i32
    %dma_start3A_297 = arith.constant 0 : i32
    %dma_start3A_298 = tpu.memref_slice %arg6[%dma_start3A_296, %dma_start3A_297] : memref<102400x8xf32, #tpu.memory_space<vmem_shared>> -> memref<102400x8xf32, #tpu.memory_space<vmem_shared>>
    tpu.enqueue_indirect_dma source(%dma_start3A_298 : memref<102400x8xf32, #tpu.memory_space<vmem_shared>>) target(%dma_start3A_292 : memref<128x8xf32, #tpu.memory_space<vmem>>) offsets(%dma_start3A_295 : memref<128xi32, #tpu.memory_space<vmem>>) semaphore(%arg11 : memref<!tpu.dma_semaphore, #tpu.memory_space<semaphore_mem>>)
    %dma_start3A_299 = arith.constant 0 : i32
    %dma_start3A_300 = arith.constant 4 : i32
    %dma_start3A_301 = arith.constant 0 : i32
    %dma_start3A_302 = arith.constant 4 : i32
    %dma_start3A_303 = arith.constant 0 : i32
    %dma_start3A_304 = arith.constant 0 : i32
    %dma_start3A_305 = tpu.memref_slice %arg10[%dma_start3A_301, %dma_start3A_302, %dma_start3A_303, %dma_start3A_304] : memref<2x8x128x8xf32, #tpu.memory_space<vmem>> -> memref<1x1x128x8xf32, #tpu.memory_space<vmem>>
    %dma_start3A_306 = tpu.memref_squeeze %dma_start3A_305 : memref<1x1x128x8xf32, #tpu.memory_space<vmem>> -> memref<128x8xf32, #tpu.memory_space<vmem>>
    %dma_start3A_307 = arith.constant 0 : i32
    %dma_start3A_308 = tpu.memref_slice %arg8[%dma_start3A_299, %dma_start3A_300, %dma_start3A_307] : memref<2x8x128xi32, #tpu.memory_space<vmem>> -> memref<1x1x128xi32, #tpu.memory_space<vmem>>
    %dma_start3A_309 = tpu.memref_squeeze %dma_start3A_308 : memref<1x1x128xi32, #tpu.memory_space<vmem>> -> memref<128xi32, #tpu.memory_space<vmem>>
    %dma_start3A_310 = arith.constant 0 : i32
    %dma_start3A_311 = arith.constant 0 : i32
    %dma_start3A_312 = tpu.memref_slice %arg6[%dma_start3A_310, %dma_start3A_311] : memref<102400x8xf32, #tpu.memory_space<vmem_shared>> -> memref<102400x8xf32, #tpu.memory_space<vmem_shared>>
    tpu.enqueue_indirect_dma source(%dma_start3A_312 : memref<102400x8xf32, #tpu.memory_space<vmem_shared>>) target(%dma_start3A_306 : memref<128x8xf32, #tpu.memory_space<vmem>>) offsets(%dma_start3A_309 : memref<128xi32, #tpu.memory_space<vmem>>) semaphore(%arg11 : memref<!tpu.dma_semaphore, #tpu.memory_space<semaphore_mem>>)
    %dma_wait3A_313 = arith.constant 0 : i32
    %dma_wait3A_314 = arith.constant 0 : i32
    %dma_wait3A_315 = arith.constant 0 : i32
    %dma_wait3A_316 = arith.constant 0 : i32
    %dma_wait3A_317 = arith.constant 0 : i32
    %dma_wait3A_318 = arith.constant 0 : i32
    %dma_wait3A_319 = tpu.memref_slice %arg10[%dma_wait3A_315, %dma_wait3A_316, %dma_wait3A_317, %dma_wait3A_318] : memref<2x8x128x8xf32, #tpu.memory_space<vmem>> -> memref<1x1x128x8xf32, #tpu.memory_space<vmem>>
    %dma_wait3A_320 = tpu.memref_squeeze %dma_wait3A_319 : memref<1x1x128x8xf32, #tpu.memory_space<vmem>> -> memref<128x8xf32, #tpu.memory_space<vmem>>
    %dma_wait3A_321 = arith.constant 0 : i32
    %dma_wait3A_322 = tpu.memref_slice %arg8[%dma_wait3A_313, %dma_wait3A_314, %dma_wait3A_321] : memref<2x8x128xi32, #tpu.memory_space<vmem>> -> memref<1x1x128xi32, #tpu.memory_space<vmem>>
    %dma_wait3A_323 = tpu.memref_squeeze %dma_wait3A_322 : memref<1x1x128xi32, #tpu.memory_space<vmem>> -> memref<128xi32, #tpu.memory_space<vmem>>
    %dma_wait3A_324 = arith.constant 0 : i32
    %dma_wait3A_325 = arith.constant 0 : i32
    %dma_wait3A_326 = tpu.memref_slice %arg6[%dma_wait3A_324, %dma_wait3A_325] : memref<102400x8xf32, #tpu.memory_space<vmem_shared>> -> memref<102400x8xf32, #tpu.memory_space<vmem_shared>>
    tpu.wait_indirect_dma semaphore(%arg11 : memref<!tpu.dma_semaphore, #tpu.memory_space<semaphore_mem>>) src(%dma_wait3A_326 : memref<102400x8xf32, #tpu.memory_space<vmem_shared>>) dst(%dma_wait3A_320 : memref<128x8xf32, #tpu.memory_space<vmem>>)
    %dma_wait3A_327 = arith.constant 0 : i32
    %dma_wait3A_328 = arith.constant 1 : i32
    %dma_wait3A_329 = arith.constant 0 : i32
    %dma_wait3A_330 = arith.constant 1 : i32
    %dma_wait3A_331 = arith.constant 0 : i32
    %dma_wait3A_332 = arith.constant 0 : i32
    %dma_wait3A_333 = tpu.memref_slice %arg10[%dma_wait3A_329, %dma_wait3A_330, %dma_wait3A_331, %dma_wait3A_332] : memref<2x8x128x8xf32, #tpu.memory_space<vmem>> -> memref<1x1x128x8xf32, #tpu.memory_space<vmem>>
    %dma_wait3A_334 = tpu.memref_squeeze %dma_wait3A_333 : memref<1x1x128x8xf32, #tpu.memory_space<vmem>> -> memref<128x8xf32, #tpu.memory_space<vmem>>
    %dma_wait3A_335 = arith.constant 0 : i32
    %dma_wait3A_336 = tpu.memref_slice %arg8[%dma_wait3A_327, %dma_wait3A_328, %dma_wait3A_335] : memref<2x8x128xi32, #tpu.memory_space<vmem>> -> memref<1x1x128xi32, #tpu.memory_space<vmem>>
    %dma_wait3A_337 = tpu.memref_squeeze %dma_wait3A_336 : memref<1x1x128xi32, #tpu.memory_space<vmem>> -> memref<128xi32, #tpu.memory_space<vmem>>
    %dma_wait3A_338 = arith.constant 0 : i32
    %dma_wait3A_339 = arith.constant 0 : i32
    %dma_wait3A_340 = tpu.memref_slice %arg6[%dma_wait3A_338, %dma_wait3A_339] : memref<102400x8xf32, #tpu.memory_space<vmem_shared>> -> memref<102400x8xf32, #tpu.memory_space<vmem_shared>>
    tpu.wait_indirect_dma semaphore(%arg11 : memref<!tpu.dma_semaphore, #tpu.memory_space<semaphore_mem>>) src(%dma_wait3A_340 : memref<102400x8xf32, #tpu.memory_space<vmem_shared>>) dst(%dma_wait3A_334 : memref<128x8xf32, #tpu.memory_space<vmem>>)
    %dma_wait3A_341 = arith.constant 0 : i32
    %dma_wait3A_342 = arith.constant 2 : i32
    %dma_wait3A_343 = arith.constant 0 : i32
    %dma_wait3A_344 = arith.constant 2 : i32
    %dma_wait3A_345 = arith.constant 0 : i32
    %dma_wait3A_346 = arith.constant 0 : i32
    %dma_wait3A_347 = tpu.memref_slice %arg10[%dma_wait3A_343, %dma_wait3A_344, %dma_wait3A_345, %dma_wait3A_346] : memref<2x8x128x8xf32, #tpu.memory_space<vmem>> -> memref<1x1x128x8xf32, #tpu.memory_space<vmem>>
    %dma_wait3A_348 = tpu.memref_squeeze %dma_wait3A_347 : memref<1x1x128x8xf32, #tpu.memory_space<vmem>> -> memref<128x8xf32, #tpu.memory_space<vmem>>
    %dma_wait3A_349 = arith.constant 0 : i32
    %dma_wait3A_350 = tpu.memref_slice %arg8[%dma_wait3A_341, %dma_wait3A_342, %dma_wait3A_349] : memref<2x8x128xi32, #tpu.memory_space<vmem>> -> memref<1x1x128xi32, #tpu.memory_space<vmem>>
    %dma_wait3A_351 = tpu.memref_squeeze %dma_wait3A_350 : memref<1x1x128xi32, #tpu.memory_space<vmem>> -> memref<128xi32, #tpu.memory_space<vmem>>
    %dma_wait3A_352 = arith.constant 0 : i32
    %dma_wait3A_353 = arith.constant 0 : i32
    %dma_wait3A_354 = tpu.memref_slice %arg6[%dma_wait3A_352, %dma_wait3A_353] : memref<102400x8xf32, #tpu.memory_space<vmem_shared>> -> memref<102400x8xf32, #tpu.memory_space<vmem_shared>>
    tpu.wait_indirect_dma semaphore(%arg11 : memref<!tpu.dma_semaphore, #tpu.memory_space<semaphore_mem>>) src(%dma_wait3A_354 : memref<102400x8xf32, #tpu.memory_space<vmem_shared>>) dst(%dma_wait3A_348 : memref<128x8xf32, #tpu.memory_space<vmem>>)
    %dma_wait3A_355 = arith.constant 0 : i32
    %dma_wait3A_356 = arith.constant 3 : i32
    %dma_wait3A_357 = arith.constant 0 : i32
    %dma_wait3A_358 = arith.constant 3 : i32
    %dma_wait3A_359 = arith.constant 0 : i32
    %dma_wait3A_360 = arith.constant 0 : i32
    %dma_wait3A_361 = tpu.memref_slice %arg10[%dma_wait3A_357, %dma_wait3A_358, %dma_wait3A_359, %dma_wait3A_360] : memref<2x8x128x8xf32, #tpu.memory_space<vmem>> -> memref<1x1x128x8xf32, #tpu.memory_space<vmem>>
    %dma_wait3A_362 = tpu.memref_squeeze %dma_wait3A_361 : memref<1x1x128x8xf32, #tpu.memory_space<vmem>> -> memref<128x8xf32, #tpu.memory_space<vmem>>
    %dma_wait3A_363 = arith.constant 0 : i32
    %dma_wait3A_364 = tpu.memref_slice %arg8[%dma_wait3A_355, %dma_wait3A_356, %dma_wait3A_363] : memref<2x8x128xi32, #tpu.memory_space<vmem>> -> memref<1x1x128xi32, #tpu.memory_space<vmem>>
    %dma_wait3A_365 = tpu.memref_squeeze %dma_wait3A_364 : memref<1x1x128xi32, #tpu.memory_space<vmem>> -> memref<128xi32, #tpu.memory_space<vmem>>
    %dma_wait3A_366 = arith.constant 0 : i32
    %dma_wait3A_367 = arith.constant 0 : i32
    %dma_wait3A_368 = tpu.memref_slice %arg6[%dma_wait3A_366, %dma_wait3A_367] : memref<102400x8xf32, #tpu.memory_space<vmem_shared>> -> memref<102400x8xf32, #tpu.memory_space<vmem_shared>>
    tpu.wait_indirect_dma semaphore(%arg11 : memref<!tpu.dma_semaphore, #tpu.memory_space<semaphore_mem>>) src(%dma_wait3A_368 : memref<102400x8xf32, #tpu.memory_space<vmem_shared>>) dst(%dma_wait3A_362 : memref<128x8xf32, #tpu.memory_space<vmem>>)
    %dma_wait3A_369 = arith.constant 0 : i32
    %dma_wait3A_370 = arith.constant 4 : i32
    %dma_wait3A_371 = arith.constant 0 : i32
    %dma_wait3A_372 = arith.constant 4 : i32
    %dma_wait3A_373 = arith.constant 0 : i32
    %dma_wait3A_374 = arith.constant 0 : i32
    %dma_wait3A_375 = tpu.memref_slice %arg10[%dma_wait3A_371, %dma_wait3A_372, %dma_wait3A_373, %dma_wait3A_374] : memref<2x8x128x8xf32, #tpu.memory_space<vmem>> -> memref<1x1x128x8xf32, #tpu.memory_space<vmem>>
    %dma_wait3A_376 = tpu.memref_squeeze %dma_wait3A_375 : memref<1x1x128x8xf32, #tpu.memory_space<vmem>> -> memref<128x8xf32, #tpu.memory_space<vmem>>
    %dma_wait3A_377 = arith.constant 0 : i32
    %dma_wait3A_378 = tpu.memref_slice %arg8[%dma_wait3A_369, %dma_wait3A_370, %dma_wait3A_377] : memref<2x8x128xi32, #tpu.memory_space<vmem>> -> memref<1x1x128xi32, #tpu.memory_space<vmem>>
    %dma_wait3A_379 = tpu.memref_squeeze %dma_wait3A_378 : memref<1x1x128xi32, #tpu.memory_space<vmem>> -> memref<128xi32, #tpu.memory_space<vmem>>
    %dma_wait3A_380 = arith.constant 0 : i32
    %dma_wait3A_381 = arith.constant 0 : i32
    %dma_wait3A_382 = tpu.memref_slice %arg6[%dma_wait3A_380, %dma_wait3A_381] : memref<102400x8xf32, #tpu.memory_space<vmem_shared>> -> memref<102400x8xf32, #tpu.memory_space<vmem_shared>>
    tpu.wait_indirect_dma semaphore(%arg11 : memref<!tpu.dma_semaphore, #tpu.memory_space<semaphore_mem>>) src(%dma_wait3A_382 : memref<102400x8xf32, #tpu.memory_space<vmem_shared>>) dst(%dma_wait3A_376 : memref<128x8xf32, #tpu.memory_space<vmem>>)
    %dma_start3A_383 = arith.constant 0 : i32
    %dma_start3A_384 = arith.constant 0 : i32
    %dma_start3A_385 = arith.constant 0 : i32
    %dma_start3A_386 = arith.constant 0 : i32
    %dma_start3A_387 = arith.constant 0 : i32
    %dma_start3A_388 = arith.constant 0 : i32
    %dma_start3A_389 = tpu.memref_slice %arg10[%dma_start3A_383, %dma_start3A_384, %dma_start3A_387, %dma_start3A_388] : memref<2x8x128x8xf32, #tpu.memory_space<vmem>> -> memref<1x1x128x8xf32, #tpu.memory_space<vmem>>
    %dma_start3A_390 = tpu.memref_squeeze %dma_start3A_389 : memref<1x1x128x8xf32, #tpu.memory_space<vmem>> -> memref<128x8xf32, #tpu.memory_space<vmem>>
    %dma_start3A_391 = arith.constant 0 : i32
    %dma_start3A_392 = tpu.memref_slice %arg9[%dma_start3A_385, %dma_start3A_386, %dma_start3A_391] : memref<2x8x128xi32, #tpu.memory_space<vmem>> -> memref<1x1x128xi32, #tpu.memory_space<vmem>>
    %dma_start3A_393 = tpu.memref_squeeze %dma_start3A_392 : memref<1x1x128xi32, #tpu.memory_space<vmem>> -> memref<128xi32, #tpu.memory_space<vmem>>
    %dma_start3A_394 = arith.constant 0 : i32
    %dma_start3A_395 = arith.constant 0 : i32
    %dma_start3A_396 = tpu.memref_slice %arg7[%dma_start3A_394, %dma_start3A_395] : memref<102400x8xf32, #tpu.memory_space<vmem_shared>> -> memref<102400x8xf32, #tpu.memory_space<vmem_shared>>
    tpu.enqueue_indirect_dma source(%dma_start3A_390 : memref<128x8xf32, #tpu.memory_space<vmem>>) target(%dma_start3A_396 : memref<102400x8xf32, #tpu.memory_space<vmem_shared>>) offsets(%dma_start3A_393 : memref<128xi32, #tpu.memory_space<vmem>>) semaphore(%arg12 : memref<!tpu.dma_semaphore, #tpu.memory_space<semaphore_mem>>) {add = true}
    %dma_start3A_397 = arith.constant 0 : i32
    %dma_start3A_398 = arith.constant 1 : i32
    %dma_start3A_399 = arith.constant 0 : i32
    %dma_start3A_400 = arith.constant 1 : i32
    %dma_start3A_401 = arith.constant 0 : i32
    %dma_start3A_402 = arith.constant 0 : i32
    %dma_start3A_403 = tpu.memref_slice %arg10[%dma_start3A_397, %dma_start3A_398, %dma_start3A_401, %dma_start3A_402] : memref<2x8x128x8xf32, #tpu.memory_space<vmem>> -> memref<1x1x128x8xf32, #tpu.memory_space<vmem>>
    %dma_start3A_404 = tpu.memref_squeeze %dma_start3A_403 : memref<1x1x128x8xf32, #tpu.memory_space<vmem>> -> memref<128x8xf32, #tpu.memory_space<vmem>>
    %dma_start3A_405 = arith.constant 0 : i32
    %dma_start3A_406 = tpu.memref_slice %arg9[%dma_start3A_399, %dma_start3A_400, %dma_start3A_405] : memref<2x8x128xi32, #tpu.memory_space<vmem>> -> memref<1x1x128xi32, #tpu.memory_space<vmem>>
    %dma_start3A_407 = tpu.memref_squeeze %dma_start3A_406 : memref<1x1x128xi32, #tpu.memory_space<vmem>> -> memref<128xi32, #tpu.memory_space<vmem>>
    %dma_start3A_408 = arith.constant 0 : i32
    %dma_start3A_409 = arith.constant 0 : i32
    %dma_start3A_410 = tpu.memref_slice %arg7[%dma_start3A_408, %dma_start3A_409] : memref<102400x8xf32, #tpu.memory_space<vmem_shared>> -> memref<102400x8xf32, #tpu.memory_space<vmem_shared>>
    tpu.enqueue_indirect_dma source(%dma_start3A_404 : memref<128x8xf32, #tpu.memory_space<vmem>>) target(%dma_start3A_410 : memref<102400x8xf32, #tpu.memory_space<vmem_shared>>) offsets(%dma_start3A_407 : memref<128xi32, #tpu.memory_space<vmem>>) semaphore(%arg12 : memref<!tpu.dma_semaphore, #tpu.memory_space<semaphore_mem>>) {add = true}
    %dma_start3A_411 = arith.constant 0 : i32
    %dma_start3A_412 = arith.constant 2 : i32
    %dma_start3A_413 = arith.constant 0 : i32
    %dma_start3A_414 = arith.constant 2 : i32
    %dma_start3A_415 = arith.constant 0 : i32
    %dma_start3A_416 = arith.constant 0 : i32
    %dma_start3A_417 = tpu.memref_slice %arg10[%dma_start3A_411, %dma_start3A_412, %dma_start3A_415, %dma_start3A_416] : memref<2x8x128x8xf32, #tpu.memory_space<vmem>> -> memref<1x1x128x8xf32, #tpu.memory_space<vmem>>
    %dma_start3A_418 = tpu.memref_squeeze %dma_start3A_417 : memref<1x1x128x8xf32, #tpu.memory_space<vmem>> -> memref<128x8xf32, #tpu.memory_space<vmem>>
    %dma_start3A_419 = arith.constant 0 : i32
    %dma_start3A_420 = tpu.memref_slice %arg9[%dma_start3A_413, %dma_start3A_414, %dma_start3A_419] : memref<2x8x128xi32, #tpu.memory_space<vmem>> -> memref<1x1x128xi32, #tpu.memory_space<vmem>>
    %dma_start3A_421 = tpu.memref_squeeze %dma_start3A_420 : memref<1x1x128xi32, #tpu.memory_space<vmem>> -> memref<128xi32, #tpu.memory_space<vmem>>
    %dma_start3A_422 = arith.constant 0 : i32
    %dma_start3A_423 = arith.constant 0 : i32
    %dma_start3A_424 = tpu.memref_slice %arg7[%dma_start3A_422, %dma_start3A_423] : memref<102400x8xf32, #tpu.memory_space<vmem_shared>> -> memref<102400x8xf32, #tpu.memory_space<vmem_shared>>
    tpu.enqueue_indirect_dma source(%dma_start3A_418 : memref<128x8xf32, #tpu.memory_space<vmem>>) target(%dma_start3A_424 : memref<102400x8xf32, #tpu.memory_space<vmem_shared>>) offsets(%dma_start3A_421 : memref<128xi32, #tpu.memory_space<vmem>>) semaphore(%arg12 : memref<!tpu.dma_semaphore, #tpu.memory_space<semaphore_mem>>) {add = true}
    %dma_start3A_425 = arith.constant 0 : i32
    %dma_start3A_426 = arith.constant 3 : i32
    %dma_start3A_427 = arith.constant 0 : i32
    %dma_start3A_428 = arith.constant 3 : i32
    %dma_start3A_429 = arith.constant 0 : i32
    %dma_start3A_430 = arith.constant 0 : i32
    %dma_start3A_431 = tpu.memref_slice %arg10[%dma_start3A_425, %dma_start3A_426, %dma_start3A_429, %dma_start3A_430] : memref<2x8x128x8xf32, #tpu.memory_space<vmem>> -> memref<1x1x128x8xf32, #tpu.memory_space<vmem>>
    %dma_start3A_432 = tpu.memref_squeeze %dma_start3A_431 : memref<1x1x128x8xf32, #tpu.memory_space<vmem>> -> memref<128x8xf32, #tpu.memory_space<vmem>>
    %dma_start3A_433 = arith.constant 0 : i32
    %dma_start3A_434 = tpu.memref_slice %arg9[%dma_start3A_427, %dma_start3A_428, %dma_start3A_433] : memref<2x8x128xi32, #tpu.memory_space<vmem>> -> memref<1x1x128xi32, #tpu.memory_space<vmem>>
    %dma_start3A_435 = tpu.memref_squeeze %dma_start3A_434 : memref<1x1x128xi32, #tpu.memory_space<vmem>> -> memref<128xi32, #tpu.memory_space<vmem>>
    %dma_start3A_436 = arith.constant 0 : i32
    %dma_start3A_437 = arith.constant 0 : i32
    %dma_start3A_438 = tpu.memref_slice %arg7[%dma_start3A_436, %dma_start3A_437] : memref<102400x8xf32, #tpu.memory_space<vmem_shared>> -> memref<102400x8xf32, #tpu.memory_space<vmem_shared>>
    tpu.enqueue_indirect_dma source(%dma_start3A_432 : memref<128x8xf32, #tpu.memory_space<vmem>>) target(%dma_start3A_438 : memref<102400x8xf32, #tpu.memory_space<vmem_shared>>) offsets(%dma_start3A_435 : memref<128xi32, #tpu.memory_space<vmem>>) semaphore(%arg12 : memref<!tpu.dma_semaphore, #tpu.memory_space<semaphore_mem>>) {add = true}
    %dma_start3A_439 = arith.constant 0 : i32
    %dma_start3A_440 = arith.constant 4 : i32
    %dma_start3A_441 = arith.constant 0 : i32
    %dma_start3A_442 = arith.constant 4 : i32
    %dma_start3A_443 = arith.constant 0 : i32
    %dma_start3A_444 = arith.constant 0 : i32
    %dma_start3A_445 = tpu.memref_slice %arg10[%dma_start3A_439, %dma_start3A_440, %dma_start3A_443, %dma_start3A_444] : memref<2x8x128x8xf32, #tpu.memory_space<vmem>> -> memref<1x1x128x8xf32, #tpu.memory_space<vmem>>
    %dma_start3A_446 = tpu.memref_squeeze %dma_start3A_445 : memref<1x1x128x8xf32, #tpu.memory_space<vmem>> -> memref<128x8xf32, #tpu.memory_space<vmem>>
    %dma_start3A_447 = arith.constant 0 : i32
    %dma_start3A_448 = tpu.memref_slice %arg9[%dma_start3A_441, %dma_start3A_442, %dma_start3A_447] : memref<2x8x128xi32, #tpu.memory_space<vmem>> -> memref<1x1x128xi32, #tpu.memory_space<vmem>>
    %dma_start3A_449 = tpu.memref_squeeze %dma_start3A_448 : memref<1x1x128xi32, #tpu.memory_space<vmem>> -> memref<128xi32, #tpu.memory_space<vmem>>
    %dma_start3A_450 = arith.constant 0 : i32
    %dma_start3A_451 = arith.constant 0 : i32
    %dma_start3A_452 = tpu.memref_slice %arg7[%dma_start3A_450, %dma_start3A_451] : memref<102400x8xf32, #tpu.memory_space<vmem_shared>> -> memref<102400x8xf32, #tpu.memory_space<vmem_shared>>
    tpu.enqueue_indirect_dma source(%dma_start3A_446 : memref<128x8xf32, #tpu.memory_space<vmem>>) target(%dma_start3A_452 : memref<102400x8xf32, #tpu.memory_space<vmem_shared>>) offsets(%dma_start3A_449 : memref<128xi32, #tpu.memory_space<vmem>>) semaphore(%arg12 : memref<!tpu.dma_semaphore, #tpu.memory_space<semaphore_mem>>) {add = true}
    %dma_wait3A_453 = arith.constant 0 : i32
    %dma_wait3A_454 = arith.constant 0 : i32
    %dma_wait3A_455 = arith.constant 0 : i32
    %dma_wait3A_456 = arith.constant 0 : i32
    %dma_wait3A_457 = arith.constant 0 : i32
    %dma_wait3A_458 = arith.constant 0 : i32
    %dma_wait3A_459 = tpu.memref_slice %arg10[%dma_wait3A_453, %dma_wait3A_454, %dma_wait3A_457, %dma_wait3A_458] : memref<2x8x128x8xf32, #tpu.memory_space<vmem>> -> memref<1x1x128x8xf32, #tpu.memory_space<vmem>>
    %dma_wait3A_460 = tpu.memref_squeeze %dma_wait3A_459 : memref<1x1x128x8xf32, #tpu.memory_space<vmem>> -> memref<128x8xf32, #tpu.memory_space<vmem>>
    %dma_wait3A_461 = arith.constant 0 : i32
    %dma_wait3A_462 = tpu.memref_slice %arg9[%dma_wait3A_455, %dma_wait3A_456, %dma_wait3A_461] : memref<2x8x128xi32, #tpu.memory_space<vmem>> -> memref<1x1x128xi32, #tpu.memory_space<vmem>>
    %dma_wait3A_463 = tpu.memref_squeeze %dma_wait3A_462 : memref<1x1x128xi32, #tpu.memory_space<vmem>> -> memref<128xi32, #tpu.memory_space<vmem>>
    %dma_wait3A_464 = arith.constant 0 : i32
    %dma_wait3A_465 = arith.constant 0 : i32
    %dma_wait3A_466 = tpu.memref_slice %arg7[%dma_wait3A_464, %dma_wait3A_465] : memref<102400x8xf32, #tpu.memory_space<vmem_shared>> -> memref<102400x8xf32, #tpu.memory_space<vmem_shared>>
    tpu.wait_indirect_dma semaphore(%arg12 : memref<!tpu.dma_semaphore, #tpu.memory_space<semaphore_mem>>) src(%dma_wait3A_460 : memref<128x8xf32, #tpu.memory_space<vmem>>) dst(%dma_wait3A_466 : memref<102400x8xf32, #tpu.memory_space<vmem_shared>>)
    %dma_wait3A_467 = arith.constant 0 : i32
    %dma_wait3A_468 = arith.constant 1 : i32
    %dma_wait3A_469 = arith.constant 0 : i32
    %dma_wait3A_470 = arith.constant 1 : i32
    %dma_wait3A_471 = arith.constant 0 : i32
    %dma_wait3A_472 = arith.constant 0 : i32
    %dma_wait3A_473 = tpu.memref_slice %arg10[%dma_wait3A_467, %dma_wait3A_468, %dma_wait3A_471, %dma_wait3A_472] : memref<2x8x128x8xf32, #tpu.memory_space<vmem>> -> memref<1x1x128x8xf32, #tpu.memory_space<vmem>>
    %dma_wait3A_474 = tpu.memref_squeeze %dma_wait3A_473 : memref<1x1x128x8xf32, #tpu.memory_space<vmem>> -> memref<128x8xf32, #tpu.memory_space<vmem>>
    %dma_wait3A_475 = arith.constant 0 : i32
    %dma_wait3A_476 = tpu.memref_slice %arg9[%dma_wait3A_469, %dma_wait3A_470, %dma_wait3A_475] : memref<2x8x128xi32, #tpu.memory_space<vmem>> -> memref<1x1x128xi32, #tpu.memory_space<vmem>>
    %dma_wait3A_477 = tpu.memref_squeeze %dma_wait3A_476 : memref<1x1x128xi32, #tpu.memory_space<vmem>> -> memref<128xi32, #tpu.memory_space<vmem>>
    %dma_wait3A_478 = arith.constant 0 : i32
    %dma_wait3A_479 = arith.constant 0 : i32
    %dma_wait3A_480 = tpu.memref_slice %arg7[%dma_wait3A_478, %dma_wait3A_479] : memref<102400x8xf32, #tpu.memory_space<vmem_shared>> -> memref<102400x8xf32, #tpu.memory_space<vmem_shared>>
    tpu.wait_indirect_dma semaphore(%arg12 : memref<!tpu.dma_semaphore, #tpu.memory_space<semaphore_mem>>) src(%dma_wait3A_474 : memref<128x8xf32, #tpu.memory_space<vmem>>) dst(%dma_wait3A_480 : memref<102400x8xf32, #tpu.memory_space<vmem_shared>>)
    %dma_wait3A_481 = arith.constant 0 : i32
    %dma_wait3A_482 = arith.constant 2 : i32
    %dma_wait3A_483 = arith.constant 0 : i32
    %dma_wait3A_484 = arith.constant 2 : i32
    %dma_wait3A_485 = arith.constant 0 : i32
    %dma_wait3A_486 = arith.constant 0 : i32
    %dma_wait3A_487 = tpu.memref_slice %arg10[%dma_wait3A_481, %dma_wait3A_482, %dma_wait3A_485, %dma_wait3A_486] : memref<2x8x128x8xf32, #tpu.memory_space<vmem>> -> memref<1x1x128x8xf32, #tpu.memory_space<vmem>>
    %dma_wait3A_488 = tpu.memref_squeeze %dma_wait3A_487 : memref<1x1x128x8xf32, #tpu.memory_space<vmem>> -> memref<128x8xf32, #tpu.memory_space<vmem>>
    %dma_wait3A_489 = arith.constant 0 : i32
    %dma_wait3A_490 = tpu.memref_slice %arg9[%dma_wait3A_483, %dma_wait3A_484, %dma_wait3A_489] : memref<2x8x128xi32, #tpu.memory_space<vmem>> -> memref<1x1x128xi32, #tpu.memory_space<vmem>>
    %dma_wait3A_491 = tpu.memref_squeeze %dma_wait3A_490 : memref<1x1x128xi32, #tpu.memory_space<vmem>> -> memref<128xi32, #tpu.memory_space<vmem>>
    %dma_wait3A_492 = arith.constant 0 : i32
    %dma_wait3A_493 = arith.constant 0 : i32
    %dma_wait3A_494 = tpu.memref_slice %arg7[%dma_wait3A_492, %dma_wait3A_493] : memref<102400x8xf32, #tpu.memory_space<vmem_shared>> -> memref<102400x8xf32, #tpu.memory_space<vmem_shared>>
    tpu.wait_indirect_dma semaphore(%arg12 : memref<!tpu.dma_semaphore, #tpu.memory_space<semaphore_mem>>) src(%dma_wait3A_488 : memref<128x8xf32, #tpu.memory_space<vmem>>) dst(%dma_wait3A_494 : memref<102400x8xf32, #tpu.memory_space<vmem_shared>>)
    %dma_wait3A_495 = arith.constant 0 : i32
    %dma_wait3A_496 = arith.constant 3 : i32
    %dma_wait3A_497 = arith.constant 0 : i32
    %dma_wait3A_498 = arith.constant 3 : i32
    %dma_wait3A_499 = arith.constant 0 : i32
    %dma_wait3A_500 = arith.constant 0 : i32
    %dma_wait3A_501 = tpu.memref_slice %arg10[%dma_wait3A_495, %dma_wait3A_496, %dma_wait3A_499, %dma_wait3A_500] : memref<2x8x128x8xf32, #tpu.memory_space<vmem>> -> memref<1x1x128x8xf32, #tpu.memory_space<vmem>>
    %dma_wait3A_502 = tpu.memref_squeeze %dma_wait3A_501 : memref<1x1x128x8xf32, #tpu.memory_space<vmem>> -> memref<128x8xf32, #tpu.memory_space<vmem>>
    %dma_wait3A_503 = arith.constant 0 : i32
    %dma_wait3A_504 = tpu.memref_slice %arg9[%dma_wait3A_497, %dma_wait3A_498, %dma_wait3A_503] : memref<2x8x128xi32, #tpu.memory_space<vmem>> -> memref<1x1x128xi32, #tpu.memory_space<vmem>>
    %dma_wait3A_505 = tpu.memref_squeeze %dma_wait3A_504 : memref<1x1x128xi32, #tpu.memory_space<vmem>> -> memref<128xi32, #tpu.memory_space<vmem>>
    %dma_wait3A_506 = arith.constant 0 : i32
    %dma_wait3A_507 = arith.constant 0 : i32
    %dma_wait3A_508 = tpu.memref_slice %arg7[%dma_wait3A_506, %dma_wait3A_507] : memref<102400x8xf32, #tpu.memory_space<vmem_shared>> -> memref<102400x8xf32, #tpu.memory_space<vmem_shared>>
    tpu.wait_indirect_dma semaphore(%arg12 : memref<!tpu.dma_semaphore, #tpu.memory_space<semaphore_mem>>) src(%dma_wait3A_502 : memref<128x8xf32, #tpu.memory_space<vmem>>) dst(%dma_wait3A_508 : memref<102400x8xf32, #tpu.memory_space<vmem_shared>>)
    %dma_wait3A_509 = arith.constant 0 : i32
    %dma_wait3A_510 = arith.constant 4 : i32
    %dma_wait3A_511 = arith.constant 0 : i32
    %dma_wait3A_512 = arith.constant 4 : i32
    %dma_wait3A_513 = arith.constant 0 : i32
    %dma_wait3A_514 = arith.constant 0 : i32
    %dma_wait3A_515 = tpu.memref_slice %arg10[%dma_wait3A_509, %dma_wait3A_510, %dma_wait3A_513, %dma_wait3A_514] : memref<2x8x128x8xf32, #tpu.memory_space<vmem>> -> memref<1x1x128x8xf32, #tpu.memory_space<vmem>>
    %dma_wait3A_516 = tpu.memref_squeeze %dma_wait3A_515 : memref<1x1x128x8xf32, #tpu.memory_space<vmem>> -> memref<128x8xf32, #tpu.memory_space<vmem>>
    %dma_wait3A_517 = arith.constant 0 : i32
    %dma_wait3A_518 = tpu.memref_slice %arg9[%dma_wait3A_511, %dma_wait3A_512, %dma_wait3A_517] : memref<2x8x128xi32, #tpu.memory_space<vmem>> -> memref<1x1x128xi32, #tpu.memory_space<vmem>>
    %dma_wait3A_519 = tpu.memref_squeeze %dma_wait3A_518 : memref<1x1x128xi32, #tpu.memory_space<vmem>> -> memref<128xi32, #tpu.memory_space<vmem>>
    %dma_wait3A_520 = arith.constant 0 : i32
    %dma_wait3A_521 = arith.constant 0 : i32
    %dma_wait3A_522 = tpu.memref_slice %arg7[%dma_wait3A_520, %dma_wait3A_521] : memref<102400x8xf32, #tpu.memory_space<vmem_shared>> -> memref<102400x8xf32, #tpu.memory_space<vmem_shared>>
    tpu.wait_indirect_dma semaphore(%arg12 : memref<!tpu.dma_semaphore, #tpu.memory_space<semaphore_mem>>) src(%dma_wait3A_516 : memref<128x8xf32, #tpu.memory_space<vmem>>) dst(%dma_wait3A_522 : memref<102400x8xf32, #tpu.memory_space<vmem_shared>>)
    %lt3A_523 = arith.constant 8 : i32
    %lt3A_524 = arith.cmpi slt, %add3A, %lt3A_523 : i32
    %convert_element_type3A_525 = arith.extui %lt3A_524 : i1 to i32
    %cond3A_526 = arith.constant 0 : i32
    %cond3A_527 = arith.cmpi ne, %convert_element_type3A_525, %cond3A_526 : i32
    scf.if %cond3A_527 {
      %dma_start3A_531 = arith.constant 0 : i32
      %dma_start3A_532 = arith.constant 5 : i32
      %dma_start3A_533 = arith.constant 0 : i32
      %dma_start3A_534 = arith.constant 5 : i32
      %dma_start3A_535 = arith.constant 0 : i32
      %dma_start3A_536 = arith.constant 0 : i32
      %dma_start3A_537 = tpu.memref_slice %arg10[%dma_start3A_533, %dma_start3A_534, %dma_start3A_535, %dma_start3A_536] : memref<2x8x128x8xf32, #tpu.memory_space<vmem>> -> memref<1x1x128x8xf32, #tpu.memory_space<vmem>>
      %dma_start3A_538 = tpu.memref_squeeze %dma_start3A_537 : memref<1x1x128x8xf32, #tpu.memory_space<vmem>> -> memref<128x8xf32, #tpu.memory_space<vmem>>
      %dma_start3A_539 = arith.constant 0 : i32
      %dma_start3A_540 = tpu.memref_slice %arg8[%dma_start3A_531, %dma_start3A_532, %dma_start3A_539] : memref<2x8x128xi32, #tpu.memory_space<vmem>> -> memref<1x1x128xi32, #tpu.memory_space<vmem>>
      %dma_start3A_541 = tpu.memref_squeeze %dma_start3A_540 : memref<1x1x128xi32, #tpu.memory_space<vmem>> -> memref<128xi32, #tpu.memory_space<vmem>>
      %dma_start3A_542 = arith.constant 0 : i32
      %dma_start3A_543 = arith.constant 0 : i32
      %dma_start3A_544 = tpu.memref_slice %arg6[%dma_start3A_542, %dma_start3A_543] : memref<102400x8xf32, #tpu.memory_space<vmem_shared>> -> memref<102400x8xf32, #tpu.memory_space<vmem_shared>>
      tpu.enqueue_indirect_dma source(%dma_start3A_544 : memref<102400x8xf32, #tpu.memory_space<vmem_shared>>) target(%dma_start3A_538 : memref<128x8xf32, #tpu.memory_space<vmem>>) offsets(%dma_start3A_541 : memref<128xi32, #tpu.memory_space<vmem>>) semaphore(%arg11 : memref<!tpu.dma_semaphore, #tpu.memory_space<semaphore_mem>>)
      %dma_wait3A_545 = arith.constant 0 : i32
      %dma_wait3A_546 = arith.constant 5 : i32
      %dma_wait3A_547 = arith.constant 0 : i32
      %dma_wait3A_548 = arith.constant 5 : i32
      %dma_wait3A_549 = arith.constant 0 : i32
      %dma_wait3A_550 = arith.constant 0 : i32
      %dma_wait3A_551 = tpu.memref_slice %arg10[%dma_wait3A_547, %dma_wait3A_548, %dma_wait3A_549, %dma_wait3A_550] : memref<2x8x128x8xf32, #tpu.memory_space<vmem>> -> memref<1x1x128x8xf32, #tpu.memory_space<vmem>>
      %dma_wait3A_552 = tpu.memref_squeeze %dma_wait3A_551 : memref<1x1x128x8xf32, #tpu.memory_space<vmem>> -> memref<128x8xf32, #tpu.memory_space<vmem>>
      %dma_wait3A_553 = arith.constant 0 : i32
      %dma_wait3A_554 = tpu.memref_slice %arg8[%dma_wait3A_545, %dma_wait3A_546, %dma_wait3A_553] : memref<2x8x128xi32, #tpu.memory_space<vmem>> -> memref<1x1x128xi32, #tpu.memory_space<vmem>>
      %dma_wait3A_555 = tpu.memref_squeeze %dma_wait3A_554 : memref<1x1x128xi32, #tpu.memory_space<vmem>> -> memref<128xi32, #tpu.memory_space<vmem>>
      %dma_wait3A_556 = arith.constant 0 : i32
      %dma_wait3A_557 = arith.constant 0 : i32
      %dma_wait3A_558 = tpu.memref_slice %arg6[%dma_wait3A_556, %dma_wait3A_557] : memref<102400x8xf32, #tpu.memory_space<vmem_shared>> -> memref<102400x8xf32, #tpu.memory_space<vmem_shared>>
      tpu.wait_indirect_dma semaphore(%arg11 : memref<!tpu.dma_semaphore, #tpu.memory_space<semaphore_mem>>) src(%dma_wait3A_558 : memref<102400x8xf32, #tpu.memory_space<vmem_shared>>) dst(%dma_wait3A_552 : memref<128x8xf32, #tpu.memory_space<vmem>>)
      %dma_start3A_559 = arith.constant 0 : i32
      %dma_start3A_560 = arith.constant 5 : i32
      %dma_start3A_561 = arith.constant 0 : i32
      %dma_start3A_562 = arith.constant 5 : i32
      %dma_start3A_563 = arith.constant 0 : i32
      %dma_start3A_564 = arith.constant 0 : i32
      %dma_start3A_565 = tpu.memref_slice %arg10[%dma_start3A_559, %dma_start3A_560, %dma_start3A_563, %dma_start3A_564] : memref<2x8x128x8xf32, #tpu.memory_space<vmem>> -> memref<1x1x128x8xf32, #tpu.memory_space<vmem>>
      %dma_start3A_566 = tpu.memref_squeeze %dma_start3A_565 : memref<1x1x128x8xf32, #tpu.memory_space<vmem>> -> memref<128x8xf32, #tpu.memory_space<vmem>>
      %dma_start3A_567 = arith.constant 0 : i32
      %dma_start3A_568 = tpu.memref_slice %arg9[%dma_start3A_561, %dma_start3A_562, %dma_start3A_567] : memref<2x8x128xi32, #tpu.memory_space<vmem>> -> memref<1x1x128xi32, #tpu.memory_space<vmem>>
      %dma_start3A_569 = tpu.memref_squeeze %dma_start3A_568 : memref<1x1x128xi32, #tpu.memory_space<vmem>> -> memref<128xi32, #tpu.memory_space<vmem>>
      %dma_start3A_570 = arith.constant 0 : i32
      %dma_start3A_571 = arith.constant 0 : i32
      %dma_start3A_572 = tpu.memref_slice %arg7[%dma_start3A_570, %dma_start3A_571] : memref<102400x8xf32, #tpu.memory_space<vmem_shared>> -> memref<102400x8xf32, #tpu.memory_space<vmem_shared>>
      tpu.enqueue_indirect_dma source(%dma_start3A_566 : memref<128x8xf32, #tpu.memory_space<vmem>>) target(%dma_start3A_572 : memref<102400x8xf32, #tpu.memory_space<vmem_shared>>) offsets(%dma_start3A_569 : memref<128xi32, #tpu.memory_space<vmem>>) semaphore(%arg12 : memref<!tpu.dma_semaphore, #tpu.memory_space<semaphore_mem>>) {add = true}
      %dma_wait3A_573 = arith.constant 0 : i32
      %dma_wait3A_574 = arith.constant 5 : i32
      %dma_wait3A_575 = arith.constant 0 : i32
      %dma_wait3A_576 = arith.constant 5 : i32
      %dma_wait3A_577 = arith.constant 0 : i32
      %dma_wait3A_578 = arith.constant 0 : i32
      %dma_wait3A_579 = tpu.memref_slice %arg10[%dma_wait3A_573, %dma_wait3A_574, %dma_wait3A_577, %dma_wait3A_578] : memref<2x8x128x8xf32, #tpu.memory_space<vmem>> -> memref<1x1x128x8xf32, #tpu.memory_space<vmem>>
      %dma_wait3A_580 = tpu.memref_squeeze %dma_wait3A_579 : memref<1x1x128x8xf32, #tpu.memory_space<vmem>> -> memref<128x8xf32, #tpu.memory_space<vmem>>
      %dma_wait3A_581 = arith.constant 0 : i32
      %dma_wait3A_582 = tpu.memref_slice %arg9[%dma_wait3A_575, %dma_wait3A_576, %dma_wait3A_581] : memref<2x8x128xi32, #tpu.memory_space<vmem>> -> memref<1x1x128xi32, #tpu.memory_space<vmem>>
      %dma_wait3A_583 = tpu.memref_squeeze %dma_wait3A_582 : memref<1x1x128xi32, #tpu.memory_space<vmem>> -> memref<128xi32, #tpu.memory_space<vmem>>
      %dma_wait3A_584 = arith.constant 0 : i32
      %dma_wait3A_585 = arith.constant 0 : i32
      %dma_wait3A_586 = tpu.memref_slice %arg7[%dma_wait3A_584, %dma_wait3A_585] : memref<102400x8xf32, #tpu.memory_space<vmem_shared>> -> memref<102400x8xf32, #tpu.memory_space<vmem_shared>>
      tpu.wait_indirect_dma semaphore(%arg12 : memref<!tpu.dma_semaphore, #tpu.memory_space<semaphore_mem>>) src(%dma_wait3A_580 : memref<128x8xf32, #tpu.memory_space<vmem>>) dst(%dma_wait3A_586 : memref<102400x8xf32, #tpu.memory_space<vmem_shared>>)
    } else {
    }
    %barrier3A_528 = arith.constant 0 : index
    tpu.barrier barrier_id(%barrier3A_528)
    %mul3A_529 = arith.constant 6400 : i32
    %mul3A_530 = arith.muli %arg1, %mul3A_529 : i32
    "tpu.region"() ({
      %run_scoped3A_531 = tpu.sem_alloc : memref<!tpu.dma_semaphore, #tpu.memory_space<semaphore_mem>>
      %dma_start3A_532 = arith.constant 0 : i32
      %dma_start3A_533 = tpu.memref_slice %arg5[%arg0, %mul3A_530, %dma_start3A_532] : memref<2x102400x8xf32, #tpu.memory_space<hbm>> -> memref<1x6400x8xf32, #tpu.memory_space<hbm>>
      %dma_start3A_534 = tpu.memref_squeeze %dma_start3A_533 : memref<1x6400x8xf32, #tpu.memory_space<hbm>> -> memref<6400x8xf32, #tpu.memory_space<hbm>>
      %dma_start3A_535 = arith.constant 0 : i32
      %dma_start3A_536 = tpu.memref_slice %arg7[%mul3A_530, %dma_start3A_535] : memref<102400x8xf32, #tpu.memory_space<vmem_shared>> -> memref<6400x8xf32, #tpu.memory_space<vmem_shared>>
      tpu.enqueue_dma source(%dma_start3A_536 : memref<6400x8xf32, #tpu.memory_space<vmem_shared>>) target(%dma_start3A_534 : memref<6400x8xf32, #tpu.memory_space<hbm>>) target_semaphore(%run_scoped3A_531 : memref<!tpu.dma_semaphore, #tpu.memory_space<semaphore_mem>>)
      %dma_wait3A_537 = arith.constant 0 : i32
      %dma_wait3A_538 = tpu.memref_slice %arg5[%arg0, %mul3A_530, %dma_wait3A_537] : memref<2x102400x8xf32, #tpu.memory_space<hbm>> -> memref<1x6400x8xf32, #tpu.memory_space<hbm>>
      %dma_wait3A_539 = tpu.memref_squeeze %dma_wait3A_538 : memref<1x6400x8xf32, #tpu.memory_space<hbm>> -> memref<6400x8xf32, #tpu.memory_space<hbm>>
      %dma_wait3A_540 = arith.constant 0 : i32
      %dma_wait3A_541 = tpu.memref_slice %arg7[%mul3A_530, %dma_wait3A_540] : memref<102400x8xf32, #tpu.memory_space<vmem_shared>> -> memref<6400x8xf32, #tpu.memory_space<vmem_shared>>
      tpu.wait_dma2 semaphore(%run_scoped3A_531 : memref<!tpu.dma_semaphore, #tpu.memory_space<semaphore_mem>>) src(%dma_wait3A_541 : memref<6400x8xf32, #tpu.memory_space<vmem_shared>>) dst(%dma_wait3A_539 : memref<6400x8xf32, #tpu.memory_space<hbm>>)
      tpu.yield
    }) : () -> ()
    return
  }
}

module attributes {stable_mosaic.version = 14 : i64} {
  func.func @_tc_dense1_body(%arg0: i32, %arg1: memref<2x3x16x1280xf32, #tpu.memory_space<vmem>>, %arg2: memref<2x16x1280xf32, #tpu.memory_space<vmem>>, %arg3: memref<16x2xf32, #tpu.memory_space<smem>>, %arg4: memref<16xf32, #tpu.memory_space<smem>>, %arg5: memref<16x2xf32, #tpu.memory_space<smem>>, %arg6: memref<1x16xf32, #tpu.memory_space<smem>>, %arg7: memref<1xf32, #tpu.memory_space<smem>>, %arg8: memref<1x16xf32, #tpu.memory_space<smem>>, %arg9: memref<16x1280xf32, #tpu.memory_space<vmem>>, %arg10: memref<16x1280xf32, #tpu.memory_space<vmem>>, %arg11: memref<16x1280xf32, #tpu.memory_space<vmem>>) attributes {dimension_semantics = [#tpu.dimension_semantics<arbitrary>], iteration_bounds = array<i64: 5>, scalar_prefetch = 0 : i64, scratch_operands = 0 : i64, tpu.core_type = #tpu.core_type<tc>, window_params = [{transform_indices = @transform_0, window_bounds = array<i64: 2, 3, 16, 1280>}, {transform_indices = @transform_1, window_bounds = array<i64: 2, 16, 1280>}, {transform_indices = @transform_2, window_bounds = array<i64: 16, 2>}, {transform_indices = @transform_3, window_bounds = array<i64: 16>}, {transform_indices = @transform_4, window_bounds = array<i64: 16, 2>}, {transform_indices = @transform_5, window_bounds = array<i64: 1, 16>}, {transform_indices = @transform_6, window_bounds = array<i64: 1>}, {transform_indices = @transform_7, window_bounds = array<i64: 1, 16>}, {transform_indices = @transform_8, window_bounds = array<i64: 16, 1280>}, {transform_indices = @transform_9, window_bounds = array<i64: 16, 1280>}, {transform_indices = @transform_10, window_bounds = array<i64: 16, 1280>}]} {
    %get3A = arith.constant 0 : index
    %get3A_0 = arith.constant 0 : index
    %get3A_1 = arith.constant 0 : index
    %get3A_2 = arith.constant 0 : index
    %get3A_3 = vector.load %arg1[%get3A, %get3A_0, %get3A_1, %get3A_2] : memref<2x3x16x1280xf32, #tpu.memory_space<vmem>>, vector<2x3x16x1280xf32>
    %slice3A = vector.extract_strided_slice %get3A_3 {offsets = [0, 0, 0, 0], sizes = [1, 3, 16, 1280], strides = [1, 1, 1, 1]} : vector<2x3x16x1280xf32> to vector<1x3x16x1280xf32>
    %squeeze3A = vector.shape_cast %slice3A : vector<1x3x16x1280xf32> to vector<3x16x1280xf32>
    %slice3A_4 = vector.extract_strided_slice %get3A_3 {offsets = [1, 0, 0, 0], sizes = [1, 3, 16, 1280], strides = [1, 1, 1, 1]} : vector<2x3x16x1280xf32> to vector<1x3x16x1280xf32>
    %squeeze3A_5 = vector.shape_cast %slice3A_4 : vector<1x3x16x1280xf32> to vector<3x16x1280xf32>
    %add3A = arith.addf %squeeze3A, %squeeze3A_5 : vector<3x16x1280xf32>
    %slice3A_6 = vector.extract_strided_slice %add3A {offsets = [2, 0, 0], sizes = [1, 16, 1280], strides = [1, 1, 1]} : vector<3x16x1280xf32> to vector<1x16x1280xf32>
    %squeeze3A_7 = vector.shape_cast %slice3A_6 : vector<1x16x1280xf32> to vector<16x1280xf32>
    %max3A = arith.constant 1.000000e+00 : f32
    %max3A_8 = vector.broadcast %max3A : f32 to vector<16x1280xf32>
    %max3A_9 = arith.maximumf %squeeze3A_7, %max3A_8 : vector<16x1280xf32>
    %slice3A_10 = vector.extract_strided_slice %add3A {offsets = [0, 0, 0], sizes = [1, 16, 1280], strides = [1, 1, 1]} : vector<3x16x1280xf32> to vector<1x16x1280xf32>
    %squeeze3A_11 = vector.shape_cast %slice3A_10 : vector<1x16x1280xf32> to vector<16x1280xf32>
    %div3A = arith.divf %squeeze3A_11, %max3A_9 : vector<16x1280xf32>
    %slice3A_12 = vector.extract_strided_slice %add3A {offsets = [1, 0, 0], sizes = [1, 16, 1280], strides = [1, 1, 1]} : vector<3x16x1280xf32> to vector<1x16x1280xf32>
    %squeeze3A_13 = vector.shape_cast %slice3A_12 : vector<1x16x1280xf32> to vector<16x1280xf32>
    %div3A_14 = arith.divf %squeeze3A_13, %max3A_9 : vector<16x1280xf32>
    %get3A_15 = arith.constant 0 : index
    %get3A_16 = arith.constant 0 : index
    %get3A_17 = arith.constant 0 : index
    %get3A_18 = vector.load %arg2[%get3A_15, %get3A_16, %get3A_17] : memref<2x16x1280xf32, #tpu.memory_space<vmem>>, vector<1x16x1280xf32>
    %get3A_19 = vector.shape_cast %get3A_18 : vector<1x16x1280xf32> to vector<16x1280xf32>
    %get3A_20 = arith.constant 1 : index
    %get3A_21 = arith.constant 0 : index
    %get3A_22 = arith.constant 0 : index
    %get3A_23 = vector.load %arg2[%get3A_20, %get3A_21, %get3A_22] : memref<2x16x1280xf32, #tpu.memory_space<vmem>>, vector<1x16x1280xf32>
    %get3A_24 = vector.shape_cast %get3A_23 : vector<1x16x1280xf32> to vector<16x1280xf32>
    %broadcast_in_dim3A = arith.constant 0.000000e+00 : f32
    %broadcast_in_dim3A_25 = vector.broadcast %broadcast_in_dim3A : f32 to vector<16x1280xf32>
    %broadcast_in_dim3A_26 = arith.constant 0.000000e+00 : f32
    %broadcast_in_dim3A_27 = vector.broadcast %broadcast_in_dim3A_26 : f32 to vector<16x1280xf32>
    %get3A_28 = arith.constant 0 : index
    %get3A_29 = arith.constant 0 : index
    %get3A_30 = memref.load %arg3[%get3A_28, %get3A_29] : memref<16x2xf32, #tpu.memory_space<smem>>
    %mul3A = vector.broadcast %get3A_30 : f32 to vector<16x1280xf32>
    %mul3A_31 = arith.mulf %div3A, %mul3A : vector<16x1280xf32>
    %get3A_32 = arith.constant 0 : index
    %get3A_33 = arith.constant 1 : index
    %get3A_34 = memref.load %arg3[%get3A_32, %get3A_33] : memref<16x2xf32, #tpu.memory_space<smem>>
    %mul3A_35 = vector.broadcast %get3A_34 : f32 to vector<16x1280xf32>
    %mul3A_36 = arith.mulf %div3A_14, %mul3A_35 : vector<16x1280xf32>
    %add3A_37 = arith.addf %mul3A_31, %mul3A_36 : vector<16x1280xf32>
    %get3A_38 = arith.constant 0 : index
    %get3A_39 = memref.load %arg4[%get3A_38] : memref<16xf32, #tpu.memory_space<smem>>
    %add3A_40 = vector.broadcast %get3A_39 : f32 to vector<16x1280xf32>
    %add3A_41 = arith.addf %add3A_37, %add3A_40 : vector<16x1280xf32>
    %get3A_42 = arith.constant 0 : index
    %get3A_43 = arith.constant 0 : index
    %get3A_44 = memref.load %arg5[%get3A_42, %get3A_43] : memref<16x2xf32, #tpu.memory_space<smem>>
    %mul3A_45 = vector.broadcast %get3A_44 : f32 to vector<16x1280xf32>
    %mul3A_46 = arith.mulf %get3A_19, %mul3A_45 : vector<16x1280xf32>
    %add3A_47 = arith.addf %add3A_41, %mul3A_46 : vector<16x1280xf32>
    %get3A_48 = arith.constant 0 : index
    %get3A_49 = arith.constant 1 : index
    %get3A_50 = memref.load %arg5[%get3A_48, %get3A_49] : memref<16x2xf32, #tpu.memory_space<smem>>
    %mul3A_51 = vector.broadcast %get3A_50 : f32 to vector<16x1280xf32>
    %mul3A_52 = arith.mulf %get3A_24, %mul3A_51 : vector<16x1280xf32>
    %add3A_53 = arith.addf %add3A_47, %mul3A_52 : vector<16x1280xf32>
    %max3A_54 = arith.constant 0.000000e+00 : f32
    %max3A_55 = vector.broadcast %max3A_54 : f32 to vector<16x1280xf32>
    %max3A_56 = arith.maximumf %add3A_53, %max3A_55 : vector<16x1280xf32>
    %get3A_57 = arith.constant 0 : index
    %get3A_58 = arith.constant 0 : index
    %get3A_59 = memref.load %arg6[%get3A_57, %get3A_58] : memref<1x16xf32, #tpu.memory_space<smem>>
    %mul3A_60 = vector.broadcast %get3A_59 : f32 to vector<16x1280xf32>
    %mul3A_61 = arith.mulf %max3A_56, %mul3A_60 : vector<16x1280xf32>
    %add3A_62 = arith.addf %broadcast_in_dim3A_25, %mul3A_61 : vector<16x1280xf32>
    %get3A_63 = arith.constant 0 : index
    %get3A_64 = arith.constant 0 : index
    %get3A_65 = memref.load %arg8[%get3A_63, %get3A_64] : memref<1x16xf32, #tpu.memory_space<smem>>
    %mul3A_66 = vector.broadcast %get3A_65 : f32 to vector<16x1280xf32>
    %mul3A_67 = arith.mulf %max3A_56, %mul3A_66 : vector<16x1280xf32>
    %add3A_68 = arith.addf %broadcast_in_dim3A_27, %mul3A_67 : vector<16x1280xf32>
    %get3A_69 = arith.constant 1 : index
    %get3A_70 = arith.constant 0 : index
    %get3A_71 = memref.load %arg3[%get3A_69, %get3A_70] : memref<16x2xf32, #tpu.memory_space<smem>>
    %mul3A_72 = vector.broadcast %get3A_71 : f32 to vector<16x1280xf32>
    %mul3A_73 = arith.mulf %div3A, %mul3A_72 : vector<16x1280xf32>
    %get3A_74 = arith.constant 1 : index
    %get3A_75 = arith.constant 1 : index
    %get3A_76 = memref.load %arg3[%get3A_74, %get3A_75] : memref<16x2xf32, #tpu.memory_space<smem>>
    %mul3A_77 = vector.broadcast %get3A_76 : f32 to vector<16x1280xf32>
    %mul3A_78 = arith.mulf %div3A_14, %mul3A_77 : vector<16x1280xf32>
    %add3A_79 = arith.addf %mul3A_73, %mul3A_78 : vector<16x1280xf32>
    %get3A_80 = arith.constant 1 : index
    %get3A_81 = memref.load %arg4[%get3A_80] : memref<16xf32, #tpu.memory_space<smem>>
    %add3A_82 = vector.broadcast %get3A_81 : f32 to vector<16x1280xf32>
    %add3A_83 = arith.addf %add3A_79, %add3A_82 : vector<16x1280xf32>
    %get3A_84 = arith.constant 1 : index
    %get3A_85 = arith.constant 0 : index
    %get3A_86 = memref.load %arg5[%get3A_84, %get3A_85] : memref<16x2xf32, #tpu.memory_space<smem>>
    %mul3A_87 = vector.broadcast %get3A_86 : f32 to vector<16x1280xf32>
    %mul3A_88 = arith.mulf %get3A_19, %mul3A_87 : vector<16x1280xf32>
    %add3A_89 = arith.addf %add3A_83, %mul3A_88 : vector<16x1280xf32>
    %get3A_90 = arith.constant 1 : index
    %get3A_91 = arith.constant 1 : index
    %get3A_92 = memref.load %arg5[%get3A_90, %get3A_91] : memref<16x2xf32, #tpu.memory_space<smem>>
    %mul3A_93 = vector.broadcast %get3A_92 : f32 to vector<16x1280xf32>
    %mul3A_94 = arith.mulf %get3A_24, %mul3A_93 : vector<16x1280xf32>
    %add3A_95 = arith.addf %add3A_89, %mul3A_94 : vector<16x1280xf32>
    %max3A_96 = arith.constant 0.000000e+00 : f32
    %max3A_97 = vector.broadcast %max3A_96 : f32 to vector<16x1280xf32>
    %max3A_98 = arith.maximumf %add3A_95, %max3A_97 : vector<16x1280xf32>
    %get3A_99 = arith.constant 0 : index
    %get3A_100 = arith.constant 1 : index
    %get3A_101 = memref.load %arg6[%get3A_99, %get3A_100] : memref<1x16xf32, #tpu.memory_space<smem>>
    %mul3A_102 = vector.broadcast %get3A_101 : f32 to vector<16x1280xf32>
    %mul3A_103 = arith.mulf %max3A_98, %mul3A_102 : vector<16x1280xf32>
    %add3A_104 = arith.addf %add3A_62, %mul3A_103 : vector<16x1280xf32>
    %get3A_105 = arith.constant 0 : index
    %get3A_106 = arith.constant 1 : index
    %get3A_107 = memref.load %arg8[%get3A_105, %get3A_106] : memref<1x16xf32, #tpu.memory_space<smem>>
    %mul3A_108 = vector.broadcast %get3A_107 : f32 to vector<16x1280xf32>
    %mul3A_109 = arith.mulf %max3A_98, %mul3A_108 : vector<16x1280xf32>
    %add3A_110 = arith.addf %add3A_68, %mul3A_109 : vector<16x1280xf32>
    %get3A_111 = arith.constant 2 : index
    %get3A_112 = arith.constant 0 : index
    %get3A_113 = memref.load %arg3[%get3A_111, %get3A_112] : memref<16x2xf32, #tpu.memory_space<smem>>
    %mul3A_114 = vector.broadcast %get3A_113 : f32 to vector<16x1280xf32>
    %mul3A_115 = arith.mulf %div3A, %mul3A_114 : vector<16x1280xf32>
    %get3A_116 = arith.constant 2 : index
    %get3A_117 = arith.constant 1 : index
    %get3A_118 = memref.load %arg3[%get3A_116, %get3A_117] : memref<16x2xf32, #tpu.memory_space<smem>>
    %mul3A_119 = vector.broadcast %get3A_118 : f32 to vector<16x1280xf32>
    %mul3A_120 = arith.mulf %div3A_14, %mul3A_119 : vector<16x1280xf32>
    %add3A_121 = arith.addf %mul3A_115, %mul3A_120 : vector<16x1280xf32>
    %get3A_122 = arith.constant 2 : index
    %get3A_123 = memref.load %arg4[%get3A_122] : memref<16xf32, #tpu.memory_space<smem>>
    %add3A_124 = vector.broadcast %get3A_123 : f32 to vector<16x1280xf32>
    %add3A_125 = arith.addf %add3A_121, %add3A_124 : vector<16x1280xf32>
    %get3A_126 = arith.constant 2 : index
    %get3A_127 = arith.constant 0 : index
    %get3A_128 = memref.load %arg5[%get3A_126, %get3A_127] : memref<16x2xf32, #tpu.memory_space<smem>>
    %mul3A_129 = vector.broadcast %get3A_128 : f32 to vector<16x1280xf32>
    %mul3A_130 = arith.mulf %get3A_19, %mul3A_129 : vector<16x1280xf32>
    %add3A_131 = arith.addf %add3A_125, %mul3A_130 : vector<16x1280xf32>
    %get3A_132 = arith.constant 2 : index
    %get3A_133 = arith.constant 1 : index
    %get3A_134 = memref.load %arg5[%get3A_132, %get3A_133] : memref<16x2xf32, #tpu.memory_space<smem>>
    %mul3A_135 = vector.broadcast %get3A_134 : f32 to vector<16x1280xf32>
    %mul3A_136 = arith.mulf %get3A_24, %mul3A_135 : vector<16x1280xf32>
    %add3A_137 = arith.addf %add3A_131, %mul3A_136 : vector<16x1280xf32>
    %max3A_138 = arith.constant 0.000000e+00 : f32
    %max3A_139 = vector.broadcast %max3A_138 : f32 to vector<16x1280xf32>
    %max3A_140 = arith.maximumf %add3A_137, %max3A_139 : vector<16x1280xf32>
    %get3A_141 = arith.constant 0 : index
    %get3A_142 = arith.constant 2 : index
    %get3A_143 = memref.load %arg6[%get3A_141, %get3A_142] : memref<1x16xf32, #tpu.memory_space<smem>>
    %mul3A_144 = vector.broadcast %get3A_143 : f32 to vector<16x1280xf32>
    %mul3A_145 = arith.mulf %max3A_140, %mul3A_144 : vector<16x1280xf32>
    %add3A_146 = arith.addf %add3A_104, %mul3A_145 : vector<16x1280xf32>
    %get3A_147 = arith.constant 0 : index
    %get3A_148 = arith.constant 2 : index
    %get3A_149 = memref.load %arg8[%get3A_147, %get3A_148] : memref<1x16xf32, #tpu.memory_space<smem>>
    %mul3A_150 = vector.broadcast %get3A_149 : f32 to vector<16x1280xf32>
    %mul3A_151 = arith.mulf %max3A_140, %mul3A_150 : vector<16x1280xf32>
    %add3A_152 = arith.addf %add3A_110, %mul3A_151 : vector<16x1280xf32>
    %get3A_153 = arith.constant 3 : index
    %get3A_154 = arith.constant 0 : index
    %get3A_155 = memref.load %arg3[%get3A_153, %get3A_154] : memref<16x2xf32, #tpu.memory_space<smem>>
    %mul3A_156 = vector.broadcast %get3A_155 : f32 to vector<16x1280xf32>
    %mul3A_157 = arith.mulf %div3A, %mul3A_156 : vector<16x1280xf32>
    %get3A_158 = arith.constant 3 : index
    %get3A_159 = arith.constant 1 : index
    %get3A_160 = memref.load %arg3[%get3A_158, %get3A_159] : memref<16x2xf32, #tpu.memory_space<smem>>
    %mul3A_161 = vector.broadcast %get3A_160 : f32 to vector<16x1280xf32>
    %mul3A_162 = arith.mulf %div3A_14, %mul3A_161 : vector<16x1280xf32>
    %add3A_163 = arith.addf %mul3A_157, %mul3A_162 : vector<16x1280xf32>
    %get3A_164 = arith.constant 3 : index
    %get3A_165 = memref.load %arg4[%get3A_164] : memref<16xf32, #tpu.memory_space<smem>>
    %add3A_166 = vector.broadcast %get3A_165 : f32 to vector<16x1280xf32>
    %add3A_167 = arith.addf %add3A_163, %add3A_166 : vector<16x1280xf32>
    %get3A_168 = arith.constant 3 : index
    %get3A_169 = arith.constant 0 : index
    %get3A_170 = memref.load %arg5[%get3A_168, %get3A_169] : memref<16x2xf32, #tpu.memory_space<smem>>
    %mul3A_171 = vector.broadcast %get3A_170 : f32 to vector<16x1280xf32>
    %mul3A_172 = arith.mulf %get3A_19, %mul3A_171 : vector<16x1280xf32>
    %add3A_173 = arith.addf %add3A_167, %mul3A_172 : vector<16x1280xf32>
    %get3A_174 = arith.constant 3 : index
    %get3A_175 = arith.constant 1 : index
    %get3A_176 = memref.load %arg5[%get3A_174, %get3A_175] : memref<16x2xf32, #tpu.memory_space<smem>>
    %mul3A_177 = vector.broadcast %get3A_176 : f32 to vector<16x1280xf32>
    %mul3A_178 = arith.mulf %get3A_24, %mul3A_177 : vector<16x1280xf32>
    %add3A_179 = arith.addf %add3A_173, %mul3A_178 : vector<16x1280xf32>
    %max3A_180 = arith.constant 0.000000e+00 : f32
    %max3A_181 = vector.broadcast %max3A_180 : f32 to vector<16x1280xf32>
    %max3A_182 = arith.maximumf %add3A_179, %max3A_181 : vector<16x1280xf32>
    %get3A_183 = arith.constant 0 : index
    %get3A_184 = arith.constant 3 : index
    %get3A_185 = memref.load %arg6[%get3A_183, %get3A_184] : memref<1x16xf32, #tpu.memory_space<smem>>
    %mul3A_186 = vector.broadcast %get3A_185 : f32 to vector<16x1280xf32>
    %mul3A_187 = arith.mulf %max3A_182, %mul3A_186 : vector<16x1280xf32>
    %add3A_188 = arith.addf %add3A_146, %mul3A_187 : vector<16x1280xf32>
    %get3A_189 = arith.constant 0 : index
    %get3A_190 = arith.constant 3 : index
    %get3A_191 = memref.load %arg8[%get3A_189, %get3A_190] : memref<1x16xf32, #tpu.memory_space<smem>>
    %mul3A_192 = vector.broadcast %get3A_191 : f32 to vector<16x1280xf32>
    %mul3A_193 = arith.mulf %max3A_182, %mul3A_192 : vector<16x1280xf32>
    %add3A_194 = arith.addf %add3A_152, %mul3A_193 : vector<16x1280xf32>
    %get3A_195 = arith.constant 4 : index
    %get3A_196 = arith.constant 0 : index
    %get3A_197 = memref.load %arg3[%get3A_195, %get3A_196] : memref<16x2xf32, #tpu.memory_space<smem>>
    %mul3A_198 = vector.broadcast %get3A_197 : f32 to vector<16x1280xf32>
    %mul3A_199 = arith.mulf %div3A, %mul3A_198 : vector<16x1280xf32>
    %get3A_200 = arith.constant 4 : index
    %get3A_201 = arith.constant 1 : index
    %get3A_202 = memref.load %arg3[%get3A_200, %get3A_201] : memref<16x2xf32, #tpu.memory_space<smem>>
    %mul3A_203 = vector.broadcast %get3A_202 : f32 to vector<16x1280xf32>
    %mul3A_204 = arith.mulf %div3A_14, %mul3A_203 : vector<16x1280xf32>
    %add3A_205 = arith.addf %mul3A_199, %mul3A_204 : vector<16x1280xf32>
    %get3A_206 = arith.constant 4 : index
    %get3A_207 = memref.load %arg4[%get3A_206] : memref<16xf32, #tpu.memory_space<smem>>
    %add3A_208 = vector.broadcast %get3A_207 : f32 to vector<16x1280xf32>
    %add3A_209 = arith.addf %add3A_205, %add3A_208 : vector<16x1280xf32>
    %get3A_210 = arith.constant 4 : index
    %get3A_211 = arith.constant 0 : index
    %get3A_212 = memref.load %arg5[%get3A_210, %get3A_211] : memref<16x2xf32, #tpu.memory_space<smem>>
    %mul3A_213 = vector.broadcast %get3A_212 : f32 to vector<16x1280xf32>
    %mul3A_214 = arith.mulf %get3A_19, %mul3A_213 : vector<16x1280xf32>
    %add3A_215 = arith.addf %add3A_209, %mul3A_214 : vector<16x1280xf32>
    %get3A_216 = arith.constant 4 : index
    %get3A_217 = arith.constant 1 : index
    %get3A_218 = memref.load %arg5[%get3A_216, %get3A_217] : memref<16x2xf32, #tpu.memory_space<smem>>
    %mul3A_219 = vector.broadcast %get3A_218 : f32 to vector<16x1280xf32>
    %mul3A_220 = arith.mulf %get3A_24, %mul3A_219 : vector<16x1280xf32>
    %add3A_221 = arith.addf %add3A_215, %mul3A_220 : vector<16x1280xf32>
    %max3A_222 = arith.constant 0.000000e+00 : f32
    %max3A_223 = vector.broadcast %max3A_222 : f32 to vector<16x1280xf32>
    %max3A_224 = arith.maximumf %add3A_221, %max3A_223 : vector<16x1280xf32>
    %get3A_225 = arith.constant 0 : index
    %get3A_226 = arith.constant 4 : index
    %get3A_227 = memref.load %arg6[%get3A_225, %get3A_226] : memref<1x16xf32, #tpu.memory_space<smem>>
    %mul3A_228 = vector.broadcast %get3A_227 : f32 to vector<16x1280xf32>
    %mul3A_229 = arith.mulf %max3A_224, %mul3A_228 : vector<16x1280xf32>
    %add3A_230 = arith.addf %add3A_188, %mul3A_229 : vector<16x1280xf32>
    %get3A_231 = arith.constant 0 : index
    %get3A_232 = arith.constant 4 : index
    %get3A_233 = memref.load %arg8[%get3A_231, %get3A_232] : memref<1x16xf32, #tpu.memory_space<smem>>
    %mul3A_234 = vector.broadcast %get3A_233 : f32 to vector<16x1280xf32>
    %mul3A_235 = arith.mulf %max3A_224, %mul3A_234 : vector<16x1280xf32>
    %add3A_236 = arith.addf %add3A_194, %mul3A_235 : vector<16x1280xf32>
    %get3A_237 = arith.constant 5 : index
    %get3A_238 = arith.constant 0 : index
    %get3A_239 = memref.load %arg3[%get3A_237, %get3A_238] : memref<16x2xf32, #tpu.memory_space<smem>>
    %mul3A_240 = vector.broadcast %get3A_239 : f32 to vector<16x1280xf32>
    %mul3A_241 = arith.mulf %div3A, %mul3A_240 : vector<16x1280xf32>
    %get3A_242 = arith.constant 5 : index
    %get3A_243 = arith.constant 1 : index
    %get3A_244 = memref.load %arg3[%get3A_242, %get3A_243] : memref<16x2xf32, #tpu.memory_space<smem>>
    %mul3A_245 = vector.broadcast %get3A_244 : f32 to vector<16x1280xf32>
    %mul3A_246 = arith.mulf %div3A_14, %mul3A_245 : vector<16x1280xf32>
    %add3A_247 = arith.addf %mul3A_241, %mul3A_246 : vector<16x1280xf32>
    %get3A_248 = arith.constant 5 : index
    %get3A_249 = memref.load %arg4[%get3A_248] : memref<16xf32, #tpu.memory_space<smem>>
    %add3A_250 = vector.broadcast %get3A_249 : f32 to vector<16x1280xf32>
    %add3A_251 = arith.addf %add3A_247, %add3A_250 : vector<16x1280xf32>
    %get3A_252 = arith.constant 5 : index
    %get3A_253 = arith.constant 0 : index
    %get3A_254 = memref.load %arg5[%get3A_252, %get3A_253] : memref<16x2xf32, #tpu.memory_space<smem>>
    %mul3A_255 = vector.broadcast %get3A_254 : f32 to vector<16x1280xf32>
    %mul3A_256 = arith.mulf %get3A_19, %mul3A_255 : vector<16x1280xf32>
    %add3A_257 = arith.addf %add3A_251, %mul3A_256 : vector<16x1280xf32>
    %get3A_258 = arith.constant 5 : index
    %get3A_259 = arith.constant 1 : index
    %get3A_260 = memref.load %arg5[%get3A_258, %get3A_259] : memref<16x2xf32, #tpu.memory_space<smem>>
    %mul3A_261 = vector.broadcast %get3A_260 : f32 to vector<16x1280xf32>
    %mul3A_262 = arith.mulf %get3A_24, %mul3A_261 : vector<16x1280xf32>
    %add3A_263 = arith.addf %add3A_257, %mul3A_262 : vector<16x1280xf32>
    %max3A_264 = arith.constant 0.000000e+00 : f32
    %max3A_265 = vector.broadcast %max3A_264 : f32 to vector<16x1280xf32>
    %max3A_266 = arith.maximumf %add3A_263, %max3A_265 : vector<16x1280xf32>
    %get3A_267 = arith.constant 0 : index
    %get3A_268 = arith.constant 5 : index
    %get3A_269 = memref.load %arg6[%get3A_267, %get3A_268] : memref<1x16xf32, #tpu.memory_space<smem>>
    %mul3A_270 = vector.broadcast %get3A_269 : f32 to vector<16x1280xf32>
    %mul3A_271 = arith.mulf %max3A_266, %mul3A_270 : vector<16x1280xf32>
    %add3A_272 = arith.addf %add3A_230, %mul3A_271 : vector<16x1280xf32>
    %get3A_273 = arith.constant 0 : index
    %get3A_274 = arith.constant 5 : index
    %get3A_275 = memref.load %arg8[%get3A_273, %get3A_274] : memref<1x16xf32, #tpu.memory_space<smem>>
    %mul3A_276 = vector.broadcast %get3A_275 : f32 to vector<16x1280xf32>
    %mul3A_277 = arith.mulf %max3A_266, %mul3A_276 : vector<16x1280xf32>
    %add3A_278 = arith.addf %add3A_236, %mul3A_277 : vector<16x1280xf32>
    %get3A_279 = arith.constant 6 : index
    %get3A_280 = arith.constant 0 : index
    %get3A_281 = memref.load %arg3[%get3A_279, %get3A_280] : memref<16x2xf32, #tpu.memory_space<smem>>
    %mul3A_282 = vector.broadcast %get3A_281 : f32 to vector<16x1280xf32>
    %mul3A_283 = arith.mulf %div3A, %mul3A_282 : vector<16x1280xf32>
    %get3A_284 = arith.constant 6 : index
    %get3A_285 = arith.constant 1 : index
    %get3A_286 = memref.load %arg3[%get3A_284, %get3A_285] : memref<16x2xf32, #tpu.memory_space<smem>>
    %mul3A_287 = vector.broadcast %get3A_286 : f32 to vector<16x1280xf32>
    %mul3A_288 = arith.mulf %div3A_14, %mul3A_287 : vector<16x1280xf32>
    %add3A_289 = arith.addf %mul3A_283, %mul3A_288 : vector<16x1280xf32>
    %get3A_290 = arith.constant 6 : index
    %get3A_291 = memref.load %arg4[%get3A_290] : memref<16xf32, #tpu.memory_space<smem>>
    %add3A_292 = vector.broadcast %get3A_291 : f32 to vector<16x1280xf32>
    %add3A_293 = arith.addf %add3A_289, %add3A_292 : vector<16x1280xf32>
    %get3A_294 = arith.constant 6 : index
    %get3A_295 = arith.constant 0 : index
    %get3A_296 = memref.load %arg5[%get3A_294, %get3A_295] : memref<16x2xf32, #tpu.memory_space<smem>>
    %mul3A_297 = vector.broadcast %get3A_296 : f32 to vector<16x1280xf32>
    %mul3A_298 = arith.mulf %get3A_19, %mul3A_297 : vector<16x1280xf32>
    %add3A_299 = arith.addf %add3A_293, %mul3A_298 : vector<16x1280xf32>
    %get3A_300 = arith.constant 6 : index
    %get3A_301 = arith.constant 1 : index
    %get3A_302 = memref.load %arg5[%get3A_300, %get3A_301] : memref<16x2xf32, #tpu.memory_space<smem>>
    %mul3A_303 = vector.broadcast %get3A_302 : f32 to vector<16x1280xf32>
    %mul3A_304 = arith.mulf %get3A_24, %mul3A_303 : vector<16x1280xf32>
    %add3A_305 = arith.addf %add3A_299, %mul3A_304 : vector<16x1280xf32>
    %max3A_306 = arith.constant 0.000000e+00 : f32
    %max3A_307 = vector.broadcast %max3A_306 : f32 to vector<16x1280xf32>
    %max3A_308 = arith.maximumf %add3A_305, %max3A_307 : vector<16x1280xf32>
    %get3A_309 = arith.constant 0 : index
    %get3A_310 = arith.constant 6 : index
    %get3A_311 = memref.load %arg6[%get3A_309, %get3A_310] : memref<1x16xf32, #tpu.memory_space<smem>>
    %mul3A_312 = vector.broadcast %get3A_311 : f32 to vector<16x1280xf32>
    %mul3A_313 = arith.mulf %max3A_308, %mul3A_312 : vector<16x1280xf32>
    %add3A_314 = arith.addf %add3A_272, %mul3A_313 : vector<16x1280xf32>
    %get3A_315 = arith.constant 0 : index
    %get3A_316 = arith.constant 6 : index
    %get3A_317 = memref.load %arg8[%get3A_315, %get3A_316] : memref<1x16xf32, #tpu.memory_space<smem>>
    %mul3A_318 = vector.broadcast %get3A_317 : f32 to vector<16x1280xf32>
    %mul3A_319 = arith.mulf %max3A_308, %mul3A_318 : vector<16x1280xf32>
    %add3A_320 = arith.addf %add3A_278, %mul3A_319 : vector<16x1280xf32>
    %get3A_321 = arith.constant 7 : index
    %get3A_322 = arith.constant 0 : index
    %get3A_323 = memref.load %arg3[%get3A_321, %get3A_322] : memref<16x2xf32, #tpu.memory_space<smem>>
    %mul3A_324 = vector.broadcast %get3A_323 : f32 to vector<16x1280xf32>
    %mul3A_325 = arith.mulf %div3A, %mul3A_324 : vector<16x1280xf32>
    %get3A_326 = arith.constant 7 : index
    %get3A_327 = arith.constant 1 : index
    %get3A_328 = memref.load %arg3[%get3A_326, %get3A_327] : memref<16x2xf32, #tpu.memory_space<smem>>
    %mul3A_329 = vector.broadcast %get3A_328 : f32 to vector<16x1280xf32>
    %mul3A_330 = arith.mulf %div3A_14, %mul3A_329 : vector<16x1280xf32>
    %add3A_331 = arith.addf %mul3A_325, %mul3A_330 : vector<16x1280xf32>
    %get3A_332 = arith.constant 7 : index
    %get3A_333 = memref.load %arg4[%get3A_332] : memref<16xf32, #tpu.memory_space<smem>>
    %add3A_334 = vector.broadcast %get3A_333 : f32 to vector<16x1280xf32>
    %add3A_335 = arith.addf %add3A_331, %add3A_334 : vector<16x1280xf32>
    %get3A_336 = arith.constant 7 : index
    %get3A_337 = arith.constant 0 : index
    %get3A_338 = memref.load %arg5[%get3A_336, %get3A_337] : memref<16x2xf32, #tpu.memory_space<smem>>
    %mul3A_339 = vector.broadcast %get3A_338 : f32 to vector<16x1280xf32>
    %mul3A_340 = arith.mulf %get3A_19, %mul3A_339 : vector<16x1280xf32>
    %add3A_341 = arith.addf %add3A_335, %mul3A_340 : vector<16x1280xf32>
    %get3A_342 = arith.constant 7 : index
    %get3A_343 = arith.constant 1 : index
    %get3A_344 = memref.load %arg5[%get3A_342, %get3A_343] : memref<16x2xf32, #tpu.memory_space<smem>>
    %mul3A_345 = vector.broadcast %get3A_344 : f32 to vector<16x1280xf32>
    %mul3A_346 = arith.mulf %get3A_24, %mul3A_345 : vector<16x1280xf32>
    %add3A_347 = arith.addf %add3A_341, %mul3A_346 : vector<16x1280xf32>
    %max3A_348 = arith.constant 0.000000e+00 : f32
    %max3A_349 = vector.broadcast %max3A_348 : f32 to vector<16x1280xf32>
    %max3A_350 = arith.maximumf %add3A_347, %max3A_349 : vector<16x1280xf32>
    %get3A_351 = arith.constant 0 : index
    %get3A_352 = arith.constant 7 : index
    %get3A_353 = memref.load %arg6[%get3A_351, %get3A_352] : memref<1x16xf32, #tpu.memory_space<smem>>
    %mul3A_354 = vector.broadcast %get3A_353 : f32 to vector<16x1280xf32>
    %mul3A_355 = arith.mulf %max3A_350, %mul3A_354 : vector<16x1280xf32>
    %add3A_356 = arith.addf %add3A_314, %mul3A_355 : vector<16x1280xf32>
    %get3A_357 = arith.constant 0 : index
    %get3A_358 = arith.constant 7 : index
    %get3A_359 = memref.load %arg8[%get3A_357, %get3A_358] : memref<1x16xf32, #tpu.memory_space<smem>>
    %mul3A_360 = vector.broadcast %get3A_359 : f32 to vector<16x1280xf32>
    %mul3A_361 = arith.mulf %max3A_350, %mul3A_360 : vector<16x1280xf32>
    %add3A_362 = arith.addf %add3A_320, %mul3A_361 : vector<16x1280xf32>
    %get3A_363 = arith.constant 8 : index
    %get3A_364 = arith.constant 0 : index
    %get3A_365 = memref.load %arg3[%get3A_363, %get3A_364] : memref<16x2xf32, #tpu.memory_space<smem>>
    %mul3A_366 = vector.broadcast %get3A_365 : f32 to vector<16x1280xf32>
    %mul3A_367 = arith.mulf %div3A, %mul3A_366 : vector<16x1280xf32>
    %get3A_368 = arith.constant 8 : index
    %get3A_369 = arith.constant 1 : index
    %get3A_370 = memref.load %arg3[%get3A_368, %get3A_369] : memref<16x2xf32, #tpu.memory_space<smem>>
    %mul3A_371 = vector.broadcast %get3A_370 : f32 to vector<16x1280xf32>
    %mul3A_372 = arith.mulf %div3A_14, %mul3A_371 : vector<16x1280xf32>
    %add3A_373 = arith.addf %mul3A_367, %mul3A_372 : vector<16x1280xf32>
    %get3A_374 = arith.constant 8 : index
    %get3A_375 = memref.load %arg4[%get3A_374] : memref<16xf32, #tpu.memory_space<smem>>
    %add3A_376 = vector.broadcast %get3A_375 : f32 to vector<16x1280xf32>
    %add3A_377 = arith.addf %add3A_373, %add3A_376 : vector<16x1280xf32>
    %get3A_378 = arith.constant 8 : index
    %get3A_379 = arith.constant 0 : index
    %get3A_380 = memref.load %arg5[%get3A_378, %get3A_379] : memref<16x2xf32, #tpu.memory_space<smem>>
    %mul3A_381 = vector.broadcast %get3A_380 : f32 to vector<16x1280xf32>
    %mul3A_382 = arith.mulf %get3A_19, %mul3A_381 : vector<16x1280xf32>
    %add3A_383 = arith.addf %add3A_377, %mul3A_382 : vector<16x1280xf32>
    %get3A_384 = arith.constant 8 : index
    %get3A_385 = arith.constant 1 : index
    %get3A_386 = memref.load %arg5[%get3A_384, %get3A_385] : memref<16x2xf32, #tpu.memory_space<smem>>
    %mul3A_387 = vector.broadcast %get3A_386 : f32 to vector<16x1280xf32>
    %mul3A_388 = arith.mulf %get3A_24, %mul3A_387 : vector<16x1280xf32>
    %add3A_389 = arith.addf %add3A_383, %mul3A_388 : vector<16x1280xf32>
    %max3A_390 = arith.constant 0.000000e+00 : f32
    %max3A_391 = vector.broadcast %max3A_390 : f32 to vector<16x1280xf32>
    %max3A_392 = arith.maximumf %add3A_389, %max3A_391 : vector<16x1280xf32>
    %get3A_393 = arith.constant 0 : index
    %get3A_394 = arith.constant 8 : index
    %get3A_395 = memref.load %arg6[%get3A_393, %get3A_394] : memref<1x16xf32, #tpu.memory_space<smem>>
    %mul3A_396 = vector.broadcast %get3A_395 : f32 to vector<16x1280xf32>
    %mul3A_397 = arith.mulf %max3A_392, %mul3A_396 : vector<16x1280xf32>
    %add3A_398 = arith.addf %add3A_356, %mul3A_397 : vector<16x1280xf32>
    %get3A_399 = arith.constant 0 : index
    %get3A_400 = arith.constant 8 : index
    %get3A_401 = memref.load %arg8[%get3A_399, %get3A_400] : memref<1x16xf32, #tpu.memory_space<smem>>
    %mul3A_402 = vector.broadcast %get3A_401 : f32 to vector<16x1280xf32>
    %mul3A_403 = arith.mulf %max3A_392, %mul3A_402 : vector<16x1280xf32>
    %add3A_404 = arith.addf %add3A_362, %mul3A_403 : vector<16x1280xf32>
    %get3A_405 = arith.constant 9 : index
    %get3A_406 = arith.constant 0 : index
    %get3A_407 = memref.load %arg3[%get3A_405, %get3A_406] : memref<16x2xf32, #tpu.memory_space<smem>>
    %mul3A_408 = vector.broadcast %get3A_407 : f32 to vector<16x1280xf32>
    %mul3A_409 = arith.mulf %div3A, %mul3A_408 : vector<16x1280xf32>
    %get3A_410 = arith.constant 9 : index
    %get3A_411 = arith.constant 1 : index
    %get3A_412 = memref.load %arg3[%get3A_410, %get3A_411] : memref<16x2xf32, #tpu.memory_space<smem>>
    %mul3A_413 = vector.broadcast %get3A_412 : f32 to vector<16x1280xf32>
    %mul3A_414 = arith.mulf %div3A_14, %mul3A_413 : vector<16x1280xf32>
    %add3A_415 = arith.addf %mul3A_409, %mul3A_414 : vector<16x1280xf32>
    %get3A_416 = arith.constant 9 : index
    %get3A_417 = memref.load %arg4[%get3A_416] : memref<16xf32, #tpu.memory_space<smem>>
    %add3A_418 = vector.broadcast %get3A_417 : f32 to vector<16x1280xf32>
    %add3A_419 = arith.addf %add3A_415, %add3A_418 : vector<16x1280xf32>
    %get3A_420 = arith.constant 9 : index
    %get3A_421 = arith.constant 0 : index
    %get3A_422 = memref.load %arg5[%get3A_420, %get3A_421] : memref<16x2xf32, #tpu.memory_space<smem>>
    %mul3A_423 = vector.broadcast %get3A_422 : f32 to vector<16x1280xf32>
    %mul3A_424 = arith.mulf %get3A_19, %mul3A_423 : vector<16x1280xf32>
    %add3A_425 = arith.addf %add3A_419, %mul3A_424 : vector<16x1280xf32>
    %get3A_426 = arith.constant 9 : index
    %get3A_427 = arith.constant 1 : index
    %get3A_428 = memref.load %arg5[%get3A_426, %get3A_427] : memref<16x2xf32, #tpu.memory_space<smem>>
    %mul3A_429 = vector.broadcast %get3A_428 : f32 to vector<16x1280xf32>
    %mul3A_430 = arith.mulf %get3A_24, %mul3A_429 : vector<16x1280xf32>
    %add3A_431 = arith.addf %add3A_425, %mul3A_430 : vector<16x1280xf32>
    %max3A_432 = arith.constant 0.000000e+00 : f32
    %max3A_433 = vector.broadcast %max3A_432 : f32 to vector<16x1280xf32>
    %max3A_434 = arith.maximumf %add3A_431, %max3A_433 : vector<16x1280xf32>
    %get3A_435 = arith.constant 0 : index
    %get3A_436 = arith.constant 9 : index
    %get3A_437 = memref.load %arg6[%get3A_435, %get3A_436] : memref<1x16xf32, #tpu.memory_space<smem>>
    %mul3A_438 = vector.broadcast %get3A_437 : f32 to vector<16x1280xf32>
    %mul3A_439 = arith.mulf %max3A_434, %mul3A_438 : vector<16x1280xf32>
    %add3A_440 = arith.addf %add3A_398, %mul3A_439 : vector<16x1280xf32>
    %get3A_441 = arith.constant 0 : index
    %get3A_442 = arith.constant 9 : index
    %get3A_443 = memref.load %arg8[%get3A_441, %get3A_442] : memref<1x16xf32, #tpu.memory_space<smem>>
    %mul3A_444 = vector.broadcast %get3A_443 : f32 to vector<16x1280xf32>
    %mul3A_445 = arith.mulf %max3A_434, %mul3A_444 : vector<16x1280xf32>
    %add3A_446 = arith.addf %add3A_404, %mul3A_445 : vector<16x1280xf32>
    %get3A_447 = arith.constant 10 : index
    %get3A_448 = arith.constant 0 : index
    %get3A_449 = memref.load %arg3[%get3A_447, %get3A_448] : memref<16x2xf32, #tpu.memory_space<smem>>
    %mul3A_450 = vector.broadcast %get3A_449 : f32 to vector<16x1280xf32>
    %mul3A_451 = arith.mulf %div3A, %mul3A_450 : vector<16x1280xf32>
    %get3A_452 = arith.constant 10 : index
    %get3A_453 = arith.constant 1 : index
    %get3A_454 = memref.load %arg3[%get3A_452, %get3A_453] : memref<16x2xf32, #tpu.memory_space<smem>>
    %mul3A_455 = vector.broadcast %get3A_454 : f32 to vector<16x1280xf32>
    %mul3A_456 = arith.mulf %div3A_14, %mul3A_455 : vector<16x1280xf32>
    %add3A_457 = arith.addf %mul3A_451, %mul3A_456 : vector<16x1280xf32>
    %get3A_458 = arith.constant 10 : index
    %get3A_459 = memref.load %arg4[%get3A_458] : memref<16xf32, #tpu.memory_space<smem>>
    %add3A_460 = vector.broadcast %get3A_459 : f32 to vector<16x1280xf32>
    %add3A_461 = arith.addf %add3A_457, %add3A_460 : vector<16x1280xf32>
    %get3A_462 = arith.constant 10 : index
    %get3A_463 = arith.constant 0 : index
    %get3A_464 = memref.load %arg5[%get3A_462, %get3A_463] : memref<16x2xf32, #tpu.memory_space<smem>>
    %mul3A_465 = vector.broadcast %get3A_464 : f32 to vector<16x1280xf32>
    %mul3A_466 = arith.mulf %get3A_19, %mul3A_465 : vector<16x1280xf32>
    %add3A_467 = arith.addf %add3A_461, %mul3A_466 : vector<16x1280xf32>
    %get3A_468 = arith.constant 10 : index
    %get3A_469 = arith.constant 1 : index
    %get3A_470 = memref.load %arg5[%get3A_468, %get3A_469] : memref<16x2xf32, #tpu.memory_space<smem>>
    %mul3A_471 = vector.broadcast %get3A_470 : f32 to vector<16x1280xf32>
    %mul3A_472 = arith.mulf %get3A_24, %mul3A_471 : vector<16x1280xf32>
    %add3A_473 = arith.addf %add3A_467, %mul3A_472 : vector<16x1280xf32>
    %max3A_474 = arith.constant 0.000000e+00 : f32
    %max3A_475 = vector.broadcast %max3A_474 : f32 to vector<16x1280xf32>
    %max3A_476 = arith.maximumf %add3A_473, %max3A_475 : vector<16x1280xf32>
    %get3A_477 = arith.constant 0 : index
    %get3A_478 = arith.constant 10 : index
    %get3A_479 = memref.load %arg6[%get3A_477, %get3A_478] : memref<1x16xf32, #tpu.memory_space<smem>>
    %mul3A_480 = vector.broadcast %get3A_479 : f32 to vector<16x1280xf32>
    %mul3A_481 = arith.mulf %max3A_476, %mul3A_480 : vector<16x1280xf32>
    %add3A_482 = arith.addf %add3A_440, %mul3A_481 : vector<16x1280xf32>
    %get3A_483 = arith.constant 0 : index
    %get3A_484 = arith.constant 10 : index
    %get3A_485 = memref.load %arg8[%get3A_483, %get3A_484] : memref<1x16xf32, #tpu.memory_space<smem>>
    %mul3A_486 = vector.broadcast %get3A_485 : f32 to vector<16x1280xf32>
    %mul3A_487 = arith.mulf %max3A_476, %mul3A_486 : vector<16x1280xf32>
    %add3A_488 = arith.addf %add3A_446, %mul3A_487 : vector<16x1280xf32>
    %get3A_489 = arith.constant 11 : index
    %get3A_490 = arith.constant 0 : index
    %get3A_491 = memref.load %arg3[%get3A_489, %get3A_490] : memref<16x2xf32, #tpu.memory_space<smem>>
    %mul3A_492 = vector.broadcast %get3A_491 : f32 to vector<16x1280xf32>
    %mul3A_493 = arith.mulf %div3A, %mul3A_492 : vector<16x1280xf32>
    %get3A_494 = arith.constant 11 : index
    %get3A_495 = arith.constant 1 : index
    %get3A_496 = memref.load %arg3[%get3A_494, %get3A_495] : memref<16x2xf32, #tpu.memory_space<smem>>
    %mul3A_497 = vector.broadcast %get3A_496 : f32 to vector<16x1280xf32>
    %mul3A_498 = arith.mulf %div3A_14, %mul3A_497 : vector<16x1280xf32>
    %add3A_499 = arith.addf %mul3A_493, %mul3A_498 : vector<16x1280xf32>
    %get3A_500 = arith.constant 11 : index
    %get3A_501 = memref.load %arg4[%get3A_500] : memref<16xf32, #tpu.memory_space<smem>>
    %add3A_502 = vector.broadcast %get3A_501 : f32 to vector<16x1280xf32>
    %add3A_503 = arith.addf %add3A_499, %add3A_502 : vector<16x1280xf32>
    %get3A_504 = arith.constant 11 : index
    %get3A_505 = arith.constant 0 : index
    %get3A_506 = memref.load %arg5[%get3A_504, %get3A_505] : memref<16x2xf32, #tpu.memory_space<smem>>
    %mul3A_507 = vector.broadcast %get3A_506 : f32 to vector<16x1280xf32>
    %mul3A_508 = arith.mulf %get3A_19, %mul3A_507 : vector<16x1280xf32>
    %add3A_509 = arith.addf %add3A_503, %mul3A_508 : vector<16x1280xf32>
    %get3A_510 = arith.constant 11 : index
    %get3A_511 = arith.constant 1 : index
    %get3A_512 = memref.load %arg5[%get3A_510, %get3A_511] : memref<16x2xf32, #tpu.memory_space<smem>>
    %mul3A_513 = vector.broadcast %get3A_512 : f32 to vector<16x1280xf32>
    %mul3A_514 = arith.mulf %get3A_24, %mul3A_513 : vector<16x1280xf32>
    %add3A_515 = arith.addf %add3A_509, %mul3A_514 : vector<16x1280xf32>
    %max3A_516 = arith.constant 0.000000e+00 : f32
    %max3A_517 = vector.broadcast %max3A_516 : f32 to vector<16x1280xf32>
    %max3A_518 = arith.maximumf %add3A_515, %max3A_517 : vector<16x1280xf32>
    %get3A_519 = arith.constant 0 : index
    %get3A_520 = arith.constant 11 : index
    %get3A_521 = memref.load %arg6[%get3A_519, %get3A_520] : memref<1x16xf32, #tpu.memory_space<smem>>
    %mul3A_522 = vector.broadcast %get3A_521 : f32 to vector<16x1280xf32>
    %mul3A_523 = arith.mulf %max3A_518, %mul3A_522 : vector<16x1280xf32>
    %add3A_524 = arith.addf %add3A_482, %mul3A_523 : vector<16x1280xf32>
    %get3A_525 = arith.constant 0 : index
    %get3A_526 = arith.constant 11 : index
    %get3A_527 = memref.load %arg8[%get3A_525, %get3A_526] : memref<1x16xf32, #tpu.memory_space<smem>>
    %mul3A_528 = vector.broadcast %get3A_527 : f32 to vector<16x1280xf32>
    %mul3A_529 = arith.mulf %max3A_518, %mul3A_528 : vector<16x1280xf32>
    %add3A_530 = arith.addf %add3A_488, %mul3A_529 : vector<16x1280xf32>
    %get3A_531 = arith.constant 12 : index
    %get3A_532 = arith.constant 0 : index
    %get3A_533 = memref.load %arg3[%get3A_531, %get3A_532] : memref<16x2xf32, #tpu.memory_space<smem>>
    %mul3A_534 = vector.broadcast %get3A_533 : f32 to vector<16x1280xf32>
    %mul3A_535 = arith.mulf %div3A, %mul3A_534 : vector<16x1280xf32>
    %get3A_536 = arith.constant 12 : index
    %get3A_537 = arith.constant 1 : index
    %get3A_538 = memref.load %arg3[%get3A_536, %get3A_537] : memref<16x2xf32, #tpu.memory_space<smem>>
    %mul3A_539 = vector.broadcast %get3A_538 : f32 to vector<16x1280xf32>
    %mul3A_540 = arith.mulf %div3A_14, %mul3A_539 : vector<16x1280xf32>
    %add3A_541 = arith.addf %mul3A_535, %mul3A_540 : vector<16x1280xf32>
    %get3A_542 = arith.constant 12 : index
    %get3A_543 = memref.load %arg4[%get3A_542] : memref<16xf32, #tpu.memory_space<smem>>
    %add3A_544 = vector.broadcast %get3A_543 : f32 to vector<16x1280xf32>
    %add3A_545 = arith.addf %add3A_541, %add3A_544 : vector<16x1280xf32>
    %get3A_546 = arith.constant 12 : index
    %get3A_547 = arith.constant 0 : index
    %get3A_548 = memref.load %arg5[%get3A_546, %get3A_547] : memref<16x2xf32, #tpu.memory_space<smem>>
    %mul3A_549 = vector.broadcast %get3A_548 : f32 to vector<16x1280xf32>
    %mul3A_550 = arith.mulf %get3A_19, %mul3A_549 : vector<16x1280xf32>
    %add3A_551 = arith.addf %add3A_545, %mul3A_550 : vector<16x1280xf32>
    %get3A_552 = arith.constant 12 : index
    %get3A_553 = arith.constant 1 : index
    %get3A_554 = memref.load %arg5[%get3A_552, %get3A_553] : memref<16x2xf32, #tpu.memory_space<smem>>
    %mul3A_555 = vector.broadcast %get3A_554 : f32 to vector<16x1280xf32>
    %mul3A_556 = arith.mulf %get3A_24, %mul3A_555 : vector<16x1280xf32>
    %add3A_557 = arith.addf %add3A_551, %mul3A_556 : vector<16x1280xf32>
    %max3A_558 = arith.constant 0.000000e+00 : f32
    %max3A_559 = vector.broadcast %max3A_558 : f32 to vector<16x1280xf32>
    %max3A_560 = arith.maximumf %add3A_557, %max3A_559 : vector<16x1280xf32>
    %get3A_561 = arith.constant 0 : index
    %get3A_562 = arith.constant 12 : index
    %get3A_563 = memref.load %arg6[%get3A_561, %get3A_562] : memref<1x16xf32, #tpu.memory_space<smem>>
    %mul3A_564 = vector.broadcast %get3A_563 : f32 to vector<16x1280xf32>
    %mul3A_565 = arith.mulf %max3A_560, %mul3A_564 : vector<16x1280xf32>
    %add3A_566 = arith.addf %add3A_524, %mul3A_565 : vector<16x1280xf32>
    %get3A_567 = arith.constant 0 : index
    %get3A_568 = arith.constant 12 : index
    %get3A_569 = memref.load %arg8[%get3A_567, %get3A_568] : memref<1x16xf32, #tpu.memory_space<smem>>
    %mul3A_570 = vector.broadcast %get3A_569 : f32 to vector<16x1280xf32>
    %mul3A_571 = arith.mulf %max3A_560, %mul3A_570 : vector<16x1280xf32>
    %add3A_572 = arith.addf %add3A_530, %mul3A_571 : vector<16x1280xf32>
    %get3A_573 = arith.constant 13 : index
    %get3A_574 = arith.constant 0 : index
    %get3A_575 = memref.load %arg3[%get3A_573, %get3A_574] : memref<16x2xf32, #tpu.memory_space<smem>>
    %mul3A_576 = vector.broadcast %get3A_575 : f32 to vector<16x1280xf32>
    %mul3A_577 = arith.mulf %div3A, %mul3A_576 : vector<16x1280xf32>
    %get3A_578 = arith.constant 13 : index
    %get3A_579 = arith.constant 1 : index
    %get3A_580 = memref.load %arg3[%get3A_578, %get3A_579] : memref<16x2xf32, #tpu.memory_space<smem>>
    %mul3A_581 = vector.broadcast %get3A_580 : f32 to vector<16x1280xf32>
    %mul3A_582 = arith.mulf %div3A_14, %mul3A_581 : vector<16x1280xf32>
    %add3A_583 = arith.addf %mul3A_577, %mul3A_582 : vector<16x1280xf32>
    %get3A_584 = arith.constant 13 : index
    %get3A_585 = memref.load %arg4[%get3A_584] : memref<16xf32, #tpu.memory_space<smem>>
    %add3A_586 = vector.broadcast %get3A_585 : f32 to vector<16x1280xf32>
    %add3A_587 = arith.addf %add3A_583, %add3A_586 : vector<16x1280xf32>
    %get3A_588 = arith.constant 13 : index
    %get3A_589 = arith.constant 0 : index
    %get3A_590 = memref.load %arg5[%get3A_588, %get3A_589] : memref<16x2xf32, #tpu.memory_space<smem>>
    %mul3A_591 = vector.broadcast %get3A_590 : f32 to vector<16x1280xf32>
    %mul3A_592 = arith.mulf %get3A_19, %mul3A_591 : vector<16x1280xf32>
    %add3A_593 = arith.addf %add3A_587, %mul3A_592 : vector<16x1280xf32>
    %get3A_594 = arith.constant 13 : index
    %get3A_595 = arith.constant 1 : index
    %get3A_596 = memref.load %arg5[%get3A_594, %get3A_595] : memref<16x2xf32, #tpu.memory_space<smem>>
    %mul3A_597 = vector.broadcast %get3A_596 : f32 to vector<16x1280xf32>
    %mul3A_598 = arith.mulf %get3A_24, %mul3A_597 : vector<16x1280xf32>
    %add3A_599 = arith.addf %add3A_593, %mul3A_598 : vector<16x1280xf32>
    %max3A_600 = arith.constant 0.000000e+00 : f32
    %max3A_601 = vector.broadcast %max3A_600 : f32 to vector<16x1280xf32>
    %max3A_602 = arith.maximumf %add3A_599, %max3A_601 : vector<16x1280xf32>
    %get3A_603 = arith.constant 0 : index
    %get3A_604 = arith.constant 13 : index
    %get3A_605 = memref.load %arg6[%get3A_603, %get3A_604] : memref<1x16xf32, #tpu.memory_space<smem>>
    %mul3A_606 = vector.broadcast %get3A_605 : f32 to vector<16x1280xf32>
    %mul3A_607 = arith.mulf %max3A_602, %mul3A_606 : vector<16x1280xf32>
    %add3A_608 = arith.addf %add3A_566, %mul3A_607 : vector<16x1280xf32>
    %get3A_609 = arith.constant 0 : index
    %get3A_610 = arith.constant 13 : index
    %get3A_611 = memref.load %arg8[%get3A_609, %get3A_610] : memref<1x16xf32, #tpu.memory_space<smem>>
    %mul3A_612 = vector.broadcast %get3A_611 : f32 to vector<16x1280xf32>
    %mul3A_613 = arith.mulf %max3A_602, %mul3A_612 : vector<16x1280xf32>
    %add3A_614 = arith.addf %add3A_572, %mul3A_613 : vector<16x1280xf32>
    %get3A_615 = arith.constant 14 : index
    %get3A_616 = arith.constant 0 : index
    %get3A_617 = memref.load %arg3[%get3A_615, %get3A_616] : memref<16x2xf32, #tpu.memory_space<smem>>
    %mul3A_618 = vector.broadcast %get3A_617 : f32 to vector<16x1280xf32>
    %mul3A_619 = arith.mulf %div3A, %mul3A_618 : vector<16x1280xf32>
    %get3A_620 = arith.constant 14 : index
    %get3A_621 = arith.constant 1 : index
    %get3A_622 = memref.load %arg3[%get3A_620, %get3A_621] : memref<16x2xf32, #tpu.memory_space<smem>>
    %mul3A_623 = vector.broadcast %get3A_622 : f32 to vector<16x1280xf32>
    %mul3A_624 = arith.mulf %div3A_14, %mul3A_623 : vector<16x1280xf32>
    %add3A_625 = arith.addf %mul3A_619, %mul3A_624 : vector<16x1280xf32>
    %get3A_626 = arith.constant 14 : index
    %get3A_627 = memref.load %arg4[%get3A_626] : memref<16xf32, #tpu.memory_space<smem>>
    %add3A_628 = vector.broadcast %get3A_627 : f32 to vector<16x1280xf32>
    %add3A_629 = arith.addf %add3A_625, %add3A_628 : vector<16x1280xf32>
    %get3A_630 = arith.constant 14 : index
    %get3A_631 = arith.constant 0 : index
    %get3A_632 = memref.load %arg5[%get3A_630, %get3A_631] : memref<16x2xf32, #tpu.memory_space<smem>>
    %mul3A_633 = vector.broadcast %get3A_632 : f32 to vector<16x1280xf32>
    %mul3A_634 = arith.mulf %get3A_19, %mul3A_633 : vector<16x1280xf32>
    %add3A_635 = arith.addf %add3A_629, %mul3A_634 : vector<16x1280xf32>
    %get3A_636 = arith.constant 14 : index
    %get3A_637 = arith.constant 1 : index
    %get3A_638 = memref.load %arg5[%get3A_636, %get3A_637] : memref<16x2xf32, #tpu.memory_space<smem>>
    %mul3A_639 = vector.broadcast %get3A_638 : f32 to vector<16x1280xf32>
    %mul3A_640 = arith.mulf %get3A_24, %mul3A_639 : vector<16x1280xf32>
    %add3A_641 = arith.addf %add3A_635, %mul3A_640 : vector<16x1280xf32>
    %max3A_642 = arith.constant 0.000000e+00 : f32
    %max3A_643 = vector.broadcast %max3A_642 : f32 to vector<16x1280xf32>
    %max3A_644 = arith.maximumf %add3A_641, %max3A_643 : vector<16x1280xf32>
    %get3A_645 = arith.constant 0 : index
    %get3A_646 = arith.constant 14 : index
    %get3A_647 = memref.load %arg6[%get3A_645, %get3A_646] : memref<1x16xf32, #tpu.memory_space<smem>>
    %mul3A_648 = vector.broadcast %get3A_647 : f32 to vector<16x1280xf32>
    %mul3A_649 = arith.mulf %max3A_644, %mul3A_648 : vector<16x1280xf32>
    %add3A_650 = arith.addf %add3A_608, %mul3A_649 : vector<16x1280xf32>
    %get3A_651 = arith.constant 0 : index
    %get3A_652 = arith.constant 14 : index
    %get3A_653 = memref.load %arg8[%get3A_651, %get3A_652] : memref<1x16xf32, #tpu.memory_space<smem>>
    %mul3A_654 = vector.broadcast %get3A_653 : f32 to vector<16x1280xf32>
    %mul3A_655 = arith.mulf %max3A_644, %mul3A_654 : vector<16x1280xf32>
    %add3A_656 = arith.addf %add3A_614, %mul3A_655 : vector<16x1280xf32>
    %get3A_657 = arith.constant 15 : index
    %get3A_658 = arith.constant 0 : index
    %get3A_659 = memref.load %arg3[%get3A_657, %get3A_658] : memref<16x2xf32, #tpu.memory_space<smem>>
    %mul3A_660 = vector.broadcast %get3A_659 : f32 to vector<16x1280xf32>
    %mul3A_661 = arith.mulf %div3A, %mul3A_660 : vector<16x1280xf32>
    %get3A_662 = arith.constant 15 : index
    %get3A_663 = arith.constant 1 : index
    %get3A_664 = memref.load %arg3[%get3A_662, %get3A_663] : memref<16x2xf32, #tpu.memory_space<smem>>
    %mul3A_665 = vector.broadcast %get3A_664 : f32 to vector<16x1280xf32>
    %mul3A_666 = arith.mulf %div3A_14, %mul3A_665 : vector<16x1280xf32>
    %add3A_667 = arith.addf %mul3A_661, %mul3A_666 : vector<16x1280xf32>
    %get3A_668 = arith.constant 15 : index
    %get3A_669 = memref.load %arg4[%get3A_668] : memref<16xf32, #tpu.memory_space<smem>>
    %add3A_670 = vector.broadcast %get3A_669 : f32 to vector<16x1280xf32>
    %add3A_671 = arith.addf %add3A_667, %add3A_670 : vector<16x1280xf32>
    %get3A_672 = arith.constant 15 : index
    %get3A_673 = arith.constant 0 : index
    %get3A_674 = memref.load %arg5[%get3A_672, %get3A_673] : memref<16x2xf32, #tpu.memory_space<smem>>
    %mul3A_675 = vector.broadcast %get3A_674 : f32 to vector<16x1280xf32>
    %mul3A_676 = arith.mulf %get3A_19, %mul3A_675 : vector<16x1280xf32>
    %add3A_677 = arith.addf %add3A_671, %mul3A_676 : vector<16x1280xf32>
    %get3A_678 = arith.constant 15 : index
    %get3A_679 = arith.constant 1 : index
    %get3A_680 = memref.load %arg5[%get3A_678, %get3A_679] : memref<16x2xf32, #tpu.memory_space<smem>>
    %mul3A_681 = vector.broadcast %get3A_680 : f32 to vector<16x1280xf32>
    %mul3A_682 = arith.mulf %get3A_24, %mul3A_681 : vector<16x1280xf32>
    %add3A_683 = arith.addf %add3A_677, %mul3A_682 : vector<16x1280xf32>
    %max3A_684 = arith.constant 0.000000e+00 : f32
    %max3A_685 = vector.broadcast %max3A_684 : f32 to vector<16x1280xf32>
    %max3A_686 = arith.maximumf %add3A_683, %max3A_685 : vector<16x1280xf32>
    %get3A_687 = arith.constant 0 : index
    %get3A_688 = arith.constant 15 : index
    %get3A_689 = memref.load %arg6[%get3A_687, %get3A_688] : memref<1x16xf32, #tpu.memory_space<smem>>
    %mul3A_690 = vector.broadcast %get3A_689 : f32 to vector<16x1280xf32>
    %mul3A_691 = arith.mulf %max3A_686, %mul3A_690 : vector<16x1280xf32>
    %add3A_692 = arith.addf %add3A_650, %mul3A_691 : vector<16x1280xf32>
    %get3A_693 = arith.constant 0 : index
    %get3A_694 = arith.constant 15 : index
    %get3A_695 = memref.load %arg8[%get3A_693, %get3A_694] : memref<1x16xf32, #tpu.memory_space<smem>>
    %mul3A_696 = vector.broadcast %get3A_695 : f32 to vector<16x1280xf32>
    %mul3A_697 = arith.mulf %max3A_686, %mul3A_696 : vector<16x1280xf32>
    %add3A_698 = arith.addf %add3A_656, %mul3A_697 : vector<16x1280xf32>
    %swap3A = arith.constant 0 : index
    %swap3A_699 = arith.constant 0 : index
    %swap3A_700 = vector.load %arg9[%swap3A, %swap3A_699] : memref<16x1280xf32, #tpu.memory_space<vmem>>, vector<16x1280xf32>
    tpu.vector_store %arg9[%swap3A, %swap3A_699], %add3A_692 {strides = array<i32>} : memref<16x1280xf32, #tpu.memory_space<vmem>>, vector<16x1280xf32>,
    %get3A_701 = arith.constant 0 : index
    %get3A_702 = memref.load %arg7[%get3A_701] : memref<1xf32, #tpu.memory_space<smem>>
    %add3A_703 = vector.broadcast %get3A_702 : f32 to vector<16x1280xf32>
    %add3A_704 = arith.addf %add3A_698, %add3A_703 : vector<16x1280xf32>
    %swap3A_705 = arith.constant 0 : index
    %swap3A_706 = arith.constant 0 : index
    %swap3A_707 = vector.load %arg10[%swap3A_705, %swap3A_706] : memref<16x1280xf32, #tpu.memory_space<vmem>>, vector<16x1280xf32>
    tpu.vector_store %arg10[%swap3A_705, %swap3A_706], %add3A_704 {strides = array<i32>} : memref<16x1280xf32, #tpu.memory_space<vmem>>, vector<16x1280xf32>,
    %swap3A_708 = arith.constant 0 : index
    %swap3A_709 = arith.constant 0 : index
    %swap3A_710 = vector.load %arg11[%swap3A_708, %swap3A_709] : memref<16x1280xf32, #tpu.memory_space<vmem>>, vector<16x1280xf32>
    tpu.vector_store %arg11[%swap3A_708, %swap3A_709], %max3A_9 {strides = array<i32>} : memref<16x1280xf32, #tpu.memory_space<vmem>>, vector<16x1280xf32>,
    return
  }
  func.func @transform_0(%arg0: i32) -> (i32, i32, i32, i32) {
    %c0_i32 = arith.constant 0 : i32
    %c0_i32_0 = arith.constant 0 : i32
    %c0_i32_1 = arith.constant 0 : i32
    %c0_i32_2 = arith.constant 0 : i32
    return %c0_i32, %c0_i32_0, %arg0, %c0_i32_1 : i32, i32, i32, i32
  }
  func.func @transform_1(%arg0: i32) -> (i32, i32, i32) {
    %c0_i32 = arith.constant 0 : i32
    %c0_i32_0 = arith.constant 0 : i32
    %c0_i32_1 = arith.constant 0 : i32
    return %c0_i32, %arg0, %c0_i32_0 : i32, i32, i32
  }
  func.func @transform_2(%arg0: i32) -> (i32, i32) {
    %c0_i32 = arith.constant 0 : i32
    %c0_i32_0 = arith.constant 0 : i32
    %c0_i32_1 = arith.constant 0 : i32
    return %c0_i32, %c0_i32_0 : i32, i32
  }
  func.func @transform_3(%arg0: i32) -> i32 {
    %c0_i32 = arith.constant 0 : i32
    %c0_i32_0 = arith.constant 0 : i32
    return %c0_i32 : i32
  }
  func.func @transform_4(%arg0: i32) -> (i32, i32) {
    %c0_i32 = arith.constant 0 : i32
    %c0_i32_0 = arith.constant 0 : i32
    %c0_i32_1 = arith.constant 0 : i32
    return %c0_i32, %c0_i32_0 : i32, i32
  }
  func.func @transform_5(%arg0: i32) -> (i32, i32) {
    %c0_i32 = arith.constant 0 : i32
    %c0_i32_0 = arith.constant 0 : i32
    %c0_i32_1 = arith.constant 0 : i32
    return %c0_i32, %c0_i32_0 : i32, i32
  }
  func.func @transform_6(%arg0: i32) -> i32 {
    %c0_i32 = arith.constant 0 : i32
    %c0_i32_0 = arith.constant 0 : i32
    return %c0_i32 : i32
  }
  func.func @transform_7(%arg0: i32) -> (i32, i32) {
    %c0_i32 = arith.constant 0 : i32
    %c0_i32_0 = arith.constant 0 : i32
    %c0_i32_1 = arith.constant 0 : i32
    return %c0_i32, %c0_i32_0 : i32, i32
  }
  func.func @transform_8(%arg0: i32) -> (i32, i32) {
    %c0_i32 = arith.constant 0 : i32
    %c0_i32_0 = arith.constant 0 : i32
    return %arg0, %c0_i32 : i32, i32
  }
  func.func @transform_9(%arg0: i32) -> (i32, i32) {
    %c0_i32 = arith.constant 0 : i32
    %c0_i32_0 = arith.constant 0 : i32
    return %arg0, %c0_i32 : i32, i32
  }
  func.func @transform_10(%arg0: i32) -> (i32, i32) {
    %c0_i32 = arith.constant 0 : i32
    %c0_i32_0 = arith.constant 0 : i32
    return %arg0, %c0_i32 : i32, i32
  }
}

module attributes {stable_mosaic.version = 14 : i64} {
  func.func @_tc_dense2_body(%arg0: i32, %arg1: memref<2x16x1280xf32, #tpu.memory_space<vmem>>, %arg2: memref<16x1280xf32, #tpu.memory_space<vmem>>, %arg3: memref<16x1280xf32, #tpu.memory_space<vmem>>, %arg4: memref<16x1280xf32, #tpu.memory_space<vmem>>) attributes {dimension_semantics = [#tpu.dimension_semantics<arbitrary>], iteration_bounds = array<i64: 5>, scalar_prefetch = 0 : i64, scratch_operands = 0 : i64, tpu.core_type = #tpu.core_type<tc>, window_params = [{transform_indices = @transform_0, window_bounds = array<i64: 2, 16, 1280>}, {transform_indices = @transform_1, window_bounds = array<i64: 16, 1280>}, {transform_indices = @transform_2, window_bounds = array<i64: 16, 1280>}, {transform_indices = @transform_3, window_bounds = array<i64: 16, 1280>}]} {
    %get3A = arith.constant 0 : index
    %get3A_0 = arith.constant 0 : index
    %get3A_1 = arith.constant 0 : index
    %get3A_2 = vector.load %arg1[%get3A, %get3A_0, %get3A_1] : memref<2x16x1280xf32, #tpu.memory_space<vmem>>, vector<2x16x1280xf32>
    %slice3A = vector.extract_strided_slice %get3A_2 {offsets = [0, 0, 0], sizes = [1, 16, 1280], strides = [1, 1, 1]} : vector<2x16x1280xf32> to vector<1x16x1280xf32>
    %squeeze3A = vector.shape_cast %slice3A : vector<1x16x1280xf32> to vector<16x1280xf32>
    %slice3A_3 = vector.extract_strided_slice %get3A_2 {offsets = [1, 0, 0], sizes = [1, 16, 1280], strides = [1, 1, 1]} : vector<2x16x1280xf32> to vector<1x16x1280xf32>
    %squeeze3A_4 = vector.shape_cast %slice3A_3 : vector<1x16x1280xf32> to vector<16x1280xf32>
    %add3A = arith.addf %squeeze3A, %squeeze3A_4 : vector<16x1280xf32>
    %get3A_5 = arith.constant 0 : index
    %get3A_6 = arith.constant 0 : index
    %get3A_7 = vector.load %arg2[%get3A_5, %get3A_6] : memref<16x1280xf32, #tpu.memory_space<vmem>>, vector<16x1280xf32>
    %div3A = arith.divf %add3A, %get3A_7 : vector<16x1280xf32>
    %get3A_8 = arith.constant 0 : index
    %get3A_9 = arith.constant 0 : index
    %get3A_10 = vector.load %arg3[%get3A_8, %get3A_9] : memref<16x1280xf32, #tpu.memory_space<vmem>>, vector<16x1280xf32>
    %add3A_11 = arith.addf %div3A, %get3A_10 : vector<16x1280xf32>
    %logistic3A = arith.negf %add3A_11 : vector<16x1280xf32>
    %logistic3A_12 = math.exp %logistic3A : vector<16x1280xf32>
    %logistic3A_13 = arith.constant 1.000000e+00 : f32
    %logistic3A_14 = vector.broadcast %logistic3A_13 : f32 to vector<16x1280xf32>
    %logistic3A_15 = arith.addf %logistic3A_14, %logistic3A_12 : vector<16x1280xf32>
    %logistic3A_16 = arith.divf %logistic3A_14, %logistic3A_15 : vector<16x1280xf32>
    %swap3A = arith.constant 0 : index
    %swap3A_17 = arith.constant 0 : index
    %swap3A_18 = vector.load %arg4[%swap3A, %swap3A_17] : memref<16x1280xf32, #tpu.memory_space<vmem>>, vector<16x1280xf32>
    tpu.vector_store %arg4[%swap3A, %swap3A_17], %logistic3A_16 {strides = array<i32>} : memref<16x1280xf32, #tpu.memory_space<vmem>>, vector<16x1280xf32>,
    return
  }
  func.func @transform_0(%arg0: i32) -> (i32, i32, i32) {
    %c0_i32 = arith.constant 0 : i32
    %c0_i32_0 = arith.constant 0 : i32
    %c0_i32_1 = arith.constant 0 : i32
    return %c0_i32, %arg0, %c0_i32_0 : i32, i32, i32
  }
  func.func @transform_1(%arg0: i32) -> (i32, i32) {
    %c0_i32 = arith.constant 0 : i32
    %c0_i32_0 = arith.constant 0 : i32
    return %arg0, %c0_i32 : i32, i32
  }
  func.func @transform_2(%arg0: i32) -> (i32, i32) {
    %c0_i32 = arith.constant 0 : i32
    %c0_i32_0 = arith.constant 0 : i32
    return %arg0, %c0_i32 : i32, i32
  }
  func.func @transform_3(%arg0: i32) -> (i32, i32) {
    %c0_i32 = arith.constant 0 : i32
    %c0_i32_0 = arith.constant 0 : i32
    return %arg0, %c0_i32 : i32, i32
  }
}

</mosaic_0001>

<sc_bundles>
// kernel: kernel.6.cloned.1.call-start
scs
__scs_entry_jumppad:
0x0: {  	(pc) =	sbr.rel $0x88, $3  }
0x1: {  	(tag) =	ssettag $0x0;
	lr =	simm.s32 $0x1  }
0x2: {  	[smem:$0x3F99] =	sst lr;
	_ =	strace $0xD0000000  }
0x3: {  	_ = 	snop  }
0x4: {  	_ = 	snop  }
0x5: {  	_ = 	snop  }
0x6: {  	_ = 	snop  }
0x7: {  	_ = 	snop  }
__scs_overlays_trampoline_lowered:
0x8: {  	[smem:$0x3FA8] =	sst s0  }
0x9: {  	[smem:$0x3FA9] =	sst s1  }
0xa: {  	[smem:$0x3FAA] =	sst s2  }
0xb: {  	[smem:$0x3FAB] =	sst s3  }
0xc: {  	[smem:$0x3FAC] =	sst s4  }
0xd: {  	[smem:$0x3FAD] =	sst s5  }
0xe: {  	[smem:$0x3FAE] =	sst s6  }
0xf: {  	[smem:$0x3FAF] =	sst s7  }
0x10: {  	[smem:$0x3FB0] =	sst s8  }
0x11: {  	[smem:$0x3FB1] =	sst s9;
	s0 =	simm.s32 @!p0 $0x0  }
0x12: {  	s1 =	sld [smem:$0x3F97];
	s0 =	simm.s32 @p0 $0x1  }
0x13: {  	[smem:$0x3FB2] =	sst s0;
	s0 =	simm.s32 @!p1 $0x0  }
0x14: {  	s2 =	sld [smem:$0x3F96];
	s0 =	simm.s32 @p1 $0x1  }
0x15: {  	[smem:$0x3FB3] =	sst s0;
	s0 =	simm.s32 @!p2 $0x0  }
0x16: {  	s3 =	sld [smem:$0x3FDB];
	s0 =	simm.s32 @p2 $0x1  }
0x17: {  	s4 =	simm.s32 $0x1BF5;
	[smem:$0x3FB5] =	sst s0  }
0x18: {  	s0 =	sld [smem:$0x3F98];
	_ =	swait.ge [sflag:s4], $0x0  }
0x19: {  	s7 =	sld [smem:$0x3F99]  }
0x1a: {  	s8 =	sadd.s32 $0xFFFFE003, lr  }
0x1b: {  	s9 =	sadd.s32 $0xFFFFFEF7, lr;
	s5 =	simm.s32 $0xFFFFFFFF;
	p2 =	slt.u32 s8, $0xFFFFF086  }
0x1c: {  	p1 =	slt.u32 s9, $0xF7A;
	s5 =	simm.s32 @!p2 $0x0  }
0x1d: {  	s5 =	simm.s32 @p1 $0x1;
	p0 =	seq.s32 s7, s2  }
0x1e: {  	s7 =	smul.u32 @!p0 $0xF7A, s2;
	p2 =	seq.s32 @!p0 s5, $0x0  }
0x1f: {  	s9 =	smul.u32 $0xF7A, s1;
	s8 =	simm.s32 @!p0 $0x1BF5;
	p2 =	por !p2, p0  }
0x20: {  	[sflag:s8] =	ssyncset.s32 @!p0 $0xFFFFF086;
	s6 =	sadd.s32 @!p0 s3, s7;
	s7 =	simm.s32 @!p0 $0x108  }
0x21: {  	s3 =	sadd.s32 s3, s9;
	s6 =	sadd.s32 @!p0 $0x88, s6;
	s7 =	simm.s32 @p2 $0x1082  }
0x22: {  	[simem:s7], [sflag:s8] =	dma.local @!p0 [hbm:s6], $0xF7A  }
0x23: {  	s9 =	sor.u32 $0xD0000000, s2;
	s6 =	simm.s32 $0x108;
	_ =	swait.ge @!p0 [sflag:s8], $0x0  }
0x24: {  	s3 =	sadd.s32 $0x88, s3;
	s6 =	simm.s32 @!p1 $0x1082;
	[sflag:s4] =	ssyncset.s32 $0xFFFFF086  }
0x25: {  	[simem:s6], [sflag:s4] =	dma.local [hbm:s3], $0xF7A  }
0x26: {  	[smem:$0x3F99] =	sst s1;
	(tag) =	ssettag s2;
	_ =	strace s9  }
0x27: {  	s1 =	sld [smem:$0x3FA9]  }
0x28: {  	s2 =	sld [smem:$0x3FAA]  }
0x29: {  	s4 =	sld [smem:$0x3FAC]  }
0x2a: {  	p0 =	seq.s32 s5, $0x0;
	s5 =	sld [smem:$0x3FAD]  }
0x2b: {  	s6 =	sld [smem:$0x3FAE]  }
0x2c: {  	s7 =	sld [smem:$0x3FAF]  }
0x2d: {  	s3 =	simm.s32 $0x108;
	s8 =	sld [smem:$0x3FB0]  }
0x2e: {  	s3 =	simm.s32 @!p0 $0x1082;
	s9 =	sld [smem:$0x3FB1]  }
0x2f: {  	lr =	sadd.s32 s0, s3;
	s0 =	sld [smem:$0x3FA8]  }
0x30: {  	s3 =	sld [smem:$0x3FAB]  }
0x31: {  	[smem:$0x3FB4] =	sst s10  }
0x32: {  	s10 =	sld [smem:$0x3FB2];
	_ =	sdelay $0x3  }
0x33: {  	p0 =	seq.s32 s10, $0x1;
	s10 =	sld [smem:$0x3FB4];
	_ =	sdelay $0x3  }
0x34: {  	[smem:$0x3FB4] =	sst s10  }
0x35: {  	s10 =	sld [smem:$0x3FB3];
	_ =	sdelay $0x3  }
0x36: {  	p1 =	seq.s32 s10, $0x1;
	s10 =	sld [smem:$0x3FB4];
	_ =	sdelay $0x3  }
0x37: {  	[smem:$0x3FB4] =	sst s10  }
0x38: {  	s10 =	sld [smem:$0x3FB5]  }
0x39: {  	_ = 	snop;
	(pc) =	sbr.ind lr, $3  }
0x3a: {  	_ = 	snop  }
0x3b: {  	_ = 	snop  }
0x3c: {  	p2 =	seq.s32 s10, $0x1;
	s10 =	sld [smem:$0x3FB4]  }
0x3d: {  	_ =	shalt  }
0x3e: {  	_ =	shalt  }
0x3f: {  	_ =	shalt  }
0x40: {  	_ =	shalt  }
0x41: {  	_ =	shalt  }
0x42: {  	_ =	shalt  }
0x43: {  	_ =	shalt  }
0x44: {  	_ =	shalt  }
0x45: {  	_ =	shalt  }
0x46: {  	_ =	shalt  }
0x47: {  	_ =	shalt  }
0x48: {  	_ =	shalt  }
0x49: {  	_ =	shalt  }
0x4a: {  	_ =	shalt  }
0x4b: {  	_ =	shalt  }
0x4c: {  	_ =	shalt  }
0x4d: {  	_ =	shalt  }
0x4e: {  	_ =	shalt  }
0x4f: {  	_ =	shalt  }
0x50: {  	_ =	shalt  }
0x51: {  	_ =	shalt  }
0x52: {  	_ =	shalt  }
0x53: {  	_ =	shalt  }
0x54: {  	_ =	shalt  }
0x55: {  	_ =	shalt  }
0x56: {  	_ =	shalt  }
0x57: {  	_ =	shalt  }
0x58: {  	_ =	shalt  }
0x59: {  	_ =	shalt  }
0x5a: {  	_ =	shalt  }
0x5b: {  	_ =	shalt  }
0x5c: {  	_ =	shalt  }
0x5d: {  	_ =	shalt  }
0x5e: {  	_ =	shalt  }
0x5f: {  	_ =	shalt  }
0x60: {  	_ =	shalt  }
0x61: {  	_ =	shalt  }
0x62: {  	_ =	shalt  }
0x63: {  	_ =	shalt  }
0x64: {  	_ =	shalt  }
0x65: {  	_ =	shalt  }
0x66: {  	_ =	shalt  }
0x67: {  	_ =	shalt  }
0x68: {  	_ =	shalt  }
0x69: {  	_ =	shalt  }
0x6a: {  	_ =	shalt  }
0x6b: {  	_ =	shalt  }
0x6c: {  	_ =	shalt  }
0x6d: {  	_ =	shalt  }
0x6e: {  	_ =	shalt  }
0x6f: {  	_ =	shalt  }
0x70: {  	_ =	shalt  }
0x71: {  	_ =	shalt  }
0x72: {  	_ =	shalt  }
0x73: {  	_ =	shalt  }
0x74: {  	_ =	shalt  }
0x75: {  	_ =	shalt  }
0x76: {  	_ =	shalt  }
0x77: {  	_ =	shalt  }
0x78: {  	_ =	shalt  }
0x79: {  	_ =	shalt  }
0x7a: {  	_ =	shalt  }
0x7b: {  	_ =	shalt  }
0x7c: {  	_ =	shalt  }
0x7d: {  	_ =	shalt  }
0x7e: {  	_ =	shalt  }
0x7f: {  	_ =	shalt  }
0x80: {  	_ =	shalt  }
0x81: {  	_ =	shalt  }
0x82: {  	_ =	shalt  }
0x83: {  	_ =	shalt  }
0x84: {  	_ =	shalt  }
0x85: {  	_ =	shalt  }
0x86: {  	_ =	shalt  }
0x87: {  	_ =	shalt  }
.Lfunc_end0:
.L_simem_size_0:
called_computation_lowered:
.L_overlay_start_0:
0x88: {  	s2 =	sld [smem:$0x3FD9]  }
0x89: {  	s3 =	sld [smem:$0x3FFE];
	_ =	sdelay $0x1  }
0x8a: {  	s1 =	srdreg.scid  }
0x8b: {  	s0 =	sand.u32 $0x1, s1  }
0x8c: {  	s17 =	sshll.u32 s0, $0xA;
	s2 =	sadd.s32 s3, s2  }
0x8d: {  	s2 =	sadd.s32 s2, s17  }
0x8e: {  	[smem:$0x3FC0] =	sst s2  }
0x8f: {  	_ = 	snop  }
0x90: {  	s2 =	sld [smem:$0x3FC8];
	(tm) =	ssettm $0x1  }
0x91: {  	s18 =	sld [smem:$0x3FFB];
	_ =	sdelay $0x3  }
0x92: {  	_ =	strace s18  }
0x93: {  	s3 =	sld [smem:$0x3FFC];
	_ =	sdelay $0x3  }
0x94: {  	_ =	strace s3  }
0x95: {  	s3 =	sld [smem:$0x3FFD];
	_ =	sdelay $0x3  }
0x96: {  	_ =	strace s3  }
0x97: {  	_ =	strace $0x8FFFFFFF  }
0x98: {  	s19 =	sld [smem:$0x3FDB];
	_ =	sdelay $0x1  }
0x99: {  	s4 =	simm.s32 $_scs_section_size  }
0x9a: {  	s5 =	simm.s32 $_size__tile_overlayer_lowered;
	s6 =	simm.s32 $_tile_overlayer_lowered  }
0x9b: {  	s22 =	simm.s32 $0x1BFF;
	s21 =	sshll.u32 s6, $0x1;
	s3 =	sadd.s32 s4, s19  }
0x9c: {  	s7 =	simm.s32 $0x0;
	s20 =	sshll.u32 s5, $0x1;
	s5 =	sadd.s32 s21, s3  }
0x9d: {  	[timem:s7], [sflag:s22] =	dma.local [hbm:s5], s20  }
0x9e: {  	_ =	swait.ge [sflag:s22], s20  }
0x9f: {  	s4 =	ssub.s32 $0x0, s20;
	[sflag:s22] =	ssyncset.done $0x0  }
0xa0: {  	[sflag:s22] =	ssyncadd.s32 s4;
	_ =	sdelay $0x1  }
0xa1: {  	s23 =	simm.s32 $0x1B8B  }
0xa2: {  	_ =	swait.ge [sflag:s23], $0x1  }
0xa3: {  	[sflag:s23] =	ssyncset.done $0x0  }
0xa4: {  	s25 =	simm.s32 $0x1B8E;
	s24 =	sld [smem:$0x3FFE];
	[sflag:s23] =	ssyncadd.s32 $0xFFFFFFFF  }
0xa5: {  	s26 =	simm.s32 $execute0_lowered;
	[smem:$0x3FD2] =	sst s25  }
0xa6: {  	s5 =	sshll.u32 s26, $0x1;
	_ =	strace $0x80000046;
	[dreg:$0x1] =	wrdreg $0xFFFFFFFF  }
0xa7: {  	s28 =	simm.s32 $_size_execute0_lowered;
	s3 =	sadd.s32 s3, s5;
	[dreg:$0x0] =	wrdreg $0x0  }
0xa8: {  	s5 =	sshll.u32 s28, $0x1;
	[dreg:$0x2] =	wrdreg s3  }
0xa9: {  	[dreg:$0x3] =	wrdreg s5  }
0xaa: {  	[dreg:$0x4] =	wrdreg $0xC0  }
0xab: {  	_ =	task [dreg:s7], $0x5FFFF  }
0xac: {  	[dreg:$0x1] =	wrdreg $0xFFFFFFFF  }
0xad: {  	[dreg:$0x0] =	wrdreg $0x60  }
0xae: {  	[dreg:$0x2] =	wrdreg s24  }
0xaf: {  	[dreg:$0x3] =	wrdreg s2  }
0xb0: {  	[dreg:$0x4] =	wrdreg $0x0  }
0xb1: {  	[dreg:$0x5] =	wrdreg $0xC8000  }
0xb2: {  	[dreg:$0x6] =	wrdreg $0x9  }
0xb3: {  	_ =	task.clear_ibuf [dreg:s7], $0x7FFFF;
	_ =	strace $0x90000046  }
0xb4: {  	s29 =	simm.s32 $0x9;
	_ =	strace $0x80000048  }
0xb5: {  	_ =	swait.ge [sflag:s29], $0x1  }
0xb6: {  	[sflag:s29] =	ssyncadd.s32 $0xFFFFFFFF  }
0xb7: {  	_ =	strace $0x90000048  }
0xb8: {  	_ =	sfence  }
0xb9: {  	s30 =	sld [smem:$0x0];
	_ =	sdelay $0x2  }
0xba: {  	s31 =	sshll.u32 s1, $0xD;
	s1 =	sshrl.u32 s1, $0x2  }
0xbb: {  	s3 =	sand.u32 $0x4000, s31;
	s1 =	sadd.s32 s1, s30  }
0xbc: {  	s0 =	sor.u32 s3, s0;
	s1 =	sshll.u32 s1, $0x11  }
0xbd: {  	s0 =	sor.u32 s1, s0  }
0xbe: {  	s0 =	sadd.s32 $0x8F2B, s0  }
0xbf: {  	[sflag:s0] =	ssyncadd.remote.s32 $0x1  }
0xc0: {  	_ =	sfence.sel $0xFFFF  }
0xc1: {  	[dreg:$0x0] =	wrdreg $0xFFFFFFFF;
	(pc) =	sbr.abs _section_cstart, $3  }
0xc2: {  	[dreg:$0x1] =	wrdreg $0xFFFFFFFF  }
0xc3: {  	_ =	task.clear_ibuf [dreg:s7], $0x2FFFF;
	_ =	strace $0x9FFFFFFF  }
0xc4: {  	(tm) =	ssettm $0x7FFFFFFF  }
0xc5: {  	_ =	shalt  }
tec
execute0_lowered:
.L_overlay_start_1:
0x0: {  	(tag) =	ssettag $0x1  }
0x1: {  	s0 =	rddreg [dreg:$0x0]  }
0x2: {  	s2 =	rddreg [dreg:$0x1]  }
0x3: {  	s3 =	rddreg [dreg:$0x2]  }
0x4: {  	s4 =	rddreg [dreg:$0x3];
	s14 =	stileid.u32  }
0x5: {  	s1 =	srdreg.scid;
	s5 =	simm.s32 $0x0;
	s18 =	simm.s32 $0x19080  }
0x6: {  	s29 =	simm.s32 $0x1A400;
	s30 =	simm.s32 $0x19100;
	s31 =	simm.s32 $0x1A800  }
0x7: {  	s7 =	smul.u32 $0xC800, s14;
	s1 =	sand.u32 $0x1, s1;
	[smem:$0x7FF] =	sst s5  }
0x8: {  	s11 =	sshll.u32 s14, $0x1;
	s20 =	sshll.u32 s14, $0x6;
	p0 =	sgt.u32 s14, $0x3  }
0x9: {  	s6 =	smul.u32 $0xC8000, s1;
	_ =	strace $0x80000047;
	s19 =	ssub.s32 $0x2, s1  }
0xa: {  	s1 =	sor.u32 s1, s11;
	s8 =	sshrl.u32 s7, $0x3;
	s10 =	sshrl.u32 s19, $0x1  }
0xb: {  	s13 =	sadd.s32 s7, s3;
	s9 =	sadd.s32 s8, s0;
	s6 =	sadd.s32 s7, s6  }
0xc: {  	s12 =	ssub.s32 s19, s10;
	s8 =	sor.u32 $0x1C03, s20;
	s7 =	sadd.s32 s7, s4  }
0xd: {  	s10 =	sadd.s32 $0x10, s2;
	s28 =	sshrl.u32 s13, $0x3;
	s20 =	simm.s32 $0x3  }
0xe: {  	s13 =	simm.s32 $0x2;
	s6 =	sshrl.u32 s6, $0x3;
	s21 =	sadd.s32 $0x1A00, s9  }
0xf: {  	s9 =	sadd.s32 $0x1AA00, s9;
	s26 =	smax.u32 s12, $0x1;
	[dreg:$0xe] =	wrdreg s28  }
0x10: {  	s12 =	simm.s32 $0x1;
	s0 =	sadd.s32 s6, s0;
	[dreg:$0x5] =	wrdreg s21  }
0x11: {  	s6 =	smul.u32 $0x30D00, s1;
	[dreg:$0x6] =	wrdreg s9;
	s1 =	sshll.u32 s1, $0x5  }
0x12: {  	[dreg:$0xd] =	wrdreg s26;
	s21 =	sshrl.u32 s7, $0x3;
	s26 =	simm.s32 $0x1A000  }
0x13: {  	s7 =	simm.s32 $0x19200;
	s1 =	sadd.s32 s1, s2;
	s0 =	sadd.s32 $0x33A00, s0  }
0x14: {  	s22 =	sshrl.u32 s6, $0x3;
	s25 =	sadd.s32 $0xC3400, s1;
	s1 =	sadd.s32 $0xC3410, s1  }
0x15: {  	[dreg:$0xc] =	wrdreg s0;
	s0 =	simm.s32 $0x19180;
	s11 =	sadd.s32 s2, s22  }
.Ltmp0:
0x16: {  	s9 =	sadd.s32 s22, s10;
	[dreg:$0xa] =	wrdreg s25;
	(pc) =	sbr.rel .LBB2_1-.Ltmp0, $4  }
0x17: {  	[dreg:$0xb] =	wrdreg s1;
	s22 =	simm.s32 $0x80;
	s25 =	simm.s32 $0x19800  }
0x18: {  	s1 =	simm.s32 $0x1AC00;
	[dreg:$0x7] =	wrdreg s9;
	s23 =	sadd.s32 $0x6100, s11  }
0x19: {  	s24 =	sadd.s32 $0x6110, s11;
	s9 =	simm.s32 $0x1B000;
	[dreg:$0x8] =	wrdreg s23  }
0x1a: {  	[dreg:$0x9] =	wrdreg s24;
	s23 =	simm.s32 $0x100;
	s24 =	simm.s32 $0x19000  }
.LBB2_5:
0x1b: {  	_ =	swait.ge [sflag:s13], $0x400  }
0x1c: {  	[sflag:s13] =	ssyncset.done $0x0  }
0x1d: {  	[sflag:s13] =	ssyncadd.s32 $0xFFFFFC00  }
0x1e: {  	_ =	swait.ge [sflag:s13], $0x400  }
0x1f: {  	[sflag:s13] =	ssyncset.done $0x0  }
0x20: {  	[sflag:s13] =	ssyncadd.s32 $0xFFFFFC00  }
0x21: {  	_ =	swait.ge [sflag:s13], $0x400  }
0x22: {  	[sflag:s13] =	ssyncset.done $0x0  }
0x23: {  	[sflag:s13] =	ssyncadd.s32 $0xFFFFFC00  }
0x24: {  	_ =	swait.ge [sflag:s13], $0x400  }
0x25: {  	[sflag:s13] =	ssyncset.done $0x0  }
0x26: {  	[sflag:s13] =	ssyncadd.s32 $0xFFFFFC00  }
0x27: {  	_ =	swait.ge [sflag:s13], $0x400  }
0x28: {  	[sflag:s13] =	ssyncset.done $0x0  }
0x29: {  	[sflag:s13] =	ssyncadd.s32 $0xFFFFFC00  }
0x2a: {  	_ =	swait.ge [sflag:s13], $0x400  }
0x2b: {  	[sflag:s13] =	ssyncset.done $0x0  }
0x2c: {  	[sflag:s13] =	ssyncadd.s32 $0xFFFFFC00  }
0x2d: {  	_ =	swait.ge [sflag:s13], $0x400  }
0x2e: {  	[sflag:s13] =	ssyncset.done $0x0  }
0x2f: {  	[sflag:s13] =	ssyncadd.s32 $0xFFFFFC00  }
0x30: {  	_ =	swait.ge [sflag:s13], $0x400  }
0x31: {  	[sflag:s13] =	ssyncset.done $0x0  }
0x32: {  	s14 =	rddreg [dreg:$0x8];
	[sflag:s13] =	ssyncadd.s32 $0xFFFFFC00  }
0x33: {  	[tilespmem:s24], [sflag:$0x3] =	stream.strided.gather [hbm4b:s14+s22], $0x280, s23, s22, $0x38;
	[tilespmem:$0x1E000] =	vst v63  }
0x34: {  	_ =	swait.ge [sflag:s20], $0x280  }
0x35: {  	[sflag:s20] =	ssyncset.done $0x0  }
0x36: {  	s15 =	rddreg [dreg:$0x9];
	[sflag:s20] =	ssyncadd.s32 $0xFFFFFD80  }
0x37: {  	[tilespmem:s25], [sflag:$0x3] =	stream.strided.gather [hbm4b:s15+s22], $0x280, s23, s22, $0x38;
	[tilespmem:$0x1E000] =	vst v63  }
0x38: {  	_ =	swait.ge [sflag:s20], $0x280  }
0x39: {  	s14 =	simm.s32 @!p0 $0x0;
	[sflag:s20] =	ssyncset.done $0x0  }
0x3a: {  	s15 =	simm.s32 @!p0 $0x19280;
	s16 =	rddreg [dreg:$0xa];
	[sflag:s20] =	ssyncadd.s32 $0xFFFFFD80  }
0x3b: {  	[tilespmem:s15], [sflag:$0x3] =	stream.linear.gather @!p0 [hbm4b:s16+s14], $0x80, $0x38;
	[tilespmem:$0x1E000] =	vst v63  }
0x3c: {  	s16 =	simm.s32 @!p0 $0x3  }
0x3d: {  	_ =	swait.ge @!p0 [sflag:s16], $0x80  }
0x3e: {  	[sflag:s16] =	ssyncset.done @!p0 $0x0  }
0x3f: {  	s17 =	simm.s32 @!p0 $0x19A80;
	s18 =	rddreg [dreg:$0xb];
	[sflag:s16] =	ssyncadd.s32 @!p0 $0xFFFFFF80  }
0x40: {  	[tilespmem:s17], [sflag:$0x3] =	stream.linear.gather @!p0 [hbm4b:s18+s14], $0x80, $0x38;
	[tilespmem:$0x1E000] =	vst v63  }
0x41: {  	_ =	swait.ge @!p0 [sflag:s16], $0x80  }
0x42: {  	[sflag:s16] =	ssyncset.done @!p0 $0x0  }
0x43: {  	[sflag:s16] =	ssyncadd.s32 @!p0 $0xFFFFFF80  }
0x44: {  	[tilespmem:s26], [sflag:$0x1] =	stream.indirect.gather [spmem:s3], $0x8, s24, s22, $0xb8;
	[tilespmem:$0x1E000] =	vst v63  }
0x45: {  	s18 =	simm.s32 $0x19080  }
0x46: {  	[tilespmem:s29], [sflag:$0x1] =	stream.indirect.gather [spmem:s3], $0x8, s18, s22, $0xb8;
	[tilespmem:$0x1E000] =	vst v63  }
0x47: {  	_ = 	snop  }
0x48: {  	[tilespmem:s31], [sflag:$0x1] =	stream.indirect.gather [spmem:s3], $0x8, s30, s22, $0xb8;
	[tilespmem:$0x1E000] =	vst v63  }
0x49: {  	_ = 	snop  }
0x4a: {  	[tilespmem:s1], [sflag:$0x1] =	stream.indirect.gather [spmem:s3], $0x8, s0, s22, $0xb8;
	[tilespmem:$0x1E000] =	vst v63  }
0x4b: {  	_ = 	snop  }
0x4c: {  	[tilespmem:s9], [sflag:$0x1] =	stream.indirect.gather [spmem:s3], $0x8, s7, s22, $0xb8;
	[tilespmem:$0x1E000] =	vst v63  }
0x4d: {  	_ =	swait.ge [sflag:s12], $0x400  }
0x4e: {  	[sflag:s12] =	ssyncset.done $0x0  }
0x4f: {  	[sflag:s12] =	ssyncadd.s32 $0xFFFFFC00  }
0x50: {  	_ =	swait.ge [sflag:s12], $0x400  }
0x51: {  	[sflag:s12] =	ssyncset.done $0x0  }
0x52: {  	[sflag:s12] =	ssyncadd.s32 $0xFFFFFC00  }
0x53: {  	_ =	swait.ge [sflag:s12], $0x400  }
0x54: {  	[sflag:s12] =	ssyncset.done $0x0  }
0x55: {  	[sflag:s12] =	ssyncadd.s32 $0xFFFFFC00  }
0x56: {  	_ =	swait.ge [sflag:s12], $0x400  }
0x57: {  	[sflag:s12] =	ssyncset.done $0x0  }
0x58: {  	[sflag:s12] =	ssyncadd.s32 $0xFFFFFC00  }
0x59: {  	_ =	swait.ge [sflag:s12], $0x400  }
0x5a: {  	[sflag:s12] =	ssyncset.done $0x0  }
0x5b: {  	[sflag:s12] =	ssyncadd.s32 $0xFFFFFC00  }
0x5c: {  	[spmem:s4] =	stream.indirect.scatter.add.f32 [tilespmem:s26], [sflag:$0x2], $0x8, s25, s22, $0xb8;
	[tilespmem:$0x1E000] =	vst v63  }
0x5d: {  	s16 =	simm.s32 $0x19880  }
0x5e: {  	[spmem:s4] =	stream.indirect.scatter.add.f32 [tilespmem:s29], [sflag:$0x2], $0x8, s16, s22, $0xb8;
	[tilespmem:$0x1E000] =	vst v63  }
0x5f: {  	s19 =	simm.s32 $0x19900  }
0x60: {  	[spmem:s4] =	stream.indirect.scatter.add.f32 [tilespmem:s31], [sflag:$0x2], $0x8, s19, s22, $0xb8;
	[tilespmem:$0x1E000] =	vst v63  }
0x61: {  	s28 =	simm.s32 $0x19980  }
0x62: {  	[spmem:s4] =	stream.indirect.scatter.add.f32 [tilespmem:s1], [sflag:$0x2], $0x8, s28, s22, $0xb8;
	[tilespmem:$0x1E000] =	vst v63  }
0x63: {  	s16 =	simm.s32 $0x19A00  }
0x64: {  	[spmem:s4] =	stream.indirect.scatter.add.f32 [tilespmem:s9], [sflag:$0x2], $0x8, s16, s22, $0xb8;
	[tilespmem:$0x1E000] =	vst v63  }
0x65: {  	_ =	swait.ge [sflag:s13], $0x400  }
0x66: {  	[sflag:s13] =	ssyncset.done $0x0  }
0x67: {  	[sflag:s13] =	ssyncadd.s32 $0xFFFFFC00  }
0x68: {  	_ =	swait.ge [sflag:s13], $0x400  }
0x69: {  	[sflag:s13] =	ssyncset.done $0x0  }
0x6a: {  	[sflag:s13] =	ssyncadd.s32 $0xFFFFFC00  }
0x6b: {  	_ =	swait.ge [sflag:s13], $0x400  }
0x6c: {  	[sflag:s13] =	ssyncset.done $0x0  }
0x6d: {  	[sflag:s13] =	ssyncadd.s32 $0xFFFFFC00  }
0x6e: {  	_ =	swait.ge [sflag:s13], $0x400  }
0x6f: {  	[sflag:s13] =	ssyncset.done $0x0  }
0x70: {  	[sflag:s13] =	ssyncadd.s32 $0xFFFFFC00  }
0x71: {  	_ =	swait.ge [sflag:s13], $0x400  }
0x72: {  	[sflag:s13] =	ssyncset.done $0x0  }
0x73: {  	s14 =	simm.s32 @!p0 $0x80;
	s16 =	simm.s32 @!p0 $0x1B400;
	[sflag:s13] =	ssyncadd.s32 $0xFFFFFC00  }
0x74: {  	[tilespmem:s16], [sflag:$0x1] =	stream.indirect.gather @!p0 [spmem:s3], $0x8, s15, s14, $0xb8;
	[tilespmem:$0x1E000] =	vst v63  }
0x75: {  	s15 =	simm.s32 @!p0 $0x1  }
0x76: {  	_ =	swait.ge @!p0 [sflag:s15], $0x400  }
0x77: {  	[sflag:s15] =	ssyncset.done @!p0 $0x0  }
0x78: {  	[sflag:s15] =	ssyncadd.s32 @!p0 $0xFFFFFC00  }
0x79: {  	[spmem:s4] =	stream.indirect.scatter.add.f32 @!p0 [tilespmem:s16], [sflag:$0x2], $0x8, s17, s14, $0xb8;
	[tilespmem:$0x1E000] =	vst v63  }
0x7a: {  	s14 =	simm.s32 @!p0 $0x2  }
0x7b: {  	_ =	swait.ge @!p0 [sflag:s14], $0x400  }
0x7c: {  	[sflag:s14] =	ssyncset.done @!p0 $0x0  }
0x7d: {  	[sflag:s14] =	ssyncadd.s32 @!p0 $0xFFFFFC00  }
0x7e: {  	[bflag:$0x0] =	sbarrier.arrive $0xFFFF  }
0x7f: {  	s19 =	rddreg [dreg:$0xc]  }
0x80: {  	[hbm:s19], [sflag:s8] =	dma.local [spmem:s21], $0x1900  }
0x81: {  	_ =	swait.ge [sflag:s20], $0x1900  }
0x82: {  	s5 =	sadd.s32 $0x1, s5;
	s28 =	rddreg [dreg:$0xd]  }
0x83: {  	p1 =	sne.s32 s5, s28  }
.Ltmp1:
0x84: {  	_ = 	snop;
	(pc) =	sbr.rel @!p1 .LBB2_6-.Ltmp1, $3  }
0x85: {  	_ =	sdelay $0x1  }
0x86: {  	[sflag:s20] =	ssyncset.done $0x0  }
0x87: {  	[sflag:s20] =	ssyncadd.s32 $0xFFFFE700  }
.LBB2_1:
0x88: {  	s14 =	rddreg [dreg:$0x5]  }
0x89: {  	s15 =	rddreg [dreg:$0xe]  }
0x8a: {  	[spmem:s15], [sflag:s8] =	dma.local [hbm:s14], $0x1900  }
0x8b: {  	_ =	swait.ge [sflag:s20], $0x1900  }
0x8c: {  	[sflag:s20] =	ssyncset.done $0x0  }
0x8d: {  	s19 =	rddreg [dreg:$0x6];
	[sflag:s20] =	ssyncadd.s32 $0xFFFFE700  }
0x8e: {  	[spmem:s21], [sflag:s8] =	dma.local [hbm:s19], $0x1900  }
0x8f: {  	_ =	swait.ge [sflag:s20], $0x1900  }
0x90: {  	[sflag:s20] =	ssyncset.done $0x0  }
0x91: {  	[sflag:s20] =	ssyncadd.s32 $0xFFFFE700  }
0x92: {  	[bflag:$0x0] =	sbarrier.arrive $0xFFFF  }
0x93: {  	[tilespmem:s24], [sflag:$0x3] =	stream.strided.gather [hbm4b:s11+s22], $0x400, s23, s22, $0x38;
	[tilespmem:$0x1E000] =	vst v63  }
0x94: {  	_ =	swait.ge [sflag:s20], $0x400  }
0x95: {  	[sflag:s20] =	ssyncset.done $0x0  }
0x96: {  	s28 =	rddreg [dreg:$0x7];
	[sflag:s20] =	ssyncadd.s32 $0xFFFFFC00  }
0x97: {  	[tilespmem:s25], [sflag:$0x3] =	stream.strided.gather [hbm4b:s28+s22], $0x400, s23, s22, $0x38;
	[tilespmem:$0x1E000] =	vst v63  }
0x98: {  	_ =	swait.ge [sflag:s20], $0x400  }
0x99: {  	[sflag:s20] =	ssyncset.done $0x0  }
0x9a: {  	[sflag:s20] =	ssyncadd.s32 $0xFFFFFC00  }
0x9b: {  	[tilespmem:s26], [sflag:$0x1] =	stream.indirect.gather [spmem:s3], $0x8, s24, s22, $0xb8;
	[tilespmem:$0x1E000] =	vst v63  }
0x9c: {  	_ = 	snop  }
0x9d: {  	[tilespmem:s29], [sflag:$0x1] =	stream.indirect.gather [spmem:s3], $0x8, s18, s22, $0xb8;
	[tilespmem:$0x1E000] =	vst v63  }
0x9e: {  	_ = 	snop  }
0x9f: {  	[tilespmem:s31], [sflag:$0x1] =	stream.indirect.gather [spmem:s3], $0x8, s30, s22, $0xb8;
	[tilespmem:$0x1E000] =	vst v63  }
0xa0: {  	_ = 	snop  }
0xa1: {  	[tilespmem:s1], [sflag:$0x1] =	stream.indirect.gather [spmem:s3], $0x8, s0, s22, $0xb8;
	[tilespmem:$0x1E000] =	vst v63  }
0xa2: {  	_ = 	snop  }
0xa3: {  	[tilespmem:s9], [sflag:$0x1] =	stream.indirect.gather [spmem:s3], $0x8, s7, s22, $0xb8;
	[tilespmem:$0x1E000] =	vst v63  }
0xa4: {  	s16 =	simm.s32 $0x1B400;
	s15 =	simm.s32 $0x19280  }
0xa5: {  	[tilespmem:s16], [sflag:$0x1] =	stream.indirect.gather [spmem:s3], $0x8, s15, s22, $0xb8;
	[tilespmem:$0x1E000] =	vst v63  }
.Ltmp2:
0xa6: {  	_ = 	snop;
	(pc) =	sbr.rel .LBB2_2-.Ltmp2, $4  }
0xa7: {  	s17 =	simm.s32 $0x19300;
	s18 =	simm.s32 $0x1B800  }
0xa8: {  	[tilespmem:s18], [sflag:$0x1] =	stream.indirect.gather [spmem:s3], $0x8, s17, s22, $0xb8;
	[tilespmem:$0x1E000] =	vst v63  }
0xa9: {  	s14 =	simm.s32 $0x0;
	s19 =	simm.s32 $0x19380;
	s28 =	simm.s32 $0x1BC00  }
0xaa: {  	[tilespmem:s28], [sflag:$0x1] =	stream.indirect.gather [spmem:s3], $0x8, s19, s22, $0xb8;
	[tilespmem:$0x1E000] =	vst v63  }
.LBB2_4:
0xab: {  	_ =	swait.ge [sflag:s12], $0x400  }
0xac: {  	[sflag:s12] =	ssyncset.done $0x0  }
0xad: {  	[sflag:s12] =	ssyncadd.s32 $0xFFFFFC00  }
0xae: {  	_ =	swait.ge [sflag:s12], $0x400  }
0xaf: {  	[sflag:s12] =	ssyncset.done $0x0  }
0xb0: {  	[sflag:s12] =	ssyncadd.s32 $0xFFFFFC00  }
0xb1: {  	_ =	swait.ge [sflag:s12], $0x400  }
0xb2: {  	[sflag:s12] =	ssyncset.done $0x0  }
0xb3: {  	[sflag:s12] =	ssyncadd.s32 $0xFFFFFC00  }
0xb4: {  	_ =	swait.ge [sflag:s12], $0x400  }
0xb5: {  	[sflag:s12] =	ssyncset.done $0x0  }
0xb6: {  	[sflag:s12] =	ssyncadd.s32 $0xFFFFFC00  }
0xb7: {  	_ =	swait.ge [sflag:s12], $0x400  }
0xb8: {  	[sflag:s12] =	ssyncset.done $0x0  }
0xb9: {  	[sflag:s12] =	ssyncadd.s32 $0xFFFFFC00  }
0xba: {  	_ =	swait.ge [sflag:s12], $0x400  }
0xbb: {  	[sflag:s12] =	ssyncset.done $0x0  }
0xbc: {  	[sflag:s12] =	ssyncadd.s32 $0xFFFFFC00  }
0xbd: {  	_ =	swait.ge [sflag:s12], $0x400  }
0xbe: {  	[sflag:s12] =	ssyncset.done $0x0  }
0xbf: {  	[sflag:s12] =	ssyncadd.s32 $0xFFFFFC00  }
0xc0: {  	_ =	swait.ge [sflag:s12], $0x400  }
0xc1: {  	s14 =	sshll.u32 s15, $0xD;
	s15 =	sshll.u32 s15, $0xA;
	[sflag:s12] =	ssyncset.done $0x0  }
0xc2: {  	s17 =	sadd.s32 $0x1A000, s14;
	s18 =	sor.u32 $0x19800, s15;
	[sflag:s12] =	ssyncadd.s32 $0xFFFFFC00  }
0xc3: {  	[spmem:s4] =	stream.indirect.scatter.add.f32 [tilespmem:s17], [sflag:$0x2], $0x8, s18, s22, $0xb8;
	[tilespmem:$0x1E000] =	vst v63  }
0xc4: {  	s19 =	sadd.s32 $0x1A400, s14;
	s28 =	sor.u32 $0x19880, s15  }
0xc5: {  	[spmem:s4] =	stream.indirect.scatter.add.f32 [tilespmem:s19], [sflag:$0x2], $0x8, s28, s22, $0xb8;
	[tilespmem:$0x1E000] =	vst v63  }
0xc6: {  	s19 =	sadd.s32 $0x1A800, s14;
	s28 =	sor.u32 $0x19900, s15  }
0xc7: {  	[spmem:s4] =	stream.indirect.scatter.add.f32 [tilespmem:s19], [sflag:$0x2], $0x8, s28, s22, $0xb8;
	[tilespmem:$0x1E000] =	vst v63  }
0xc8: {  	s19 =	sadd.s32 $0x1AC00, s14;
	s28 =	sor.u32 $0x19980, s15  }
0xc9: {  	[spmem:s4] =	stream.indirect.scatter.add.f32 [tilespmem:s19], [sflag:$0x2], $0x8, s28, s22, $0xb8;
	[tilespmem:$0x1E000] =	vst v63  }
0xca: {  	s19 =	sadd.s32 $0x1B000, s14;
	s28 =	sor.u32 $0x19A00, s15  }
0xcb: {  	[spmem:s4] =	stream.indirect.scatter.add.f32 [tilespmem:s19], [sflag:$0x2], $0x8, s28, s22, $0xb8;
	[tilespmem:$0x1E000] =	vst v63  }
0xcc: {  	p1 =	slt.u32 s16, $0x61;
	s19 =	sadd.s32 $0x1B400, s14;
	s28 =	sor.u32 $0x19A80, s15  }
0xcd: {  	[spmem:s4] =	stream.indirect.scatter.add.f32 [tilespmem:s19], [sflag:$0x2], $0x8, s28, s22, $0xb8;
	[tilespmem:$0x1E000] =	vst v63  }
.Ltmp3:
0xce: {  	s19 =	sadd.s32 $0x1B800, s14;
	s28 =	sor.u32 $0x19B00, s15;
	(pc) =	sbr.rel @!p1 .LBB2_5-.Ltmp3, $4  }
0xcf: {  	[spmem:s4] =	stream.indirect.scatter.add.f32 [tilespmem:s19], [sflag:$0x2], $0x8, s28, s22, $0xb8;
	[tilespmem:$0x1E000] =	vst v63  }
0xd0: {  	s14 =	sadd.s32 $0x1BC00, s14;
	s15 =	sor.u32 $0x19B80, s15  }
0xd1: {  	[spmem:s4] =	stream.indirect.scatter.add.f32 [tilespmem:s14], [sflag:$0x2], $0x8, s15, s22, $0xb8;
	[tilespmem:$0x1E000] =	vst v63  }
0xd2: {  	s14 =	smov.u32 s16  }
.LBB2_2:
0xd3: {  	p1 =	seq.s32 s14, $0x0  }
0xd4: {  	s16 =	simm.s32 @!p1 $0x2  }
0xd5: {  	_ =	swait.ge @!p1 [sflag:s16], $0x400  }
0xd6: {  	[sflag:s16] =	ssyncset.done @!p1 $0x0  }
0xd7: {  	[sflag:s16] =	ssyncadd.s32 @!p1 $0xFFFFFC00  }
0xd8: {  	_ =	swait.ge @!p1 [sflag:s16], $0x400  }
0xd9: {  	[sflag:s16] =	ssyncset.done @!p1 $0x0  }
0xda: {  	[sflag:s16] =	ssyncadd.s32 @!p1 $0xFFFFFC00  }
0xdb: {  	_ =	swait.ge @!p1 [sflag:s16], $0x400  }
0xdc: {  	[sflag:s16] =	ssyncset.done @!p1 $0x0  }
0xdd: {  	[sflag:s16] =	ssyncadd.s32 @!p1 $0xFFFFFC00  }
0xde: {  	_ =	swait.ge @!p1 [sflag:s16], $0x400  }
0xdf: {  	[sflag:s16] =	ssyncset.done @!p1 $0x0  }
0xe0: {  	[sflag:s16] =	ssyncadd.s32 @!p1 $0xFFFFFC00  }
0xe1: {  	_ =	swait.ge @!p1 [sflag:s16], $0x400  }
0xe2: {  	[sflag:s16] =	ssyncset.done @!p1 $0x0  }
0xe3: {  	[sflag:s16] =	ssyncadd.s32 @!p1 $0xFFFFFC00  }
0xe4: {  	_ =	swait.ge @!p1 [sflag:s16], $0x400  }
0xe5: {  	[sflag:s16] =	ssyncset.done @!p1 $0x0  }
0xe6: {  	p2 =	seq.s32 @!p1 s14, $0x60;
	[sflag:s16] =	ssyncadd.s32 @!p1 $0xFFFFFC00  }
0xe7: {  	p2 =	por p1, !p2;
	_ =	swait.ge @!p1 [sflag:s16], $0x400  }
.Ltmp4:
0xe8: {  	[sflag:s16] =	ssyncset.done @!p1 $0x0;
	(pc) =	sbr.rel @!p2 .LBB2_4-.Ltmp4, $4  }
0xe9: {  	[sflag:s16] =	ssyncadd.s32 @!p1 $0xFFFFFC00  }
0xea: {  	_ =	swait.ge @!p1 [sflag:s16], $0x400  }
0xeb: {  	[sflag:s16] =	ssyncset.done @!p1 $0x0  }
0xec: {  	s15 =	sand.u32 $0x1, s14;
	[sflag:s16] =	ssyncadd.s32 @!p1 $0xFFFFFC00;
	s16 =	simm.s32 @!p1 $0x61  }
0xed: {  	s16 =	sadd.s32 @!p1 $0x1, s14  }
0xee: {  	s16 =	simm.s32 @p1 $0x1  }
0xef: {  	s18 =	sshll.u32 s16, $0xB  }
0xf0: {  	s17 =	sxor.u32 $0x1, s15;
	s14 =	sadd.s32 s6, s18  }
0xf1: {  	s18 =	sshll.u32 s17, $0xA;
	s14 =	sshrl.u32 s14, $0x3  }
0xf2: {  	s19 =	sor.u32 $0x19000, s18;
	s28 =	sadd.s32 s2, s14  }
0xf3: {  	[tilespmem:s19], [sflag:$0x3] =	stream.strided.gather [hbm4b:s28+s22], $0x400, s23, s22, $0x38;
	[tilespmem:$0x1E000] =	vst v63  }
0xf4: {  	_ =	swait.ge [sflag:s20], $0x400  }
0xf5: {  	[sflag:s20] =	ssyncset.done $0x0  }
0xf6: {  	s14 =	sadd.s32 s14, s10;
	s28 =	sor.u32 $0x19800, s18;
	[sflag:s20] =	ssyncadd.s32 $0xFFFFFC00  }
0xf7: {  	[tilespmem:s28], [sflag:$0x3] =	stream.strided.gather [hbm4b:s14+s22], $0x400, s23, s22, $0x38;
	[tilespmem:$0x1E000] =	vst v63  }
0xf8: {  	_ =	swait.ge [sflag:s20], $0x400  }
0xf9: {  	s14 =	sshll.u32 s17, $0xD;
	[sflag:s20] =	ssyncset.done $0x0  }
0xfa: {  	s17 =	sadd.s32 $0x1A000, s14;
	[sflag:s20] =	ssyncadd.s32 $0xFFFFFC00  }
0xfb: {  	[tilespmem:s17], [sflag:$0x1] =	stream.indirect.gather [spmem:s3], $0x8, s19, s22, $0xb8;
	[tilespmem:$0x1E000] =	vst v63  }
0xfc: {  	s28 =	sor.u32 $0x19080, s18;
	s19 =	sadd.s32 $0x1A400, s14  }
0xfd: {  	[tilespmem:s19], [sflag:$0x1] =	stream.indirect.gather [spmem:s3], $0x8, s28, s22, $0xb8;
	[tilespmem:$0x1E000] =	vst v63  }
0xfe: {  	s19 =	sadd.s32 $0x1A800, s14;
	s28 =	sor.u32 $0x19100, s18  }
0xff: {  	[tilespmem:s19], [sflag:$0x1] =	stream.indirect.gather [spmem:s3], $0x8, s28, s22, $0xb8;
	[tilespmem:$0x1E000] =	vst v63  }
0x100: {  	s19 =	sadd.s32 $0x1AC00, s14;
	s28 =	sor.u32 $0x19180, s18  }
0x101: {  	[tilespmem:s19], [sflag:$0x1] =	stream.indirect.gather [spmem:s3], $0x8, s28, s22, $0xb8;
	[tilespmem:$0x1E000] =	vst v63  }
0x102: {  	s19 =	sadd.s32 $0x1B000, s14;
	s28 =	sor.u32 $0x19200, s18  }
0x103: {  	[tilespmem:s19], [sflag:$0x1] =	stream.indirect.gather [spmem:s3], $0x8, s28, s22, $0xb8;
	[tilespmem:$0x1E000] =	vst v63  }
0x104: {  	s19 =	sadd.s32 $0x1B400, s14;
	s28 =	sor.u32 $0x19280, s18  }
0x105: {  	[tilespmem:s19], [sflag:$0x1] =	stream.indirect.gather [spmem:s3], $0x8, s28, s22, $0xb8;
	[tilespmem:$0x1E000] =	vst v63  }
.Ltmp5:
0x106: {  	_ = 	snop;
	(pc) =	sbr.rel .LBB2_4-.Ltmp5, $4  }
0x107: {  	s19 =	sadd.s32 $0x1B800, s14;
	s28 =	sor.u32 $0x19300, s18  }
0x108: {  	[tilespmem:s19], [sflag:$0x1] =	stream.indirect.gather [spmem:s3], $0x8, s28, s22, $0xb8;
	[tilespmem:$0x1E000] =	vst v63  }
0x109: {  	s14 =	sadd.s32 $0x1BC00, s14;
	s28 =	sor.u32 $0x19380, s18  }
0x10a: {  	[tilespmem:s14], [sflag:$0x1] =	stream.indirect.gather [spmem:s3], $0x8, s28, s22, $0xb8;
	[tilespmem:$0x1E000] =	vst v63  }
.LBB2_6:
0x10b: {  	_ =	sfence.sel $0x180000  }
0x10c: {  	[bflag:$0x0] =	sbarrier.arrive $0xFFFF  }
0x10d: {  	_ =	strace $0x90000047  }
0x10e: {  	s0 =	stileid.u32;
	[bflag:$0x2] =	sbarrier.arrive $0xFFFF  }
0x10f: {  	p0 =	sne.s32 s0, $0x0;
	s0 =	rddreg [dreg:$0x4]  }
0x110: {  	s0 =	sadd.s32 @!p0 $0x100000, s0  }
0x111: {  	[sflag:s0] =	ssyncadd.tile.s32 @!p0 $0x1;
	_ =	shalt  }
.Lfunc_end2:
_tile_overlayer_lowered:
.L_overlay_start_2:
0x112: {  	(tag) =	ssettag $0x2  }
0x113: {  	s0 =	rddreg [dreg:$0x0];
	s2 =	stileid.u32  }
0x114: {  	s1 =	rddreg [dreg:$0x1];
	p0 =	sne.s32 s2, $0x0  }
0x115: {  	s3 =	rddreg [dreg:$0x2];
	[bflag:$0x3] =	sbarrier.arrive $0xFFFF;
	s2 =	simm.s32 @!p0 $0x1C03  }
0x116: {  	[timem:s3], [sflag:s2] =	dma.local @!p0 [hbm:s0], s1  }
0x117: {  	s0 =	simm.s32 @!p0 $0x3  }
0x118: {  	_ =	swait.ge @!p0 [sflag:s0], s1  }
0x119: {  	s1 =	ssub.s32 @!p0 $0x0, s1;
	[sflag:s0] =	ssyncset.done @!p0 $0x0  }
0x11a: {  	[sflag:s0] =	ssyncadd.s32 @!p0 s1  }
0x11b: {  	[bflag:$0x3] =	sbarrier.arrive $0xFFFF  }
0x11c: {  	_ =	shalt  }

// kernel: kernel.9.cloned.1.call-start
scs
__scs_entry_jumppad:
0x0: {  	(pc) =	sbr.rel $0x88, $3  }
0x1: {  	(tag) =	ssettag $0x0;
	lr =	simm.s32 $0x1  }
0x2: {  	[smem:$0x3F99] =	sst lr;
	_ =	strace $0xD0000000  }
0x3: {  	_ = 	snop  }
0x4: {  	_ = 	snop  }
0x5: {  	_ = 	snop  }
0x6: {  	_ = 	snop  }
0x7: {  	_ = 	snop  }
__scs_overlays_trampoline_lowered:
0x8: {  	[smem:$0x3FA8] =	sst s0  }
0x9: {  	[smem:$0x3FA9] =	sst s1  }
0xa: {  	[smem:$0x3FAA] =	sst s2  }
0xb: {  	[smem:$0x3FAB] =	sst s3  }
0xc: {  	[smem:$0x3FAC] =	sst s4  }
0xd: {  	[smem:$0x3FAD] =	sst s5  }
0xe: {  	[smem:$0x3FAE] =	sst s6  }
0xf: {  	[smem:$0x3FAF] =	sst s7  }
0x10: {  	[smem:$0x3FB0] =	sst s8  }
0x11: {  	[smem:$0x3FB1] =	sst s9;
	s0 =	simm.s32 @!p0 $0x0  }
0x12: {  	s1 =	sld [smem:$0x3F97];
	s0 =	simm.s32 @p0 $0x1  }
0x13: {  	[smem:$0x3FB2] =	sst s0;
	s0 =	simm.s32 @!p1 $0x0  }
0x14: {  	s2 =	sld [smem:$0x3F96];
	s0 =	simm.s32 @p1 $0x1  }
0x15: {  	[smem:$0x3FB3] =	sst s0;
	s0 =	simm.s32 @!p2 $0x0  }
0x16: {  	s3 =	sld [smem:$0x3FDB];
	s0 =	simm.s32 @p2 $0x1  }
0x17: {  	s4 =	simm.s32 $0x1BF5;
	[smem:$0x3FB5] =	sst s0  }
0x18: {  	s0 =	sld [smem:$0x3F98];
	_ =	swait.ge [sflag:s4], $0x0  }
0x19: {  	s7 =	sld [smem:$0x3F99]  }
0x1a: {  	s8 =	sadd.s32 $0xFFFFE003, lr  }
0x1b: {  	s9 =	sadd.s32 $0xFFFFFEF7, lr;
	s5 =	simm.s32 $0xFFFFFFFF;
	p2 =	slt.u32 s8, $0xFFFFF086  }
0x1c: {  	p1 =	slt.u32 s9, $0xF7A;
	s5 =	simm.s32 @!p2 $0x0  }
0x1d: {  	s5 =	simm.s32 @p1 $0x1;
	p0 =	seq.s32 s7, s2  }
0x1e: {  	s7 =	smul.u32 @!p0 $0xF7A, s2;
	p2 =	seq.s32 @!p0 s5, $0x0  }
0x1f: {  	s9 =	smul.u32 $0xF7A, s1;
	s8 =	simm.s32 @!p0 $0x1BF5;
	p2 =	por !p2, p0  }
0x20: {  	[sflag:s8] =	ssyncset.s32 @!p0 $0xFFFFF086;
	s6 =	sadd.s32 @!p0 s3, s7;
	s7 =	simm.s32 @!p0 $0x108  }
0x21: {  	s3 =	sadd.s32 s3, s9;
	s6 =	sadd.s32 @!p0 $0x88, s6;
	s7 =	simm.s32 @p2 $0x1082  }
0x22: {  	[simem:s7], [sflag:s8] =	dma.local @!p0 [hbm:s6], $0xF7A  }
0x23: {  	s9 =	sor.u32 $0xD0000000, s2;
	s6 =	simm.s32 $0x108;
	_ =	swait.ge @!p0 [sflag:s8], $0x0  }
0x24: {  	s3 =	sadd.s32 $0x88, s3;
	s6 =	simm.s32 @!p1 $0x1082;
	[sflag:s4] =	ssyncset.s32 $0xFFFFF086  }
0x25: {  	[simem:s6], [sflag:s4] =	dma.local [hbm:s3], $0xF7A  }
0x26: {  	[smem:$0x3F99] =	sst s1;
	(tag) =	ssettag s2;
	_ =	strace s9  }
0x27: {  	s1 =	sld [smem:$0x3FA9]  }
0x28: {  	s2 =	sld [smem:$0x3FAA]  }
0x29: {  	s4 =	sld [smem:$0x3FAC]  }
0x2a: {  	p0 =	seq.s32 s5, $0x0;
	s5 =	sld [smem:$0x3FAD]  }
0x2b: {  	s6 =	sld [smem:$0x3FAE]  }
0x2c: {  	s7 =	sld [smem:$0x3FAF]  }
0x2d: {  	s3 =	simm.s32 $0x108;
	s8 =	sld [smem:$0x3FB0]  }
0x2e: {  	s3 =	simm.s32 @!p0 $0x1082;
	s9 =	sld [smem:$0x3FB1]  }
0x2f: {  	lr =	sadd.s32 s0, s3;
	s0 =	sld [smem:$0x3FA8]  }
0x30: {  	s3 =	sld [smem:$0x3FAB]  }
0x31: {  	[smem:$0x3FB4] =	sst s10  }
0x32: {  	s10 =	sld [smem:$0x3FB2];
	_ =	sdelay $0x3  }
0x33: {  	p0 =	seq.s32 s10, $0x1;
	s10 =	sld [smem:$0x3FB4];
	_ =	sdelay $0x3  }
0x34: {  	[smem:$0x3FB4] =	sst s10  }
0x35: {  	s10 =	sld [smem:$0x3FB3];
	_ =	sdelay $0x3  }
0x36: {  	p1 =	seq.s32 s10, $0x1;
	s10 =	sld [smem:$0x3FB4];
	_ =	sdelay $0x3  }
0x37: {  	[smem:$0x3FB4] =	sst s10  }
0x38: {  	s10 =	sld [smem:$0x3FB5]  }
0x39: {  	_ = 	snop;
	(pc) =	sbr.ind lr, $3  }
0x3a: {  	_ = 	snop  }
0x3b: {  	_ = 	snop  }
0x3c: {  	p2 =	seq.s32 s10, $0x1;
	s10 =	sld [smem:$0x3FB4]  }
0x3d: {  	_ =	shalt  }
0x3e: {  	_ =	shalt  }
0x3f: {  	_ =	shalt  }
0x40: {  	_ =	shalt  }
0x41: {  	_ =	shalt  }
0x42: {  	_ =	shalt  }
0x43: {  	_ =	shalt  }
0x44: {  	_ =	shalt  }
0x45: {  	_ =	shalt  }
0x46: {  	_ =	shalt  }
0x47: {  	_ =	shalt  }
0x48: {  	_ =	shalt  }
0x49: {  	_ =	shalt  }
0x4a: {  	_ =	shalt  }
0x4b: {  	_ =	shalt  }
0x4c: {  	_ =	shalt  }
0x4d: {  	_ =	shalt  }
0x4e: {  	_ =	shalt  }
0x4f: {  	_ =	shalt  }
0x50: {  	_ =	shalt  }
0x51: {  	_ =	shalt  }
0x52: {  	_ =	shalt  }
0x53: {  	_ =	shalt  }
0x54: {  	_ =	shalt  }
0x55: {  	_ =	shalt  }
0x56: {  	_ =	shalt  }
0x57: {  	_ =	shalt  }
0x58: {  	_ =	shalt  }
0x59: {  	_ =	shalt  }
0x5a: {  	_ =	shalt  }
0x5b: {  	_ =	shalt  }
0x5c: {  	_ =	shalt  }
0x5d: {  	_ =	shalt  }
0x5e: {  	_ =	shalt  }
0x5f: {  	_ =	shalt  }
0x60: {  	_ =	shalt  }
0x61: {  	_ =	shalt  }
0x62: {  	_ =	shalt  }
0x63: {  	_ =	shalt  }
0x64: {  	_ =	shalt  }
0x65: {  	_ =	shalt  }
0x66: {  	_ =	shalt  }
0x67: {  	_ =	shalt  }
0x68: {  	_ =	shalt  }
0x69: {  	_ =	shalt  }
0x6a: {  	_ =	shalt  }
0x6b: {  	_ =	shalt  }
0x6c: {  	_ =	shalt  }
0x6d: {  	_ =	shalt  }
0x6e: {  	_ =	shalt  }
0x6f: {  	_ =	shalt  }
0x70: {  	_ =	shalt  }
0x71: {  	_ =	shalt  }
0x72: {  	_ =	shalt  }
0x73: {  	_ =	shalt  }
0x74: {  	_ =	shalt  }
0x75: {  	_ =	shalt  }
0x76: {  	_ =	shalt  }
0x77: {  	_ =	shalt  }
0x78: {  	_ =	shalt  }
0x79: {  	_ =	shalt  }
0x7a: {  	_ =	shalt  }
0x7b: {  	_ =	shalt  }
0x7c: {  	_ =	shalt  }
0x7d: {  	_ =	shalt  }
0x7e: {  	_ =	shalt  }
0x7f: {  	_ =	shalt  }
0x80: {  	_ =	shalt  }
0x81: {  	_ =	shalt  }
0x82: {  	_ =	shalt  }
0x83: {  	_ =	shalt  }
0x84: {  	_ =	shalt  }
0x85: {  	_ =	shalt  }
0x86: {  	_ =	shalt  }
0x87: {  	_ =	shalt  }
.Lfunc_end0:
.L_simem_size_0:
called_computation.1_lowered:
.L_overlay_start_0:
0x88: {  	s2 =	sld [smem:$0x3FD9]  }
0x89: {  	s3 =	sld [smem:$0x3FFE];
	_ =	sdelay $0x1  }
0x8a: {  	s1 =	srdreg.scid  }
0x8b: {  	s0 =	sand.u32 $0x1, s1  }
0x8c: {  	s17 =	sshll.u32 s0, $0xA;
	s2 =	sadd.s32 s3, s2  }
0x8d: {  	s2 =	sadd.s32 s2, s17  }
0x8e: {  	[smem:$0x3FC0] =	sst s2  }
0x8f: {  	_ = 	snop  }
0x90: {  	s2 =	sld [smem:$0x3FC8];
	(tm) =	ssettm $0x1  }
0x91: {  	s18 =	sld [smem:$0x3FFB];
	_ =	sdelay $0x3  }
0x92: {  	_ =	strace s18  }
0x93: {  	s3 =	sld [smem:$0x3FFC];
	_ =	sdelay $0x3  }
0x94: {  	_ =	strace s3  }
0x95: {  	s3 =	sld [smem:$0x3FFD];
	_ =	sdelay $0x3  }
0x96: {  	_ =	strace s3  }
0x97: {  	_ =	strace $0x8FFFFFFF  }
0x98: {  	s19 =	sld [smem:$0x3FDB];
	_ =	sdelay $0x1  }
0x99: {  	s4 =	simm.s32 $_scs_section_size  }
0x9a: {  	s5 =	simm.s32 $_size__tile_overlayer_lowered;
	s6 =	simm.s32 $_tile_overlayer_lowered  }
0x9b: {  	s22 =	simm.s32 $0x1BFF;
	s21 =	sshll.u32 s6, $0x1;
	s3 =	sadd.s32 s4, s19  }
0x9c: {  	s7 =	simm.s32 $0x0;
	s20 =	sshll.u32 s5, $0x1;
	s5 =	sadd.s32 s21, s3  }
0x9d: {  	[timem:s7], [sflag:s22] =	dma.local [hbm:s5], s20  }
0x9e: {  	_ =	swait.ge [sflag:s22], s20  }
0x9f: {  	s4 =	ssub.s32 $0x0, s20;
	[sflag:s22] =	ssyncset.done $0x0  }
0xa0: {  	[sflag:s22] =	ssyncadd.s32 s4;
	_ =	sdelay $0x1  }
0xa1: {  	s23 =	simm.s32 $0x1B8B  }
0xa2: {  	_ =	swait.ge [sflag:s23], $0x1  }
0xa3: {  	[sflag:s23] =	ssyncset.done $0x0  }
0xa4: {  	s25 =	simm.s32 $0x1B8E;
	s24 =	sld [smem:$0x3FFE];
	[sflag:s23] =	ssyncadd.s32 $0xFFFFFFFF  }
0xa5: {  	s26 =	simm.s32 $execute0_lowered;
	[smem:$0x3FD2] =	sst s25  }
0xa6: {  	s5 =	sshll.u32 s26, $0x1;
	_ =	strace $0x80000049;
	[dreg:$0x1] =	wrdreg $0xFFFFFFFF  }
0xa7: {  	s28 =	simm.s32 $_size_execute0_lowered;
	s3 =	sadd.s32 s3, s5;
	[dreg:$0x0] =	wrdreg $0x0  }
0xa8: {  	s5 =	sshll.u32 s28, $0x1;
	[dreg:$0x2] =	wrdreg s3  }
0xa9: {  	[dreg:$0x3] =	wrdreg s5  }
0xaa: {  	[dreg:$0x4] =	wrdreg $0xC0  }
0xab: {  	_ =	task [dreg:s7], $0x5FFFF  }
0xac: {  	[dreg:$0x1] =	wrdreg $0xFFFFFFFF  }
0xad: {  	[dreg:$0x0] =	wrdreg $0x60  }
0xae: {  	[dreg:$0x2] =	wrdreg s24  }
0xaf: {  	[dreg:$0x3] =	wrdreg s2  }
0xb0: {  	[dreg:$0x4] =	wrdreg $0x0  }
0xb1: {  	[dreg:$0x5] =	wrdreg $0xC8000  }
0xb2: {  	[dreg:$0x6] =	wrdreg $0x9  }
0xb3: {  	_ =	task.clear_ibuf [dreg:s7], $0x7FFFF;
	_ =	strace $0x90000049  }
0xb4: {  	s29 =	simm.s32 $0x9;
	_ =	strace $0x8000004B  }
0xb5: {  	_ =	swait.ge [sflag:s29], $0x1  }
0xb6: {  	[sflag:s29] =	ssyncadd.s32 $0xFFFFFFFF  }
0xb7: {  	_ =	strace $0x9000004B  }
0xb8: {  	_ =	sfence  }
0xb9: {  	s30 =	sld [smem:$0x0];
	_ =	sdelay $0x2  }
0xba: {  	s31 =	sshll.u32 s1, $0xD;
	s1 =	sshrl.u32 s1, $0x2  }
0xbb: {  	s3 =	sand.u32 $0x4000, s31;
	s1 =	sadd.s32 s1, s30  }
0xbc: {  	s0 =	sor.u32 s3, s0;
	s1 =	sshll.u32 s1, $0x11  }
0xbd: {  	s0 =	sor.u32 s1, s0  }
0xbe: {  	s0 =	sadd.s32 $0x8F2B, s0  }
0xbf: {  	[sflag:s0] =	ssyncadd.remote.s32 $0x1  }
0xc0: {  	_ =	sfence.sel $0xFFFF  }
0xc1: {  	[dreg:$0x0] =	wrdreg $0xFFFFFFFF;
	(pc) =	sbr.abs _section_cstart, $3  }
0xc2: {  	[dreg:$0x1] =	wrdreg $0xFFFFFFFF  }
0xc3: {  	_ =	task.clear_ibuf [dreg:s7], $0x2FFFF;
	_ =	strace $0x9FFFFFFF  }
0xc4: {  	(tm) =	ssettm $0x7FFFFFFF  }
0xc5: {  	_ =	shalt  }
tec
execute0_lowered:
.L_overlay_start_1:
0x0: {  	(tag) =	ssettag $0x1  }
0x1: {  	s0 =	rddreg [dreg:$0x0]  }
0x2: {  	s2 =	rddreg [dreg:$0x1]  }
0x3: {  	s3 =	rddreg [dreg:$0x2]  }
0x4: {  	s4 =	rddreg [dreg:$0x3];
	s14 =	stileid.u32  }
0x5: {  	s1 =	srdreg.scid;
	s5 =	simm.s32 $0x0;
	s18 =	simm.s32 $0x19080  }
0x6: {  	s29 =	simm.s32 $0x1A400;
	s30 =	simm.s32 $0x19100;
	s31 =	simm.s32 $0x1A800  }
0x7: {  	s7 =	smul.u32 $0xC800, s14;
	s1 =	sand.u32 $0x1, s1;
	[smem:$0x7FF] =	sst s5  }
0x8: {  	s11 =	sshll.u32 s14, $0x1;
	s20 =	sshll.u32 s14, $0x6;
	p0 =	sgt.u32 s14, $0x3  }
0x9: {  	s6 =	smul.u32 $0xC8000, s1;
	_ =	strace $0x8000004A;
	s19 =	ssub.s32 $0x2, s1  }
0xa: {  	s1 =	sor.u32 s1, s11;
	s8 =	sshrl.u32 s7, $0x3;
	s10 =	sshrl.u32 s19, $0x1  }
0xb: {  	s13 =	sadd.s32 s7, s3;
	s9 =	sadd.s32 s8, s0;
	s6 =	sadd.s32 s7, s6  }
0xc: {  	s12 =	ssub.s32 s19, s10;
	s8 =	sor.u32 $0x1C03, s20;
	s7 =	sadd.s32 s7, s4  }
0xd: {  	s10 =	sadd.s32 $0x10, s2;
	s28 =	sshrl.u32 s13, $0x3;
	s20 =	simm.s32 $0x3  }
0xe: {  	s13 =	simm.s32 $0x2;
	s6 =	sshrl.u32 s6, $0x3;
	s21 =	sadd.s32 $0x33A00, s9  }
0xf: {  	s9 =	sadd.s32 $0x1AA00, s9;
	s26 =	smax.u32 s12, $0x1;
	[dreg:$0xe] =	wrdreg s28  }
0x10: {  	s12 =	simm.s32 $0x1;
	s0 =	sadd.s32 s6, s0;
	[dreg:$0x5] =	wrdreg s21  }
0x11: {  	s6 =	smul.u32 $0x30D00, s1;
	[dreg:$0x6] =	wrdreg s9;
	s1 =	sshll.u32 s1, $0x5  }
0x12: {  	[dreg:$0xd] =	wrdreg s26;
	s21 =	sshrl.u32 s7, $0x3;
	s26 =	simm.s32 $0x1A000  }
0x13: {  	s7 =	simm.s32 $0x19200;
	s1 =	sadd.s32 s1, s2;
	s0 =	sadd.s32 $0x4CA00, s0  }
0x14: {  	s22 =	sshrl.u32 s6, $0x3;
	s25 =	sadd.s32 $0xC3400, s1;
	s1 =	sadd.s32 $0xC3410, s1  }
0x15: {  	[dreg:$0xc] =	wrdreg s0;
	s0 =	simm.s32 $0x19180;
	s11 =	sadd.s32 s2, s22  }
.Ltmp0:
0x16: {  	s9 =	sadd.s32 s22, s10;
	[dreg:$0xa] =	wrdreg s25;
	(pc) =	sbr.rel .LBB2_1-.Ltmp0, $4  }
0x17: {  	[dreg:$0xb] =	wrdreg s1;
	s22 =	simm.s32 $0x80;
	s25 =	simm.s32 $0x19800  }
0x18: {  	s1 =	simm.s32 $0x1AC00;
	[dreg:$0x7] =	wrdreg s9;
	s23 =	sadd.s32 $0x6100, s11  }
0x19: {  	s24 =	sadd.s32 $0x6110, s11;
	s9 =	simm.s32 $0x1B000;
	[dreg:$0x8] =	wrdreg s23  }
0x1a: {  	[dreg:$0x9] =	wrdreg s24;
	s23 =	simm.s32 $0x100;
	s24 =	simm.s32 $0x19000  }
.LBB2_5:
0x1b: {  	_ =	swait.ge [sflag:s13], $0x400  }
0x1c: {  	[sflag:s13] =	ssyncset.done $0x0  }
0x1d: {  	[sflag:s13] =	ssyncadd.s32 $0xFFFFFC00  }
0x1e: {  	_ =	swait.ge [sflag:s13], $0x400  }
0x1f: {  	[sflag:s13] =	ssyncset.done $0x0  }
0x20: {  	[sflag:s13] =	ssyncadd.s32 $0xFFFFFC00  }
0x21: {  	_ =	swait.ge [sflag:s13], $0x400  }
0x22: {  	[sflag:s13] =	ssyncset.done $0x0  }
0x23: {  	[sflag:s13] =	ssyncadd.s32 $0xFFFFFC00  }
0x24: {  	_ =	swait.ge [sflag:s13], $0x400  }
0x25: {  	[sflag:s13] =	ssyncset.done $0x0  }
0x26: {  	[sflag:s13] =	ssyncadd.s32 $0xFFFFFC00  }
0x27: {  	_ =	swait.ge [sflag:s13], $0x400  }
0x28: {  	[sflag:s13] =	ssyncset.done $0x0  }
0x29: {  	[sflag:s13] =	ssyncadd.s32 $0xFFFFFC00  }
0x2a: {  	_ =	swait.ge [sflag:s13], $0x400  }
0x2b: {  	[sflag:s13] =	ssyncset.done $0x0  }
0x2c: {  	[sflag:s13] =	ssyncadd.s32 $0xFFFFFC00  }
0x2d: {  	_ =	swait.ge [sflag:s13], $0x400  }
0x2e: {  	[sflag:s13] =	ssyncset.done $0x0  }
0x2f: {  	[sflag:s13] =	ssyncadd.s32 $0xFFFFFC00  }
0x30: {  	_ =	swait.ge [sflag:s13], $0x400  }
0x31: {  	[sflag:s13] =	ssyncset.done $0x0  }
0x32: {  	s14 =	rddreg [dreg:$0x8];
	[sflag:s13] =	ssyncadd.s32 $0xFFFFFC00  }
0x33: {  	[tilespmem:s24], [sflag:$0x3] =	stream.strided.gather [hbm4b:s14+s22], $0x280, s23, s22, $0x38;
	[tilespmem:$0x1E000] =	vst v63  }
0x34: {  	_ =	swait.ge [sflag:s20], $0x280  }
0x35: {  	[sflag:s20] =	ssyncset.done $0x0  }
0x36: {  	s15 =	rddreg [dreg:$0x9];
	[sflag:s20] =	ssyncadd.s32 $0xFFFFFD80  }
0x37: {  	[tilespmem:s25], [sflag:$0x3] =	stream.strided.gather [hbm4b:s15+s22], $0x280, s23, s22, $0x38;
	[tilespmem:$0x1E000] =	vst v63  }
0x38: {  	_ =	swait.ge [sflag:s20], $0x280  }
0x39: {  	s14 =	simm.s32 @!p0 $0x0;
	[sflag:s20] =	ssyncset.done $0x0  }
0x3a: {  	s15 =	simm.s32 @!p0 $0x19280;
	s16 =	rddreg [dreg:$0xa];
	[sflag:s20] =	ssyncadd.s32 $0xFFFFFD80  }
0x3b: {  	[tilespmem:s15], [sflag:$0x3] =	stream.linear.gather @!p0 [hbm4b:s16+s14], $0x80, $0x38;
	[tilespmem:$0x1E000] =	vst v63  }
0x3c: {  	s16 =	simm.s32 @!p0 $0x3  }
0x3d: {  	_ =	swait.ge @!p0 [sflag:s16], $0x80  }
0x3e: {  	[sflag:s16] =	ssyncset.done @!p0 $0x0  }
0x3f: {  	s17 =	simm.s32 @!p0 $0x19A80;
	s18 =	rddreg [dreg:$0xb];
	[sflag:s16] =	ssyncadd.s32 @!p0 $0xFFFFFF80  }
0x40: {  	[tilespmem:s17], [sflag:$0x3] =	stream.linear.gather @!p0 [hbm4b:s18+s14], $0x80, $0x38;
	[tilespmem:$0x1E000] =	vst v63  }
0x41: {  	_ =	swait.ge @!p0 [sflag:s16], $0x80  }
0x42: {  	[sflag:s16] =	ssyncset.done @!p0 $0x0  }
0x43: {  	[sflag:s16] =	ssyncadd.s32 @!p0 $0xFFFFFF80  }
0x44: {  	[tilespmem:s26], [sflag:$0x1] =	stream.indirect.gather [spmem:s3], $0x8, s24, s22, $0xb8;
	[tilespmem:$0x1E000] =	vst v63  }
0x45: {  	s18 =	simm.s32 $0x19080  }
0x46: {  	[tilespmem:s29], [sflag:$0x1] =	stream.indirect.gather [spmem:s3], $0x8, s18, s22, $0xb8;
	[tilespmem:$0x1E000] =	vst v63  }
0x47: {  	_ = 	snop  }
0x48: {  	[tilespmem:s31], [sflag:$0x1] =	stream.indirect.gather [spmem:s3], $0x8, s30, s22, $0xb8;
	[tilespmem:$0x1E000] =	vst v63  }
0x49: {  	_ = 	snop  }
0x4a: {  	[tilespmem:s1], [sflag:$0x1] =	stream.indirect.gather [spmem:s3], $0x8, s0, s22, $0xb8;
	[tilespmem:$0x1E000] =	vst v63  }
0x4b: {  	_ = 	snop  }
0x4c: {  	[tilespmem:s9], [sflag:$0x1] =	stream.indirect.gather [spmem:s3], $0x8, s7, s22, $0xb8;
	[tilespmem:$0x1E000] =	vst v63  }
0x4d: {  	_ =	swait.ge [sflag:s12], $0x400  }
0x4e: {  	[sflag:s12] =	ssyncset.done $0x0  }
0x4f: {  	[sflag:s12] =	ssyncadd.s32 $0xFFFFFC00  }
0x50: {  	_ =	swait.ge [sflag:s12], $0x400  }
0x51: {  	[sflag:s12] =	ssyncset.done $0x0  }
0x52: {  	[sflag:s12] =	ssyncadd.s32 $0xFFFFFC00  }
0x53: {  	_ =	swait.ge [sflag:s12], $0x400  }
0x54: {  	[sflag:s12] =	ssyncset.done $0x0  }
0x55: {  	[sflag:s12] =	ssyncadd.s32 $0xFFFFFC00  }
0x56: {  	_ =	swait.ge [sflag:s12], $0x400  }
0x57: {  	[sflag:s12] =	ssyncset.done $0x0  }
0x58: {  	[sflag:s12] =	ssyncadd.s32 $0xFFFFFC00  }
0x59: {  	_ =	swait.ge [sflag:s12], $0x400  }
0x5a: {  	[sflag:s12] =	ssyncset.done $0x0  }
0x5b: {  	[sflag:s12] =	ssyncadd.s32 $0xFFFFFC00  }
0x5c: {  	[spmem:s4] =	stream.indirect.scatter.add.f32 [tilespmem:s26], [sflag:$0x2], $0x8, s25, s22, $0xb8;
	[tilespmem:$0x1E000] =	vst v63  }
0x5d: {  	s16 =	simm.s32 $0x19880  }
0x5e: {  	[spmem:s4] =	stream.indirect.scatter.add.f32 [tilespmem:s29], [sflag:$0x2], $0x8, s16, s22, $0xb8;
	[tilespmem:$0x1E000] =	vst v63  }
0x5f: {  	s19 =	simm.s32 $0x19900  }
0x60: {  	[spmem:s4] =	stream.indirect.scatter.add.f32 [tilespmem:s31], [sflag:$0x2], $0x8, s19, s22, $0xb8;
	[tilespmem:$0x1E000] =	vst v63  }
0x61: {  	s28 =	simm.s32 $0x19980  }
0x62: {  	[spmem:s4] =	stream.indirect.scatter.add.f32 [tilespmem:s1], [sflag:$0x2], $0x8, s28, s22, $0xb8;
	[tilespmem:$0x1E000] =	vst v63  }
0x63: {  	s16 =	simm.s32 $0x19A00  }
0x64: {  	[spmem:s4] =	stream.indirect.scatter.add.f32 [tilespmem:s9], [sflag:$0x2], $0x8, s16, s22, $0xb8;
	[tilespmem:$0x1E000] =	vst v63  }
0x65: {  	_ =	swait.ge [sflag:s13], $0x400  }
0x66: {  	[sflag:s13] =	ssyncset.done $0x0  }
0x67: {  	[sflag:s13] =	ssyncadd.s32 $0xFFFFFC00  }
0x68: {  	_ =	swait.ge [sflag:s13], $0x400  }
0x69: {  	[sflag:s13] =	ssyncset.done $0x0  }
0x6a: {  	[sflag:s13] =	ssyncadd.s32 $0xFFFFFC00  }
0x6b: {  	_ =	swait.ge [sflag:s13], $0x400  }
0x6c: {  	[sflag:s13] =	ssyncset.done $0x0  }
0x6d: {  	[sflag:s13] =	ssyncadd.s32 $0xFFFFFC00  }
0x6e: {  	_ =	swait.ge [sflag:s13], $0x400  }
0x6f: {  	[sflag:s13] =	ssyncset.done $0x0  }
0x70: {  	[sflag:s13] =	ssyncadd.s32 $0xFFFFFC00  }
0x71: {  	_ =	swait.ge [sflag:s13], $0x400  }
0x72: {  	[sflag:s13] =	ssyncset.done $0x0  }
0x73: {  	s14 =	simm.s32 @!p0 $0x80;
	s16 =	simm.s32 @!p0 $0x1B400;
	[sflag:s13] =	ssyncadd.s32 $0xFFFFFC00  }
0x74: {  	[tilespmem:s16], [sflag:$0x1] =	stream.indirect.gather @!p0 [spmem:s3], $0x8, s15, s14, $0xb8;
	[tilespmem:$0x1E000] =	vst v63  }
0x75: {  	s15 =	simm.s32 @!p0 $0x1  }
0x76: {  	_ =	swait.ge @!p0 [sflag:s15], $0x400  }
0x77: {  	[sflag:s15] =	ssyncset.done @!p0 $0x0  }
0x78: {  	[sflag:s15] =	ssyncadd.s32 @!p0 $0xFFFFFC00  }
0x79: {  	[spmem:s4] =	stream.indirect.scatter.add.f32 @!p0 [tilespmem:s16], [sflag:$0x2], $0x8, s17, s14, $0xb8;
	[tilespmem:$0x1E000] =	vst v63  }
0x7a: {  	s14 =	simm.s32 @!p0 $0x2  }
0x7b: {  	_ =	swait.ge @!p0 [sflag:s14], $0x400  }
0x7c: {  	[sflag:s14] =	ssyncset.done @!p0 $0x0  }
0x7d: {  	[sflag:s14] =	ssyncadd.s32 @!p0 $0xFFFFFC00  }
0x7e: {  	[bflag:$0x0] =	sbarrier.arrive $0xFFFF  }
0x7f: {  	s19 =	rddreg [dreg:$0xc]  }
0x80: {  	[hbm:s19], [sflag:s8] =	dma.local [spmem:s21], $0x1900  }
0x81: {  	_ =	swait.ge [sflag:s20], $0x1900  }
0x82: {  	s5 =	sadd.s32 $0x1, s5;
	s28 =	rddreg [dreg:$0xd]  }
0x83: {  	p1 =	sne.s32 s5, s28  }
.Ltmp1:
0x84: {  	_ = 	snop;
	(pc) =	sbr.rel @!p1 .LBB2_6-.Ltmp1, $3  }
0x85: {  	_ =	sdelay $0x1  }
0x86: {  	[sflag:s20] =	ssyncset.done $0x0  }
0x87: {  	[sflag:s20] =	ssyncadd.s32 $0xFFFFE700  }
.LBB2_1:
0x88: {  	s14 =	rddreg [dreg:$0x5]  }
0x89: {  	s15 =	rddreg [dreg:$0xe]  }
0x8a: {  	[spmem:s15], [sflag:s8] =	dma.local [hbm:s14], $0x1900  }
0x8b: {  	_ =	swait.ge [sflag:s20], $0x1900  }
0x8c: {  	[sflag:s20] =	ssyncset.done $0x0  }
0x8d: {  	s19 =	rddreg [dreg:$0x6];
	[sflag:s20] =	ssyncadd.s32 $0xFFFFE700  }
0x8e: {  	[spmem:s21], [sflag:s8] =	dma.local [hbm:s19], $0x1900  }
0x8f: {  	_ =	swait.ge [sflag:s20], $0x1900  }
0x90: {  	[sflag:s20] =	ssyncset.done $0x0  }
0x91: {  	[sflag:s20] =	ssyncadd.s32 $0xFFFFE700  }
0x92: {  	[bflag:$0x0] =	sbarrier.arrive $0xFFFF  }
0x93: {  	[tilespmem:s24], [sflag:$0x3] =	stream.strided.gather [hbm4b:s11+s22], $0x400, s23, s22, $0x38;
	[tilespmem:$0x1E000] =	vst v63  }
0x94: {  	_ =	swait.ge [sflag:s20], $0x400  }
0x95: {  	[sflag:s20] =	ssyncset.done $0x0  }
0x96: {  	s28 =	rddreg [dreg:$0x7];
	[sflag:s20] =	ssyncadd.s32 $0xFFFFFC00  }
0x97: {  	[tilespmem:s25], [sflag:$0x3] =	stream.strided.gather [hbm4b:s28+s22], $0x400, s23, s22, $0x38;
	[tilespmem:$0x1E000] =	vst v63  }
0x98: {  	_ =	swait.ge [sflag:s20], $0x400  }
0x99: {  	[sflag:s20] =	ssyncset.done $0x0  }
0x9a: {  	[sflag:s20] =	ssyncadd.s32 $0xFFFFFC00  }
0x9b: {  	[tilespmem:s26], [sflag:$0x1] =	stream.indirect.gather [spmem:s3], $0x8, s24, s22, $0xb8;
	[tilespmem:$0x1E000] =	vst v63  }
0x9c: {  	_ = 	snop  }
0x9d: {  	[tilespmem:s29], [sflag:$0x1] =	stream.indirect.gather [spmem:s3], $0x8, s18, s22, $0xb8;
	[tilespmem:$0x1E000] =	vst v63  }
0x9e: {  	_ = 	snop  }
0x9f: {  	[tilespmem:s31], [sflag:$0x1] =	stream.indirect.gather [spmem:s3], $0x8, s30, s22, $0xb8;
	[tilespmem:$0x1E000] =	vst v63  }
0xa0: {  	_ = 	snop  }
0xa1: {  	[tilespmem:s1], [sflag:$0x1] =	stream.indirect.gather [spmem:s3], $0x8, s0, s22, $0xb8;
	[tilespmem:$0x1E000] =	vst v63  }
0xa2: {  	_ = 	snop  }
0xa3: {  	[tilespmem:s9], [sflag:$0x1] =	stream.indirect.gather [spmem:s3], $0x8, s7, s22, $0xb8;
	[tilespmem:$0x1E000] =	vst v63  }
0xa4: {  	s16 =	simm.s32 $0x1B400;
	s15 =	simm.s32 $0x19280  }
0xa5: {  	[tilespmem:s16], [sflag:$0x1] =	stream.indirect.gather [spmem:s3], $0x8, s15, s22, $0xb8;
	[tilespmem:$0x1E000] =	vst v63  }
.Ltmp2:
0xa6: {  	_ = 	snop;
	(pc) =	sbr.rel .LBB2_2-.Ltmp2, $4  }
0xa7: {  	s17 =	simm.s32 $0x19300;
	s18 =	simm.s32 $0x1B800  }
0xa8: {  	[tilespmem:s18], [sflag:$0x1] =	stream.indirect.gather [spmem:s3], $0x8, s17, s22, $0xb8;
	[tilespmem:$0x1E000] =	vst v63  }
0xa9: {  	s14 =	simm.s32 $0x0;
	s19 =	simm.s32 $0x19380;
	s28 =	simm.s32 $0x1BC00  }
0xaa: {  	[tilespmem:s28], [sflag:$0x1] =	stream.indirect.gather [spmem:s3], $0x8, s19, s22, $0xb8;
	[tilespmem:$0x1E000] =	vst v63  }
.LBB2_4:
0xab: {  	_ =	swait.ge [sflag:s12], $0x400  }
0xac: {  	[sflag:s12] =	ssyncset.done $0x0  }
0xad: {  	[sflag:s12] =	ssyncadd.s32 $0xFFFFFC00  }
0xae: {  	_ =	swait.ge [sflag:s12], $0x400  }
0xaf: {  	[sflag:s12] =	ssyncset.done $0x0  }
0xb0: {  	[sflag:s12] =	ssyncadd.s32 $0xFFFFFC00  }
0xb1: {  	_ =	swait.ge [sflag:s12], $0x400  }
0xb2: {  	[sflag:s12] =	ssyncset.done $0x0  }
0xb3: {  	[sflag:s12] =	ssyncadd.s32 $0xFFFFFC00  }
0xb4: {  	_ =	swait.ge [sflag:s12], $0x400  }
0xb5: {  	[sflag:s12] =	ssyncset.done $0x0  }
0xb6: {  	[sflag:s12] =	ssyncadd.s32 $0xFFFFFC00  }
0xb7: {  	_ =	swait.ge [sflag:s12], $0x400  }
0xb8: {  	[sflag:s12] =	ssyncset.done $0x0  }
0xb9: {  	[sflag:s12] =	ssyncadd.s32 $0xFFFFFC00  }
0xba: {  	_ =	swait.ge [sflag:s12], $0x400  }
0xbb: {  	[sflag:s12] =	ssyncset.done $0x0  }
0xbc: {  	[sflag:s12] =	ssyncadd.s32 $0xFFFFFC00  }
0xbd: {  	_ =	swait.ge [sflag:s12], $0x400  }
0xbe: {  	[sflag:s12] =	ssyncset.done $0x0  }
0xbf: {  	[sflag:s12] =	ssyncadd.s32 $0xFFFFFC00  }
0xc0: {  	_ =	swait.ge [sflag:s12], $0x400  }
0xc1: {  	s14 =	sshll.u32 s15, $0xD;
	s15 =	sshll.u32 s15, $0xA;
	[sflag:s12] =	ssyncset.done $0x0  }
0xc2: {  	s17 =	sadd.s32 $0x1A000, s14;
	s18 =	sor.u32 $0x19800, s15;
	[sflag:s12] =	ssyncadd.s32 $0xFFFFFC00  }
0xc3: {  	[spmem:s4] =	stream.indirect.scatter.add.f32 [tilespmem:s17], [sflag:$0x2], $0x8, s18, s22, $0xb8;
	[tilespmem:$0x1E000] =	vst v63  }
0xc4: {  	s19 =	sadd.s32 $0x1A400, s14;
	s28 =	sor.u32 $0x19880, s15  }
0xc5: {  	[spmem:s4] =	stream.indirect.scatter.add.f32 [tilespmem:s19], [sflag:$0x2], $0x8, s28, s22, $0xb8;
	[tilespmem:$0x1E000] =	vst v63  }
0xc6: {  	s19 =	sadd.s32 $0x1A800, s14;
	s28 =	sor.u32 $0x19900, s15  }
0xc7: {  	[spmem:s4] =	stream.indirect.scatter.add.f32 [tilespmem:s19], [sflag:$0x2], $0x8, s28, s22, $0xb8;
	[tilespmem:$0x1E000] =	vst v63  }
0xc8: {  	s19 =	sadd.s32 $0x1AC00, s14;
	s28 =	sor.u32 $0x19980, s15  }
0xc9: {  	[spmem:s4] =	stream.indirect.scatter.add.f32 [tilespmem:s19], [sflag:$0x2], $0x8, s28, s22, $0xb8;
	[tilespmem:$0x1E000] =	vst v63  }
0xca: {  	s19 =	sadd.s32 $0x1B000, s14;
	s28 =	sor.u32 $0x19A00, s15  }
0xcb: {  	[spmem:s4] =	stream.indirect.scatter.add.f32 [tilespmem:s19], [sflag:$0x2], $0x8, s28, s22, $0xb8;
	[tilespmem:$0x1E000] =	vst v63  }
0xcc: {  	p1 =	slt.u32 s16, $0x61;
	s19 =	sadd.s32 $0x1B400, s14;
	s28 =	sor.u32 $0x19A80, s15  }
0xcd: {  	[spmem:s4] =	stream.indirect.scatter.add.f32 [tilespmem:s19], [sflag:$0x2], $0x8, s28, s22, $0xb8;
	[tilespmem:$0x1E000] =	vst v63  }
.Ltmp3:
0xce: {  	s19 =	sadd.s32 $0x1B800, s14;
	s28 =	sor.u32 $0x19B00, s15;
	(pc) =	sbr.rel @!p1 .LBB2_5-.Ltmp3, $4  }
0xcf: {  	[spmem:s4] =	stream.indirect.scatter.add.f32 [tilespmem:s19], [sflag:$0x2], $0x8, s28, s22, $0xb8;
	[tilespmem:$0x1E000] =	vst v63  }
0xd0: {  	s14 =	sadd.s32 $0x1BC00, s14;
	s15 =	sor.u32 $0x19B80, s15  }
0xd1: {  	[spmem:s4] =	stream.indirect.scatter.add.f32 [tilespmem:s14], [sflag:$0x2], $0x8, s15, s22, $0xb8;
	[tilespmem:$0x1E000] =	vst v63  }
0xd2: {  	s14 =	smov.u32 s16  }
.LBB2_2:
0xd3: {  	p1 =	seq.s32 s14, $0x0  }
0xd4: {  	s16 =	simm.s32 @!p1 $0x2  }
0xd5: {  	_ =	swait.ge @!p1 [sflag:s16], $0x400  }
0xd6: {  	[sflag:s16] =	ssyncset.done @!p1 $0x0  }
0xd7: {  	[sflag:s16] =	ssyncadd.s32 @!p1 $0xFFFFFC00  }
0xd8: {  	_ =	swait.ge @!p1 [sflag:s16], $0x400  }
0xd9: {  	[sflag:s16] =	ssyncset.done @!p1 $0x0  }
0xda: {  	[sflag:s16] =	ssyncadd.s32 @!p1 $0xFFFFFC00  }
0xdb: {  	_ =	swait.ge @!p1 [sflag:s16], $0x400  }
0xdc: {  	[sflag:s16] =	ssyncset.done @!p1 $0x0  }
0xdd: {  	[sflag:s16] =	ssyncadd.s32 @!p1 $0xFFFFFC00  }
0xde: {  	_ =	swait.ge @!p1 [sflag:s16], $0x400  }
0xdf: {  	[sflag:s16] =	ssyncset.done @!p1 $0x0  }
0xe0: {  	[sflag:s16] =	ssyncadd.s32 @!p1 $0xFFFFFC00  }
0xe1: {  	_ =	swait.ge @!p1 [sflag:s16], $0x400  }
0xe2: {  	[sflag:s16] =	ssyncset.done @!p1 $0x0  }
0xe3: {  	[sflag:s16] =	ssyncadd.s32 @!p1 $0xFFFFFC00  }
0xe4: {  	_ =	swait.ge @!p1 [sflag:s16], $0x400  }
0xe5: {  	[sflag:s16] =	ssyncset.done @!p1 $0x0  }
0xe6: {  	p2 =	seq.s32 @!p1 s14, $0x60;
	[sflag:s16] =	ssyncadd.s32 @!p1 $0xFFFFFC00  }
0xe7: {  	p2 =	por p1, !p2;
	_ =	swait.ge @!p1 [sflag:s16], $0x400  }
.Ltmp4:
0xe8: {  	[sflag:s16] =	ssyncset.done @!p1 $0x0;
	(pc) =	sbr.rel @!p2 .LBB2_4-.Ltmp4, $4  }
0xe9: {  	[sflag:s16] =	ssyncadd.s32 @!p1 $0xFFFFFC00  }
0xea: {  	_ =	swait.ge @!p1 [sflag:s16], $0x400  }
0xeb: {  	[sflag:s16] =	ssyncset.done @!p1 $0x0  }
0xec: {  	s15 =	sand.u32 $0x1, s14;
	[sflag:s16] =	ssyncadd.s32 @!p1 $0xFFFFFC00;
	s16 =	simm.s32 @!p1 $0x61  }
0xed: {  	s16 =	sadd.s32 @!p1 $0x1, s14  }
0xee: {  	s16 =	simm.s32 @p1 $0x1  }
0xef: {  	s18 =	sshll.u32 s16, $0xB  }
0xf0: {  	s17 =	sxor.u32 $0x1, s15;
	s14 =	sadd.s32 s6, s18  }
0xf1: {  	s18 =	sshll.u32 s17, $0xA;
	s14 =	sshrl.u32 s14, $0x3  }
0xf2: {  	s19 =	sor.u32 $0x19000, s18;
	s28 =	sadd.s32 s2, s14  }
0xf3: {  	[tilespmem:s19], [sflag:$0x3] =	stream.strided.gather [hbm4b:s28+s22], $0x400, s23, s22, $0x38;
	[tilespmem:$0x1E000] =	vst v63  }
0xf4: {  	_ =	swait.ge [sflag:s20], $0x400  }
0xf5: {  	[sflag:s20] =	ssyncset.done $0x0  }
0xf6: {  	s14 =	sadd.s32 s14, s10;
	s28 =	sor.u32 $0x19800, s18;
	[sflag:s20] =	ssyncadd.s32 $0xFFFFFC00  }
0xf7: {  	[tilespmem:s28], [sflag:$0x3] =	stream.strided.gather [hbm4b:s14+s22], $0x400, s23, s22, $0x38;
	[tilespmem:$0x1E000] =	vst v63  }
0xf8: {  	_ =	swait.ge [sflag:s20], $0x400  }
0xf9: {  	s14 =	sshll.u32 s17, $0xD;
	[sflag:s20] =	ssyncset.done $0x0  }
0xfa: {  	s17 =	sadd.s32 $0x1A000, s14;
	[sflag:s20] =	ssyncadd.s32 $0xFFFFFC00  }
0xfb: {  	[tilespmem:s17], [sflag:$0x1] =	stream.indirect.gather [spmem:s3], $0x8, s19, s22, $0xb8;
	[tilespmem:$0x1E000] =	vst v63  }
0xfc: {  	s28 =	sor.u32 $0x19080, s18;
	s19 =	sadd.s32 $0x1A400, s14  }
0xfd: {  	[tilespmem:s19], [sflag:$0x1] =	stream.indirect.gather [spmem:s3], $0x8, s28, s22, $0xb8;
	[tilespmem:$0x1E000] =	vst v63  }
0xfe: {  	s19 =	sadd.s32 $0x1A800, s14;
	s28 =	sor.u32 $0x19100, s18  }
0xff: {  	[tilespmem:s19], [sflag:$0x1] =	stream.indirect.gather [spmem:s3], $0x8, s28, s22, $0xb8;
	[tilespmem:$0x1E000] =	vst v63  }
0x100: {  	s19 =	sadd.s32 $0x1AC00, s14;
	s28 =	sor.u32 $0x19180, s18  }
0x101: {  	[tilespmem:s19], [sflag:$0x1] =	stream.indirect.gather [spmem:s3], $0x8, s28, s22, $0xb8;
	[tilespmem:$0x1E000] =	vst v63  }
0x102: {  	s19 =	sadd.s32 $0x1B000, s14;
	s28 =	sor.u32 $0x19200, s18  }
0x103: {  	[tilespmem:s19], [sflag:$0x1] =	stream.indirect.gather [spmem:s3], $0x8, s28, s22, $0xb8;
	[tilespmem:$0x1E000] =	vst v63  }
0x104: {  	s19 =	sadd.s32 $0x1B400, s14;
	s28 =	sor.u32 $0x19280, s18  }
0x105: {  	[tilespmem:s19], [sflag:$0x1] =	stream.indirect.gather [spmem:s3], $0x8, s28, s22, $0xb8;
	[tilespmem:$0x1E000] =	vst v63  }
.Ltmp5:
0x106: {  	_ = 	snop;
	(pc) =	sbr.rel .LBB2_4-.Ltmp5, $4  }
0x107: {  	s19 =	sadd.s32 $0x1B800, s14;
	s28 =	sor.u32 $0x19300, s18  }
0x108: {  	[tilespmem:s19], [sflag:$0x1] =	stream.indirect.gather [spmem:s3], $0x8, s28, s22, $0xb8;
	[tilespmem:$0x1E000] =	vst v63  }
0x109: {  	s14 =	sadd.s32 $0x1BC00, s14;
	s28 =	sor.u32 $0x19380, s18  }
0x10a: {  	[tilespmem:s14], [sflag:$0x1] =	stream.indirect.gather [spmem:s3], $0x8, s28, s22, $0xb8;
	[tilespmem:$0x1E000] =	vst v63  }
.LBB2_6:
0x10b: {  	_ =	sfence.sel $0x180000  }
0x10c: {  	[bflag:$0x0] =	sbarrier.arrive $0xFFFF  }
0x10d: {  	_ =	strace $0x9000004A  }
0x10e: {  	s0 =	stileid.u32;
	[bflag:$0x2] =	sbarrier.arrive $0xFFFF  }
0x10f: {  	p0 =	sne.s32 s0, $0x0;
	s0 =	rddreg [dreg:$0x4]  }
0x110: {  	s0 =	sadd.s32 @!p0 $0x100000, s0  }
0x111: {  	[sflag:s0] =	ssyncadd.tile.s32 @!p0 $0x1;
	_ =	shalt  }
.Lfunc_end2:
_tile_overlayer_lowered:
.L_overlay_start_2:
0x112: {  	(tag) =	ssettag $0x2  }
0x113: {  	s0 =	rddreg [dreg:$0x0];
	s2 =	stileid.u32  }
0x114: {  	s1 =	rddreg [dreg:$0x1];
	p0 =	sne.s32 s2, $0x0  }
0x115: {  	s3 =	rddreg [dreg:$0x2];
	[bflag:$0x3] =	sbarrier.arrive $0xFFFF;
	s2 =	simm.s32 @!p0 $0x1C03  }
0x116: {  	[timem:s3], [sflag:s2] =	dma.local @!p0 [hbm:s0], s1  }
0x117: {  	s0 =	simm.s32 @!p0 $0x3  }
0x118: {  	_ =	swait.ge @!p0 [sflag:s0], s1  }
0x119: {  	s1 =	ssub.s32 @!p0 $0x0, s1;
	[sflag:s0] =	ssyncset.done @!p0 $0x0  }
0x11a: {  	[sflag:s0] =	ssyncadd.s32 @!p0 s1  }
0x11b: {  	[bflag:$0x3] =	sbarrier.arrive $0xFFFF  }
0x11c: {  	_ =	shalt  }

</sc_bundles>
